<compile_context>
chip_gen: v7x
topology: tpu7x:2x2x1
jax: 0.10.2.dev20260603
libtpu: 0.0.44.dev20260713+nightly
codegen_flags: <defaults>
</compile_context>

<pallas_src>
import jax
import jax.numpy as jnp
from jax import lax
from jax.experimental import pallas as pl
from jax.experimental.pallas import tpu as pltpu
from jax.experimental.pallas import tpu_sc as plsc

_B, _C, _L = 4, 8, 4096
_PATCH = 16
_HID = 768
_E = 64
_P = _L // _PATCH
_T = _B * _C * _P
_A = 2 * _T

_BM = 256
_TM = 256
_NTILE = _A // _TM
_S = _NTILE + _E - 1

_NC, _NS, _LANE = 2, 16, 16
_NW = _NC * _NS
_APW = _A // _NW
_TPW = _T // _NW
_DCH = 64
_CCH = 32



def _router_body(xp_ref, wpt_ref, b_ref, wrt_ref,
                 tok_ref, topi_ref, topw_ref, rank_ref, cnt_ref, carry_ref):
    i = pl.program_id(0)

    @pl.when(i == 0)
    def _():
        carry_ref[...] = jnp.zeros_like(carry_ref)

    t = jnp.dot(xp_ref[...], wpt_ref[...],
                preferred_element_type=jnp.float32) + b_ref[...]
    tok_ref[...] = t
    logits = jnp.dot(t, wrt_ref[...], preferred_element_type=jnp.float32)
    m = jnp.max(logits, axis=1, keepdims=True)
    ex = jnp.exp(logits - m)
    z = jnp.sum(ex, axis=1, keepdims=True)

    ids = lax.broadcasted_iota(jnp.int32, (_BM, _E), 1)
    e1 = jnp.max(ex, axis=1, keepdims=True)
    i1 = jnp.min(jnp.where(ex == e1, ids, _E), axis=1, keepdims=True)
    oh1 = ids == i1
    p2 = jnp.where(oh1, -1.0, ex)
    e2 = jnp.max(p2, axis=1, keepdims=True)
    i2 = jnp.min(jnp.where(p2 == e2, ids, _E), axis=1, keepdims=True)
    oh2 = ids == i2
    w1 = e1 / z
    w2 = e2 / z

    oh1f = oh1.astype(jnp.float32)
    oh2f = oh2.astype(jnp.float32)
    tri = (lax.broadcasted_iota(jnp.int32, (_BM, _BM), 0)
           >= lax.broadcasted_iota(jnp.int32, (_BM, _BM), 1)).astype(jnp.float32)
    c1 = jnp.dot(tri, oh1f, preferred_element_type=jnp.float32)
    c2 = jnp.dot(tri, oh2f, preferred_element_type=jnp.float32)

    carry = carry_ref[0:1, :]
    prior0 = carry + (c1 - oh1f) + (c2 - oh2f)
    prior1 = carry + c1 + (c2 - oh2f)
    r1 = jnp.sum(oh1f * prior0, axis=1, keepdims=True)
    r2 = jnp.sum(oh2f * prior1, axis=1, keepdims=True)

    topi_ref[...] = jnp.concatenate([i1, i2], axis=1)
    topw_ref[...] = jnp.concatenate([w1, w2], axis=1)
    rank_ref[...] = jnp.concatenate([r1, r2], axis=1).astype(jnp.int32)

    newc = carry_ref[...] + jnp.broadcast_to(
        c1[_BM - 1:_BM, :] + c2[_BM - 1:_BM, :], (8, _E))
    carry_ref[...] = newc
    cnt_ref[...] = newc.astype(jnp.int32)


def _router(xp, wpt, b2, wrt):
    nblk = _T // _BM
    return pl.pallas_call(
        _router_body,
        grid=(nblk,),
        in_specs=[
            pl.BlockSpec((_BM, _PATCH), lambda i: (i, 0)),
            pl.BlockSpec((_PATCH, _HID), lambda i: (0, 0)),
            pl.BlockSpec((1, _HID), lambda i: (0, 0)),
            pl.BlockSpec((_HID, _E), lambda i: (0, 0)),
        ],
        out_specs=[
            pl.BlockSpec((_BM, _HID), lambda i: (i, 0)),
            pl.BlockSpec((_BM, 2), lambda i: (i, 0)),
            pl.BlockSpec((_BM, 2), lambda i: (i, 0)),
            pl.BlockSpec((_BM, 2), lambda i: (i, 0)),
            pl.BlockSpec((8, _E), lambda i: (0, 0)),
        ],
        out_shape=[
            jax.ShapeDtypeStruct((_T, _HID), jnp.float32),
            jax.ShapeDtypeStruct((_T, 2), jnp.int32),
            jax.ShapeDtypeStruct((_T, 2), jnp.float32),
            jax.ShapeDtypeStruct((_T, 2), jnp.int32),
            jax.ShapeDtypeStruct((8, _E), jnp.int32),
        ],
        scratch_shapes=[pltpu.VMEM((8, _E), jnp.float32)],
    )(xp, wpt, b2, wrt)



def _dispatch_body(tok_hbm, ei_hbm, rk_hbm, off_hbm,
                   xs_hbm, d0_hbm, d1_hbm,
                   off_v, e_buf, r_buf, d0_buf, d1_buf,
                   tr_a, tr_b, gsem, s0sem, s1sem):
    wid = lax.axis_index("s") * _NC + lax.axis_index("c")
    t0 = wid * _TPW
    a0 = wid * _APW

    pltpu.sync_copy(off_hbm, off_v)
    pltpu.sync_copy(ei_hbm.at[pl.ds(a0, _APW)], e_buf)
    pltpu.sync_copy(rk_hbm.at[pl.ds(a0, _APW)], r_buf)

    nch = _TPW // _DCH
    for c in range(nch):
        for l in range(_DCH // _LANE):
            even = 2 * (c * _DCH + l * _LANE + lax.iota(jnp.int32, _LANE))
            e0 = plsc.load_gather(e_buf, [even])
            r0 = plsc.load_gather(r_buf, [even])
            d0 = plsc.load_gather(off_v, [e0]) + r0
            d0_buf[c, pl.ds(l * _LANE, _LANE)] = d0
            e1 = plsc.load_gather(e_buf, [even + 1])
            r1 = plsc.load_gather(r_buf, [even + 1])
            d1 = plsc.load_gather(off_v, [e1]) + r1
            d1_buf[c, pl.ds(l * _LANE, _LANE)] = d1

    pltpu.sync_copy(d0_buf, d0_hbm.at[wid])
    pltpu.sync_copy(d1_buf, d1_hbm.at[wid])

    bufs = (tr_a, tr_b)
    rd = pltpu.async_copy(tok_hbm.at[pl.ds(t0, _DCH)], tr_a, gsem)
    sc0 = sc1 = None
    for c in range(nch):
        buf = bufs[c % 2]
        rd.wait()
        if sc0 is not None:
            sc0.wait()
            sc1.wait()
        if c < nch - 1:
            rd = pltpu.async_copy(
                tok_hbm.at[pl.ds(t0 + (c + 1) * _DCH, _DCH)],
                bufs[(c + 1) % 2], gsem)
        sc0 = pltpu.async_copy(buf, xs_hbm.at[d0_buf.at[c]], s0sem)
        sc1 = pltpu.async_copy(buf, xs_hbm.at[d1_buf.at[c]], s1sem)
    sc0.wait()
    sc1.wait()


def _dispatch(tokens, ei, rk, offs):
    mesh = plsc.VectorSubcoreMesh(core_axis_name="c", subcore_axis_name="s")
    nch = _TPW // _DCH
    f = pl.kernel(
        _dispatch_body,
        out_type=[
            jax.ShapeDtypeStruct((_A, _HID), jnp.float32),
            jax.ShapeDtypeStruct((_NW, nch, _DCH), jnp.int32),
            jax.ShapeDtypeStruct((_NW, nch, _DCH), jnp.int32),
        ],
        mesh=mesh,
        scratch_types=[
            pltpu.VMEM((_E,), jnp.int32),
            pltpu.VMEM((_APW,), jnp.int32),
            pltpu.VMEM((_APW,), jnp.int32),
            pltpu.VMEM((nch, _DCH), jnp.int32),
            pltpu.VMEM((nch, _DCH), jnp.int32),
            pltpu.VMEM((_DCH, _HID), jnp.float32),
            pltpu.VMEM((_DCH, _HID), jnp.float32),
            pltpu.SemaphoreType.DMA,
            pltpu.SemaphoreType.DMA,
            pltpu.SemaphoreType.DMA,
        ],
        compiler_params=pltpu.CompilerParams(needs_layout_passes=False),
    )
    return f(tokens, ei, rk, offs)



_NSLOT = 3


def _ffn_body(g_ref, t_ref, f_ref, o_ref, e_ref, v_ref,
              seq_ref, lda_ref, qix_ref, gfs_ref, nq_ref,
              xs_ref, wg_hbm, wu_hbm, wd_hbm, out_ref, wring, sems):
    s = pl.program_id(0)
    srcs = (wg_hbm, wu_hbm, wd_hbm)

    @pl.when(s == 0)
    def _():
        for qq in range(_NSLOT - 1):
            @pl.when(qq < nq_ref[0])
            def _(qq=qq):
                gq = seq_ref[qq]
                for j in range(3):
                    pltpu.make_async_copy(
                        srcs[j].at[gq], wring.at[qq, j], sems.at[qq]).start()

    q = lda_ref[s]

    @pl.when(q >= 0)
    def _():
        gq = seq_ref[q]
        slot = lax.rem(q, _NSLOT)
        for j in range(3):
            pltpu.make_async_copy(
                srcs[j].at[gq], wring.at[slot, j], sems.at[slot]).start()

    g = g_ref[s]
    t = t_ref[s]
    slot_cur = lax.rem(qix_ref[s], _NSLOT)

    @pl.when(gfs_ref[s] == 1)
    def _():
        for j in range(3):
            pltpu.make_async_copy(
                srcs[j].at[g], wring.at[slot_cur, j], sems.at[slot_cur]).wait()

    x = xs_ref[...]
    nt = (((1,), (1,)), ((), ()))
    wg = wring[slot_cur, 0]
    wu = wring[slot_cur, 1]
    wd = wring[slot_cur, 2]
    gt = lax.dot_general(x, wg, nt, preferred_element_type=jnp.float32)
    ut = lax.dot_general(x, wu, nt, preferred_element_type=jnp.float32)
    h = (gt * lax.logistic(gt)) * ut
    rows = t * _TM + lax.broadcasted_iota(jnp.int32, (_TM, 1), 0)
    msk = (rows >= o_ref[g]) & (rows < e_ref[g]) & (v_ref[s] == 1)
    h = jnp.where(msk, h, 0.0)
    o = lax.dot_general(h, wd, nt, preferred_element_type=jnp.float32)

    @pl.when(f_ref[s] == 1)
    def _():
        out_ref[...] = o

    @pl.when(f_ref[s] == 0)
    def _():
        out_ref[...] += o


def _ffn(g_of, t_of, firsts, offs, ends, valid,
         seq, lda, qix, gfs, nq, xs, Wgate, Wup, Wdown):
    grid_spec = pltpu.PrefetchScalarGridSpec(
        num_scalar_prefetch=11,
        grid=(_S,),
        in_specs=[
            pl.BlockSpec((_TM, _HID),
                         lambda i, *refs: (refs[1][i], 0)),
            pl.BlockSpec(memory_space=pl.ANY),
            pl.BlockSpec(memory_space=pl.ANY),
            pl.BlockSpec(memory_space=pl.ANY),
        ],
        out_specs=pl.BlockSpec((_TM, _HID),
                               lambda i, *refs: (refs[1][i], 0)),
        scratch_shapes=[
            pltpu.VMEM((_NSLOT, 3, _HID, _HID), jnp.float32),
            pltpu.SemaphoreType.DMA((_NSLOT,)),
        ],
    )
    return pl.pallas_call(
        _ffn_body,
        grid_spec=grid_spec,
        out_shape=jax.ShapeDtypeStruct((_A, _HID), jnp.float32),
    )(g_of, t_of, firsts, offs, ends, valid, seq, lda, qix, gfs, nq,
      xs, Wgate, Wup, Wdown)



def _combine_body(h_hbm, d0_hbm, d1_hbm, wt_hbm, out_hbm,
                  d0_buf, d1_buf, w_buf,
                  r0a, r0b, r1a, r1b, ob, g0sem, g1sem):
    wid = lax.axis_index("s") * _NC + lax.axis_index("c")
    t0 = wid * _TPW
    a0 = wid * _APW

    pltpu.sync_copy(d0_hbm.at[wid], d0_buf)
    pltpu.sync_copy(d1_hbm.at[wid], d1_buf)
    pltpu.sync_copy(wt_hbm.at[pl.ds(a0, _APW)], w_buf)

    nch = _TPW // _CCH
    r0bufs = (r0a, r0b)
    r1bufs = (r1a, r1b)

    def idx_slices(c):
        row = c * _CCH // _DCH
        off = (c * _CCH) % _DCH
        return (d0_buf.at[row, pl.ds(off, _CCH)],
                d1_buf.at[row, pl.ds(off, _CCH)])

    i0, i1 = idx_slices(0)
    g0 = pltpu.async_copy(h_hbm.at[i0], r0a, g0sem)
    g1 = pltpu.async_copy(h_hbm.at[i1], r1a, g1sem)
    for c in range(nch):
        r0 = r0bufs[c % 2]
        r1 = r1bufs[c % 2]
        g0.wait()
        g1.wait()
        if c < nch - 1:
            i0, i1 = idx_slices(c + 1)
            g0 = pltpu.async_copy(h_hbm.at[i0], r0bufs[(c + 1) % 2], g0sem)
            g1 = pltpu.async_copy(h_hbm.at[i1], r1bufs[(c + 1) % 2], g1sem)

        def rstep(r, _, c=c, r0=r0, r1=r1):
            w0 = plsc.load_gather(
                w_buf, [jnp.full((_LANE,), 2 * (c * _CCH + r), jnp.int32)])
            w1 = plsc.load_gather(
                w_buf, [jnp.full((_LANE,), 2 * (c * _CCH + r) + 1, jnp.int32)])

            def vstep(v, __):
                sl = pl.ds(v * _LANE, _LANE)
                ob[r, sl] = r0[r, sl] * w0 + r1[r, sl] * w1
                return 0
            return lax.fori_loop(0, _HID // _LANE, vstep, 0)

        lax.fori_loop(0, _CCH, rstep, 0)
        pltpu.sync_copy(ob, out_hbm.at[pl.ds(t0 + c * _CCH, _CCH)])


def _combine(h, d0, d1, wt):
    mesh = plsc.VectorSubcoreMesh(core_axis_name="c", subcore_axis_name="s")
    nch = _TPW // _DCH
    f = pl.kernel(
        _combine_body,
        out_type=jax.ShapeDtypeStruct((_T, _HID), jnp.float32),
        mesh=mesh,
        scratch_types=[
            pltpu.VMEM((nch, _DCH), jnp.int32),
            pltpu.VMEM((nch, _DCH), jnp.int32),
            pltpu.VMEM((_APW,), jnp.float32),
            pltpu.VMEM((_CCH, _HID), jnp.float32),
            pltpu.VMEM((_CCH, _HID), jnp.float32),
            pltpu.VMEM((_CCH, _HID), jnp.float32),
            pltpu.VMEM((_CCH, _HID), jnp.float32),
            pltpu.VMEM((_CCH, _HID), jnp.float32),
            pltpu.SemaphoreType.DMA,
            pltpu.SemaphoreType.DMA,
        ],
        compiler_params=pltpu.CompilerParams(needs_layout_passes=False),
    )
    return f(h, d0, d1, wt)



def kernel(x, Wproj, bproj, Wrouter, Wgate, Wup, Wdown):
    xp = x.reshape(_T, _PATCH)
    tokens, topi, topw, rank, counts8 = _router(
        xp, Wproj.T, bproj.reshape(1, _HID), Wrouter.T)

    counts = counts8[0]
    csum = jnp.cumsum(counts)
    offs = (csum - counts).astype(jnp.int32)
    ends = csum.astype(jnp.int32)

    ei = topi.reshape(_A)
    rk = rank.reshape(_A)
    wt = topw.reshape(_A)
    xs, d0, d1 = _dispatch(tokens, ei, rk, offs)

    t_start = offs // _TM
    t_end = (ends + _TM - 1) // _TM
    visits = jnp.where(counts > 0, t_end - t_start, 0)
    cumv = jnp.cumsum(visits)
    first_step = cumv - visits
    v_tot = cumv[-1]
    steps = jnp.arange(_S, dtype=jnp.int32)
    s_eff = jnp.minimum(steps, v_tot - 1)
    g_of = jnp.sum((s_eff[:, None] >= cumv[None, :]).astype(jnp.int32),
                   axis=1)
    t_of = (t_start[g_of] + (s_eff - first_step[g_of])).astype(jnp.int32)
    firsts = jnp.concatenate([
        jnp.ones((1,), jnp.int32),
        (t_of[1:] != t_of[:-1]).astype(jnp.int32),
    ])
    valid = (steps < v_tot).astype(jnp.int32)

    nz = (counts > 0).astype(jnp.int32)
    nq = jnp.sum(nz)
    seq = jnp.argsort(jnp.arange(_E, dtype=jnp.int32)
                      + 10000 * (1 - nz)).astype(jnp.int32)
    nzrank = (jnp.cumsum(nz) - nz).astype(jnp.int32)
    qix = nzrank[g_of]
    gfs = (steps == first_step[g_of].astype(jnp.int32)).astype(jnp.int32)
    fss_q = first_step[seq].astype(jnp.int32)
    qarr = jnp.arange(_E, dtype=jnp.int32)
    tgt = jnp.where(qarr + _NSLOT - 1 < nq, fss_q, _S)
    lda = jnp.full((_S,), -1, jnp.int32).at[tgt].set(
        qarr + _NSLOT - 1, mode='drop')

    h = _ffn(g_of.astype(jnp.int32), t_of, firsts, offs, ends, valid,
             seq, lda, qix, gfs, jnp.full((1,), nq, jnp.int32),
             xs, Wgate, Wup, Wdown)
    outf = _combine(h, d0, d1, wt)
    return outf.reshape(_B, _C * _P, _HID)

# --- scband reference (transcript-rebuilt; emitter-appended) ---
"""Pipeline reference for scband-mo-me-25254407700662 (READ-ONLY COPY).

The authoritative reference and input builder live on the scoring server;
editing this copy changes nothing except your own understanding.
"""

import jax, jax.numpy as jnp
import numpy as np

B, C, L = 4, 8, 4096
PATCH = 16
HID = 768
E = 64
TOPK = 2
P = L // PATCH  # 256


def setup_inputs(seed: int = 0) -> dict:
    key = jax.random.key(seed)
    ks = jax.random.split(key, 7)
    x = jax.random.normal(ks[0], (B, C, L), dtype=jnp.float32)
    # proj: nn.Linear(patch_len, hidden_dim) with bias; weight [HID, PATCH]
    Wproj = jax.random.normal(ks[1], (HID, PATCH), dtype=jnp.float32) * 0.05
    bproj = jax.random.normal(ks[2], (HID,), dtype=jnp.float32) * 0.05
    # Gate: nn.Linear(hidden_dim, num_experts, bias=False); weight [E, HID]
    Wrouter = jax.random.normal(ks[3], (E, HID), dtype=jnp.float32) * 0.05
    # experts: gate_proj/up_proj weights [E, HID, HID], down_proj [E, HID, HID] (moe_d_ff == hidden_dim)
    Wgate = jax.random.normal(ks[4], (E, HID, HID), dtype=jnp.float32) * 0.02
    Wup = jax.random.normal(ks[5], (E, HID, HID), dtype=jnp.float32) * 0.02
    Wdown = jax.random.normal(ks[6], (E, HID, HID), dtype=jnp.float32) * 0.02
    return {"x": x, "Wproj": Wproj, "bproj": bproj, "Wrouter": Wrouter,
            "Wgate": Wgate, "Wup": Wup, "Wdown": Wdown}


def reference(x, Wproj, bproj, Wrouter, Wgate, Wup, Wdown):
    b, c, l = x.shape
    # no padding needed: L is divisible by PATCH
    xp = x.reshape(b, c, P, PATCH)
    proj = jnp.einsum('bcpl,dl->bcpd', xp, Wproj) + bproj  # [B,C,P,HID]
    tokens = proj.reshape(-1, HID)  # [T, HID]
    T = tokens.shape[0]
    router_logits = tokens @ Wrouter.T  # [T, E]
    routing_weights = jax.nn.softmax(router_logits.astype(jnp.float32), axis=1)
    topw, topi = jax.lax.top_k(routing_weights, TOPK)  # [T, TOPK]
    # norm_topk_prob = False -> no renormalization
    acc = jnp.zeros((T, HID), dtype=tokens.dtype)
    for e in range(E):
        w_e = jnp.sum(topw * (topi == e).astype(topw.dtype), axis=-1)  # [T]
        g = tokens @ Wgate[e].T
        u = tokens @ Wup[e].T
        h = (jax.nn.silu(g) * u) @ Wdown[e].T
        acc = acc + h * w_e[:, None]
    out = acc.reshape(b, c, P, HID).reshape(b, -1, HID)
    return out

if __name__ == "__main__":
    import jax
    _d = setup_inputs()
    print(jax.jit(kernel)(*tuple(_d.values())))

</pallas_src>

<mosaic_0001>
#map = affine_map<(d0, d1) -> (0, 0)>
#map1 = affine_map<(d0, d1) -> (0)>
#map2 = affine_map<(d0, d1) -> (0, 0, 0)>
module attributes {stable_mosaic.version = 14 : i64} {
  func.func @_dispatch_body(%arg0: i32, %arg1: i32, %arg2: memref<8192x768xf32, #tpu.memory_space<hbm>>, %arg3: memref<16384xi32, #tpu.memory_space<hbm>>, %arg4: memref<16384xi32, #tpu.memory_space<hbm>>, %arg5: memref<64xi32, #tpu.memory_space<hbm>>, %arg6: memref<16384x768xf32, #tpu.memory_space<hbm>>, %arg7: memref<32x4x64xi32, #tpu.memory_space<hbm>>, %arg8: memref<32x4x64xi32, #tpu.memory_space<hbm>>, %arg9: memref<64xi32, #tpu.memory_space<vmem>>, %arg10: memref<512xi32, #tpu.memory_space<vmem>>, %arg11: memref<512xi32, #tpu.memory_space<vmem>>, %arg12: memref<4x64xi32, #tpu.memory_space<vmem>>, %arg13: memref<4x64xi32, #tpu.memory_space<vmem>>, %arg14: memref<64x768xf32, #tpu.memory_space<vmem>>, %arg15: memref<64x768xf32, #tpu.memory_space<vmem>>, %arg16: memref<!tpu.dma_semaphore, #tpu.memory_space<semaphore_mem>>, %arg17: memref<!tpu.dma_semaphore, #tpu.memory_space<semaphore_mem>>, %arg18: memref<!tpu.dma_semaphore, #tpu.memory_space<semaphore_mem>>) attributes {dimension_semantics = [#tpu.dimension_semantics<core_parallel>, #tpu.dimension_semantics<subcore_parallel>], iteration_bounds = array<i64: 2, 16>, scalar_prefetch = 0 : i64, scratch_operands = 10 : i64, tpu.core_type = #tpu.core_type<sc_vector_subcore>, window_params = [{transform_indices = #map}, {transform_indices = #map1}, {transform_indices = #map1}, {transform_indices = #map1}, {transform_indices = #map}, {transform_indices = #map2}, {transform_indices = #map2}]} {
    %mul3A = arith.constant 2 : i32
    %mul3A_0 = arith.muli %arg1, %mul3A : i32
    %add3A = arith.addi %mul3A_0, %arg0 : i32
    %mul3A_1 = arith.constant 256 : i32
    %mul3A_2 = arith.muli %add3A, %mul3A_1 : i32
    %mul3A_3 = arith.constant 512 : i32
    %mul3A_4 = arith.muli %add3A, %mul3A_3 : i32
    "tpu.region"() ({
      %run_scoped3A = tpu.sem_alloc : memref<!tpu.dma_semaphore, #tpu.memory_space<semaphore_mem>>
      tpu.enqueue_dma source(%arg5 : memref<64xi32, #tpu.memory_space<hbm>>) target(%arg9 : memref<64xi32, #tpu.memory_space<vmem>>) target_semaphore(%run_scoped3A : memref<!tpu.dma_semaphore, #tpu.memory_space<semaphore_mem>>)
      tpu.wait_dma2 semaphore(%run_scoped3A : memref<!tpu.dma_semaphore, #tpu.memory_space<semaphore_mem>>) src(%arg5 : memref<64xi32, #tpu.memory_space<hbm>>) dst(%arg9 : memref<64xi32, #tpu.memory_space<vmem>>)
      tpu.yield
    }) : () -> ()
    "tpu.region"() ({
      %run_scoped3A = tpu.sem_alloc : memref<!tpu.dma_semaphore, #tpu.memory_space<semaphore_mem>>
      %dma_start3A_614 = tpu.memref_slice %arg3[%mul3A_4] : memref<16384xi32, #tpu.memory_space<hbm>> -> memref<512xi32, #tpu.memory_space<hbm>>
      %dma_start3A_615 = tpu.memref_slice %arg3[%mul3A_4] : memref<16384xi32, #tpu.memory_space<hbm>> -> memref<512xi32, #tpu.memory_space<hbm>>
      tpu.enqueue_dma source(%dma_start3A_615 : memref<512xi32, #tpu.memory_space<hbm>>) target(%arg10 : memref<512xi32, #tpu.memory_space<vmem>>) target_semaphore(%run_scoped3A : memref<!tpu.dma_semaphore, #tpu.memory_space<semaphore_mem>>)
      %dma_wait3A_616 = tpu.memref_slice %arg3[%mul3A_4] : memref<16384xi32, #tpu.memory_space<hbm>> -> memref<512xi32, #tpu.memory_space<hbm>>
      %dma_wait3A_617 = tpu.memref_slice %arg3[%mul3A_4] : memref<16384xi32, #tpu.memory_space<hbm>> -> memref<512xi32, #tpu.memory_space<hbm>>
      tpu.wait_dma2 semaphore(%run_scoped3A : memref<!tpu.dma_semaphore, #tpu.memory_space<semaphore_mem>>) src(%dma_wait3A_617 : memref<512xi32, #tpu.memory_space<hbm>>) dst(%arg10 : memref<512xi32, #tpu.memory_space<vmem>>)
      tpu.yield
    }) : () -> ()
    "tpu.region"() ({
      %run_scoped3A = tpu.sem_alloc : memref<!tpu.dma_semaphore, #tpu.memory_space<semaphore_mem>>
      %dma_start3A_614 = tpu.memref_slice %arg4[%mul3A_4] : memref<16384xi32, #tpu.memory_space<hbm>> -> memref<512xi32, #tpu.memory_space<hbm>>
      %dma_start3A_615 = tpu.memref_slice %arg4[%mul3A_4] : memref<16384xi32, #tpu.memory_space<hbm>> -> memref<512xi32, #tpu.memory_space<hbm>>
      tpu.enqueue_dma source(%dma_start3A_615 : memref<512xi32, #tpu.memory_space<hbm>>) target(%arg11 : memref<512xi32, #tpu.memory_space<vmem>>) target_semaphore(%run_scoped3A : memref<!tpu.dma_semaphore, #tpu.memory_space<semaphore_mem>>)
      %dma_wait3A_616 = tpu.memref_slice %arg4[%mul3A_4] : memref<16384xi32, #tpu.memory_space<hbm>> -> memref<512xi32, #tpu.memory_space<hbm>>
      %dma_wait3A_617 = tpu.memref_slice %arg4[%mul3A_4] : memref<16384xi32, #tpu.memory_space<hbm>> -> memref<512xi32, #tpu.memory_space<hbm>>
      tpu.wait_dma2 semaphore(%run_scoped3A : memref<!tpu.dma_semaphore, #tpu.memory_space<semaphore_mem>>) src(%dma_wait3A_617 : memref<512xi32, #tpu.memory_space<hbm>>) dst(%arg11 : memref<512xi32, #tpu.memory_space<vmem>>)
      tpu.yield
    }) : () -> ()
    %iota3A = tpu.iota {dimensions = array<i32: 0>} : vector<16xi32>
    %add3A_5 = arith.constant 0 : i32
    %add3A_6 = vector.broadcast %add3A_5 : i32 to vector<16xi32>
    %add3A_7 = arith.addi %add3A_6, %iota3A : vector<16xi32>
    %mul3A_8 = arith.constant 2 : i32
    %mul3A_9 = vector.broadcast %mul3A_8 : i32 to vector<16xi32>
    %mul3A_10 = arith.muli %mul3A_9, %add3A_7 : vector<16xi32>
    %gather3A = tpu.vector_load_idx %arg10[%mul3A_10] : memref<512xi32, #tpu.memory_space<vmem>>[vector<16xi32>], vector<16xi32>,
    %gather3A_11 = tpu.vector_load_idx %arg11[%mul3A_10] : memref<512xi32, #tpu.memory_space<vmem>>[vector<16xi32>], vector<16xi32>,
    %gather3A_12 = tpu.vector_load_idx %arg9[%gather3A] : memref<64xi32, #tpu.memory_space<vmem>>[vector<16xi32>], vector<16xi32>,
    %add3A_13 = arith.addi %gather3A_12, %gather3A_11 : vector<16xi32>
    %swap3A = arith.constant 0 : i32
    %swap3A_14 = arith.index_cast %swap3A : i32 to index
    %swap3A_15 = arith.constant 0 : index
    %swap3A_16 = tpu.vector_load %arg12[%swap3A_14, %swap3A_15] {strides = array<i32>} : memref<4x64xi32, #tpu.memory_space<vmem>>, vector<16xi32>,
    tpu.vector_store %arg12[%swap3A_14, %swap3A_15], %add3A_13 {strides = array<i32>} : memref<4x64xi32, #tpu.memory_space<vmem>>, vector<16xi32>,
    %add3A_17 = arith.constant 1 : i32
    %add3A_18 = vector.broadcast %add3A_17 : i32 to vector<16xi32>
    %add3A_19 = arith.addi %mul3A_10, %add3A_18 : vector<16xi32>
    %gather3A_20 = tpu.vector_load_idx %arg10[%add3A_19] : memref<512xi32, #tpu.memory_space<vmem>>[vector<16xi32>], vector<16xi32>,
    %add3A_21 = arith.constant 1 : i32
    %add3A_22 = vector.broadcast %add3A_21 : i32 to vector<16xi32>
    %add3A_23 = arith.addi %mul3A_10, %add3A_22 : vector<16xi32>
    %gather3A_24 = tpu.vector_load_idx %arg11[%add3A_23] : memref<512xi32, #tpu.memory_space<vmem>>[vector<16xi32>], vector<16xi32>,
    %gather3A_25 = tpu.vector_load_idx %arg9[%gather3A_20] : memref<64xi32, #tpu.memory_space<vmem>>[vector<16xi32>], vector<16xi32>,
    %add3A_26 = arith.addi %gather3A_25, %gather3A_24 : vector<16xi32>
    %swap3A_27 = arith.constant 0 : i32
    %swap3A_28 = arith.index_cast %swap3A_27 : i32 to index
    %swap3A_29 = arith.constant 0 : index
    %swap3A_30 = tpu.vector_load %arg13[%swap3A_28, %swap3A_29] {strides = array<i32>} : memref<4x64xi32, #tpu.memory_space<vmem>>, vector<16xi32>,
    tpu.vector_store %arg13[%swap3A_28, %swap3A_29], %add3A_26 {strides = array<i32>} : memref<4x64xi32, #tpu.memory_space<vmem>>, vector<16xi32>,
    %iota3A_31 = tpu.iota {dimensions = array<i32: 0>} : vector<16xi32>
    %add3A_32 = arith.constant 16 : i32
    %add3A_33 = vector.broadcast %add3A_32 : i32 to vector<16xi32>
    %add3A_34 = arith.addi %add3A_33, %iota3A_31 : vector<16xi32>
    %mul3A_35 = arith.constant 2 : i32
    %mul3A_36 = vector.broadcast %mul3A_35 : i32 to vector<16xi32>
    %mul3A_37 = arith.muli %mul3A_36, %add3A_34 : vector<16xi32>
    %gather3A_38 = tpu.vector_load_idx %arg10[%mul3A_37] : memref<512xi32, #tpu.memory_space<vmem>>[vector<16xi32>], vector<16xi32>,
    %gather3A_39 = tpu.vector_load_idx %arg11[%mul3A_37] : memref<512xi32, #tpu.memory_space<vmem>>[vector<16xi32>], vector<16xi32>,
    %gather3A_40 = tpu.vector_load_idx %arg9[%gather3A_38] : memref<64xi32, #tpu.memory_space<vmem>>[vector<16xi32>], vector<16xi32>,
    %add3A_41 = arith.addi %gather3A_40, %gather3A_39 : vector<16xi32>
    %swap3A_42 = arith.constant 0 : i32
    %swap3A_43 = arith.index_cast %swap3A_42 : i32 to index
    %swap3A_44 = arith.constant 16 : index
    %swap3A_45 = tpu.vector_load %arg12[%swap3A_43, %swap3A_44] {strides = array<i32>} : memref<4x64xi32, #tpu.memory_space<vmem>>, vector<16xi32>,
    tpu.vector_store %arg12[%swap3A_43, %swap3A_44], %add3A_41 {strides = array<i32>} : memref<4x64xi32, #tpu.memory_space<vmem>>, vector<16xi32>,
    %add3A_46 = arith.constant 1 : i32
    %add3A_47 = vector.broadcast %add3A_46 : i32 to vector<16xi32>
    %add3A_48 = arith.addi %mul3A_37, %add3A_47 : vector<16xi32>
    %gather3A_49 = tpu.vector_load_idx %arg10[%add3A_48] : memref<512xi32, #tpu.memory_space<vmem>>[vector<16xi32>], vector<16xi32>,
    %add3A_50 = arith.constant 1 : i32
    %add3A_51 = vector.broadcast %add3A_50 : i32 to vector<16xi32>
    %add3A_52 = arith.addi %mul3A_37, %add3A_51 : vector<16xi32>
    %gather3A_53 = tpu.vector_load_idx %arg11[%add3A_52] : memref<512xi32, #tpu.memory_space<vmem>>[vector<16xi32>], vector<16xi32>,
    %gather3A_54 = tpu.vector_load_idx %arg9[%gather3A_49] : memref<64xi32, #tpu.memory_space<vmem>>[vector<16xi32>], vector<16xi32>,
    %add3A_55 = arith.addi %gather3A_54, %gather3A_53 : vector<16xi32>
    %swap3A_56 = arith.constant 0 : i32
    %swap3A_57 = arith.index_cast %swap3A_56 : i32 to index
    %swap3A_58 = arith.constant 16 : index
    %swap3A_59 = tpu.vector_load %arg13[%swap3A_57, %swap3A_58] {strides = array<i32>} : memref<4x64xi32, #tpu.memory_space<vmem>>, vector<16xi32>,
    tpu.vector_store %arg13[%swap3A_57, %swap3A_58], %add3A_55 {strides = array<i32>} : memref<4x64xi32, #tpu.memory_space<vmem>>, vector<16xi32>,
    %iota3A_60 = tpu.iota {dimensions = array<i32: 0>} : vector<16xi32>
    %add3A_61 = arith.constant 32 : i32
    %add3A_62 = vector.broadcast %add3A_61 : i32 to vector<16xi32>
    %add3A_63 = arith.addi %add3A_62, %iota3A_60 : vector<16xi32>
    %mul3A_64 = arith.constant 2 : i32
    %mul3A_65 = vector.broadcast %mul3A_64 : i32 to vector<16xi32>
    %mul3A_66 = arith.muli %mul3A_65, %add3A_63 : vector<16xi32>
    %gather3A_67 = tpu.vector_load_idx %arg10[%mul3A_66] : memref<512xi32, #tpu.memory_space<vmem>>[vector<16xi32>], vector<16xi32>,
    %gather3A_68 = tpu.vector_load_idx %arg11[%mul3A_66] : memref<512xi32, #tpu.memory_space<vmem>>[vector<16xi32>], vector<16xi32>,
    %gather3A_69 = tpu.vector_load_idx %arg9[%gather3A_67] : memref<64xi32, #tpu.memory_space<vmem>>[vector<16xi32>], vector<16xi32>,
    %add3A_70 = arith.addi %gather3A_69, %gather3A_68 : vector<16xi32>
    %swap3A_71 = arith.constant 0 : i32
    %swap3A_72 = arith.index_cast %swap3A_71 : i32 to index
    %swap3A_73 = arith.constant 32 : index
    %swap3A_74 = tpu.vector_load %arg12[%swap3A_72, %swap3A_73] {strides = array<i32>} : memref<4x64xi32, #tpu.memory_space<vmem>>, vector<16xi32>,
    tpu.vector_store %arg12[%swap3A_72, %swap3A_73], %add3A_70 {strides = array<i32>} : memref<4x64xi32, #tpu.memory_space<vmem>>, vector<16xi32>,
    %add3A_75 = arith.constant 1 : i32
    %add3A_76 = vector.broadcast %add3A_75 : i32 to vector<16xi32>
    %add3A_77 = arith.addi %mul3A_66, %add3A_76 : vector<16xi32>
    %gather3A_78 = tpu.vector_load_idx %arg10[%add3A_77] : memref<512xi32, #tpu.memory_space<vmem>>[vector<16xi32>], vector<16xi32>,
    %add3A_79 = arith.constant 1 : i32
    %add3A_80 = vector.broadcast %add3A_79 : i32 to vector<16xi32>
    %add3A_81 = arith.addi %mul3A_66, %add3A_80 : vector<16xi32>
    %gather3A_82 = tpu.vector_load_idx %arg11[%add3A_81] : memref<512xi32, #tpu.memory_space<vmem>>[vector<16xi32>], vector<16xi32>,
    %gather3A_83 = tpu.vector_load_idx %arg9[%gather3A_78] : memref<64xi32, #tpu.memory_space<vmem>>[vector<16xi32>], vector<16xi32>,
    %add3A_84 = arith.addi %gather3A_83, %gather3A_82 : vector<16xi32>
    %swap3A_85 = arith.constant 0 : i32
    %swap3A_86 = arith.index_cast %swap3A_85 : i32 to index
    %swap3A_87 = arith.constant 32 : index
    %swap3A_88 = tpu.vector_load %arg13[%swap3A_86, %swap3A_87] {strides = array<i32>} : memref<4x64xi32, #tpu.memory_space<vmem>>, vector<16xi32>,
    tpu.vector_store %arg13[%swap3A_86, %swap3A_87], %add3A_84 {strides = array<i32>} : memref<4x64xi32, #tpu.memory_space<vmem>>, vector<16xi32>,
    %iota3A_89 = tpu.iota {dimensions = array<i32: 0>} : vector<16xi32>
    %add3A_90 = arith.constant 48 : i32
    %add3A_91 = vector.broadcast %add3A_90 : i32 to vector<16xi32>
    %add3A_92 = arith.addi %add3A_91, %iota3A_89 : vector<16xi32>
    %mul3A_93 = arith.constant 2 : i32
    %mul3A_94 = vector.broadcast %mul3A_93 : i32 to vector<16xi32>
    %mul3A_95 = arith.muli %mul3A_94, %add3A_92 : vector<16xi32>
    %gather3A_96 = tpu.vector_load_idx %arg10[%mul3A_95] : memref<512xi32, #tpu.memory_space<vmem>>[vector<16xi32>], vector<16xi32>,
    %gather3A_97 = tpu.vector_load_idx %arg11[%mul3A_95] : memref<512xi32, #tpu.memory_space<vmem>>[vector<16xi32>], vector<16xi32>,
    %gather3A_98 = tpu.vector_load_idx %arg9[%gather3A_96] : memref<64xi32, #tpu.memory_space<vmem>>[vector<16xi32>], vector<16xi32>,
    %add3A_99 = arith.addi %gather3A_98, %gather3A_97 : vector<16xi32>
    %swap3A_100 = arith.constant 0 : i32
    %swap3A_101 = arith.index_cast %swap3A_100 : i32 to index
    %swap3A_102 = arith.constant 48 : index
    %swap3A_103 = tpu.vector_load %arg12[%swap3A_101, %swap3A_102] {strides = array<i32>} : memref<4x64xi32, #tpu.memory_space<vmem>>, vector<16xi32>,
    tpu.vector_store %arg12[%swap3A_101, %swap3A_102], %add3A_99 {strides = array<i32>} : memref<4x64xi32, #tpu.memory_space<vmem>>, vector<16xi32>,
    %add3A_104 = arith.constant 1 : i32
    %add3A_105 = vector.broadcast %add3A_104 : i32 to vector<16xi32>
    %add3A_106 = arith.addi %mul3A_95, %add3A_105 : vector<16xi32>
    %gather3A_107 = tpu.vector_load_idx %arg10[%add3A_106] : memref<512xi32, #tpu.memory_space<vmem>>[vector<16xi32>], vector<16xi32>,
    %add3A_108 = arith.constant 1 : i32
    %add3A_109 = vector.broadcast %add3A_108 : i32 to vector<16xi32>
    %add3A_110 = arith.addi %mul3A_95, %add3A_109 : vector<16xi32>
    %gather3A_111 = tpu.vector_load_idx %arg11[%add3A_110] : memref<512xi32, #tpu.memory_space<vmem>>[vector<16xi32>], vector<16xi32>,
    %gather3A_112 = tpu.vector_load_idx %arg9[%gather3A_107] : memref<64xi32, #tpu.memory_space<vmem>>[vector<16xi32>], vector<16xi32>,
    %add3A_113 = arith.addi %gather3A_112, %gather3A_111 : vector<16xi32>
    %swap3A_114 = arith.constant 0 : i32
    %swap3A_115 = arith.index_cast %swap3A_114 : i32 to index
    %swap3A_116 = arith.constant 48 : index
    %swap3A_117 = tpu.vector_load %arg13[%swap3A_115, %swap3A_116] {strides = array<i32>} : memref<4x64xi32, #tpu.memory_space<vmem>>, vector<16xi32>,
    tpu.vector_store %arg13[%swap3A_115, %swap3A_116], %add3A_113 {strides = array<i32>} : memref<4x64xi32, #tpu.memory_space<vmem>>, vector<16xi32>,
    %iota3A_118 = tpu.iota {dimensions = array<i32: 0>} : vector<16xi32>
    %add3A_119 = arith.constant 64 : i32
    %add3A_120 = vector.broadcast %add3A_119 : i32 to vector<16xi32>
    %add3A_121 = arith.addi %add3A_120, %iota3A_118 : vector<16xi32>
    %mul3A_122 = arith.constant 2 : i32
    %mul3A_123 = vector.broadcast %mul3A_122 : i32 to vector<16xi32>
    %mul3A_124 = arith.muli %mul3A_123, %add3A_121 : vector<16xi32>
    %gather3A_125 = tpu.vector_load_idx %arg10[%mul3A_124] : memref<512xi32, #tpu.memory_space<vmem>>[vector<16xi32>], vector<16xi32>,
    %gather3A_126 = tpu.vector_load_idx %arg11[%mul3A_124] : memref<512xi32, #tpu.memory_space<vmem>>[vector<16xi32>], vector<16xi32>,
    %gather3A_127 = tpu.vector_load_idx %arg9[%gather3A_125] : memref<64xi32, #tpu.memory_space<vmem>>[vector<16xi32>], vector<16xi32>,
    %add3A_128 = arith.addi %gather3A_127, %gather3A_126 : vector<16xi32>
    %swap3A_129 = arith.constant 1 : i32
    %swap3A_130 = arith.index_cast %swap3A_129 : i32 to index
    %swap3A_131 = arith.constant 0 : index
    %swap3A_132 = tpu.vector_load %arg12[%swap3A_130, %swap3A_131] {strides = array<i32>} : memref<4x64xi32, #tpu.memory_space<vmem>>, vector<16xi32>,
    tpu.vector_store %arg12[%swap3A_130, %swap3A_131], %add3A_128 {strides = array<i32>} : memref<4x64xi32, #tpu.memory_space<vmem>>, vector<16xi32>,
    %add3A_133 = arith.constant 1 : i32
    %add3A_134 = vector.broadcast %add3A_133 : i32 to vector<16xi32>
    %add3A_135 = arith.addi %mul3A_124, %add3A_134 : vector<16xi32>
    %gather3A_136 = tpu.vector_load_idx %arg10[%add3A_135] : memref<512xi32, #tpu.memory_space<vmem>>[vector<16xi32>], vector<16xi32>,
    %add3A_137 = arith.constant 1 : i32
    %add3A_138 = vector.broadcast %add3A_137 : i32 to vector<16xi32>
    %add3A_139 = arith.addi %mul3A_124, %add3A_138 : vector<16xi32>
    %gather3A_140 = tpu.vector_load_idx %arg11[%add3A_139] : memref<512xi32, #tpu.memory_space<vmem>>[vector<16xi32>], vector<16xi32>,
    %gather3A_141 = tpu.vector_load_idx %arg9[%gather3A_136] : memref<64xi32, #tpu.memory_space<vmem>>[vector<16xi32>], vector<16xi32>,
    %add3A_142 = arith.addi %gather3A_141, %gather3A_140 : vector<16xi32>
    %swap3A_143 = arith.constant 1 : i32
    %swap3A_144 = arith.index_cast %swap3A_143 : i32 to index
    %swap3A_145 = arith.constant 0 : index
    %swap3A_146 = tpu.vector_load %arg13[%swap3A_144, %swap3A_145] {strides = array<i32>} : memref<4x64xi32, #tpu.memory_space<vmem>>, vector<16xi32>,
    tpu.vector_store %arg13[%swap3A_144, %swap3A_145], %add3A_142 {strides = array<i32>} : memref<4x64xi32, #tpu.memory_space<vmem>>, vector<16xi32>,
    %iota3A_147 = tpu.iota {dimensions = array<i32: 0>} : vector<16xi32>
    %add3A_148 = arith.constant 80 : i32
    %add3A_149 = vector.broadcast %add3A_148 : i32 to vector<16xi32>
    %add3A_150 = arith.addi %add3A_149, %iota3A_147 : vector<16xi32>
    %mul3A_151 = arith.constant 2 : i32
    %mul3A_152 = vector.broadcast %mul3A_151 : i32 to vector<16xi32>
    %mul3A_153 = arith.muli %mul3A_152, %add3A_150 : vector<16xi32>
    %gather3A_154 = tpu.vector_load_idx %arg10[%mul3A_153] : memref<512xi32, #tpu.memory_space<vmem>>[vector<16xi32>], vector<16xi32>,
    %gather3A_155 = tpu.vector_load_idx %arg11[%mul3A_153] : memref<512xi32, #tpu.memory_space<vmem>>[vector<16xi32>], vector<16xi32>,
    %gather3A_156 = tpu.vector_load_idx %arg9[%gather3A_154] : memref<64xi32, #tpu.memory_space<vmem>>[vector<16xi32>], vector<16xi32>,
    %add3A_157 = arith.addi %gather3A_156, %gather3A_155 : vector<16xi32>
    %swap3A_158 = arith.constant 1 : i32
    %swap3A_159 = arith.index_cast %swap3A_158 : i32 to index
    %swap3A_160 = arith.constant 16 : index
    %swap3A_161 = tpu.vector_load %arg12[%swap3A_159, %swap3A_160] {strides = array<i32>} : memref<4x64xi32, #tpu.memory_space<vmem>>, vector<16xi32>,
    tpu.vector_store %arg12[%swap3A_159, %swap3A_160], %add3A_157 {strides = array<i32>} : memref<4x64xi32, #tpu.memory_space<vmem>>, vector<16xi32>,
    %add3A_162 = arith.constant 1 : i32
    %add3A_163 = vector.broadcast %add3A_162 : i32 to vector<16xi32>
    %add3A_164 = arith.addi %mul3A_153, %add3A_163 : vector<16xi32>
    %gather3A_165 = tpu.vector_load_idx %arg10[%add3A_164] : memref<512xi32, #tpu.memory_space<vmem>>[vector<16xi32>], vector<16xi32>,
    %add3A_166 = arith.constant 1 : i32
    %add3A_167 = vector.broadcast %add3A_166 : i32 to vector<16xi32>
    %add3A_168 = arith.addi %mul3A_153, %add3A_167 : vector<16xi32>
    %gather3A_169 = tpu.vector_load_idx %arg11[%add3A_168] : memref<512xi32, #tpu.memory_space<vmem>>[vector<16xi32>], vector<16xi32>,
    %gather3A_170 = tpu.vector_load_idx %arg9[%gather3A_165] : memref<64xi32, #tpu.memory_space<vmem>>[vector<16xi32>], vector<16xi32>,
    %add3A_171 = arith.addi %gather3A_170, %gather3A_169 : vector<16xi32>
    %swap3A_172 = arith.constant 1 : i32
    %swap3A_173 = arith.index_cast %swap3A_172 : i32 to index
    %swap3A_174 = arith.constant 16 : index
    %swap3A_175 = tpu.vector_load %arg13[%swap3A_173, %swap3A_174] {strides = array<i32>} : memref<4x64xi32, #tpu.memory_space<vmem>>, vector<16xi32>,
    tpu.vector_store %arg13[%swap3A_173, %swap3A_174], %add3A_171 {strides = array<i32>} : memref<4x64xi32, #tpu.memory_space<vmem>>, vector<16xi32>,
    %iota3A_176 = tpu.iota {dimensions = array<i32: 0>} : vector<16xi32>
    %add3A_177 = arith.constant 96 : i32
    %add3A_178 = vector.broadcast %add3A_177 : i32 to vector<16xi32>
    %add3A_179 = arith.addi %add3A_178, %iota3A_176 : vector<16xi32>
    %mul3A_180 = arith.constant 2 : i32
    %mul3A_181 = vector.broadcast %mul3A_180 : i32 to vector<16xi32>
    %mul3A_182 = arith.muli %mul3A_181, %add3A_179 : vector<16xi32>
    %gather3A_183 = tpu.vector_load_idx %arg10[%mul3A_182] : memref<512xi32, #tpu.memory_space<vmem>>[vector<16xi32>], vector<16xi32>,
    %gather3A_184 = tpu.vector_load_idx %arg11[%mul3A_182] : memref<512xi32, #tpu.memory_space<vmem>>[vector<16xi32>], vector<16xi32>,
    %gather3A_185 = tpu.vector_load_idx %arg9[%gather3A_183] : memref<64xi32, #tpu.memory_space<vmem>>[vector<16xi32>], vector<16xi32>,
    %add3A_186 = arith.addi %gather3A_185, %gather3A_184 : vector<16xi32>
    %swap3A_187 = arith.constant 1 : i32
    %swap3A_188 = arith.index_cast %swap3A_187 : i32 to index
    %swap3A_189 = arith.constant 32 : index
    %swap3A_190 = tpu.vector_load %arg12[%swap3A_188, %swap3A_189] {strides = array<i32>} : memref<4x64xi32, #tpu.memory_space<vmem>>, vector<16xi32>,
    tpu.vector_store %arg12[%swap3A_188, %swap3A_189], %add3A_186 {strides = array<i32>} : memref<4x64xi32, #tpu.memory_space<vmem>>, vector<16xi32>,
    %add3A_191 = arith.constant 1 : i32
    %add3A_192 = vector.broadcast %add3A_191 : i32 to vector<16xi32>
    %add3A_193 = arith.addi %mul3A_182, %add3A_192 : vector<16xi32>
    %gather3A_194 = tpu.vector_load_idx %arg10[%add3A_193] : memref<512xi32, #tpu.memory_space<vmem>>[vector<16xi32>], vector<16xi32>,
    %add3A_195 = arith.constant 1 : i32
    %add3A_196 = vector.broadcast %add3A_195 : i32 to vector<16xi32>
    %add3A_197 = arith.addi %mul3A_182, %add3A_196 : vector<16xi32>
    %gather3A_198 = tpu.vector_load_idx %arg11[%add3A_197] : memref<512xi32, #tpu.memory_space<vmem>>[vector<16xi32>], vector<16xi32>,
    %gather3A_199 = tpu.vector_load_idx %arg9[%gather3A_194] : memref<64xi32, #tpu.memory_space<vmem>>[vector<16xi32>], vector<16xi32>,
    %add3A_200 = arith.addi %gather3A_199, %gather3A_198 : vector<16xi32>
    %swap3A_201 = arith.constant 1 : i32
    %swap3A_202 = arith.index_cast %swap3A_201 : i32 to index
    %swap3A_203 = arith.constant 32 : index
    %swap3A_204 = tpu.vector_load %arg13[%swap3A_202, %swap3A_203] {strides = array<i32>} : memref<4x64xi32, #tpu.memory_space<vmem>>, vector<16xi32>,
    tpu.vector_store %arg13[%swap3A_202, %swap3A_203], %add3A_200 {strides = array<i32>} : memref<4x64xi32, #tpu.memory_space<vmem>>, vector<16xi32>,
    %iota3A_205 = tpu.iota {dimensions = array<i32: 0>} : vector<16xi32>
    %add3A_206 = arith.constant 112 : i32
    %add3A_207 = vector.broadcast %add3A_206 : i32 to vector<16xi32>
    %add3A_208 = arith.addi %add3A_207, %iota3A_205 : vector<16xi32>
    %mul3A_209 = arith.constant 2 : i32
    %mul3A_210 = vector.broadcast %mul3A_209 : i32 to vector<16xi32>
    %mul3A_211 = arith.muli %mul3A_210, %add3A_208 : vector<16xi32>
    %gather3A_212 = tpu.vector_load_idx %arg10[%mul3A_211] : memref<512xi32, #tpu.memory_space<vmem>>[vector<16xi32>], vector<16xi32>,
    %gather3A_213 = tpu.vector_load_idx %arg11[%mul3A_211] : memref<512xi32, #tpu.memory_space<vmem>>[vector<16xi32>], vector<16xi32>,
    %gather3A_214 = tpu.vector_load_idx %arg9[%gather3A_212] : memref<64xi32, #tpu.memory_space<vmem>>[vector<16xi32>], vector<16xi32>,
    %add3A_215 = arith.addi %gather3A_214, %gather3A_213 : vector<16xi32>
    %swap3A_216 = arith.constant 1 : i32
    %swap3A_217 = arith.index_cast %swap3A_216 : i32 to index
    %swap3A_218 = arith.constant 48 : index
    %swap3A_219 = tpu.vector_load %arg12[%swap3A_217, %swap3A_218] {strides = array<i32>} : memref<4x64xi32, #tpu.memory_space<vmem>>, vector<16xi32>,
    tpu.vector_store %arg12[%swap3A_217, %swap3A_218], %add3A_215 {strides = array<i32>} : memref<4x64xi32, #tpu.memory_space<vmem>>, vector<16xi32>,
    %add3A_220 = arith.constant 1 : i32
    %add3A_221 = vector.broadcast %add3A_220 : i32 to vector<16xi32>
    %add3A_222 = arith.addi %mul3A_211, %add3A_221 : vector<16xi32>
    %gather3A_223 = tpu.vector_load_idx %arg10[%add3A_222] : memref<512xi32, #tpu.memory_space<vmem>>[vector<16xi32>], vector<16xi32>,
    %add3A_224 = arith.constant 1 : i32
    %add3A_225 = vector.broadcast %add3A_224 : i32 to vector<16xi32>
    %add3A_226 = arith.addi %mul3A_211, %add3A_225 : vector<16xi32>
    %gather3A_227 = tpu.vector_load_idx %arg11[%add3A_226] : memref<512xi32, #tpu.memory_space<vmem>>[vector<16xi32>], vector<16xi32>,
    %gather3A_228 = tpu.vector_load_idx %arg9[%gather3A_223] : memref<64xi32, #tpu.memory_space<vmem>>[vector<16xi32>], vector<16xi32>,
    %add3A_229 = arith.addi %gather3A_228, %gather3A_227 : vector<16xi32>
    %swap3A_230 = arith.constant 1 : i32
    %swap3A_231 = arith.index_cast %swap3A_230 : i32 to index
    %swap3A_232 = arith.constant 48 : index
    %swap3A_233 = tpu.vector_load %arg13[%swap3A_231, %swap3A_232] {strides = array<i32>} : memref<4x64xi32, #tpu.memory_space<vmem>>, vector<16xi32>,
    tpu.vector_store %arg13[%swap3A_231, %swap3A_232], %add3A_229 {strides = array<i32>} : memref<4x64xi32, #tpu.memory_space<vmem>>, vector<16xi32>,
    %iota3A_234 = tpu.iota {dimensions = array<i32: 0>} : vector<16xi32>
    %add3A_235 = arith.constant 128 : i32
    %add3A_236 = vector.broadcast %add3A_235 : i32 to vector<16xi32>
    %add3A_237 = arith.addi %add3A_236, %iota3A_234 : vector<16xi32>
    %mul3A_238 = arith.constant 2 : i32
    %mul3A_239 = vector.broadcast %mul3A_238 : i32 to vector<16xi32>
    %mul3A_240 = arith.muli %mul3A_239, %add3A_237 : vector<16xi32>
    %gather3A_241 = tpu.vector_load_idx %arg10[%mul3A_240] : memref<512xi32, #tpu.memory_space<vmem>>[vector<16xi32>], vector<16xi32>,
    %gather3A_242 = tpu.vector_load_idx %arg11[%mul3A_240] : memref<512xi32, #tpu.memory_space<vmem>>[vector<16xi32>], vector<16xi32>,
    %gather3A_243 = tpu.vector_load_idx %arg9[%gather3A_241] : memref<64xi32, #tpu.memory_space<vmem>>[vector<16xi32>], vector<16xi32>,
    %add3A_244 = arith.addi %gather3A_243, %gather3A_242 : vector<16xi32>
    %swap3A_245 = arith.constant 2 : i32
    %swap3A_246 = arith.index_cast %swap3A_245 : i32 to index
    %swap3A_247 = arith.constant 0 : index
    %swap3A_248 = tpu.vector_load %arg12[%swap3A_246, %swap3A_247] {strides = array<i32>} : memref<4x64xi32, #tpu.memory_space<vmem>>, vector<16xi32>,
    tpu.vector_store %arg12[%swap3A_246, %swap3A_247], %add3A_244 {strides = array<i32>} : memref<4x64xi32, #tpu.memory_space<vmem>>, vector<16xi32>,
    %add3A_249 = arith.constant 1 : i32
    %add3A_250 = vector.broadcast %add3A_249 : i32 to vector<16xi32>
    %add3A_251 = arith.addi %mul3A_240, %add3A_250 : vector<16xi32>
    %gather3A_252 = tpu.vector_load_idx %arg10[%add3A_251] : memref<512xi32, #tpu.memory_space<vmem>>[vector<16xi32>], vector<16xi32>,
    %add3A_253 = arith.constant 1 : i32
    %add3A_254 = vector.broadcast %add3A_253 : i32 to vector<16xi32>
    %add3A_255 = arith.addi %mul3A_240, %add3A_254 : vector<16xi32>
    %gather3A_256 = tpu.vector_load_idx %arg11[%add3A_255] : memref<512xi32, #tpu.memory_space<vmem>>[vector<16xi32>], vector<16xi32>,
    %gather3A_257 = tpu.vector_load_idx %arg9[%gather3A_252] : memref<64xi32, #tpu.memory_space<vmem>>[vector<16xi32>], vector<16xi32>,
    %add3A_258 = arith.addi %gather3A_257, %gather3A_256 : vector<16xi32>
    %swap3A_259 = arith.constant 2 : i32
    %swap3A_260 = arith.index_cast %swap3A_259 : i32 to index
    %swap3A_261 = arith.constant 0 : index
    %swap3A_262 = tpu.vector_load %arg13[%swap3A_260, %swap3A_261] {strides = array<i32>} : memref<4x64xi32, #tpu.memory_space<vmem>>, vector<16xi32>,
    tpu.vector_store %arg13[%swap3A_260, %swap3A_261], %add3A_258 {strides = array<i32>} : memref<4x64xi32, #tpu.memory_space<vmem>>, vector<16xi32>,
    %iota3A_263 = tpu.iota {dimensions = array<i32: 0>} : vector<16xi32>
    %add3A_264 = arith.constant 144 : i32
    %add3A_265 = vector.broadcast %add3A_264 : i32 to vector<16xi32>
    %add3A_266 = arith.addi %add3A_265, %iota3A_263 : vector<16xi32>
    %mul3A_267 = arith.constant 2 : i32
    %mul3A_268 = vector.broadcast %mul3A_267 : i32 to vector<16xi32>
    %mul3A_269 = arith.muli %mul3A_268, %add3A_266 : vector<16xi32>
    %gather3A_270 = tpu.vector_load_idx %arg10[%mul3A_269] : memref<512xi32, #tpu.memory_space<vmem>>[vector<16xi32>], vector<16xi32>,
    %gather3A_271 = tpu.vector_load_idx %arg11[%mul3A_269] : memref<512xi32, #tpu.memory_space<vmem>>[vector<16xi32>], vector<16xi32>,
    %gather3A_272 = tpu.vector_load_idx %arg9[%gather3A_270] : memref<64xi32, #tpu.memory_space<vmem>>[vector<16xi32>], vector<16xi32>,
    %add3A_273 = arith.addi %gather3A_272, %gather3A_271 : vector<16xi32>
    %swap3A_274 = arith.constant 2 : i32
    %swap3A_275 = arith.index_cast %swap3A_274 : i32 to index
    %swap3A_276 = arith.constant 16 : index
    %swap3A_277 = tpu.vector_load %arg12[%swap3A_275, %swap3A_276] {strides = array<i32>} : memref<4x64xi32, #tpu.memory_space<vmem>>, vector<16xi32>,
    tpu.vector_store %arg12[%swap3A_275, %swap3A_276], %add3A_273 {strides = array<i32>} : memref<4x64xi32, #tpu.memory_space<vmem>>, vector<16xi32>,
    %add3A_278 = arith.constant 1 : i32
    %add3A_279 = vector.broadcast %add3A_278 : i32 to vector<16xi32>
    %add3A_280 = arith.addi %mul3A_269, %add3A_279 : vector<16xi32>
    %gather3A_281 = tpu.vector_load_idx %arg10[%add3A_280] : memref<512xi32, #tpu.memory_space<vmem>>[vector<16xi32>], vector<16xi32>,
    %add3A_282 = arith.constant 1 : i32
    %add3A_283 = vector.broadcast %add3A_282 : i32 to vector<16xi32>
    %add3A_284 = arith.addi %mul3A_269, %add3A_283 : vector<16xi32>
    %gather3A_285 = tpu.vector_load_idx %arg11[%add3A_284] : memref<512xi32, #tpu.memory_space<vmem>>[vector<16xi32>], vector<16xi32>,
    %gather3A_286 = tpu.vector_load_idx %arg9[%gather3A_281] : memref<64xi32, #tpu.memory_space<vmem>>[vector<16xi32>], vector<16xi32>,
    %add3A_287 = arith.addi %gather3A_286, %gather3A_285 : vector<16xi32>
    %swap3A_288 = arith.constant 2 : i32
    %swap3A_289 = arith.index_cast %swap3A_288 : i32 to index
    %swap3A_290 = arith.constant 16 : index
    %swap3A_291 = tpu.vector_load %arg13[%swap3A_289, %swap3A_290] {strides = array<i32>} : memref<4x64xi32, #tpu.memory_space<vmem>>, vector<16xi32>,
    tpu.vector_store %arg13[%swap3A_289, %swap3A_290], %add3A_287 {strides = array<i32>} : memref<4x64xi32, #tpu.memory_space<vmem>>, vector<16xi32>,
    %iota3A_292 = tpu.iota {dimensions = array<i32: 0>} : vector<16xi32>
    %add3A_293 = arith.constant 160 : i32
    %add3A_294 = vector.broadcast %add3A_293 : i32 to vector<16xi32>
    %add3A_295 = arith.addi %add3A_294, %iota3A_292 : vector<16xi32>
    %mul3A_296 = arith.constant 2 : i32
    %mul3A_297 = vector.broadcast %mul3A_296 : i32 to vector<16xi32>
    %mul3A_298 = arith.muli %mul3A_297, %add3A_295 : vector<16xi32>
    %gather3A_299 = tpu.vector_load_idx %arg10[%mul3A_298] : memref<512xi32, #tpu.memory_space<vmem>>[vector<16xi32>], vector<16xi32>,
    %gather3A_300 = tpu.vector_load_idx %arg11[%mul3A_298] : memref<512xi32, #tpu.memory_space<vmem>>[vector<16xi32>], vector<16xi32>,
    %gather3A_301 = tpu.vector_load_idx %arg9[%gather3A_299] : memref<64xi32, #tpu.memory_space<vmem>>[vector<16xi32>], vector<16xi32>,
    %add3A_302 = arith.addi %gather3A_301, %gather3A_300 : vector<16xi32>
    %swap3A_303 = arith.constant 2 : i32
    %swap3A_304 = arith.index_cast %swap3A_303 : i32 to index
    %swap3A_305 = arith.constant 32 : index
    %swap3A_306 = tpu.vector_load %arg12[%swap3A_304, %swap3A_305] {strides = array<i32>} : memref<4x64xi32, #tpu.memory_space<vmem>>, vector<16xi32>,
    tpu.vector_store %arg12[%swap3A_304, %swap3A_305], %add3A_302 {strides = array<i32>} : memref<4x64xi32, #tpu.memory_space<vmem>>, vector<16xi32>,
    %add3A_307 = arith.constant 1 : i32
    %add3A_308 = vector.broadcast %add3A_307 : i32 to vector<16xi32>
    %add3A_309 = arith.addi %mul3A_298, %add3A_308 : vector<16xi32>
    %gather3A_310 = tpu.vector_load_idx %arg10[%add3A_309] : memref<512xi32, #tpu.memory_space<vmem>>[vector<16xi32>], vector<16xi32>,
    %add3A_311 = arith.constant 1 : i32
    %add3A_312 = vector.broadcast %add3A_311 : i32 to vector<16xi32>
    %add3A_313 = arith.addi %mul3A_298, %add3A_312 : vector<16xi32>
    %gather3A_314 = tpu.vector_load_idx %arg11[%add3A_313] : memref<512xi32, #tpu.memory_space<vmem>>[vector<16xi32>], vector<16xi32>,
    %gather3A_315 = tpu.vector_load_idx %arg9[%gather3A_310] : memref<64xi32, #tpu.memory_space<vmem>>[vector<16xi32>], vector<16xi32>,
    %add3A_316 = arith.addi %gather3A_315, %gather3A_314 : vector<16xi32>
    %swap3A_317 = arith.constant 2 : i32
    %swap3A_318 = arith.index_cast %swap3A_317 : i32 to index
    %swap3A_319 = arith.constant 32 : index
    %swap3A_320 = tpu.vector_load %arg13[%swap3A_318, %swap3A_319] {strides = array<i32>} : memref<4x64xi32, #tpu.memory_space<vmem>>, vector<16xi32>,
    tpu.vector_store %arg13[%swap3A_318, %swap3A_319], %add3A_316 {strides = array<i32>} : memref<4x64xi32, #tpu.memory_space<vmem>>, vector<16xi32>,
    %iota3A_321 = tpu.iota {dimensions = array<i32: 0>} : vector<16xi32>
    %add3A_322 = arith.constant 176 : i32
    %add3A_323 = vector.broadcast %add3A_322 : i32 to vector<16xi32>
    %add3A_324 = arith.addi %add3A_323, %iota3A_321 : vector<16xi32>
    %mul3A_325 = arith.constant 2 : i32
    %mul3A_326 = vector.broadcast %mul3A_325 : i32 to vector<16xi32>
    %mul3A_327 = arith.muli %mul3A_326, %add3A_324 : vector<16xi32>
    %gather3A_328 = tpu.vector_load_idx %arg10[%mul3A_327] : memref<512xi32, #tpu.memory_space<vmem>>[vector<16xi32>], vector<16xi32>,
    %gather3A_329 = tpu.vector_load_idx %arg11[%mul3A_327] : memref<512xi32, #tpu.memory_space<vmem>>[vector<16xi32>], vector<16xi32>,
    %gather3A_330 = tpu.vector_load_idx %arg9[%gather3A_328] : memref<64xi32, #tpu.memory_space<vmem>>[vector<16xi32>], vector<16xi32>,
    %add3A_331 = arith.addi %gather3A_330, %gather3A_329 : vector<16xi32>
    %swap3A_332 = arith.constant 2 : i32
    %swap3A_333 = arith.index_cast %swap3A_332 : i32 to index
    %swap3A_334 = arith.constant 48 : index
    %swap3A_335 = tpu.vector_load %arg12[%swap3A_333, %swap3A_334] {strides = array<i32>} : memref<4x64xi32, #tpu.memory_space<vmem>>, vector<16xi32>,
    tpu.vector_store %arg12[%swap3A_333, %swap3A_334], %add3A_331 {strides = array<i32>} : memref<4x64xi32, #tpu.memory_space<vmem>>, vector<16xi32>,
    %add3A_336 = arith.constant 1 : i32
    %add3A_337 = vector.broadcast %add3A_336 : i32 to vector<16xi32>
    %add3A_338 = arith.addi %mul3A_327, %add3A_337 : vector<16xi32>
    %gather3A_339 = tpu.vector_load_idx %arg10[%add3A_338] : memref<512xi32, #tpu.memory_space<vmem>>[vector<16xi32>], vector<16xi32>,
    %add3A_340 = arith.constant 1 : i32
    %add3A_341 = vector.broadcast %add3A_340 : i32 to vector<16xi32>
    %add3A_342 = arith.addi %mul3A_327, %add3A_341 : vector<16xi32>
    %gather3A_343 = tpu.vector_load_idx %arg11[%add3A_342] : memref<512xi32, #tpu.memory_space<vmem>>[vector<16xi32>], vector<16xi32>,
    %gather3A_344 = tpu.vector_load_idx %arg9[%gather3A_339] : memref<64xi32, #tpu.memory_space<vmem>>[vector<16xi32>], vector<16xi32>,
    %add3A_345 = arith.addi %gather3A_344, %gather3A_343 : vector<16xi32>
    %swap3A_346 = arith.constant 2 : i32
    %swap3A_347 = arith.index_cast %swap3A_346 : i32 to index
    %swap3A_348 = arith.constant 48 : index
    %swap3A_349 = tpu.vector_load %arg13[%swap3A_347, %swap3A_348] {strides = array<i32>} : memref<4x64xi32, #tpu.memory_space<vmem>>, vector<16xi32>,
    tpu.vector_store %arg13[%swap3A_347, %swap3A_348], %add3A_345 {strides = array<i32>} : memref<4x64xi32, #tpu.memory_space<vmem>>, vector<16xi32>,
    %iota3A_350 = tpu.iota {dimensions = array<i32: 0>} : vector<16xi32>
    %add3A_351 = arith.constant 192 : i32
    %add3A_352 = vector.broadcast %add3A_351 : i32 to vector<16xi32>
    %add3A_353 = arith.addi %add3A_352, %iota3A_350 : vector<16xi32>
    %mul3A_354 = arith.constant 2 : i32
    %mul3A_355 = vector.broadcast %mul3A_354 : i32 to vector<16xi32>
    %mul3A_356 = arith.muli %mul3A_355, %add3A_353 : vector<16xi32>
    %gather3A_357 = tpu.vector_load_idx %arg10[%mul3A_356] : memref<512xi32, #tpu.memory_space<vmem>>[vector<16xi32>], vector<16xi32>,
    %gather3A_358 = tpu.vector_load_idx %arg11[%mul3A_356] : memref<512xi32, #tpu.memory_space<vmem>>[vector<16xi32>], vector<16xi32>,
    %gather3A_359 = tpu.vector_load_idx %arg9[%gather3A_357] : memref<64xi32, #tpu.memory_space<vmem>>[vector<16xi32>], vector<16xi32>,
    %add3A_360 = arith.addi %gather3A_359, %gather3A_358 : vector<16xi32>
    %swap3A_361 = arith.constant 3 : i32
    %swap3A_362 = arith.index_cast %swap3A_361 : i32 to index
    %swap3A_363 = arith.constant 0 : index
    %swap3A_364 = tpu.vector_load %arg12[%swap3A_362, %swap3A_363] {strides = array<i32>} : memref<4x64xi32, #tpu.memory_space<vmem>>, vector<16xi32>,
    tpu.vector_store %arg12[%swap3A_362, %swap3A_363], %add3A_360 {strides = array<i32>} : memref<4x64xi32, #tpu.memory_space<vmem>>, vector<16xi32>,
    %add3A_365 = arith.constant 1 : i32
    %add3A_366 = vector.broadcast %add3A_365 : i32 to vector<16xi32>
    %add3A_367 = arith.addi %mul3A_356, %add3A_366 : vector<16xi32>
    %gather3A_368 = tpu.vector_load_idx %arg10[%add3A_367] : memref<512xi32, #tpu.memory_space<vmem>>[vector<16xi32>], vector<16xi32>,
    %add3A_369 = arith.constant 1 : i32
    %add3A_370 = vector.broadcast %add3A_369 : i32 to vector<16xi32>
    %add3A_371 = arith.addi %mul3A_356, %add3A_370 : vector<16xi32>
    %gather3A_372 = tpu.vector_load_idx %arg11[%add3A_371] : memref<512xi32, #tpu.memory_space<vmem>>[vector<16xi32>], vector<16xi32>,
    %gather3A_373 = tpu.vector_load_idx %arg9[%gather3A_368] : memref<64xi32, #tpu.memory_space<vmem>>[vector<16xi32>], vector<16xi32>,
    %add3A_374 = arith.addi %gather3A_373, %gather3A_372 : vector<16xi32>
    %swap3A_375 = arith.constant 3 : i32
    %swap3A_376 = arith.index_cast %swap3A_375 : i32 to index
    %swap3A_377 = arith.constant 0 : index
    %swap3A_378 = tpu.vector_load %arg13[%swap3A_376, %swap3A_377] {strides = array<i32>} : memref<4x64xi32, #tpu.memory_space<vmem>>, vector<16xi32>,
    tpu.vector_store %arg13[%swap3A_376, %swap3A_377], %add3A_374 {strides = array<i32>} : memref<4x64xi32, #tpu.memory_space<vmem>>, vector<16xi32>,
    %iota3A_379 = tpu.iota {dimensions = array<i32: 0>} : vector<16xi32>
    %add3A_380 = arith.constant 208 : i32
    %add3A_381 = vector.broadcast %add3A_380 : i32 to vector<16xi32>
    %add3A_382 = arith.addi %add3A_381, %iota3A_379 : vector<16xi32>
    %mul3A_383 = arith.constant 2 : i32
    %mul3A_384 = vector.broadcast %mul3A_383 : i32 to vector<16xi32>
    %mul3A_385 = arith.muli %mul3A_384, %add3A_382 : vector<16xi32>
    %gather3A_386 = tpu.vector_load_idx %arg10[%mul3A_385] : memref<512xi32, #tpu.memory_space<vmem>>[vector<16xi32>], vector<16xi32>,
    %gather3A_387 = tpu.vector_load_idx %arg11[%mul3A_385] : memref<512xi32, #tpu.memory_space<vmem>>[vector<16xi32>], vector<16xi32>,
    %gather3A_388 = tpu.vector_load_idx %arg9[%gather3A_386] : memref<64xi32, #tpu.memory_space<vmem>>[vector<16xi32>], vector<16xi32>,
    %add3A_389 = arith.addi %gather3A_388, %gather3A_387 : vector<16xi32>
    %swap3A_390 = arith.constant 3 : i32
    %swap3A_391 = arith.index_cast %swap3A_390 : i32 to index
    %swap3A_392 = arith.constant 16 : index
    %swap3A_393 = tpu.vector_load %arg12[%swap3A_391, %swap3A_392] {strides = array<i32>} : memref<4x64xi32, #tpu.memory_space<vmem>>, vector<16xi32>,
    tpu.vector_store %arg12[%swap3A_391, %swap3A_392], %add3A_389 {strides = array<i32>} : memref<4x64xi32, #tpu.memory_space<vmem>>, vector<16xi32>,
    %add3A_394 = arith.constant 1 : i32
    %add3A_395 = vector.broadcast %add3A_394 : i32 to vector<16xi32>
    %add3A_396 = arith.addi %mul3A_385, %add3A_395 : vector<16xi32>
    %gather3A_397 = tpu.vector_load_idx %arg10[%add3A_396] : memref<512xi32, #tpu.memory_space<vmem>>[vector<16xi32>], vector<16xi32>,
    %add3A_398 = arith.constant 1 : i32
    %add3A_399 = vector.broadcast %add3A_398 : i32 to vector<16xi32>
    %add3A_400 = arith.addi %mul3A_385, %add3A_399 : vector<16xi32>
    %gather3A_401 = tpu.vector_load_idx %arg11[%add3A_400] : memref<512xi32, #tpu.memory_space<vmem>>[vector<16xi32>], vector<16xi32>,
    %gather3A_402 = tpu.vector_load_idx %arg9[%gather3A_397] : memref<64xi32, #tpu.memory_space<vmem>>[vector<16xi32>], vector<16xi32>,
    %add3A_403 = arith.addi %gather3A_402, %gather3A_401 : vector<16xi32>
    %swap3A_404 = arith.constant 3 : i32
    %swap3A_405 = arith.index_cast %swap3A_404 : i32 to index
    %swap3A_406 = arith.constant 16 : index
    %swap3A_407 = tpu.vector_load %arg13[%swap3A_405, %swap3A_406] {strides = array<i32>} : memref<4x64xi32, #tpu.memory_space<vmem>>, vector<16xi32>,
    tpu.vector_store %arg13[%swap3A_405, %swap3A_406], %add3A_403 {strides = array<i32>} : memref<4x64xi32, #tpu.memory_space<vmem>>, vector<16xi32>,
    %iota3A_408 = tpu.iota {dimensions = array<i32: 0>} : vector<16xi32>
    %add3A_409 = arith.constant 224 : i32
    %add3A_410 = vector.broadcast %add3A_409 : i32 to vector<16xi32>
    %add3A_411 = arith.addi %add3A_410, %iota3A_408 : vector<16xi32>
    %mul3A_412 = arith.constant 2 : i32
    %mul3A_413 = vector.broadcast %mul3A_412 : i32 to vector<16xi32>
    %mul3A_414 = arith.muli %mul3A_413, %add3A_411 : vector<16xi32>
    %gather3A_415 = tpu.vector_load_idx %arg10[%mul3A_414] : memref<512xi32, #tpu.memory_space<vmem>>[vector<16xi32>], vector<16xi32>,
    %gather3A_416 = tpu.vector_load_idx %arg11[%mul3A_414] : memref<512xi32, #tpu.memory_space<vmem>>[vector<16xi32>], vector<16xi32>,
    %gather3A_417 = tpu.vector_load_idx %arg9[%gather3A_415] : memref<64xi32, #tpu.memory_space<vmem>>[vector<16xi32>], vector<16xi32>,
    %add3A_418 = arith.addi %gather3A_417, %gather3A_416 : vector<16xi32>
    %swap3A_419 = arith.constant 3 : i32
    %swap3A_420 = arith.index_cast %swap3A_419 : i32 to index
    %swap3A_421 = arith.constant 32 : index
    %swap3A_422 = tpu.vector_load %arg12[%swap3A_420, %swap3A_421] {strides = array<i32>} : memref<4x64xi32, #tpu.memory_space<vmem>>, vector<16xi32>,
    tpu.vector_store %arg12[%swap3A_420, %swap3A_421], %add3A_418 {strides = array<i32>} : memref<4x64xi32, #tpu.memory_space<vmem>>, vector<16xi32>,
    %add3A_423 = arith.constant 1 : i32
    %add3A_424 = vector.broadcast %add3A_423 : i32 to vector<16xi32>
    %add3A_425 = arith.addi %mul3A_414, %add3A_424 : vector<16xi32>
    %gather3A_426 = tpu.vector_load_idx %arg10[%add3A_425] : memref<512xi32, #tpu.memory_space<vmem>>[vector<16xi32>], vector<16xi32>,
    %add3A_427 = arith.constant 1 : i32
    %add3A_428 = vector.broadcast %add3A_427 : i32 to vector<16xi32>
    %add3A_429 = arith.addi %mul3A_414, %add3A_428 : vector<16xi32>
    %gather3A_430 = tpu.vector_load_idx %arg11[%add3A_429] : memref<512xi32, #tpu.memory_space<vmem>>[vector<16xi32>], vector<16xi32>,
    %gather3A_431 = tpu.vector_load_idx %arg9[%gather3A_426] : memref<64xi32, #tpu.memory_space<vmem>>[vector<16xi32>], vector<16xi32>,
    %add3A_432 = arith.addi %gather3A_431, %gather3A_430 : vector<16xi32>
    %swap3A_433 = arith.constant 3 : i32
    %swap3A_434 = arith.index_cast %swap3A_433 : i32 to index
    %swap3A_435 = arith.constant 32 : index
    %swap3A_436 = tpu.vector_load %arg13[%swap3A_434, %swap3A_435] {strides = array<i32>} : memref<4x64xi32, #tpu.memory_space<vmem>>, vector<16xi32>,
    tpu.vector_store %arg13[%swap3A_434, %swap3A_435], %add3A_432 {strides = array<i32>} : memref<4x64xi32, #tpu.memory_space<vmem>>, vector<16xi32>,
    %iota3A_437 = tpu.iota {dimensions = array<i32: 0>} : vector<16xi32>
    %add3A_438 = arith.constant 240 : i32
    %add3A_439 = vector.broadcast %add3A_438 : i32 to vector<16xi32>
    %add3A_440 = arith.addi %add3A_439, %iota3A_437 : vector<16xi32>
    %mul3A_441 = arith.constant 2 : i32
    %mul3A_442 = vector.broadcast %mul3A_441 : i32 to vector<16xi32>
    %mul3A_443 = arith.muli %mul3A_442, %add3A_440 : vector<16xi32>
    %gather3A_444 = tpu.vector_load_idx %arg10[%mul3A_443] : memref<512xi32, #tpu.memory_space<vmem>>[vector<16xi32>], vector<16xi32>,
    %gather3A_445 = tpu.vector_load_idx %arg11[%mul3A_443] : memref<512xi32, #tpu.memory_space<vmem>>[vector<16xi32>], vector<16xi32>,
    %gather3A_446 = tpu.vector_load_idx %arg9[%gather3A_444] : memref<64xi32, #tpu.memory_space<vmem>>[vector<16xi32>], vector<16xi32>,
    %add3A_447 = arith.addi %gather3A_446, %gather3A_445 : vector<16xi32>
    %swap3A_448 = arith.constant 3 : i32
    %swap3A_449 = arith.index_cast %swap3A_448 : i32 to index
    %swap3A_450 = arith.constant 48 : index
    %swap3A_451 = tpu.vector_load %arg12[%swap3A_449, %swap3A_450] {strides = array<i32>} : memref<4x64xi32, #tpu.memory_space<vmem>>, vector<16xi32>,
    tpu.vector_store %arg12[%swap3A_449, %swap3A_450], %add3A_447 {strides = array<i32>} : memref<4x64xi32, #tpu.memory_space<vmem>>, vector<16xi32>,
    %add3A_452 = arith.constant 1 : i32
    %add3A_453 = vector.broadcast %add3A_452 : i32 to vector<16xi32>
    %add3A_454 = arith.addi %mul3A_443, %add3A_453 : vector<16xi32>
    %gather3A_455 = tpu.vector_load_idx %arg10[%add3A_454] : memref<512xi32, #tpu.memory_space<vmem>>[vector<16xi32>], vector<16xi32>,
    %add3A_456 = arith.constant 1 : i32
    %add3A_457 = vector.broadcast %add3A_456 : i32 to vector<16xi32>
    %add3A_458 = arith.addi %mul3A_443, %add3A_457 : vector<16xi32>
    %gather3A_459 = tpu.vector_load_idx %arg11[%add3A_458] : memref<512xi32, #tpu.memory_space<vmem>>[vector<16xi32>], vector<16xi32>,
    %gather3A_460 = tpu.vector_load_idx %arg9[%gather3A_455] : memref<64xi32, #tpu.memory_space<vmem>>[vector<16xi32>], vector<16xi32>,
    %add3A_461 = arith.addi %gather3A_460, %gather3A_459 : vector<16xi32>
    %swap3A_462 = arith.constant 3 : i32
    %swap3A_463 = arith.index_cast %swap3A_462 : i32 to index
    %swap3A_464 = arith.constant 48 : index
    %swap3A_465 = tpu.vector_load %arg13[%swap3A_463, %swap3A_464] {strides = array<i32>} : memref<4x64xi32, #tpu.memory_space<vmem>>, vector<16xi32>,
    tpu.vector_store %arg13[%swap3A_463, %swap3A_464], %add3A_461 {strides = array<i32>} : memref<4x64xi32, #tpu.memory_space<vmem>>, vector<16xi32>,
    "tpu.region"() ({
      %run_scoped3A = tpu.sem_alloc : memref<!tpu.dma_semaphore, #tpu.memory_space<semaphore_mem>>
      %dma_start3A_614 = arith.constant 0 : i32
      %dma_start3A_615 = arith.constant 0 : i32
      %dma_start3A_616 = tpu.memref_slice %arg7[%add3A, %dma_start3A_614, %dma_start3A_615] : memref<32x4x64xi32, #tpu.memory_space<hbm>> -> memref<1x4x64xi32, #tpu.memory_space<hbm>>
      %dma_start3A_617 = tpu.memref_squeeze %dma_start3A_616 : memref<1x4x64xi32, #tpu.memory_space<hbm>> -> memref<4x64xi32, #tpu.memory_space<hbm>>
      %dma_start3A_618 = arith.constant 0 : i32
      %dma_start3A_619 = arith.constant 0 : i32
      %dma_start3A_620 = tpu.memref_slice %arg7[%add3A, %dma_start3A_618, %dma_start3A_619] : memref<32x4x64xi32, #tpu.memory_space<hbm>> -> memref<1x4x64xi32, #tpu.memory_space<hbm>>
      %dma_start3A_621 = tpu.memref_squeeze %dma_start3A_620 : memref<1x4x64xi32, #tpu.memory_space<hbm>> -> memref<4x64xi32, #tpu.memory_space<hbm>>
      tpu.enqueue_dma source(%arg12 : memref<4x64xi32, #tpu.memory_space<vmem>>) target(%dma_start3A_621 : memref<4x64xi32, #tpu.memory_space<hbm>>) target_semaphore(%run_scoped3A : memref<!tpu.dma_semaphore, #tpu.memory_space<semaphore_mem>>)
      %dma_wait3A_622 = arith.constant 0 : i32
      %dma_wait3A_623 = arith.constant 0 : i32
      %dma_wait3A_624 = tpu.memref_slice %arg7[%add3A, %dma_wait3A_622, %dma_wait3A_623] : memref<32x4x64xi32, #tpu.memory_space<hbm>> -> memref<1x4x64xi32, #tpu.memory_space<hbm>>
      %dma_wait3A_625 = tpu.memref_squeeze %dma_wait3A_624 : memref<1x4x64xi32, #tpu.memory_space<hbm>> -> memref<4x64xi32, #tpu.memory_space<hbm>>
      %dma_wait3A_626 = arith.constant 0 : i32
      %dma_wait3A_627 = arith.constant 0 : i32
      %dma_wait3A_628 = tpu.memref_slice %arg7[%add3A, %dma_wait3A_626, %dma_wait3A_627] : memref<32x4x64xi32, #tpu.memory_space<hbm>> -> memref<1x4x64xi32, #tpu.memory_space<hbm>>
      %dma_wait3A_629 = tpu.memref_squeeze %dma_wait3A_628 : memref<1x4x64xi32, #tpu.memory_space<hbm>> -> memref<4x64xi32, #tpu.memory_space<hbm>>
      tpu.wait_dma2 semaphore(%run_scoped3A : memref<!tpu.dma_semaphore, #tpu.memory_space<semaphore_mem>>) src(%arg12 : memref<4x64xi32, #tpu.memory_space<vmem>>) dst(%dma_wait3A_629 : memref<4x64xi32, #tpu.memory_space<hbm>>)
      tpu.yield
    }) : () -> ()
    "tpu.region"() ({
      %run_scoped3A = tpu.sem_alloc : memref<!tpu.dma_semaphore, #tpu.memory_space<semaphore_mem>>
      %dma_start3A_614 = arith.constant 0 : i32
      %dma_start3A_615 = arith.constant 0 : i32
      %dma_start3A_616 = tpu.memref_slice %arg8[%add3A, %dma_start3A_614, %dma_start3A_615] : memref<32x4x64xi32, #tpu.memory_space<hbm>> -> memref<1x4x64xi32, #tpu.memory_space<hbm>>
      %dma_start3A_617 = tpu.memref_squeeze %dma_start3A_616 : memref<1x4x64xi32, #tpu.memory_space<hbm>> -> memref<4x64xi32, #tpu.memory_space<hbm>>
      %dma_start3A_618 = arith.constant 0 : i32
      %dma_start3A_619 = arith.constant 0 : i32
      %dma_start3A_620 = tpu.memref_slice %arg8[%add3A, %dma_start3A_618, %dma_start3A_619] : memref<32x4x64xi32, #tpu.memory_space<hbm>> -> memref<1x4x64xi32, #tpu.memory_space<hbm>>
      %dma_start3A_621 = tpu.memref_squeeze %dma_start3A_620 : memref<1x4x64xi32, #tpu.memory_space<hbm>> -> memref<4x64xi32, #tpu.memory_space<hbm>>
      tpu.enqueue_dma source(%arg13 : memref<4x64xi32, #tpu.memory_space<vmem>>) target(%dma_start3A_621 : memref<4x64xi32, #tpu.memory_space<hbm>>) target_semaphore(%run_scoped3A : memref<!tpu.dma_semaphore, #tpu.memory_space<semaphore_mem>>)
      %dma_wait3A_622 = arith.constant 0 : i32
      %dma_wait3A_623 = arith.constant 0 : i32
      %dma_wait3A_624 = tpu.memref_slice %arg8[%add3A, %dma_wait3A_622, %dma_wait3A_623] : memref<32x4x64xi32, #tpu.memory_space<hbm>> -> memref<1x4x64xi32, #tpu.memory_space<hbm>>
      %dma_wait3A_625 = tpu.memref_squeeze %dma_wait3A_624 : memref<1x4x64xi32, #tpu.memory_space<hbm>> -> memref<4x64xi32, #tpu.memory_space<hbm>>
      %dma_wait3A_626 = arith.constant 0 : i32
      %dma_wait3A_627 = arith.constant 0 : i32
      %dma_wait3A_628 = tpu.memref_slice %arg8[%add3A, %dma_wait3A_626, %dma_wait3A_627] : memref<32x4x64xi32, #tpu.memory_space<hbm>> -> memref<1x4x64xi32, #tpu.memory_space<hbm>>
      %dma_wait3A_629 = tpu.memref_squeeze %dma_wait3A_628 : memref<1x4x64xi32, #tpu.memory_space<hbm>> -> memref<4x64xi32, #tpu.memory_space<hbm>>
      tpu.wait_dma2 semaphore(%run_scoped3A : memref<!tpu.dma_semaphore, #tpu.memory_space<semaphore_mem>>) src(%arg13 : memref<4x64xi32, #tpu.memory_space<vmem>>) dst(%dma_wait3A_629 : memref<4x64xi32, #tpu.memory_space<hbm>>)
      tpu.yield
    }) : () -> ()
    %dma_start3A = arith.constant 0 : i32
    %dma_start3A_466 = tpu.memref_slice %arg2[%mul3A_2, %dma_start3A] : memref<8192x768xf32, #tpu.memory_space<hbm>> -> memref<64x768xf32, #tpu.memory_space<hbm>>
    %dma_start3A_467 = arith.constant 0 : i32
    %dma_start3A_468 = tpu.memref_slice %arg2[%mul3A_2, %dma_start3A_467] : memref<8192x768xf32, #tpu.memory_space<hbm>> -> memref<64x768xf32, #tpu.memory_space<hbm>>
    tpu.enqueue_dma source(%dma_start3A_468 : memref<64x768xf32, #tpu.memory_space<hbm>>) target(%arg14 : memref<64x768xf32, #tpu.memory_space<vmem>>) target_semaphore(%arg16 : memref<!tpu.dma_semaphore, #tpu.memory_space<semaphore_mem>>)
    %dma_wait3A = arith.constant 0 : i32
    %dma_wait3A_469 = tpu.memref_slice %arg2[%mul3A_2, %dma_wait3A] : memref<8192x768xf32, #tpu.memory_space<hbm>> -> memref<64x768xf32, #tpu.memory_space<hbm>>
    %dma_wait3A_470 = arith.constant 0 : i32
    %dma_wait3A_471 = tpu.memref_slice %arg2[%mul3A_2, %dma_wait3A_470] : memref<8192x768xf32, #tpu.memory_space<hbm>> -> memref<64x768xf32, #tpu.memory_space<hbm>>
    tpu.wait_dma2 semaphore(%arg16 : memref<!tpu.dma_semaphore, #tpu.memory_space<semaphore_mem>>) src(%dma_wait3A_471 : memref<64x768xf32, #tpu.memory_space<hbm>>) dst(%arg14 : memref<64x768xf32, #tpu.memory_space<vmem>>)
    %add3A_472 = arith.constant 64 : i32
    %add3A_473 = arith.addi %mul3A_2, %add3A_472 : i32
    %dma_start3A_474 = arith.constant 0 : i32
    %dma_start3A_475 = tpu.memref_slice %arg2[%add3A_473, %dma_start3A_474] : memref<8192x768xf32, #tpu.memory_space<hbm>> -> memref<64x768xf32, #tpu.memory_space<hbm>>
    %dma_start3A_476 = arith.constant 0 : i32
    %dma_start3A_477 = tpu.memref_slice %arg2[%add3A_473, %dma_start3A_476] : memref<8192x768xf32, #tpu.memory_space<hbm>> -> memref<64x768xf32, #tpu.memory_space<hbm>>
    tpu.enqueue_dma source(%dma_start3A_477 : memref<64x768xf32, #tpu.memory_space<hbm>>) target(%arg15 : memref<64x768xf32, #tpu.memory_space<vmem>>) target_semaphore(%arg16 : memref<!tpu.dma_semaphore, #tpu.memory_space<semaphore_mem>>)
    %dma_start3A_478 = arith.constant 0 : i32
    %dma_start3A_479 = arith.constant 0 : i32
    %dma_start3A_480 = tpu.memref_slice %arg12[%dma_start3A_478, %dma_start3A_479] : memref<4x64xi32, #tpu.memory_space<vmem>> -> memref<1x64xi32, #tpu.memory_space<vmem>>
    %dma_start3A_481 = tpu.memref_squeeze %dma_start3A_480 : memref<1x64xi32, #tpu.memory_space<vmem>> -> memref<64xi32, #tpu.memory_space<vmem>>
    %dma_start3A_482 = arith.constant 0 : i32
    %dma_start3A_483 = arith.constant 0 : i32
    %dma_start3A_484 = tpu.memref_slice %arg6[%dma_start3A_482, %dma_start3A_483] : memref<16384x768xf32, #tpu.memory_space<hbm>> -> memref<16384x768xf32, #tpu.memory_space<hbm>>
    tpu.enqueue_indirect_dma source(%arg14 : memref<64x768xf32, #tpu.memory_space<vmem>>) target(%dma_start3A_484 : memref<16384x768xf32, #tpu.memory_space<hbm>>) offsets(%dma_start3A_481 : memref<64xi32, #tpu.memory_space<vmem>>) semaphore(%arg17 : memref<!tpu.dma_semaphore, #tpu.memory_space<semaphore_mem>>)
    %dma_start3A_485 = arith.constant 0 : i32
    %dma_start3A_486 = arith.constant 0 : i32
    %dma_start3A_487 = tpu.memref_slice %arg13[%dma_start3A_485, %dma_start3A_486] : memref<4x64xi32, #tpu.memory_space<vmem>> -> memref<1x64xi32, #tpu.memory_space<vmem>>
    %dma_start3A_488 = tpu.memref_squeeze %dma_start3A_487 : memref<1x64xi32, #tpu.memory_space<vmem>> -> memref<64xi32, #tpu.memory_space<vmem>>
    %dma_start3A_489 = arith.constant 0 : i32
    %dma_start3A_490 = arith.constant 0 : i32
    %dma_start3A_491 = tpu.memref_slice %arg6[%dma_start3A_489, %dma_start3A_490] : memref<16384x768xf32, #tpu.memory_space<hbm>> -> memref<16384x768xf32, #tpu.memory_space<hbm>>
    tpu.enqueue_indirect_dma source(%arg14 : memref<64x768xf32, #tpu.memory_space<vmem>>) target(%dma_start3A_491 : memref<16384x768xf32, #tpu.memory_space<hbm>>) offsets(%dma_start3A_488 : memref<64xi32, #tpu.memory_space<vmem>>) semaphore(%arg18 : memref<!tpu.dma_semaphore, #tpu.memory_space<semaphore_mem>>)
    %dma_wait3A_492 = arith.constant 0 : i32
    %dma_wait3A_493 = tpu.memref_slice %arg2[%add3A_473, %dma_wait3A_492] : memref<8192x768xf32, #tpu.memory_space<hbm>> -> memref<64x768xf32, #tpu.memory_space<hbm>>
    %dma_wait3A_494 = arith.constant 0 : i32
    %dma_wait3A_495 = tpu.memref_slice %arg2[%add3A_473, %dma_wait3A_494] : memref<8192x768xf32, #tpu.memory_space<hbm>> -> memref<64x768xf32, #tpu.memory_space<hbm>>
    tpu.wait_dma2 semaphore(%arg16 : memref<!tpu.dma_semaphore, #tpu.memory_space<semaphore_mem>>) src(%dma_wait3A_495 : memref<64x768xf32, #tpu.memory_space<hbm>>) dst(%arg15 : memref<64x768xf32, #tpu.memory_space<vmem>>)
    %dma_wait3A_496 = arith.constant 0 : i32
    %dma_wait3A_497 = arith.constant 0 : i32
    %dma_wait3A_498 = tpu.memref_slice %arg12[%dma_wait3A_496, %dma_wait3A_497] : memref<4x64xi32, #tpu.memory_space<vmem>> -> memref<1x64xi32, #tpu.memory_space<vmem>>
    %dma_wait3A_499 = tpu.memref_squeeze %dma_wait3A_498 : memref<1x64xi32, #tpu.memory_space<vmem>> -> memref<64xi32, #tpu.memory_space<vmem>>
    %dma_wait3A_500 = arith.constant 0 : i32
    %dma_wait3A_501 = arith.constant 0 : i32
    %dma_wait3A_502 = tpu.memref_slice %arg6[%dma_wait3A_500, %dma_wait3A_501] : memref<16384x768xf32, #tpu.memory_space<hbm>> -> memref<16384x768xf32, #tpu.memory_space<hbm>>
    tpu.wait_indirect_dma semaphore(%arg17 : memref<!tpu.dma_semaphore, #tpu.memory_space<semaphore_mem>>) src(%arg14 : memref<64x768xf32, #tpu.memory_space<vmem>>) dst(%dma_wait3A_502 : memref<16384x768xf32, #tpu.memory_space<hbm>>)
    %dma_wait3A_503 = arith.constant 0 : i32
    %dma_wait3A_504 = arith.constant 0 : i32
    %dma_wait3A_505 = tpu.memref_slice %arg13[%dma_wait3A_503, %dma_wait3A_504] : memref<4x64xi32, #tpu.memory_space<vmem>> -> memref<1x64xi32, #tpu.memory_space<vmem>>
    %dma_wait3A_506 = tpu.memref_squeeze %dma_wait3A_505 : memref<1x64xi32, #tpu.memory_space<vmem>> -> memref<64xi32, #tpu.memory_space<vmem>>
    %dma_wait3A_507 = arith.constant 0 : i32
    %dma_wait3A_508 = arith.constant 0 : i32
    %dma_wait3A_509 = tpu.memref_slice %arg6[%dma_wait3A_507, %dma_wait3A_508] : memref<16384x768xf32, #tpu.memory_space<hbm>> -> memref<16384x768xf32, #tpu.memory_space<hbm>>
    tpu.wait_indirect_dma semaphore(%arg18 : memref<!tpu.dma_semaphore, #tpu.memory_space<semaphore_mem>>) src(%arg14 : memref<64x768xf32, #tpu.memory_space<vmem>>) dst(%dma_wait3A_509 : memref<16384x768xf32, #tpu.memory_space<hbm>>)
    %add3A_510 = arith.constant 128 : i32
    %add3A_511 = arith.addi %mul3A_2, %add3A_510 : i32
    %dma_start3A_512 = arith.constant 0 : i32
    %dma_start3A_513 = tpu.memref_slice %arg2[%add3A_511, %dma_start3A_512] : memref<8192x768xf32, #tpu.memory_space<hbm>> -> memref<64x768xf32, #tpu.memory_space<hbm>>
    %dma_start3A_514 = arith.constant 0 : i32
    %dma_start3A_515 = tpu.memref_slice %arg2[%add3A_511, %dma_start3A_514] : memref<8192x768xf32, #tpu.memory_space<hbm>> -> memref<64x768xf32, #tpu.memory_space<hbm>>
    tpu.enqueue_dma source(%dma_start3A_515 : memref<64x768xf32, #tpu.memory_space<hbm>>) target(%arg14 : memref<64x768xf32, #tpu.memory_space<vmem>>) target_semaphore(%arg16 : memref<!tpu.dma_semaphore, #tpu.memory_space<semaphore_mem>>)
    %dma_start3A_516 = arith.constant 1 : i32
    %dma_start3A_517 = arith.constant 0 : i32
    %dma_start3A_518 = tpu.memref_slice %arg12[%dma_start3A_516, %dma_start3A_517] : memref<4x64xi32, #tpu.memory_space<vmem>> -> memref<1x64xi32, #tpu.memory_space<vmem>>
    %dma_start3A_519 = tpu.memref_squeeze %dma_start3A_518 : memref<1x64xi32, #tpu.memory_space<vmem>> -> memref<64xi32, #tpu.memory_space<vmem>>
    %dma_start3A_520 = arith.constant 0 : i32
    %dma_start3A_521 = arith.constant 0 : i32
    %dma_start3A_522 = tpu.memref_slice %arg6[%dma_start3A_520, %dma_start3A_521] : memref<16384x768xf32, #tpu.memory_space<hbm>> -> memref<16384x768xf32, #tpu.memory_space<hbm>>
    tpu.enqueue_indirect_dma source(%arg15 : memref<64x768xf32, #tpu.memory_space<vmem>>) target(%dma_start3A_522 : memref<16384x768xf32, #tpu.memory_space<hbm>>) offsets(%dma_start3A_519 : memref<64xi32, #tpu.memory_space<vmem>>) semaphore(%arg17 : memref<!tpu.dma_semaphore, #tpu.memory_space<semaphore_mem>>)
    %dma_start3A_523 = arith.constant 1 : i32
    %dma_start3A_524 = arith.constant 0 : i32
    %dma_start3A_525 = tpu.memref_slice %arg13[%dma_start3A_523, %dma_start3A_524] : memref<4x64xi32, #tpu.memory_space<vmem>> -> memref<1x64xi32, #tpu.memory_space<vmem>>
    %dma_start3A_526 = tpu.memref_squeeze %dma_start3A_525 : memref<1x64xi32, #tpu.memory_space<vmem>> -> memref<64xi32, #tpu.memory_space<vmem>>
    %dma_start3A_527 = arith.constant 0 : i32
    %dma_start3A_528 = arith.constant 0 : i32
    %dma_start3A_529 = tpu.memref_slice %arg6[%dma_start3A_527, %dma_start3A_528] : memref<16384x768xf32, #tpu.memory_space<hbm>> -> memref<16384x768xf32, #tpu.memory_space<hbm>>
    tpu.enqueue_indirect_dma source(%arg15 : memref<64x768xf32, #tpu.memory_space<vmem>>) target(%dma_start3A_529 : memref<16384x768xf32, #tpu.memory_space<hbm>>) offsets(%dma_start3A_526 : memref<64xi32, #tpu.memory_space<vmem>>) semaphore(%arg18 : memref<!tpu.dma_semaphore, #tpu.memory_space<semaphore_mem>>)
    %dma_wait3A_530 = arith.constant 0 : i32
    %dma_wait3A_531 = tpu.memref_slice %arg2[%add3A_511, %dma_wait3A_530] : memref<8192x768xf32, #tpu.memory_space<hbm>> -> memref<64x768xf32, #tpu.memory_space<hbm>>
    %dma_wait3A_532 = arith.constant 0 : i32
    %dma_wait3A_533 = tpu.memref_slice %arg2[%add3A_511, %dma_wait3A_532] : memref<8192x768xf32, #tpu.memory_space<hbm>> -> memref<64x768xf32, #tpu.memory_space<hbm>>
    tpu.wait_dma2 semaphore(%arg16 : memref<!tpu.dma_semaphore, #tpu.memory_space<semaphore_mem>>) src(%dma_wait3A_533 : memref<64x768xf32, #tpu.memory_space<hbm>>) dst(%arg14 : memref<64x768xf32, #tpu.memory_space<vmem>>)
    %dma_wait3A_534 = arith.constant 1 : i32
    %dma_wait3A_535 = arith.constant 0 : i32
    %dma_wait3A_536 = tpu.memref_slice %arg12[%dma_wait3A_534, %dma_wait3A_535] : memref<4x64xi32, #tpu.memory_space<vmem>> -> memref<1x64xi32, #tpu.memory_space<vmem>>
    %dma_wait3A_537 = tpu.memref_squeeze %dma_wait3A_536 : memref<1x64xi32, #tpu.memory_space<vmem>> -> memref<64xi32, #tpu.memory_space<vmem>>
    %dma_wait3A_538 = arith.constant 0 : i32
    %dma_wait3A_539 = arith.constant 0 : i32
    %dma_wait3A_540 = tpu.memref_slice %arg6[%dma_wait3A_538, %dma_wait3A_539] : memref<16384x768xf32, #tpu.memory_space<hbm>> -> memref<16384x768xf32, #tpu.memory_space<hbm>>
    tpu.wait_indirect_dma semaphore(%arg17 : memref<!tpu.dma_semaphore, #tpu.memory_space<semaphore_mem>>) src(%arg15 : memref<64x768xf32, #tpu.memory_space<vmem>>) dst(%dma_wait3A_540 : memref<16384x768xf32, #tpu.memory_space<hbm>>)
    %dma_wait3A_541 = arith.constant 1 : i32
    %dma_wait3A_542 = arith.constant 0 : i32
    %dma_wait3A_543 = tpu.memref_slice %arg13[%dma_wait3A_541, %dma_wait3A_542] : memref<4x64xi32, #tpu.memory_space<vmem>> -> memref<1x64xi32, #tpu.memory_space<vmem>>
    %dma_wait3A_544 = tpu.memref_squeeze %dma_wait3A_543 : memref<1x64xi32, #tpu.memory_space<vmem>> -> memref<64xi32, #tpu.memory_space<vmem>>
    %dma_wait3A_545 = arith.constant 0 : i32
    %dma_wait3A_546 = arith.constant 0 : i32
    %dma_wait3A_547 = tpu.memref_slice %arg6[%dma_wait3A_545, %dma_wait3A_546] : memref<16384x768xf32, #tpu.memory_space<hbm>> -> memref<16384x768xf32, #tpu.memory_space<hbm>>
    tpu.wait_indirect_dma semaphore(%arg18 : memref<!tpu.dma_semaphore, #tpu.memory_space<semaphore_mem>>) src(%arg15 : memref<64x768xf32, #tpu.memory_space<vmem>>) dst(%dma_wait3A_547 : memref<16384x768xf32, #tpu.memory_space<hbm>>)
    %add3A_548 = arith.constant 192 : i32
    %add3A_549 = arith.addi %mul3A_2, %add3A_548 : i32
    %dma_start3A_550 = arith.constant 0 : i32
    %dma_start3A_551 = tpu.memref_slice %arg2[%add3A_549, %dma_start3A_550] : memref<8192x768xf32, #tpu.memory_space<hbm>> -> memref<64x768xf32, #tpu.memory_space<hbm>>
    %dma_start3A_552 = arith.constant 0 : i32
    %dma_start3A_553 = tpu.memref_slice %arg2[%add3A_549, %dma_start3A_552] : memref<8192x768xf32, #tpu.memory_space<hbm>> -> memref<64x768xf32, #tpu.memory_space<hbm>>
    tpu.enqueue_dma source(%dma_start3A_553 : memref<64x768xf32, #tpu.memory_space<hbm>>) target(%arg15 : memref<64x768xf32, #tpu.memory_space<vmem>>) target_semaphore(%arg16 : memref<!tpu.dma_semaphore, #tpu.memory_space<semaphore_mem>>)
    %dma_start3A_554 = arith.constant 2 : i32
    %dma_start3A_555 = arith.constant 0 : i32
    %dma_start3A_556 = tpu.memref_slice %arg12[%dma_start3A_554, %dma_start3A_555] : memref<4x64xi32, #tpu.memory_space<vmem>> -> memref<1x64xi32, #tpu.memory_space<vmem>>
    %dma_start3A_557 = tpu.memref_squeeze %dma_start3A_556 : memref<1x64xi32, #tpu.memory_space<vmem>> -> memref<64xi32, #tpu.memory_space<vmem>>
    %dma_start3A_558 = arith.constant 0 : i32
    %dma_start3A_559 = arith.constant 0 : i32
    %dma_start3A_560 = tpu.memref_slice %arg6[%dma_start3A_558, %dma_start3A_559] : memref<16384x768xf32, #tpu.memory_space<hbm>> -> memref<16384x768xf32, #tpu.memory_space<hbm>>
    tpu.enqueue_indirect_dma source(%arg14 : memref<64x768xf32, #tpu.memory_space<vmem>>) target(%dma_start3A_560 : memref<16384x768xf32, #tpu.memory_space<hbm>>) offsets(%dma_start3A_557 : memref<64xi32, #tpu.memory_space<vmem>>) semaphore(%arg17 : memref<!tpu.dma_semaphore, #tpu.memory_space<semaphore_mem>>)
    %dma_start3A_561 = arith.constant 2 : i32
    %dma_start3A_562 = arith.constant 0 : i32
    %dma_start3A_563 = tpu.memref_slice %arg13[%dma_start3A_561, %dma_start3A_562] : memref<4x64xi32, #tpu.memory_space<vmem>> -> memref<1x64xi32, #tpu.memory_space<vmem>>
    %dma_start3A_564 = tpu.memref_squeeze %dma_start3A_563 : memref<1x64xi32, #tpu.memory_space<vmem>> -> memref<64xi32, #tpu.memory_space<vmem>>
    %dma_start3A_565 = arith.constant 0 : i32
    %dma_start3A_566 = arith.constant 0 : i32
    %dma_start3A_567 = tpu.memref_slice %arg6[%dma_start3A_565, %dma_start3A_566] : memref<16384x768xf32, #tpu.memory_space<hbm>> -> memref<16384x768xf32, #tpu.memory_space<hbm>>
    tpu.enqueue_indirect_dma source(%arg14 : memref<64x768xf32, #tpu.memory_space<vmem>>) target(%dma_start3A_567 : memref<16384x768xf32, #tpu.memory_space<hbm>>) offsets(%dma_start3A_564 : memref<64xi32, #tpu.memory_space<vmem>>) semaphore(%arg18 : memref<!tpu.dma_semaphore, #tpu.memory_space<semaphore_mem>>)
    %dma_wait3A_568 = arith.constant 0 : i32
    %dma_wait3A_569 = tpu.memref_slice %arg2[%add3A_549, %dma_wait3A_568] : memref<8192x768xf32, #tpu.memory_space<hbm>> -> memref<64x768xf32, #tpu.memory_space<hbm>>
    %dma_wait3A_570 = arith.constant 0 : i32
    %dma_wait3A_571 = tpu.memref_slice %arg2[%add3A_549, %dma_wait3A_570] : memref<8192x768xf32, #tpu.memory_space<hbm>> -> memref<64x768xf32, #tpu.memory_space<hbm>>
    tpu.wait_dma2 semaphore(%arg16 : memref<!tpu.dma_semaphore, #tpu.memory_space<semaphore_mem>>) src(%dma_wait3A_571 : memref<64x768xf32, #tpu.memory_space<hbm>>) dst(%arg15 : memref<64x768xf32, #tpu.memory_space<vmem>>)
    %dma_wait3A_572 = arith.constant 2 : i32
    %dma_wait3A_573 = arith.constant 0 : i32
    %dma_wait3A_574 = tpu.memref_slice %arg12[%dma_wait3A_572, %dma_wait3A_573] : memref<4x64xi32, #tpu.memory_space<vmem>> -> memref<1x64xi32, #tpu.memory_space<vmem>>
    %dma_wait3A_575 = tpu.memref_squeeze %dma_wait3A_574 : memref<1x64xi32, #tpu.memory_space<vmem>> -> memref<64xi32, #tpu.memory_space<vmem>>
    %dma_wait3A_576 = arith.constant 0 : i32
    %dma_wait3A_577 = arith.constant 0 : i32
    %dma_wait3A_578 = tpu.memref_slice %arg6[%dma_wait3A_576, %dma_wait3A_577] : memref<16384x768xf32, #tpu.memory_space<hbm>> -> memref<16384x768xf32, #tpu.memory_space<hbm>>
    tpu.wait_indirect_dma semaphore(%arg17 : memref<!tpu.dma_semaphore, #tpu.memory_space<semaphore_mem>>) src(%arg14 : memref<64x768xf32, #tpu.memory_space<vmem>>) dst(%dma_wait3A_578 : memref<16384x768xf32, #tpu.memory_space<hbm>>)
    %dma_wait3A_579 = arith.constant 2 : i32
    %dma_wait3A_580 = arith.constant 0 : i32
    %dma_wait3A_581 = tpu.memref_slice %arg13[%dma_wait3A_579, %dma_wait3A_580] : memref<4x64xi32, #tpu.memory_space<vmem>> -> memref<1x64xi32, #tpu.memory_space<vmem>>
    %dma_wait3A_582 = tpu.memref_squeeze %dma_wait3A_581 : memref<1x64xi32, #tpu.memory_space<vmem>> -> memref<64xi32, #tpu.memory_space<vmem>>
    %dma_wait3A_583 = arith.constant 0 : i32
    %dma_wait3A_584 = arith.constant 0 : i32
    %dma_wait3A_585 = tpu.memref_slice %arg6[%dma_wait3A_583, %dma_wait3A_584] : memref<16384x768xf32, #tpu.memory_space<hbm>> -> memref<16384x768xf32, #tpu.memory_space<hbm>>
    tpu.wait_indirect_dma semaphore(%arg18 : memref<!tpu.dma_semaphore, #tpu.memory_space<semaphore_mem>>) src(%arg14 : memref<64x768xf32, #tpu.memory_space<vmem>>) dst(%dma_wait3A_585 : memref<16384x768xf32, #tpu.memory_space<hbm>>)
    %dma_start3A_586 = arith.constant 3 : i32
    %dma_start3A_587 = arith.constant 0 : i32
    %dma_start3A_588 = tpu.memref_slice %arg12[%dma_start3A_586, %dma_start3A_587] : memref<4x64xi32, #tpu.memory_space<vmem>> -> memref<1x64xi32, #tpu.memory_space<vmem>>
    %dma_start3A_589 = tpu.memref_squeeze %dma_start3A_588 : memref<1x64xi32, #tpu.memory_space<vmem>> -> memref<64xi32, #tpu.memory_space<vmem>>
    %dma_start3A_590 = arith.constant 0 : i32
    %dma_start3A_591 = arith.constant 0 : i32
    %dma_start3A_592 = tpu.memref_slice %arg6[%dma_start3A_590, %dma_start3A_591] : memref<16384x768xf32, #tpu.memory_space<hbm>> -> memref<16384x768xf32, #tpu.memory_space<hbm>>
    tpu.enqueue_indirect_dma source(%arg15 : memref<64x768xf32, #tpu.memory_space<vmem>>) target(%dma_start3A_592 : memref<16384x768xf32, #tpu.memory_space<hbm>>) offsets(%dma_start3A_589 : memref<64xi32, #tpu.memory_space<vmem>>) semaphore(%arg17 : memref<!tpu.dma_semaphore, #tpu.memory_space<semaphore_mem>>)
    %dma_start3A_593 = arith.constant 3 : i32
    %dma_start3A_594 = arith.constant 0 : i32
    %dma_start3A_595 = tpu.memref_slice %arg13[%dma_start3A_593, %dma_start3A_594] : memref<4x64xi32, #tpu.memory_space<vmem>> -> memref<1x64xi32, #tpu.memory_space<vmem>>
    %dma_start3A_596 = tpu.memref_squeeze %dma_start3A_595 : memref<1x64xi32, #tpu.memory_space<vmem>> -> memref<64xi32, #tpu.memory_space<vmem>>
    %dma_start3A_597 = arith.constant 0 : i32
    %dma_start3A_598 = arith.constant 0 : i32
    %dma_start3A_599 = tpu.memref_slice %arg6[%dma_start3A_597, %dma_start3A_598] : memref<16384x768xf32, #tpu.memory_space<hbm>> -> memref<16384x768xf32, #tpu.memory_space<hbm>>
    tpu.enqueue_indirect_dma source(%arg15 : memref<64x768xf32, #tpu.memory_space<vmem>>) target(%dma_start3A_599 : memref<16384x768xf32, #tpu.memory_space<hbm>>) offsets(%dma_start3A_596 : memref<64xi32, #tpu.memory_space<vmem>>) semaphore(%arg18 : memref<!tpu.dma_semaphore, #tpu.memory_space<semaphore_mem>>)
    %dma_wait3A_600 = arith.constant 3 : i32
    %dma_wait3A_601 = arith.constant 0 : i32
    %dma_wait3A_602 = tpu.memref_slice %arg12[%dma_wait3A_600, %dma_wait3A_601] : memref<4x64xi32, #tpu.memory_space<vmem>> -> memref<1x64xi32, #tpu.memory_space<vmem>>
    %dma_wait3A_603 = tpu.memref_squeeze %dma_wait3A_602 : memref<1x64xi32, #tpu.memory_space<vmem>> -> memref<64xi32, #tpu.memory_space<vmem>>
    %dma_wait3A_604 = arith.constant 0 : i32
    %dma_wait3A_605 = arith.constant 0 : i32
    %dma_wait3A_606 = tpu.memref_slice %arg6[%dma_wait3A_604, %dma_wait3A_605] : memref<16384x768xf32, #tpu.memory_space<hbm>> -> memref<16384x768xf32, #tpu.memory_space<hbm>>
    tpu.wait_indirect_dma semaphore(%arg17 : memref<!tpu.dma_semaphore, #tpu.memory_space<semaphore_mem>>) src(%arg15 : memref<64x768xf32, #tpu.memory_space<vmem>>) dst(%dma_wait3A_606 : memref<16384x768xf32, #tpu.memory_space<hbm>>)
    %dma_wait3A_607 = arith.constant 3 : i32
    %dma_wait3A_608 = arith.constant 0 : i32
    %dma_wait3A_609 = tpu.memref_slice %arg13[%dma_wait3A_607, %dma_wait3A_608] : memref<4x64xi32, #tpu.memory_space<vmem>> -> memref<1x64xi32, #tpu.memory_space<vmem>>
    %dma_wait3A_610 = tpu.memref_squeeze %dma_wait3A_609 : memref<1x64xi32, #tpu.memory_space<vmem>> -> memref<64xi32, #tpu.memory_space<vmem>>
    %dma_wait3A_611 = arith.constant 0 : i32
    %dma_wait3A_612 = arith.constant 0 : i32
    %dma_wait3A_613 = tpu.memref_slice %arg6[%dma_wait3A_611, %dma_wait3A_612] : memref<16384x768xf32, #tpu.memory_space<hbm>> -> memref<16384x768xf32, #tpu.memory_space<hbm>>
    tpu.wait_indirect_dma semaphore(%arg18 : memref<!tpu.dma_semaphore, #tpu.memory_space<semaphore_mem>>) src(%arg15 : memref<64x768xf32, #tpu.memory_space<vmem>>) dst(%dma_wait3A_613 : memref<16384x768xf32, #tpu.memory_space<hbm>>)
    return
  }
}

#map = affine_map<(d0, d1) -> (0, 0)>
#map1 = affine_map<(d0, d1) -> (0, 0, 0)>
#map2 = affine_map<(d0, d1) -> (0)>
module attributes {stable_mosaic.version = 14 : i64} {
  func.func @_combine_body(%arg0: i32, %arg1: i32, %arg2: memref<16384x768xf32, #tpu.memory_space<hbm>>, %arg3: memref<32x4x64xi32, #tpu.memory_space<hbm>>, %arg4: memref<32x4x64xi32, #tpu.memory_space<hbm>>, %arg5: memref<16384xf32, #tpu.memory_space<hbm>>, %arg6: memref<8192x768xf32, #tpu.memory_space<hbm>>, %arg7: memref<4x64xi32, #tpu.memory_space<vmem>>, %arg8: memref<4x64xi32, #tpu.memory_space<vmem>>, %arg9: memref<512xf32, #tpu.memory_space<vmem>>, %arg10: memref<32x768xf32, #tpu.memory_space<vmem>>, %arg11: memref<32x768xf32, #tpu.memory_space<vmem>>, %arg12: memref<32x768xf32, #tpu.memory_space<vmem>>, %arg13: memref<32x768xf32, #tpu.memory_space<vmem>>, %arg14: memref<32x768xf32, #tpu.memory_space<vmem>>, %arg15: memref<!tpu.dma_semaphore, #tpu.memory_space<semaphore_mem>>, %arg16: memref<!tpu.dma_semaphore, #tpu.memory_space<semaphore_mem>>) attributes {dimension_semantics = [#tpu.dimension_semantics<core_parallel>, #tpu.dimension_semantics<subcore_parallel>], iteration_bounds = array<i64: 2, 16>, scalar_prefetch = 0 : i64, scratch_operands = 10 : i64, tpu.core_type = #tpu.core_type<sc_vector_subcore>, window_params = [{transform_indices = #map}, {transform_indices = #map1}, {transform_indices = #map1}, {transform_indices = #map2}, {transform_indices = #map}]} {
    %mul3A = arith.constant 2 : i32
    %mul3A_0 = arith.muli %arg1, %mul3A : i32
    %add3A = arith.addi %mul3A_0, %arg0 : i32
    %mul3A_1 = arith.constant 256 : i32
    %mul3A_2 = arith.muli %add3A, %mul3A_1 : i32
    %mul3A_3 = arith.constant 512 : i32
    %mul3A_4 = arith.muli %add3A, %mul3A_3 : i32
    "tpu.region"() ({
      %run_scoped3A = tpu.sem_alloc : memref<!tpu.dma_semaphore, #tpu.memory_space<semaphore_mem>>
      %dma_start3A_298 = arith.constant 0 : i32
      %dma_start3A_299 = arith.constant 0 : i32
      %dma_start3A_300 = tpu.memref_slice %arg3[%add3A, %dma_start3A_298, %dma_start3A_299] : memref<32x4x64xi32, #tpu.memory_space<hbm>> -> memref<1x4x64xi32, #tpu.memory_space<hbm>>
      %dma_start3A_301 = tpu.memref_squeeze %dma_start3A_300 : memref<1x4x64xi32, #tpu.memory_space<hbm>> -> memref<4x64xi32, #tpu.memory_space<hbm>>
      %dma_start3A_302 = arith.constant 0 : i32
      %dma_start3A_303 = arith.constant 0 : i32
      %dma_start3A_304 = tpu.memref_slice %arg3[%add3A, %dma_start3A_302, %dma_start3A_303] : memref<32x4x64xi32, #tpu.memory_space<hbm>> -> memref<1x4x64xi32, #tpu.memory_space<hbm>>
      %dma_start3A_305 = tpu.memref_squeeze %dma_start3A_304 : memref<1x4x64xi32, #tpu.memory_space<hbm>> -> memref<4x64xi32, #tpu.memory_space<hbm>>
      tpu.enqueue_dma source(%dma_start3A_305 : memref<4x64xi32, #tpu.memory_space<hbm>>) target(%arg7 : memref<4x64xi32, #tpu.memory_space<vmem>>) target_semaphore(%run_scoped3A : memref<!tpu.dma_semaphore, #tpu.memory_space<semaphore_mem>>)
      %dma_wait3A_306 = arith.constant 0 : i32
      %dma_wait3A_307 = arith.constant 0 : i32
      %dma_wait3A_308 = tpu.memref_slice %arg3[%add3A, %dma_wait3A_306, %dma_wait3A_307] : memref<32x4x64xi32, #tpu.memory_space<hbm>> -> memref<1x4x64xi32, #tpu.memory_space<hbm>>
      %dma_wait3A_309 = tpu.memref_squeeze %dma_wait3A_308 : memref<1x4x64xi32, #tpu.memory_space<hbm>> -> memref<4x64xi32, #tpu.memory_space<hbm>>
      %dma_wait3A_310 = arith.constant 0 : i32
      %dma_wait3A_311 = arith.constant 0 : i32
      %dma_wait3A_312 = tpu.memref_slice %arg3[%add3A, %dma_wait3A_310, %dma_wait3A_311] : memref<32x4x64xi32, #tpu.memory_space<hbm>> -> memref<1x4x64xi32, #tpu.memory_space<hbm>>
      %dma_wait3A_313 = tpu.memref_squeeze %dma_wait3A_312 : memref<1x4x64xi32, #tpu.memory_space<hbm>> -> memref<4x64xi32, #tpu.memory_space<hbm>>
      tpu.wait_dma2 semaphore(%run_scoped3A : memref<!tpu.dma_semaphore, #tpu.memory_space<semaphore_mem>>) src(%dma_wait3A_313 : memref<4x64xi32, #tpu.memory_space<hbm>>) dst(%arg7 : memref<4x64xi32, #tpu.memory_space<vmem>>)
      tpu.yield
    }) : () -> ()
    "tpu.region"() ({
      %run_scoped3A = tpu.sem_alloc : memref<!tpu.dma_semaphore, #tpu.memory_space<semaphore_mem>>
      %dma_start3A_298 = arith.constant 0 : i32
      %dma_start3A_299 = arith.constant 0 : i32
      %dma_start3A_300 = tpu.memref_slice %arg4[%add3A, %dma_start3A_298, %dma_start3A_299] : memref<32x4x64xi32, #tpu.memory_space<hbm>> -> memref<1x4x64xi32, #tpu.memory_space<hbm>>
      %dma_start3A_301 = tpu.memref_squeeze %dma_start3A_300 : memref<1x4x64xi32, #tpu.memory_space<hbm>> -> memref<4x64xi32, #tpu.memory_space<hbm>>
      %dma_start3A_302 = arith.constant 0 : i32
      %dma_start3A_303 = arith.constant 0 : i32
      %dma_start3A_304 = tpu.memref_slice %arg4[%add3A, %dma_start3A_302, %dma_start3A_303] : memref<32x4x64xi32, #tpu.memory_space<hbm>> -> memref<1x4x64xi32, #tpu.memory_space<hbm>>
      %dma_start3A_305 = tpu.memref_squeeze %dma_start3A_304 : memref<1x4x64xi32, #tpu.memory_space<hbm>> -> memref<4x64xi32, #tpu.memory_space<hbm>>
      tpu.enqueue_dma source(%dma_start3A_305 : memref<4x64xi32, #tpu.memory_space<hbm>>) target(%arg8 : memref<4x64xi32, #tpu.memory_space<vmem>>) target_semaphore(%run_scoped3A : memref<!tpu.dma_semaphore, #tpu.memory_space<semaphore_mem>>)
      %dma_wait3A_306 = arith.constant 0 : i32
      %dma_wait3A_307 = arith.constant 0 : i32
      %dma_wait3A_308 = tpu.memref_slice %arg4[%add3A, %dma_wait3A_306, %dma_wait3A_307] : memref<32x4x64xi32, #tpu.memory_space<hbm>> -> memref<1x4x64xi32, #tpu.memory_space<hbm>>
      %dma_wait3A_309 = tpu.memref_squeeze %dma_wait3A_308 : memref<1x4x64xi32, #tpu.memory_space<hbm>> -> memref<4x64xi32, #tpu.memory_space<hbm>>
      %dma_wait3A_310 = arith.constant 0 : i32
      %dma_wait3A_311 = arith.constant 0 : i32
      %dma_wait3A_312 = tpu.memref_slice %arg4[%add3A, %dma_wait3A_310, %dma_wait3A_311] : memref<32x4x64xi32, #tpu.memory_space<hbm>> -> memref<1x4x64xi32, #tpu.memory_space<hbm>>
      %dma_wait3A_313 = tpu.memref_squeeze %dma_wait3A_312 : memref<1x4x64xi32, #tpu.memory_space<hbm>> -> memref<4x64xi32, #tpu.memory_space<hbm>>
      tpu.wait_dma2 semaphore(%run_scoped3A : memref<!tpu.dma_semaphore, #tpu.memory_space<semaphore_mem>>) src(%dma_wait3A_313 : memref<4x64xi32, #tpu.memory_space<hbm>>) dst(%arg8 : memref<4x64xi32, #tpu.memory_space<vmem>>)
      tpu.yield
    }) : () -> ()
    "tpu.region"() ({
      %run_scoped3A = tpu.sem_alloc : memref<!tpu.dma_semaphore, #tpu.memory_space<semaphore_mem>>
      %dma_start3A_298 = tpu.memref_slice %arg5[%mul3A_4] : memref<16384xf32, #tpu.memory_space<hbm>> -> memref<512xf32, #tpu.memory_space<hbm>>
      %dma_start3A_299 = tpu.memref_slice %arg5[%mul3A_4] : memref<16384xf32, #tpu.memory_space<hbm>> -> memref<512xf32, #tpu.memory_space<hbm>>
      tpu.enqueue_dma source(%dma_start3A_299 : memref<512xf32, #tpu.memory_space<hbm>>) target(%arg9 : memref<512xf32, #tpu.memory_space<vmem>>) target_semaphore(%run_scoped3A : memref<!tpu.dma_semaphore, #tpu.memory_space<semaphore_mem>>)
      %dma_wait3A_300 = tpu.memref_slice %arg5[%mul3A_4] : memref<16384xf32, #tpu.memory_space<hbm>> -> memref<512xf32, #tpu.memory_space<hbm>>
      %dma_wait3A_301 = tpu.memref_slice %arg5[%mul3A_4] : memref<16384xf32, #tpu.memory_space<hbm>> -> memref<512xf32, #tpu.memory_space<hbm>>
      tpu.wait_dma2 semaphore(%run_scoped3A : memref<!tpu.dma_semaphore, #tpu.memory_space<semaphore_mem>>) src(%dma_wait3A_301 : memref<512xf32, #tpu.memory_space<hbm>>) dst(%arg9 : memref<512xf32, #tpu.memory_space<vmem>>)
      tpu.yield
    }) : () -> ()
    %dma_start3A = arith.constant 0 : i32
    %dma_start3A_5 = arith.constant 0 : i32
    %dma_start3A_6 = tpu.memref_slice %arg7[%dma_start3A, %dma_start3A_5] : memref<4x64xi32, #tpu.memory_space<vmem>> -> memref<1x32xi32, #tpu.memory_space<vmem>>
    %dma_start3A_7 = tpu.memref_squeeze %dma_start3A_6 : memref<1x32xi32, #tpu.memory_space<vmem>> -> memref<32xi32, #tpu.memory_space<vmem>>
    %dma_start3A_8 = arith.constant 0 : i32
    %dma_start3A_9 = arith.constant 0 : i32
    %dma_start3A_10 = tpu.memref_slice %arg2[%dma_start3A_8, %dma_start3A_9] : memref<16384x768xf32, #tpu.memory_space<hbm>> -> memref<16384x768xf32, #tpu.memory_space<hbm>>
    tpu.enqueue_indirect_dma source(%dma_start3A_10 : memref<16384x768xf32, #tpu.memory_space<hbm>>) target(%arg10 : memref<32x768xf32, #tpu.memory_space<vmem>>) offsets(%dma_start3A_7 : memref<32xi32, #tpu.memory_space<vmem>>) semaphore(%arg15 : memref<!tpu.dma_semaphore, #tpu.memory_space<semaphore_mem>>)
    %dma_start3A_11 = arith.constant 0 : i32
    %dma_start3A_12 = arith.constant 0 : i32
    %dma_start3A_13 = tpu.memref_slice %arg8[%dma_start3A_11, %dma_start3A_12] : memref<4x64xi32, #tpu.memory_space<vmem>> -> memref<1x32xi32, #tpu.memory_space<vmem>>
    %dma_start3A_14 = tpu.memref_squeeze %dma_start3A_13 : memref<1x32xi32, #tpu.memory_space<vmem>> -> memref<32xi32, #tpu.memory_space<vmem>>
    %dma_start3A_15 = arith.constant 0 : i32
    %dma_start3A_16 = arith.constant 0 : i32
    %dma_start3A_17 = tpu.memref_slice %arg2[%dma_start3A_15, %dma_start3A_16] : memref<16384x768xf32, #tpu.memory_space<hbm>> -> memref<16384x768xf32, #tpu.memory_space<hbm>>
    tpu.enqueue_indirect_dma source(%dma_start3A_17 : memref<16384x768xf32, #tpu.memory_space<hbm>>) target(%arg12 : memref<32x768xf32, #tpu.memory_space<vmem>>) offsets(%dma_start3A_14 : memref<32xi32, #tpu.memory_space<vmem>>) semaphore(%arg16 : memref<!tpu.dma_semaphore, #tpu.memory_space<semaphore_mem>>)
    %dma_wait3A = arith.constant 0 : i32
    %dma_wait3A_18 = arith.constant 0 : i32
    %dma_wait3A_19 = tpu.memref_slice %arg7[%dma_wait3A, %dma_wait3A_18] : memref<4x64xi32, #tpu.memory_space<vmem>> -> memref<1x32xi32, #tpu.memory_space<vmem>>
    %dma_wait3A_20 = tpu.memref_squeeze %dma_wait3A_19 : memref<1x32xi32, #tpu.memory_space<vmem>> -> memref<32xi32, #tpu.memory_space<vmem>>
    %dma_wait3A_21 = arith.constant 0 : i32
    %dma_wait3A_22 = arith.constant 0 : i32
    %dma_wait3A_23 = tpu.memref_slice %arg2[%dma_wait3A_21, %dma_wait3A_22] : memref<16384x768xf32, #tpu.memory_space<hbm>> -> memref<16384x768xf32, #tpu.memory_space<hbm>>
    tpu.wait_indirect_dma semaphore(%arg15 : memref<!tpu.dma_semaphore, #tpu.memory_space<semaphore_mem>>) src(%dma_wait3A_23 : memref<16384x768xf32, #tpu.memory_space<hbm>>) dst(%arg10 : memref<32x768xf32, #tpu.memory_space<vmem>>)
    %dma_wait3A_24 = arith.constant 0 : i32
    %dma_wait3A_25 = arith.constant 0 : i32
    %dma_wait3A_26 = tpu.memref_slice %arg8[%dma_wait3A_24, %dma_wait3A_25] : memref<4x64xi32, #tpu.memory_space<vmem>> -> memref<1x32xi32, #tpu.memory_space<vmem>>
    %dma_wait3A_27 = tpu.memref_squeeze %dma_wait3A_26 : memref<1x32xi32, #tpu.memory_space<vmem>> -> memref<32xi32, #tpu.memory_space<vmem>>
    %dma_wait3A_28 = arith.constant 0 : i32
    %dma_wait3A_29 = arith.constant 0 : i32
    %dma_wait3A_30 = tpu.memref_slice %arg2[%dma_wait3A_28, %dma_wait3A_29] : memref<16384x768xf32, #tpu.memory_space<hbm>> -> memref<16384x768xf32, #tpu.memory_space<hbm>>
    tpu.wait_indirect_dma semaphore(%arg16 : memref<!tpu.dma_semaphore, #tpu.memory_space<semaphore_mem>>) src(%dma_wait3A_30 : memref<16384x768xf32, #tpu.memory_space<hbm>>) dst(%arg12 : memref<32x768xf32, #tpu.memory_space<vmem>>)
    %dma_start3A_31 = arith.constant 0 : i32
    %dma_start3A_32 = arith.constant 32 : i32
    %dma_start3A_33 = tpu.memref_slice %arg7[%dma_start3A_31, %dma_start3A_32] : memref<4x64xi32, #tpu.memory_space<vmem>> -> memref<1x32xi32, #tpu.memory_space<vmem>>
    %dma_start3A_34 = tpu.memref_squeeze %dma_start3A_33 : memref<1x32xi32, #tpu.memory_space<vmem>> -> memref<32xi32, #tpu.memory_space<vmem>>
    %dma_start3A_35 = arith.constant 0 : i32
    %dma_start3A_36 = arith.constant 0 : i32
    %dma_start3A_37 = tpu.memref_slice %arg2[%dma_start3A_35, %dma_start3A_36] : memref<16384x768xf32, #tpu.memory_space<hbm>> -> memref<16384x768xf32, #tpu.memory_space<hbm>>
    tpu.enqueue_indirect_dma source(%dma_start3A_37 : memref<16384x768xf32, #tpu.memory_space<hbm>>) target(%arg11 : memref<32x768xf32, #tpu.memory_space<vmem>>) offsets(%dma_start3A_34 : memref<32xi32, #tpu.memory_space<vmem>>) semaphore(%arg15 : memref<!tpu.dma_semaphore, #tpu.memory_space<semaphore_mem>>)
    %dma_start3A_38 = arith.constant 0 : i32
    %dma_start3A_39 = arith.constant 32 : i32
    %dma_start3A_40 = tpu.memref_slice %arg8[%dma_start3A_38, %dma_start3A_39] : memref<4x64xi32, #tpu.memory_space<vmem>> -> memref<1x32xi32, #tpu.memory_space<vmem>>
    %dma_start3A_41 = tpu.memref_squeeze %dma_start3A_40 : memref<1x32xi32, #tpu.memory_space<vmem>> -> memref<32xi32, #tpu.memory_space<vmem>>
    %dma_start3A_42 = arith.constant 0 : i32
    %dma_start3A_43 = arith.constant 0 : i32
    %dma_start3A_44 = tpu.memref_slice %arg2[%dma_start3A_42, %dma_start3A_43] : memref<16384x768xf32, #tpu.memory_space<hbm>> -> memref<16384x768xf32, #tpu.memory_space<hbm>>
    tpu.enqueue_indirect_dma source(%dma_start3A_44 : memref<16384x768xf32, #tpu.memory_space<hbm>>) target(%arg13 : memref<32x768xf32, #tpu.memory_space<vmem>>) offsets(%dma_start3A_41 : memref<32xi32, #tpu.memory_space<vmem>>) semaphore(%arg16 : memref<!tpu.dma_semaphore, #tpu.memory_space<semaphore_mem>>)
    %scan3A = arith.constant 0 : i32
    %scan3A_45 = arith.constant 0 : i32
    %scan3A_46 = arith.constant 32 : i32
    %scan3A_47 = arith.addi %scan3A_45, %scan3A_46 : i32
    %scan3A_48 = arith.constant 1 : i32
    %scan3A_49 = scf.for %scan3A_298 = %scan3A_45 to %scan3A_47 step %scan3A_48 iter_args(%scan3A_299 = %scan3A) -> (i32)  : i32 {
      %add3A_300 = arith.constant 0 : i32
      %add3A_301 = arith.addi %add3A_300, %scan3A_298 : i32
      %mul3A_302 = arith.constant 2 : i32
      %mul3A_303 = arith.muli %mul3A_302, %add3A_301 : i32
      %broadcast_in_dim3A = vector.broadcast %mul3A_303 : i32 to vector<16xi32>
      %gather3A = tpu.vector_load_idx %arg9[%broadcast_in_dim3A] : memref<512xf32, #tpu.memory_space<vmem>>[vector<16xi32>], vector<16xf32>,
      %add3A_304 = arith.constant 0 : i32
      %add3A_305 = arith.addi %add3A_304, %scan3A_298 : i32
      %mul3A_306 = arith.constant 2 : i32
      %mul3A_307 = arith.muli %mul3A_306, %add3A_305 : i32
      %add3A_308 = arith.constant 1 : i32
      %add3A_309 = arith.addi %mul3A_307, %add3A_308 : i32
      %broadcast_in_dim3A_310 = vector.broadcast %add3A_309 : i32 to vector<16xi32>
      %gather3A_311 = tpu.vector_load_idx %arg9[%broadcast_in_dim3A_310] : memref<512xf32, #tpu.memory_space<vmem>>[vector<16xi32>], vector<16xf32>,
      %scan3A_312 = arith.constant 0 : i32
      %scan3A_313 = arith.constant 0 : i32
      %scan3A_314 = arith.constant 48 : i32
      %scan3A_315 = arith.addi %scan3A_313, %scan3A_314 : i32
      %scan3A_316 = arith.constant 1 : i32
      %scan3A_317 = scf.for %scan3A_319 = %scan3A_313 to %scan3A_315 step %scan3A_316 iter_args(%scan3A_320 = %scan3A_312) -> (i32)  : i32 {
        %mul3A_321 = arith.constant 16 : i32
        %mul3A_322 = arith.muli %scan3A_319, %mul3A_321 : i32
        %get3A = arith.index_cast %scan3A_298 : i32 to index
        %get3A_323 = arith.index_cast %mul3A_322 : i32 to index
        %get3A_324 = tpu.vector_load %arg10[%get3A, %get3A_323] {strides = array<i32>} : memref<32x768xf32, #tpu.memory_space<vmem>>, vector<16xf32>,
        %mul3A_325 = arith.mulf %get3A_324, %gather3A : vector<16xf32>
        %get3A_326 = arith.index_cast %scan3A_298 : i32 to index
        %get3A_327 = arith.index_cast %mul3A_322 : i32 to index
        %get3A_328 = tpu.vector_load %arg12[%get3A_326, %get3A_327] {strides = array<i32>} : memref<32x768xf32, #tpu.memory_space<vmem>>, vector<16xf32>,
        %mul3A_329 = arith.mulf %get3A_328, %gather3A_311 : vector<16xf32>
        %add3A_330 = arith.addf %mul3A_325, %mul3A_329 : vector<16xf32>
        %swap3A = arith.index_cast %scan3A_298 : i32 to index
        %swap3A_331 = arith.index_cast %mul3A_322 : i32 to index
        %swap3A_332 = tpu.vector_load %arg14[%swap3A, %swap3A_331] {strides = array<i32>} : memref<32x768xf32, #tpu.memory_space<vmem>>, vector<16xf32>,
        tpu.vector_store %arg14[%swap3A, %swap3A_331], %add3A_330 {strides = array<i32>} : memref<32x768xf32, #tpu.memory_space<vmem>>, vector<16xf32>,
        %scan3A_333 = arith.constant 0 : i32
        scf.yield %scan3A_333 : i32
      }
      %scan3A_318 = arith.constant 48 : i32
      scf.yield %scan3A_317 : i32
    }
    %scan3A_50 = arith.constant 32 : i32
    %add3A_51 = arith.constant 0 : i32
    %add3A_52 = arith.addi %mul3A_2, %add3A_51 : i32
    "tpu.region"() ({
      %run_scoped3A = tpu.sem_alloc : memref<!tpu.dma_semaphore, #tpu.memory_space<semaphore_mem>>
      %dma_start3A_298 = arith.constant 0 : i32
      %dma_start3A_299 = tpu.memref_slice %arg6[%add3A_52, %dma_start3A_298] : memref<8192x768xf32, #tpu.memory_space<hbm>> -> memref<32x768xf32, #tpu.memory_space<hbm>>
      %dma_start3A_300 = arith.constant 0 : i32
      %dma_start3A_301 = tpu.memref_slice %arg6[%add3A_52, %dma_start3A_300] : memref<8192x768xf32, #tpu.memory_space<hbm>> -> memref<32x768xf32, #tpu.memory_space<hbm>>
      tpu.enqueue_dma source(%arg14 : memref<32x768xf32, #tpu.memory_space<vmem>>) target(%dma_start3A_301 : memref<32x768xf32, #tpu.memory_space<hbm>>) target_semaphore(%run_scoped3A : memref<!tpu.dma_semaphore, #tpu.memory_space<semaphore_mem>>)
      %dma_wait3A_302 = arith.constant 0 : i32
      %dma_wait3A_303 = tpu.memref_slice %arg6[%add3A_52, %dma_wait3A_302] : memref<8192x768xf32, #tpu.memory_space<hbm>> -> memref<32x768xf32, #tpu.memory_space<hbm>>
      %dma_wait3A_304 = arith.constant 0 : i32
      %dma_wait3A_305 = tpu.memref_slice %arg6[%add3A_52, %dma_wait3A_304] : memref<8192x768xf32, #tpu.memory_space<hbm>> -> memref<32x768xf32, #tpu.memory_space<hbm>>
      tpu.wait_dma2 semaphore(%run_scoped3A : memref<!tpu.dma_semaphore, #tpu.memory_space<semaphore_mem>>) src(%arg14 : memref<32x768xf32, #tpu.memory_space<vmem>>) dst(%dma_wait3A_305 : memref<32x768xf32, #tpu.memory_space<hbm>>)
      tpu.yield
    }) : () -> ()
    %dma_wait3A_53 = arith.constant 0 : i32
    %dma_wait3A_54 = arith.constant 32 : i32
    %dma_wait3A_55 = tpu.memref_slice %arg7[%dma_wait3A_53, %dma_wait3A_54] : memref<4x64xi32, #tpu.memory_space<vmem>> -> memref<1x32xi32, #tpu.memory_space<vmem>>
    %dma_wait3A_56 = tpu.memref_squeeze %dma_wait3A_55 : memref<1x32xi32, #tpu.memory_space<vmem>> -> memref<32xi32, #tpu.memory_space<vmem>>
    %dma_wait3A_57 = arith.constant 0 : i32
    %dma_wait3A_58 = arith.constant 0 : i32
    %dma_wait3A_59 = tpu.memref_slice %arg2[%dma_wait3A_57, %dma_wait3A_58] : memref<16384x768xf32, #tpu.memory_space<hbm>> -> memref<16384x768xf32, #tpu.memory_space<hbm>>
    tpu.wait_indirect_dma semaphore(%arg15 : memref<!tpu.dma_semaphore, #tpu.memory_space<semaphore_mem>>) src(%dma_wait3A_59 : memref<16384x768xf32, #tpu.memory_space<hbm>>) dst(%arg11 : memref<32x768xf32, #tpu.memory_space<vmem>>)
    %dma_wait3A_60 = arith.constant 0 : i32
    %dma_wait3A_61 = arith.constant 32 : i32
    %dma_wait3A_62 = tpu.memref_slice %arg8[%dma_wait3A_60, %dma_wait3A_61] : memref<4x64xi32, #tpu.memory_space<vmem>> -> memref<1x32xi32, #tpu.memory_space<vmem>>
    %dma_wait3A_63 = tpu.memref_squeeze %dma_wait3A_62 : memref<1x32xi32, #tpu.memory_space<vmem>> -> memref<32xi32, #tpu.memory_space<vmem>>
    %dma_wait3A_64 = arith.constant 0 : i32
    %dma_wait3A_65 = arith.constant 0 : i32
    %dma_wait3A_66 = tpu.memref_slice %arg2[%dma_wait3A_64, %dma_wait3A_65] : memref<16384x768xf32, #tpu.memory_space<hbm>> -> memref<16384x768xf32, #tpu.memory_space<hbm>>
    tpu.wait_indirect_dma semaphore(%arg16 : memref<!tpu.dma_semaphore, #tpu.memory_space<semaphore_mem>>) src(%dma_wait3A_66 : memref<16384x768xf32, #tpu.memory_space<hbm>>) dst(%arg13 : memref<32x768xf32, #tpu.memory_space<vmem>>)
    %dma_start3A_67 = arith.constant 1 : i32
    %dma_start3A_68 = arith.constant 0 : i32
    %dma_start3A_69 = tpu.memref_slice %arg7[%dma_start3A_67, %dma_start3A_68] : memref<4x64xi32, #tpu.memory_space<vmem>> -> memref<1x32xi32, #tpu.memory_space<vmem>>
    %dma_start3A_70 = tpu.memref_squeeze %dma_start3A_69 : memref<1x32xi32, #tpu.memory_space<vmem>> -> memref<32xi32, #tpu.memory_space<vmem>>
    %dma_start3A_71 = arith.constant 0 : i32
    %dma_start3A_72 = arith.constant 0 : i32
    %dma_start3A_73 = tpu.memref_slice %arg2[%dma_start3A_71, %dma_start3A_72] : memref<16384x768xf32, #tpu.memory_space<hbm>> -> memref<16384x768xf32, #tpu.memory_space<hbm>>
    tpu.enqueue_indirect_dma source(%dma_start3A_73 : memref<16384x768xf32, #tpu.memory_space<hbm>>) target(%arg10 : memref<32x768xf32, #tpu.memory_space<vmem>>) offsets(%dma_start3A_70 : memref<32xi32, #tpu.memory_space<vmem>>) semaphore(%arg15 : memref<!tpu.dma_semaphore, #tpu.memory_space<semaphore_mem>>)
    %dma_start3A_74 = arith.constant 1 : i32
    %dma_start3A_75 = arith.constant 0 : i32
    %dma_start3A_76 = tpu.memref_slice %arg8[%dma_start3A_74, %dma_start3A_75] : memref<4x64xi32, #tpu.memory_space<vmem>> -> memref<1x32xi32, #tpu.memory_space<vmem>>
    %dma_start3A_77 = tpu.memref_squeeze %dma_start3A_76 : memref<1x32xi32, #tpu.memory_space<vmem>> -> memref<32xi32, #tpu.memory_space<vmem>>
    %dma_start3A_78 = arith.constant 0 : i32
    %dma_start3A_79 = arith.constant 0 : i32
    %dma_start3A_80 = tpu.memref_slice %arg2[%dma_start3A_78, %dma_start3A_79] : memref<16384x768xf32, #tpu.memory_space<hbm>> -> memref<16384x768xf32, #tpu.memory_space<hbm>>
    tpu.enqueue_indirect_dma source(%dma_start3A_80 : memref<16384x768xf32, #tpu.memory_space<hbm>>) target(%arg12 : memref<32x768xf32, #tpu.memory_space<vmem>>) offsets(%dma_start3A_77 : memref<32xi32, #tpu.memory_space<vmem>>) semaphore(%arg16 : memref<!tpu.dma_semaphore, #tpu.memory_space<semaphore_mem>>)
    %scan3A_81 = arith.constant 0 : i32
    %scan3A_82 = arith.constant 0 : i32
    %scan3A_83 = arith.constant 32 : i32
    %scan3A_84 = arith.addi %scan3A_82, %scan3A_83 : i32
    %scan3A_85 = arith.constant 1 : i32
    %scan3A_86 = scf.for %scan3A_298 = %scan3A_82 to %scan3A_84 step %scan3A_85 iter_args(%scan3A_299 = %scan3A_81) -> (i32)  : i32 {
      %add3A_300 = arith.constant 32 : i32
      %add3A_301 = arith.addi %add3A_300, %scan3A_298 : i32
      %mul3A_302 = arith.constant 2 : i32
      %mul3A_303 = arith.muli %mul3A_302, %add3A_301 : i32
      %broadcast_in_dim3A = vector.broadcast %mul3A_303 : i32 to vector<16xi32>
      %gather3A = tpu.vector_load_idx %arg9[%broadcast_in_dim3A] : memref<512xf32, #tpu.memory_space<vmem>>[vector<16xi32>], vector<16xf32>,
      %add3A_304 = arith.constant 32 : i32
      %add3A_305 = arith.addi %add3A_304, %scan3A_298 : i32
      %mul3A_306 = arith.constant 2 : i32
      %mul3A_307 = arith.muli %mul3A_306, %add3A_305 : i32
      %add3A_308 = arith.constant 1 : i32
      %add3A_309 = arith.addi %mul3A_307, %add3A_308 : i32
      %broadcast_in_dim3A_310 = vector.broadcast %add3A_309 : i32 to vector<16xi32>
      %gather3A_311 = tpu.vector_load_idx %arg9[%broadcast_in_dim3A_310] : memref<512xf32, #tpu.memory_space<vmem>>[vector<16xi32>], vector<16xf32>,
      %scan3A_312 = arith.constant 0 : i32
      %scan3A_313 = arith.constant 0 : i32
      %scan3A_314 = arith.constant 48 : i32
      %scan3A_315 = arith.addi %scan3A_313, %scan3A_314 : i32
      %scan3A_316 = arith.constant 1 : i32
      %scan3A_317 = scf.for %scan3A_319 = %scan3A_313 to %scan3A_315 step %scan3A_316 iter_args(%scan3A_320 = %scan3A_312) -> (i32)  : i32 {
        %mul3A_321 = arith.constant 16 : i32
        %mul3A_322 = arith.muli %scan3A_319, %mul3A_321 : i32
        %get3A = arith.index_cast %scan3A_298 : i32 to index
        %get3A_323 = arith.index_cast %mul3A_322 : i32 to index
        %get3A_324 = tpu.vector_load %arg11[%get3A, %get3A_323] {strides = array<i32>} : memref<32x768xf32, #tpu.memory_space<vmem>>, vector<16xf32>,
        %mul3A_325 = arith.mulf %get3A_324, %gather3A : vector<16xf32>
        %get3A_326 = arith.index_cast %scan3A_298 : i32 to index
        %get3A_327 = arith.index_cast %mul3A_322 : i32 to index
        %get3A_328 = tpu.vector_load %arg13[%get3A_326, %get3A_327] {strides = array<i32>} : memref<32x768xf32, #tpu.memory_space<vmem>>, vector<16xf32>,
        %mul3A_329 = arith.mulf %get3A_328, %gather3A_311 : vector<16xf32>
        %add3A_330 = arith.addf %mul3A_325, %mul3A_329 : vector<16xf32>
        %swap3A = arith.index_cast %scan3A_298 : i32 to index
        %swap3A_331 = arith.index_cast %mul3A_322 : i32 to index
        %swap3A_332 = tpu.vector_load %arg14[%swap3A, %swap3A_331] {strides = array<i32>} : memref<32x768xf32, #tpu.memory_space<vmem>>, vector<16xf32>,
        tpu.vector_store %arg14[%swap3A, %swap3A_331], %add3A_330 {strides = array<i32>} : memref<32x768xf32, #tpu.memory_space<vmem>>, vector<16xf32>,
        %scan3A_333 = arith.constant 0 : i32
        scf.yield %scan3A_333 : i32
      }
      %scan3A_318 = arith.constant 48 : i32
      scf.yield %scan3A_317 : i32
    }
    %scan3A_87 = arith.constant 32 : i32
    %add3A_88 = arith.constant 32 : i32
    %add3A_89 = arith.addi %mul3A_2, %add3A_88 : i32
    "tpu.region"() ({
      %run_scoped3A = tpu.sem_alloc : memref<!tpu.dma_semaphore, #tpu.memory_space<semaphore_mem>>
      %dma_start3A_298 = arith.constant 0 : i32
      %dma_start3A_299 = tpu.memref_slice %arg6[%add3A_89, %dma_start3A_298] : memref<8192x768xf32, #tpu.memory_space<hbm>> -> memref<32x768xf32, #tpu.memory_space<hbm>>
      %dma_start3A_300 = arith.constant 0 : i32
      %dma_start3A_301 = tpu.memref_slice %arg6[%add3A_89, %dma_start3A_300] : memref<8192x768xf32, #tpu.memory_space<hbm>> -> memref<32x768xf32, #tpu.memory_space<hbm>>
      tpu.enqueue_dma source(%arg14 : memref<32x768xf32, #tpu.memory_space<vmem>>) target(%dma_start3A_301 : memref<32x768xf32, #tpu.memory_space<hbm>>) target_semaphore(%run_scoped3A : memref<!tpu.dma_semaphore, #tpu.memory_space<semaphore_mem>>)
      %dma_wait3A_302 = arith.constant 0 : i32
      %dma_wait3A_303 = tpu.memref_slice %arg6[%add3A_89, %dma_wait3A_302] : memref<8192x768xf32, #tpu.memory_space<hbm>> -> memref<32x768xf32, #tpu.memory_space<hbm>>
      %dma_wait3A_304 = arith.constant 0 : i32
      %dma_wait3A_305 = tpu.memref_slice %arg6[%add3A_89, %dma_wait3A_304] : memref<8192x768xf32, #tpu.memory_space<hbm>> -> memref<32x768xf32, #tpu.memory_space<hbm>>
      tpu.wait_dma2 semaphore(%run_scoped3A : memref<!tpu.dma_semaphore, #tpu.memory_space<semaphore_mem>>) src(%arg14 : memref<32x768xf32, #tpu.memory_space<vmem>>) dst(%dma_wait3A_305 : memref<32x768xf32, #tpu.memory_space<hbm>>)
      tpu.yield
    }) : () -> ()
    %dma_wait3A_90 = arith.constant 1 : i32
    %dma_wait3A_91 = arith.constant 0 : i32
    %dma_wait3A_92 = tpu.memref_slice %arg7[%dma_wait3A_90, %dma_wait3A_91] : memref<4x64xi32, #tpu.memory_space<vmem>> -> memref<1x32xi32, #tpu.memory_space<vmem>>
    %dma_wait3A_93 = tpu.memref_squeeze %dma_wait3A_92 : memref<1x32xi32, #tpu.memory_space<vmem>> -> memref<32xi32, #tpu.memory_space<vmem>>
    %dma_wait3A_94 = arith.constant 0 : i32
    %dma_wait3A_95 = arith.constant 0 : i32
    %dma_wait3A_96 = tpu.memref_slice %arg2[%dma_wait3A_94, %dma_wait3A_95] : memref<16384x768xf32, #tpu.memory_space<hbm>> -> memref<16384x768xf32, #tpu.memory_space<hbm>>
    tpu.wait_indirect_dma semaphore(%arg15 : memref<!tpu.dma_semaphore, #tpu.memory_space<semaphore_mem>>) src(%dma_wait3A_96 : memref<16384x768xf32, #tpu.memory_space<hbm>>) dst(%arg10 : memref<32x768xf32, #tpu.memory_space<vmem>>)
    %dma_wait3A_97 = arith.constant 1 : i32
    %dma_wait3A_98 = arith.constant 0 : i32
    %dma_wait3A_99 = tpu.memref_slice %arg8[%dma_wait3A_97, %dma_wait3A_98] : memref<4x64xi32, #tpu.memory_space<vmem>> -> memref<1x32xi32, #tpu.memory_space<vmem>>
    %dma_wait3A_100 = tpu.memref_squeeze %dma_wait3A_99 : memref<1x32xi32, #tpu.memory_space<vmem>> -> memref<32xi32, #tpu.memory_space<vmem>>
    %dma_wait3A_101 = arith.constant 0 : i32
    %dma_wait3A_102 = arith.constant 0 : i32
    %dma_wait3A_103 = tpu.memref_slice %arg2[%dma_wait3A_101, %dma_wait3A_102] : memref<16384x768xf32, #tpu.memory_space<hbm>> -> memref<16384x768xf32, #tpu.memory_space<hbm>>
    tpu.wait_indirect_dma semaphore(%arg16 : memref<!tpu.dma_semaphore, #tpu.memory_space<semaphore_mem>>) src(%dma_wait3A_103 : memref<16384x768xf32, #tpu.memory_space<hbm>>) dst(%arg12 : memref<32x768xf32, #tpu.memory_space<vmem>>)
    %dma_start3A_104 = arith.constant 1 : i32
    %dma_start3A_105 = arith.constant 32 : i32
    %dma_start3A_106 = tpu.memref_slice %arg7[%dma_start3A_104, %dma_start3A_105] : memref<4x64xi32, #tpu.memory_space<vmem>> -> memref<1x32xi32, #tpu.memory_space<vmem>>
    %dma_start3A_107 = tpu.memref_squeeze %dma_start3A_106 : memref<1x32xi32, #tpu.memory_space<vmem>> -> memref<32xi32, #tpu.memory_space<vmem>>
    %dma_start3A_108 = arith.constant 0 : i32
    %dma_start3A_109 = arith.constant 0 : i32
    %dma_start3A_110 = tpu.memref_slice %arg2[%dma_start3A_108, %dma_start3A_109] : memref<16384x768xf32, #tpu.memory_space<hbm>> -> memref<16384x768xf32, #tpu.memory_space<hbm>>
    tpu.enqueue_indirect_dma source(%dma_start3A_110 : memref<16384x768xf32, #tpu.memory_space<hbm>>) target(%arg11 : memref<32x768xf32, #tpu.memory_space<vmem>>) offsets(%dma_start3A_107 : memref<32xi32, #tpu.memory_space<vmem>>) semaphore(%arg15 : memref<!tpu.dma_semaphore, #tpu.memory_space<semaphore_mem>>)
    %dma_start3A_111 = arith.constant 1 : i32
    %dma_start3A_112 = arith.constant 32 : i32
    %dma_start3A_113 = tpu.memref_slice %arg8[%dma_start3A_111, %dma_start3A_112] : memref<4x64xi32, #tpu.memory_space<vmem>> -> memref<1x32xi32, #tpu.memory_space<vmem>>
    %dma_start3A_114 = tpu.memref_squeeze %dma_start3A_113 : memref<1x32xi32, #tpu.memory_space<vmem>> -> memref<32xi32, #tpu.memory_space<vmem>>
    %dma_start3A_115 = arith.constant 0 : i32
    %dma_start3A_116 = arith.constant 0 : i32
    %dma_start3A_117 = tpu.memref_slice %arg2[%dma_start3A_115, %dma_start3A_116] : memref<16384x768xf32, #tpu.memory_space<hbm>> -> memref<16384x768xf32, #tpu.memory_space<hbm>>
    tpu.enqueue_indirect_dma source(%dma_start3A_117 : memref<16384x768xf32, #tpu.memory_space<hbm>>) target(%arg13 : memref<32x768xf32, #tpu.memory_space<vmem>>) offsets(%dma_start3A_114 : memref<32xi32, #tpu.memory_space<vmem>>) semaphore(%arg16 : memref<!tpu.dma_semaphore, #tpu.memory_space<semaphore_mem>>)
    %scan3A_118 = arith.constant 0 : i32
    %scan3A_119 = arith.constant 0 : i32
    %scan3A_120 = arith.constant 32 : i32
    %scan3A_121 = arith.addi %scan3A_119, %scan3A_120 : i32
    %scan3A_122 = arith.constant 1 : i32
    %scan3A_123 = scf.for %scan3A_298 = %scan3A_119 to %scan3A_121 step %scan3A_122 iter_args(%scan3A_299 = %scan3A_118) -> (i32)  : i32 {
      %add3A_300 = arith.constant 64 : i32
      %add3A_301 = arith.addi %add3A_300, %scan3A_298 : i32
      %mul3A_302 = arith.constant 2 : i32
      %mul3A_303 = arith.muli %mul3A_302, %add3A_301 : i32
      %broadcast_in_dim3A = vector.broadcast %mul3A_303 : i32 to vector<16xi32>
      %gather3A = tpu.vector_load_idx %arg9[%broadcast_in_dim3A] : memref<512xf32, #tpu.memory_space<vmem>>[vector<16xi32>], vector<16xf32>,
      %add3A_304 = arith.constant 64 : i32
      %add3A_305 = arith.addi %add3A_304, %scan3A_298 : i32
      %mul3A_306 = arith.constant 2 : i32
      %mul3A_307 = arith.muli %mul3A_306, %add3A_305 : i32
      %add3A_308 = arith.constant 1 : i32
      %add3A_309 = arith.addi %mul3A_307, %add3A_308 : i32
      %broadcast_in_dim3A_310 = vector.broadcast %add3A_309 : i32 to vector<16xi32>
      %gather3A_311 = tpu.vector_load_idx %arg9[%broadcast_in_dim3A_310] : memref<512xf32, #tpu.memory_space<vmem>>[vector<16xi32>], vector<16xf32>,
      %scan3A_312 = arith.constant 0 : i32
      %scan3A_313 = arith.constant 0 : i32
      %scan3A_314 = arith.constant 48 : i32
      %scan3A_315 = arith.addi %scan3A_313, %scan3A_314 : i32
      %scan3A_316 = arith.constant 1 : i32
      %scan3A_317 = scf.for %scan3A_319 = %scan3A_313 to %scan3A_315 step %scan3A_316 iter_args(%scan3A_320 = %scan3A_312) -> (i32)  : i32 {
        %mul3A_321 = arith.constant 16 : i32
        %mul3A_322 = arith.muli %scan3A_319, %mul3A_321 : i32
        %get3A = arith.index_cast %scan3A_298 : i32 to index
        %get3A_323 = arith.index_cast %mul3A_322 : i32 to index
        %get3A_324 = tpu.vector_load %arg10[%get3A, %get3A_323] {strides = array<i32>} : memref<32x768xf32, #tpu.memory_space<vmem>>, vector<16xf32>,
        %mul3A_325 = arith.mulf %get3A_324, %gather3A : vector<16xf32>
        %get3A_326 = arith.index_cast %scan3A_298 : i32 to index
        %get3A_327 = arith.index_cast %mul3A_322 : i32 to index
        %get3A_328 = tpu.vector_load %arg12[%get3A_326, %get3A_327] {strides = array<i32>} : memref<32x768xf32, #tpu.memory_space<vmem>>, vector<16xf32>,
        %mul3A_329 = arith.mulf %get3A_328, %gather3A_311 : vector<16xf32>
        %add3A_330 = arith.addf %mul3A_325, %mul3A_329 : vector<16xf32>
        %swap3A = arith.index_cast %scan3A_298 : i32 to index
        %swap3A_331 = arith.index_cast %mul3A_322 : i32 to index
        %swap3A_332 = tpu.vector_load %arg14[%swap3A, %swap3A_331] {strides = array<i32>} : memref<32x768xf32, #tpu.memory_space<vmem>>, vector<16xf32>,
        tpu.vector_store %arg14[%swap3A, %swap3A_331], %add3A_330 {strides = array<i32>} : memref<32x768xf32, #tpu.memory_space<vmem>>, vector<16xf32>,
        %scan3A_333 = arith.constant 0 : i32
        scf.yield %scan3A_333 : i32
      }
      %scan3A_318 = arith.constant 48 : i32
      scf.yield %scan3A_317 : i32
    }
    %scan3A_124 = arith.constant 32 : i32
    %add3A_125 = arith.constant 64 : i32
    %add3A_126 = arith.addi %mul3A_2, %add3A_125 : i32
    "tpu.region"() ({
      %run_scoped3A = tpu.sem_alloc : memref<!tpu.dma_semaphore, #tpu.memory_space<semaphore_mem>>
      %dma_start3A_298 = arith.constant 0 : i32
      %dma_start3A_299 = tpu.memref_slice %arg6[%add3A_126, %dma_start3A_298] : memref<8192x768xf32, #tpu.memory_space<hbm>> -> memref<32x768xf32, #tpu.memory_space<hbm>>
      %dma_start3A_300 = arith.constant 0 : i32
      %dma_start3A_301 = tpu.memref_slice %arg6[%add3A_126, %dma_start3A_300] : memref<8192x768xf32, #tpu.memory_space<hbm>> -> memref<32x768xf32, #tpu.memory_space<hbm>>
      tpu.enqueue_dma source(%arg14 : memref<32x768xf32, #tpu.memory_space<vmem>>) target(%dma_start3A_301 : memref<32x768xf32, #tpu.memory_space<hbm>>) target_semaphore(%run_scoped3A : memref<!tpu.dma_semaphore, #tpu.memory_space<semaphore_mem>>)
      %dma_wait3A_302 = arith.constant 0 : i32
      %dma_wait3A_303 = tpu.memref_slice %arg6[%add3A_126, %dma_wait3A_302] : memref<8192x768xf32, #tpu.memory_space<hbm>> -> memref<32x768xf32, #tpu.memory_space<hbm>>
      %dma_wait3A_304 = arith.constant 0 : i32
      %dma_wait3A_305 = tpu.memref_slice %arg6[%add3A_126, %dma_wait3A_304] : memref<8192x768xf32, #tpu.memory_space<hbm>> -> memref<32x768xf32, #tpu.memory_space<hbm>>
      tpu.wait_dma2 semaphore(%run_scoped3A : memref<!tpu.dma_semaphore, #tpu.memory_space<semaphore_mem>>) src(%arg14 : memref<32x768xf32, #tpu.memory_space<vmem>>) dst(%dma_wait3A_305 : memref<32x768xf32, #tpu.memory_space<hbm>>)
      tpu.yield
    }) : () -> ()
    %dma_wait3A_127 = arith.constant 1 : i32
    %dma_wait3A_128 = arith.constant 32 : i32
    %dma_wait3A_129 = tpu.memref_slice %arg7[%dma_wait3A_127, %dma_wait3A_128] : memref<4x64xi32, #tpu.memory_space<vmem>> -> memref<1x32xi32, #tpu.memory_space<vmem>>
    %dma_wait3A_130 = tpu.memref_squeeze %dma_wait3A_129 : memref<1x32xi32, #tpu.memory_space<vmem>> -> memref<32xi32, #tpu.memory_space<vmem>>
    %dma_wait3A_131 = arith.constant 0 : i32
    %dma_wait3A_132 = arith.constant 0 : i32
    %dma_wait3A_133 = tpu.memref_slice %arg2[%dma_wait3A_131, %dma_wait3A_132] : memref<16384x768xf32, #tpu.memory_space<hbm>> -> memref<16384x768xf32, #tpu.memory_space<hbm>>
    tpu.wait_indirect_dma semaphore(%arg15 : memref<!tpu.dma_semaphore, #tpu.memory_space<semaphore_mem>>) src(%dma_wait3A_133 : memref<16384x768xf32, #tpu.memory_space<hbm>>) dst(%arg11 : memref<32x768xf32, #tpu.memory_space<vmem>>)
    %dma_wait3A_134 = arith.constant 1 : i32
    %dma_wait3A_135 = arith.constant 32 : i32
    %dma_wait3A_136 = tpu.memref_slice %arg8[%dma_wait3A_134, %dma_wait3A_135] : memref<4x64xi32, #tpu.memory_space<vmem>> -> memref<1x32xi32, #tpu.memory_space<vmem>>
    %dma_wait3A_137 = tpu.memref_squeeze %dma_wait3A_136 : memref<1x32xi32, #tpu.memory_space<vmem>> -> memref<32xi32, #tpu.memory_space<vmem>>
    %dma_wait3A_138 = arith.constant 0 : i32
    %dma_wait3A_139 = arith.constant 0 : i32
    %dma_wait3A_140 = tpu.memref_slice %arg2[%dma_wait3A_138, %dma_wait3A_139] : memref<16384x768xf32, #tpu.memory_space<hbm>> -> memref<16384x768xf32, #tpu.memory_space<hbm>>
    tpu.wait_indirect_dma semaphore(%arg16 : memref<!tpu.dma_semaphore, #tpu.memory_space<semaphore_mem>>) src(%dma_wait3A_140 : memref<16384x768xf32, #tpu.memory_space<hbm>>) dst(%arg13 : memref<32x768xf32, #tpu.memory_space<vmem>>)
    %dma_start3A_141 = arith.constant 2 : i32
    %dma_start3A_142 = arith.constant 0 : i32
    %dma_start3A_143 = tpu.memref_slice %arg7[%dma_start3A_141, %dma_start3A_142] : memref<4x64xi32, #tpu.memory_space<vmem>> -> memref<1x32xi32, #tpu.memory_space<vmem>>
    %dma_start3A_144 = tpu.memref_squeeze %dma_start3A_143 : memref<1x32xi32, #tpu.memory_space<vmem>> -> memref<32xi32, #tpu.memory_space<vmem>>
    %dma_start3A_145 = arith.constant 0 : i32
    %dma_start3A_146 = arith.constant 0 : i32
    %dma_start3A_147 = tpu.memref_slice %arg2[%dma_start3A_145, %dma_start3A_146] : memref<16384x768xf32, #tpu.memory_space<hbm>> -> memref<16384x768xf32, #tpu.memory_space<hbm>>
    tpu.enqueue_indirect_dma source(%dma_start3A_147 : memref<16384x768xf32, #tpu.memory_space<hbm>>) target(%arg10 : memref<32x768xf32, #tpu.memory_space<vmem>>) offsets(%dma_start3A_144 : memref<32xi32, #tpu.memory_space<vmem>>) semaphore(%arg15 : memref<!tpu.dma_semaphore, #tpu.memory_space<semaphore_mem>>)
    %dma_start3A_148 = arith.constant 2 : i32
    %dma_start3A_149 = arith.constant 0 : i32
    %dma_start3A_150 = tpu.memref_slice %arg8[%dma_start3A_148, %dma_start3A_149] : memref<4x64xi32, #tpu.memory_space<vmem>> -> memref<1x32xi32, #tpu.memory_space<vmem>>
    %dma_start3A_151 = tpu.memref_squeeze %dma_start3A_150 : memref<1x32xi32, #tpu.memory_space<vmem>> -> memref<32xi32, #tpu.memory_space<vmem>>
    %dma_start3A_152 = arith.constant 0 : i32
    %dma_start3A_153 = arith.constant 0 : i32
    %dma_start3A_154 = tpu.memref_slice %arg2[%dma_start3A_152, %dma_start3A_153] : memref<16384x768xf32, #tpu.memory_space<hbm>> -> memref<16384x768xf32, #tpu.memory_space<hbm>>
    tpu.enqueue_indirect_dma source(%dma_start3A_154 : memref<16384x768xf32, #tpu.memory_space<hbm>>) target(%arg12 : memref<32x768xf32, #tpu.memory_space<vmem>>) offsets(%dma_start3A_151 : memref<32xi32, #tpu.memory_space<vmem>>) semaphore(%arg16 : memref<!tpu.dma_semaphore, #tpu.memory_space<semaphore_mem>>)
    %scan3A_155 = arith.constant 0 : i32
    %scan3A_156 = arith.constant 0 : i32
    %scan3A_157 = arith.constant 32 : i32
    %scan3A_158 = arith.addi %scan3A_156, %scan3A_157 : i32
    %scan3A_159 = arith.constant 1 : i32
    %scan3A_160 = scf.for %scan3A_298 = %scan3A_156 to %scan3A_158 step %scan3A_159 iter_args(%scan3A_299 = %scan3A_155) -> (i32)  : i32 {
      %add3A_300 = arith.constant 96 : i32
      %add3A_301 = arith.addi %add3A_300, %scan3A_298 : i32
      %mul3A_302 = arith.constant 2 : i32
      %mul3A_303 = arith.muli %mul3A_302, %add3A_301 : i32
      %broadcast_in_dim3A = vector.broadcast %mul3A_303 : i32 to vector<16xi32>
      %gather3A = tpu.vector_load_idx %arg9[%broadcast_in_dim3A] : memref<512xf32, #tpu.memory_space<vmem>>[vector<16xi32>], vector<16xf32>,
      %add3A_304 = arith.constant 96 : i32
      %add3A_305 = arith.addi %add3A_304, %scan3A_298 : i32
      %mul3A_306 = arith.constant 2 : i32
      %mul3A_307 = arith.muli %mul3A_306, %add3A_305 : i32
      %add3A_308 = arith.constant 1 : i32
      %add3A_309 = arith.addi %mul3A_307, %add3A_308 : i32
      %broadcast_in_dim3A_310 = vector.broadcast %add3A_309 : i32 to vector<16xi32>
      %gather3A_311 = tpu.vector_load_idx %arg9[%broadcast_in_dim3A_310] : memref<512xf32, #tpu.memory_space<vmem>>[vector<16xi32>], vector<16xf32>,
      %scan3A_312 = arith.constant 0 : i32
      %scan3A_313 = arith.constant 0 : i32
      %scan3A_314 = arith.constant 48 : i32
      %scan3A_315 = arith.addi %scan3A_313, %scan3A_314 : i32
      %scan3A_316 = arith.constant 1 : i32
      %scan3A_317 = scf.for %scan3A_319 = %scan3A_313 to %scan3A_315 step %scan3A_316 iter_args(%scan3A_320 = %scan3A_312) -> (i32)  : i32 {
        %mul3A_321 = arith.constant 16 : i32
        %mul3A_322 = arith.muli %scan3A_319, %mul3A_321 : i32
        %get3A = arith.index_cast %scan3A_298 : i32 to index
        %get3A_323 = arith.index_cast %mul3A_322 : i32 to index
        %get3A_324 = tpu.vector_load %arg11[%get3A, %get3A_323] {strides = array<i32>} : memref<32x768xf32, #tpu.memory_space<vmem>>, vector<16xf32>,
        %mul3A_325 = arith.mulf %get3A_324, %gather3A : vector<16xf32>
        %get3A_326 = arith.index_cast %scan3A_298 : i32 to index
        %get3A_327 = arith.index_cast %mul3A_322 : i32 to index
        %get3A_328 = tpu.vector_load %arg13[%get3A_326, %get3A_327] {strides = array<i32>} : memref<32x768xf32, #tpu.memory_space<vmem>>, vector<16xf32>,
        %mul3A_329 = arith.mulf %get3A_328, %gather3A_311 : vector<16xf32>
        %add3A_330 = arith.addf %mul3A_325, %mul3A_329 : vector<16xf32>
        %swap3A = arith.index_cast %scan3A_298 : i32 to index
        %swap3A_331 = arith.index_cast %mul3A_322 : i32 to index
        %swap3A_332 = tpu.vector_load %arg14[%swap3A, %swap3A_331] {strides = array<i32>} : memref<32x768xf32, #tpu.memory_space<vmem>>, vector<16xf32>,
        tpu.vector_store %arg14[%swap3A, %swap3A_331], %add3A_330 {strides = array<i32>} : memref<32x768xf32, #tpu.memory_space<vmem>>, vector<16xf32>,
        %scan3A_333 = arith.constant 0 : i32
        scf.yield %scan3A_333 : i32
      }
      %scan3A_318 = arith.constant 48 : i32
      scf.yield %scan3A_317 : i32
    }
    %scan3A_161 = arith.constant 32 : i32
    %add3A_162 = arith.constant 96 : i32
    %add3A_163 = arith.addi %mul3A_2, %add3A_162 : i32
    "tpu.region"() ({
      %run_scoped3A = tpu.sem_alloc : memref<!tpu.dma_semaphore, #tpu.memory_space<semaphore_mem>>
      %dma_start3A_298 = arith.constant 0 : i32
      %dma_start3A_299 = tpu.memref_slice %arg6[%add3A_163, %dma_start3A_298] : memref<8192x768xf32, #tpu.memory_space<hbm>> -> memref<32x768xf32, #tpu.memory_space<hbm>>
      %dma_start3A_300 = arith.constant 0 : i32
      %dma_start3A_301 = tpu.memref_slice %arg6[%add3A_163, %dma_start3A_300] : memref<8192x768xf32, #tpu.memory_space<hbm>> -> memref<32x768xf32, #tpu.memory_space<hbm>>
      tpu.enqueue_dma source(%arg14 : memref<32x768xf32, #tpu.memory_space<vmem>>) target(%dma_start3A_301 : memref<32x768xf32, #tpu.memory_space<hbm>>) target_semaphore(%run_scoped3A : memref<!tpu.dma_semaphore, #tpu.memory_space<semaphore_mem>>)
      %dma_wait3A_302 = arith.constant 0 : i32
      %dma_wait3A_303 = tpu.memref_slice %arg6[%add3A_163, %dma_wait3A_302] : memref<8192x768xf32, #tpu.memory_space<hbm>> -> memref<32x768xf32, #tpu.memory_space<hbm>>
      %dma_wait3A_304 = arith.constant 0 : i32
      %dma_wait3A_305 = tpu.memref_slice %arg6[%add3A_163, %dma_wait3A_304] : memref<8192x768xf32, #tpu.memory_space<hbm>> -> memref<32x768xf32, #tpu.memory_space<hbm>>
      tpu.wait_dma2 semaphore(%run_scoped3A : memref<!tpu.dma_semaphore, #tpu.memory_space<semaphore_mem>>) src(%arg14 : memref<32x768xf32, #tpu.memory_space<vmem>>) dst(%dma_wait3A_305 : memref<32x768xf32, #tpu.memory_space<hbm>>)
      tpu.yield
    }) : () -> ()
    %dma_wait3A_164 = arith.constant 2 : i32
    %dma_wait3A_165 = arith.constant 0 : i32
    %dma_wait3A_166 = tpu.memref_slice %arg7[%dma_wait3A_164, %dma_wait3A_165] : memref<4x64xi32, #tpu.memory_space<vmem>> -> memref<1x32xi32, #tpu.memory_space<vmem>>
    %dma_wait3A_167 = tpu.memref_squeeze %dma_wait3A_166 : memref<1x32xi32, #tpu.memory_space<vmem>> -> memref<32xi32, #tpu.memory_space<vmem>>
    %dma_wait3A_168 = arith.constant 0 : i32
    %dma_wait3A_169 = arith.constant 0 : i32
    %dma_wait3A_170 = tpu.memref_slice %arg2[%dma_wait3A_168, %dma_wait3A_169] : memref<16384x768xf32, #tpu.memory_space<hbm>> -> memref<16384x768xf32, #tpu.memory_space<hbm>>
    tpu.wait_indirect_dma semaphore(%arg15 : memref<!tpu.dma_semaphore, #tpu.memory_space<semaphore_mem>>) src(%dma_wait3A_170 : memref<16384x768xf32, #tpu.memory_space<hbm>>) dst(%arg10 : memref<32x768xf32, #tpu.memory_space<vmem>>)
    %dma_wait3A_171 = arith.constant 2 : i32
    %dma_wait3A_172 = arith.constant 0 : i32
    %dma_wait3A_173 = tpu.memref_slice %arg8[%dma_wait3A_171, %dma_wait3A_172] : memref<4x64xi32, #tpu.memory_space<vmem>> -> memref<1x32xi32, #tpu.memory_space<vmem>>
    %dma_wait3A_174 = tpu.memref_squeeze %dma_wait3A_173 : memref<1x32xi32, #tpu.memory_space<vmem>> -> memref<32xi32, #tpu.memory_space<vmem>>
    %dma_wait3A_175 = arith.constant 0 : i32
    %dma_wait3A_176 = arith.constant 0 : i32
    %dma_wait3A_177 = tpu.memref_slice %arg2[%dma_wait3A_175, %dma_wait3A_176] : memref<16384x768xf32, #tpu.memory_space<hbm>> -> memref<16384x768xf32, #tpu.memory_space<hbm>>
    tpu.wait_indirect_dma semaphore(%arg16 : memref<!tpu.dma_semaphore, #tpu.memory_space<semaphore_mem>>) src(%dma_wait3A_177 : memref<16384x768xf32, #tpu.memory_space<hbm>>) dst(%arg12 : memref<32x768xf32, #tpu.memory_space<vmem>>)
    %dma_start3A_178 = arith.constant 2 : i32
    %dma_start3A_179 = arith.constant 32 : i32
    %dma_start3A_180 = tpu.memref_slice %arg7[%dma_start3A_178, %dma_start3A_179] : memref<4x64xi32, #tpu.memory_space<vmem>> -> memref<1x32xi32, #tpu.memory_space<vmem>>
    %dma_start3A_181 = tpu.memref_squeeze %dma_start3A_180 : memref<1x32xi32, #tpu.memory_space<vmem>> -> memref<32xi32, #tpu.memory_space<vmem>>
    %dma_start3A_182 = arith.constant 0 : i32
    %dma_start3A_183 = arith.constant 0 : i32
    %dma_start3A_184 = tpu.memref_slice %arg2[%dma_start3A_182, %dma_start3A_183] : memref<16384x768xf32, #tpu.memory_space<hbm>> -> memref<16384x768xf32, #tpu.memory_space<hbm>>
    tpu.enqueue_indirect_dma source(%dma_start3A_184 : memref<16384x768xf32, #tpu.memory_space<hbm>>) target(%arg11 : memref<32x768xf32, #tpu.memory_space<vmem>>) offsets(%dma_start3A_181 : memref<32xi32, #tpu.memory_space<vmem>>) semaphore(%arg15 : memref<!tpu.dma_semaphore, #tpu.memory_space<semaphore_mem>>)
    %dma_start3A_185 = arith.constant 2 : i32
    %dma_start3A_186 = arith.constant 32 : i32
    %dma_start3A_187 = tpu.memref_slice %arg8[%dma_start3A_185, %dma_start3A_186] : memref<4x64xi32, #tpu.memory_space<vmem>> -> memref<1x32xi32, #tpu.memory_space<vmem>>
    %dma_start3A_188 = tpu.memref_squeeze %dma_start3A_187 : memref<1x32xi32, #tpu.memory_space<vmem>> -> memref<32xi32, #tpu.memory_space<vmem>>
    %dma_start3A_189 = arith.constant 0 : i32
    %dma_start3A_190 = arith.constant 0 : i32
    %dma_start3A_191 = tpu.memref_slice %arg2[%dma_start3A_189, %dma_start3A_190] : memref<16384x768xf32, #tpu.memory_space<hbm>> -> memref<16384x768xf32, #tpu.memory_space<hbm>>
    tpu.enqueue_indirect_dma source(%dma_start3A_191 : memref<16384x768xf32, #tpu.memory_space<hbm>>) target(%arg13 : memref<32x768xf32, #tpu.memory_space<vmem>>) offsets(%dma_start3A_188 : memref<32xi32, #tpu.memory_space<vmem>>) semaphore(%arg16 : memref<!tpu.dma_semaphore, #tpu.memory_space<semaphore_mem>>)
    %scan3A_192 = arith.constant 0 : i32
    %scan3A_193 = arith.constant 0 : i32
    %scan3A_194 = arith.constant 32 : i32
    %scan3A_195 = arith.addi %scan3A_193, %scan3A_194 : i32
    %scan3A_196 = arith.constant 1 : i32
    %scan3A_197 = scf.for %scan3A_298 = %scan3A_193 to %scan3A_195 step %scan3A_196 iter_args(%scan3A_299 = %scan3A_192) -> (i32)  : i32 {
      %add3A_300 = arith.constant 128 : i32
      %add3A_301 = arith.addi %add3A_300, %scan3A_298 : i32
      %mul3A_302 = arith.constant 2 : i32
      %mul3A_303 = arith.muli %mul3A_302, %add3A_301 : i32
      %broadcast_in_dim3A = vector.broadcast %mul3A_303 : i32 to vector<16xi32>
      %gather3A = tpu.vector_load_idx %arg9[%broadcast_in_dim3A] : memref<512xf32, #tpu.memory_space<vmem>>[vector<16xi32>], vector<16xf32>,
      %add3A_304 = arith.constant 128 : i32
      %add3A_305 = arith.addi %add3A_304, %scan3A_298 : i32
      %mul3A_306 = arith.constant 2 : i32
      %mul3A_307 = arith.muli %mul3A_306, %add3A_305 : i32
      %add3A_308 = arith.constant 1 : i32
      %add3A_309 = arith.addi %mul3A_307, %add3A_308 : i32
      %broadcast_in_dim3A_310 = vector.broadcast %add3A_309 : i32 to vector<16xi32>
      %gather3A_311 = tpu.vector_load_idx %arg9[%broadcast_in_dim3A_310] : memref<512xf32, #tpu.memory_space<vmem>>[vector<16xi32>], vector<16xf32>,
      %scan3A_312 = arith.constant 0 : i32
      %scan3A_313 = arith.constant 0 : i32
      %scan3A_314 = arith.constant 48 : i32
      %scan3A_315 = arith.addi %scan3A_313, %scan3A_314 : i32
      %scan3A_316 = arith.constant 1 : i32
      %scan3A_317 = scf.for %scan3A_319 = %scan3A_313 to %scan3A_315 step %scan3A_316 iter_args(%scan3A_320 = %scan3A_312) -> (i32)  : i32 {
        %mul3A_321 = arith.constant 16 : i32
        %mul3A_322 = arith.muli %scan3A_319, %mul3A_321 : i32
        %get3A = arith.index_cast %scan3A_298 : i32 to index
        %get3A_323 = arith.index_cast %mul3A_322 : i32 to index
        %get3A_324 = tpu.vector_load %arg10[%get3A, %get3A_323] {strides = array<i32>} : memref<32x768xf32, #tpu.memory_space<vmem>>, vector<16xf32>,
        %mul3A_325 = arith.mulf %get3A_324, %gather3A : vector<16xf32>
        %get3A_326 = arith.index_cast %scan3A_298 : i32 to index
        %get3A_327 = arith.index_cast %mul3A_322 : i32 to index
        %get3A_328 = tpu.vector_load %arg12[%get3A_326, %get3A_327] {strides = array<i32>} : memref<32x768xf32, #tpu.memory_space<vmem>>, vector<16xf32>,
        %mul3A_329 = arith.mulf %get3A_328, %gather3A_311 : vector<16xf32>
        %add3A_330 = arith.addf %mul3A_325, %mul3A_329 : vector<16xf32>
        %swap3A = arith.index_cast %scan3A_298 : i32 to index
        %swap3A_331 = arith.index_cast %mul3A_322 : i32 to index
        %swap3A_332 = tpu.vector_load %arg14[%swap3A, %swap3A_331] {strides = array<i32>} : memref<32x768xf32, #tpu.memory_space<vmem>>, vector<16xf32>,
        tpu.vector_store %arg14[%swap3A, %swap3A_331], %add3A_330 {strides = array<i32>} : memref<32x768xf32, #tpu.memory_space<vmem>>, vector<16xf32>,
        %scan3A_333 = arith.constant 0 : i32
        scf.yield %scan3A_333 : i32
      }
      %scan3A_318 = arith.constant 48 : i32
      scf.yield %scan3A_317 : i32
    }
    %scan3A_198 = arith.constant 32 : i32
    %add3A_199 = arith.constant 128 : i32
    %add3A_200 = arith.addi %mul3A_2, %add3A_199 : i32
    "tpu.region"() ({
      %run_scoped3A = tpu.sem_alloc : memref<!tpu.dma_semaphore, #tpu.memory_space<semaphore_mem>>
      %dma_start3A_298 = arith.constant 0 : i32
      %dma_start3A_299 = tpu.memref_slice %arg6[%add3A_200, %dma_start3A_298] : memref<8192x768xf32, #tpu.memory_space<hbm>> -> memref<32x768xf32, #tpu.memory_space<hbm>>
      %dma_start3A_300 = arith.constant 0 : i32
      %dma_start3A_301 = tpu.memref_slice %arg6[%add3A_200, %dma_start3A_300] : memref<8192x768xf32, #tpu.memory_space<hbm>> -> memref<32x768xf32, #tpu.memory_space<hbm>>
      tpu.enqueue_dma source(%arg14 : memref<32x768xf32, #tpu.memory_space<vmem>>) target(%dma_start3A_301 : memref<32x768xf32, #tpu.memory_space<hbm>>) target_semaphore(%run_scoped3A : memref<!tpu.dma_semaphore, #tpu.memory_space<semaphore_mem>>)
      %dma_wait3A_302 = arith.constant 0 : i32
      %dma_wait3A_303 = tpu.memref_slice %arg6[%add3A_200, %dma_wait3A_302] : memref<8192x768xf32, #tpu.memory_space<hbm>> -> memref<32x768xf32, #tpu.memory_space<hbm>>
      %dma_wait3A_304 = arith.constant 0 : i32
      %dma_wait3A_305 = tpu.memref_slice %arg6[%add3A_200, %dma_wait3A_304] : memref<8192x768xf32, #tpu.memory_space<hbm>> -> memref<32x768xf32, #tpu.memory_space<hbm>>
      tpu.wait_dma2 semaphore(%run_scoped3A : memref<!tpu.dma_semaphore, #tpu.memory_space<semaphore_mem>>) src(%arg14 : memref<32x768xf32, #tpu.memory_space<vmem>>) dst(%dma_wait3A_305 : memref<32x768xf32, #tpu.memory_space<hbm>>)
      tpu.yield
    }) : () -> ()
    %dma_wait3A_201 = arith.constant 2 : i32
    %dma_wait3A_202 = arith.constant 32 : i32
    %dma_wait3A_203 = tpu.memref_slice %arg7[%dma_wait3A_201, %dma_wait3A_202] : memref<4x64xi32, #tpu.memory_space<vmem>> -> memref<1x32xi32, #tpu.memory_space<vmem>>
    %dma_wait3A_204 = tpu.memref_squeeze %dma_wait3A_203 : memref<1x32xi32, #tpu.memory_space<vmem>> -> memref<32xi32, #tpu.memory_space<vmem>>
    %dma_wait3A_205 = arith.constant 0 : i32
    %dma_wait3A_206 = arith.constant 0 : i32
    %dma_wait3A_207 = tpu.memref_slice %arg2[%dma_wait3A_205, %dma_wait3A_206] : memref<16384x768xf32, #tpu.memory_space<hbm>> -> memref<16384x768xf32, #tpu.memory_space<hbm>>
    tpu.wait_indirect_dma semaphore(%arg15 : memref<!tpu.dma_semaphore, #tpu.memory_space<semaphore_mem>>) src(%dma_wait3A_207 : memref<16384x768xf32, #tpu.memory_space<hbm>>) dst(%arg11 : memref<32x768xf32, #tpu.memory_space<vmem>>)
    %dma_wait3A_208 = arith.constant 2 : i32
    %dma_wait3A_209 = arith.constant 32 : i32
    %dma_wait3A_210 = tpu.memref_slice %arg8[%dma_wait3A_208, %dma_wait3A_209] : memref<4x64xi32, #tpu.memory_space<vmem>> -> memref<1x32xi32, #tpu.memory_space<vmem>>
    %dma_wait3A_211 = tpu.memref_squeeze %dma_wait3A_210 : memref<1x32xi32, #tpu.memory_space<vmem>> -> memref<32xi32, #tpu.memory_space<vmem>>
    %dma_wait3A_212 = arith.constant 0 : i32
    %dma_wait3A_213 = arith.constant 0 : i32
    %dma_wait3A_214 = tpu.memref_slice %arg2[%dma_wait3A_212, %dma_wait3A_213] : memref<16384x768xf32, #tpu.memory_space<hbm>> -> memref<16384x768xf32, #tpu.memory_space<hbm>>
    tpu.wait_indirect_dma semaphore(%arg16 : memref<!tpu.dma_semaphore, #tpu.memory_space<semaphore_mem>>) src(%dma_wait3A_214 : memref<16384x768xf32, #tpu.memory_space<hbm>>) dst(%arg13 : memref<32x768xf32, #tpu.memory_space<vmem>>)
    %dma_start3A_215 = arith.constant 3 : i32
    %dma_start3A_216 = arith.constant 0 : i32
    %dma_start3A_217 = tpu.memref_slice %arg7[%dma_start3A_215, %dma_start3A_216] : memref<4x64xi32, #tpu.memory_space<vmem>> -> memref<1x32xi32, #tpu.memory_space<vmem>>
    %dma_start3A_218 = tpu.memref_squeeze %dma_start3A_217 : memref<1x32xi32, #tpu.memory_space<vmem>> -> memref<32xi32, #tpu.memory_space<vmem>>
    %dma_start3A_219 = arith.constant 0 : i32
    %dma_start3A_220 = arith.constant 0 : i32
    %dma_start3A_221 = tpu.memref_slice %arg2[%dma_start3A_219, %dma_start3A_220] : memref<16384x768xf32, #tpu.memory_space<hbm>> -> memref<16384x768xf32, #tpu.memory_space<hbm>>
    tpu.enqueue_indirect_dma source(%dma_start3A_221 : memref<16384x768xf32, #tpu.memory_space<hbm>>) target(%arg10 : memref<32x768xf32, #tpu.memory_space<vmem>>) offsets(%dma_start3A_218 : memref<32xi32, #tpu.memory_space<vmem>>) semaphore(%arg15 : memref<!tpu.dma_semaphore, #tpu.memory_space<semaphore_mem>>)
    %dma_start3A_222 = arith.constant 3 : i32
    %dma_start3A_223 = arith.constant 0 : i32
    %dma_start3A_224 = tpu.memref_slice %arg8[%dma_start3A_222, %dma_start3A_223] : memref<4x64xi32, #tpu.memory_space<vmem>> -> memref<1x32xi32, #tpu.memory_space<vmem>>
    %dma_start3A_225 = tpu.memref_squeeze %dma_start3A_224 : memref<1x32xi32, #tpu.memory_space<vmem>> -> memref<32xi32, #tpu.memory_space<vmem>>
    %dma_start3A_226 = arith.constant 0 : i32
    %dma_start3A_227 = arith.constant 0 : i32
    %dma_start3A_228 = tpu.memref_slice %arg2[%dma_start3A_226, %dma_start3A_227] : memref<16384x768xf32, #tpu.memory_space<hbm>> -> memref<16384x768xf32, #tpu.memory_space<hbm>>
    tpu.enqueue_indirect_dma source(%dma_start3A_228 : memref<16384x768xf32, #tpu.memory_space<hbm>>) target(%arg12 : memref<32x768xf32, #tpu.memory_space<vmem>>) offsets(%dma_start3A_225 : memref<32xi32, #tpu.memory_space<vmem>>) semaphore(%arg16 : memref<!tpu.dma_semaphore, #tpu.memory_space<semaphore_mem>>)
    %scan3A_229 = arith.constant 0 : i32
    %scan3A_230 = arith.constant 0 : i32
    %scan3A_231 = arith.constant 32 : i32
    %scan3A_232 = arith.addi %scan3A_230, %scan3A_231 : i32
    %scan3A_233 = arith.constant 1 : i32
    %scan3A_234 = scf.for %scan3A_298 = %scan3A_230 to %scan3A_232 step %scan3A_233 iter_args(%scan3A_299 = %scan3A_229) -> (i32)  : i32 {
      %add3A_300 = arith.constant 160 : i32
      %add3A_301 = arith.addi %add3A_300, %scan3A_298 : i32
      %mul3A_302 = arith.constant 2 : i32
      %mul3A_303 = arith.muli %mul3A_302, %add3A_301 : i32
      %broadcast_in_dim3A = vector.broadcast %mul3A_303 : i32 to vector<16xi32>
      %gather3A = tpu.vector_load_idx %arg9[%broadcast_in_dim3A] : memref<512xf32, #tpu.memory_space<vmem>>[vector<16xi32>], vector<16xf32>,
      %add3A_304 = arith.constant 160 : i32
      %add3A_305 = arith.addi %add3A_304, %scan3A_298 : i32
      %mul3A_306 = arith.constant 2 : i32
      %mul3A_307 = arith.muli %mul3A_306, %add3A_305 : i32
      %add3A_308 = arith.constant 1 : i32
      %add3A_309 = arith.addi %mul3A_307, %add3A_308 : i32
      %broadcast_in_dim3A_310 = vector.broadcast %add3A_309 : i32 to vector<16xi32>
      %gather3A_311 = tpu.vector_load_idx %arg9[%broadcast_in_dim3A_310] : memref<512xf32, #tpu.memory_space<vmem>>[vector<16xi32>], vector<16xf32>,
      %scan3A_312 = arith.constant 0 : i32
      %scan3A_313 = arith.constant 0 : i32
      %scan3A_314 = arith.constant 48 : i32
      %scan3A_315 = arith.addi %scan3A_313, %scan3A_314 : i32
      %scan3A_316 = arith.constant 1 : i32
      %scan3A_317 = scf.for %scan3A_319 = %scan3A_313 to %scan3A_315 step %scan3A_316 iter_args(%scan3A_320 = %scan3A_312) -> (i32)  : i32 {
        %mul3A_321 = arith.constant 16 : i32
        %mul3A_322 = arith.muli %scan3A_319, %mul3A_321 : i32
        %get3A = arith.index_cast %scan3A_298 : i32 to index
        %get3A_323 = arith.index_cast %mul3A_322 : i32 to index
        %get3A_324 = tpu.vector_load %arg11[%get3A, %get3A_323] {strides = array<i32>} : memref<32x768xf32, #tpu.memory_space<vmem>>, vector<16xf32>,
        %mul3A_325 = arith.mulf %get3A_324, %gather3A : vector<16xf32>
        %get3A_326 = arith.index_cast %scan3A_298 : i32 to index
        %get3A_327 = arith.index_cast %mul3A_322 : i32 to index
        %get3A_328 = tpu.vector_load %arg13[%get3A_326, %get3A_327] {strides = array<i32>} : memref<32x768xf32, #tpu.memory_space<vmem>>, vector<16xf32>,
        %mul3A_329 = arith.mulf %get3A_328, %gather3A_311 : vector<16xf32>
        %add3A_330 = arith.addf %mul3A_325, %mul3A_329 : vector<16xf32>
        %swap3A = arith.index_cast %scan3A_298 : i32 to index
        %swap3A_331 = arith.index_cast %mul3A_322 : i32 to index
        %swap3A_332 = tpu.vector_load %arg14[%swap3A, %swap3A_331] {strides = array<i32>} : memref<32x768xf32, #tpu.memory_space<vmem>>, vector<16xf32>,
        tpu.vector_store %arg14[%swap3A, %swap3A_331], %add3A_330 {strides = array<i32>} : memref<32x768xf32, #tpu.memory_space<vmem>>, vector<16xf32>,
        %scan3A_333 = arith.constant 0 : i32
        scf.yield %scan3A_333 : i32
      }
      %scan3A_318 = arith.constant 48 : i32
      scf.yield %scan3A_317 : i32
    }
    %scan3A_235 = arith.constant 32 : i32
    %add3A_236 = arith.constant 160 : i32
    %add3A_237 = arith.addi %mul3A_2, %add3A_236 : i32
    "tpu.region"() ({
      %run_scoped3A = tpu.sem_alloc : memref<!tpu.dma_semaphore, #tpu.memory_space<semaphore_mem>>
      %dma_start3A_298 = arith.constant 0 : i32
      %dma_start3A_299 = tpu.memref_slice %arg6[%add3A_237, %dma_start3A_298] : memref<8192x768xf32, #tpu.memory_space<hbm>> -> memref<32x768xf32, #tpu.memory_space<hbm>>
      %dma_start3A_300 = arith.constant 0 : i32
      %dma_start3A_301 = tpu.memref_slice %arg6[%add3A_237, %dma_start3A_300] : memref<8192x768xf32, #tpu.memory_space<hbm>> -> memref<32x768xf32, #tpu.memory_space<hbm>>
      tpu.enqueue_dma source(%arg14 : memref<32x768xf32, #tpu.memory_space<vmem>>) target(%dma_start3A_301 : memref<32x768xf32, #tpu.memory_space<hbm>>) target_semaphore(%run_scoped3A : memref<!tpu.dma_semaphore, #tpu.memory_space<semaphore_mem>>)
      %dma_wait3A_302 = arith.constant 0 : i32
      %dma_wait3A_303 = tpu.memref_slice %arg6[%add3A_237, %dma_wait3A_302] : memref<8192x768xf32, #tpu.memory_space<hbm>> -> memref<32x768xf32, #tpu.memory_space<hbm>>
      %dma_wait3A_304 = arith.constant 0 : i32
      %dma_wait3A_305 = tpu.memref_slice %arg6[%add3A_237, %dma_wait3A_304] : memref<8192x768xf32, #tpu.memory_space<hbm>> -> memref<32x768xf32, #tpu.memory_space<hbm>>
      tpu.wait_dma2 semaphore(%run_scoped3A : memref<!tpu.dma_semaphore, #tpu.memory_space<semaphore_mem>>) src(%arg14 : memref<32x768xf32, #tpu.memory_space<vmem>>) dst(%dma_wait3A_305 : memref<32x768xf32, #tpu.memory_space<hbm>>)
      tpu.yield
    }) : () -> ()
    %dma_wait3A_238 = arith.constant 3 : i32
    %dma_wait3A_239 = arith.constant 0 : i32
    %dma_wait3A_240 = tpu.memref_slice %arg7[%dma_wait3A_238, %dma_wait3A_239] : memref<4x64xi32, #tpu.memory_space<vmem>> -> memref<1x32xi32, #tpu.memory_space<vmem>>
    %dma_wait3A_241 = tpu.memref_squeeze %dma_wait3A_240 : memref<1x32xi32, #tpu.memory_space<vmem>> -> memref<32xi32, #tpu.memory_space<vmem>>
    %dma_wait3A_242 = arith.constant 0 : i32
    %dma_wait3A_243 = arith.constant 0 : i32
    %dma_wait3A_244 = tpu.memref_slice %arg2[%dma_wait3A_242, %dma_wait3A_243] : memref<16384x768xf32, #tpu.memory_space<hbm>> -> memref<16384x768xf32, #tpu.memory_space<hbm>>
    tpu.wait_indirect_dma semaphore(%arg15 : memref<!tpu.dma_semaphore, #tpu.memory_space<semaphore_mem>>) src(%dma_wait3A_244 : memref<16384x768xf32, #tpu.memory_space<hbm>>) dst(%arg10 : memref<32x768xf32, #tpu.memory_space<vmem>>)
    %dma_wait3A_245 = arith.constant 3 : i32
    %dma_wait3A_246 = arith.constant 0 : i32
    %dma_wait3A_247 = tpu.memref_slice %arg8[%dma_wait3A_245, %dma_wait3A_246] : memref<4x64xi32, #tpu.memory_space<vmem>> -> memref<1x32xi32, #tpu.memory_space<vmem>>
    %dma_wait3A_248 = tpu.memref_squeeze %dma_wait3A_247 : memref<1x32xi32, #tpu.memory_space<vmem>> -> memref<32xi32, #tpu.memory_space<vmem>>
    %dma_wait3A_249 = arith.constant 0 : i32
    %dma_wait3A_250 = arith.constant 0 : i32
    %dma_wait3A_251 = tpu.memref_slice %arg2[%dma_wait3A_249, %dma_wait3A_250] : memref<16384x768xf32, #tpu.memory_space<hbm>> -> memref<16384x768xf32, #tpu.memory_space<hbm>>
    tpu.wait_indirect_dma semaphore(%arg16 : memref<!tpu.dma_semaphore, #tpu.memory_space<semaphore_mem>>) src(%dma_wait3A_251 : memref<16384x768xf32, #tpu.memory_space<hbm>>) dst(%arg12 : memref<32x768xf32, #tpu.memory_space<vmem>>)
    %dma_start3A_252 = arith.constant 3 : i32
    %dma_start3A_253 = arith.constant 32 : i32
    %dma_start3A_254 = tpu.memref_slice %arg7[%dma_start3A_252, %dma_start3A_253] : memref<4x64xi32, #tpu.memory_space<vmem>> -> memref<1x32xi32, #tpu.memory_space<vmem>>
    %dma_start3A_255 = tpu.memref_squeeze %dma_start3A_254 : memref<1x32xi32, #tpu.memory_space<vmem>> -> memref<32xi32, #tpu.memory_space<vmem>>
    %dma_start3A_256 = arith.constant 0 : i32
    %dma_start3A_257 = arith.constant 0 : i32
    %dma_start3A_258 = tpu.memref_slice %arg2[%dma_start3A_256, %dma_start3A_257] : memref<16384x768xf32, #tpu.memory_space<hbm>> -> memref<16384x768xf32, #tpu.memory_space<hbm>>
    tpu.enqueue_indirect_dma source(%dma_start3A_258 : memref<16384x768xf32, #tpu.memory_space<hbm>>) target(%arg11 : memref<32x768xf32, #tpu.memory_space<vmem>>) offsets(%dma_start3A_255 : memref<32xi32, #tpu.memory_space<vmem>>) semaphore(%arg15 : memref<!tpu.dma_semaphore, #tpu.memory_space<semaphore_mem>>)
    %dma_start3A_259 = arith.constant 3 : i32
    %dma_start3A_260 = arith.constant 32 : i32
    %dma_start3A_261 = tpu.memref_slice %arg8[%dma_start3A_259, %dma_start3A_260] : memref<4x64xi32, #tpu.memory_space<vmem>> -> memref<1x32xi32, #tpu.memory_space<vmem>>
    %dma_start3A_262 = tpu.memref_squeeze %dma_start3A_261 : memref<1x32xi32, #tpu.memory_space<vmem>> -> memref<32xi32, #tpu.memory_space<vmem>>
    %dma_start3A_263 = arith.constant 0 : i32
    %dma_start3A_264 = arith.constant 0 : i32
    %dma_start3A_265 = tpu.memref_slice %arg2[%dma_start3A_263, %dma_start3A_264] : memref<16384x768xf32, #tpu.memory_space<hbm>> -> memref<16384x768xf32, #tpu.memory_space<hbm>>
    tpu.enqueue_indirect_dma source(%dma_start3A_265 : memref<16384x768xf32, #tpu.memory_space<hbm>>) target(%arg13 : memref<32x768xf32, #tpu.memory_space<vmem>>) offsets(%dma_start3A_262 : memref<32xi32, #tpu.memory_space<vmem>>) semaphore(%arg16 : memref<!tpu.dma_semaphore, #tpu.memory_space<semaphore_mem>>)
    %scan3A_266 = arith.constant 0 : i32
    %scan3A_267 = arith.constant 0 : i32
    %scan3A_268 = arith.constant 32 : i32
    %scan3A_269 = arith.addi %scan3A_267, %scan3A_268 : i32
    %scan3A_270 = arith.constant 1 : i32
    %scan3A_271 = scf.for %scan3A_298 = %scan3A_267 to %scan3A_269 step %scan3A_270 iter_args(%scan3A_299 = %scan3A_266) -> (i32)  : i32 {
      %add3A_300 = arith.constant 192 : i32
      %add3A_301 = arith.addi %add3A_300, %scan3A_298 : i32
      %mul3A_302 = arith.constant 2 : i32
      %mul3A_303 = arith.muli %mul3A_302, %add3A_301 : i32
      %broadcast_in_dim3A = vector.broadcast %mul3A_303 : i32 to vector<16xi32>
      %gather3A = tpu.vector_load_idx %arg9[%broadcast_in_dim3A] : memref<512xf32, #tpu.memory_space<vmem>>[vector<16xi32>], vector<16xf32>,
      %add3A_304 = arith.constant 192 : i32
      %add3A_305 = arith.addi %add3A_304, %scan3A_298 : i32
      %mul3A_306 = arith.constant 2 : i32
      %mul3A_307 = arith.muli %mul3A_306, %add3A_305 : i32
      %add3A_308 = arith.constant 1 : i32
      %add3A_309 = arith.addi %mul3A_307, %add3A_308 : i32
      %broadcast_in_dim3A_310 = vector.broadcast %add3A_309 : i32 to vector<16xi32>
      %gather3A_311 = tpu.vector_load_idx %arg9[%broadcast_in_dim3A_310] : memref<512xf32, #tpu.memory_space<vmem>>[vector<16xi32>], vector<16xf32>,
      %scan3A_312 = arith.constant 0 : i32
      %scan3A_313 = arith.constant 0 : i32
      %scan3A_314 = arith.constant 48 : i32
      %scan3A_315 = arith.addi %scan3A_313, %scan3A_314 : i32
      %scan3A_316 = arith.constant 1 : i32
      %scan3A_317 = scf.for %scan3A_319 = %scan3A_313 to %scan3A_315 step %scan3A_316 iter_args(%scan3A_320 = %scan3A_312) -> (i32)  : i32 {
        %mul3A_321 = arith.constant 16 : i32
        %mul3A_322 = arith.muli %scan3A_319, %mul3A_321 : i32
        %get3A = arith.index_cast %scan3A_298 : i32 to index
        %get3A_323 = arith.index_cast %mul3A_322 : i32 to index
        %get3A_324 = tpu.vector_load %arg10[%get3A, %get3A_323] {strides = array<i32>} : memref<32x768xf32, #tpu.memory_space<vmem>>, vector<16xf32>,
        %mul3A_325 = arith.mulf %get3A_324, %gather3A : vector<16xf32>
        %get3A_326 = arith.index_cast %scan3A_298 : i32 to index
        %get3A_327 = arith.index_cast %mul3A_322 : i32 to index
        %get3A_328 = tpu.vector_load %arg12[%get3A_326, %get3A_327] {strides = array<i32>} : memref<32x768xf32, #tpu.memory_space<vmem>>, vector<16xf32>,
        %mul3A_329 = arith.mulf %get3A_328, %gather3A_311 : vector<16xf32>
        %add3A_330 = arith.addf %mul3A_325, %mul3A_329 : vector<16xf32>
        %swap3A = arith.index_cast %scan3A_298 : i32 to index
        %swap3A_331 = arith.index_cast %mul3A_322 : i32 to index
        %swap3A_332 = tpu.vector_load %arg14[%swap3A, %swap3A_331] {strides = array<i32>} : memref<32x768xf32, #tpu.memory_space<vmem>>, vector<16xf32>,
        tpu.vector_store %arg14[%swap3A, %swap3A_331], %add3A_330 {strides = array<i32>} : memref<32x768xf32, #tpu.memory_space<vmem>>, vector<16xf32>,
        %scan3A_333 = arith.constant 0 : i32
        scf.yield %scan3A_333 : i32
      }
      %scan3A_318 = arith.constant 48 : i32
      scf.yield %scan3A_317 : i32
    }
    %scan3A_272 = arith.constant 32 : i32
    %add3A_273 = arith.constant 192 : i32
    %add3A_274 = arith.addi %mul3A_2, %add3A_273 : i32
    "tpu.region"() ({
      %run_scoped3A = tpu.sem_alloc : memref<!tpu.dma_semaphore, #tpu.memory_space<semaphore_mem>>
      %dma_start3A_298 = arith.constant 0 : i32
      %dma_start3A_299 = tpu.memref_slice %arg6[%add3A_274, %dma_start3A_298] : memref<8192x768xf32, #tpu.memory_space<hbm>> -> memref<32x768xf32, #tpu.memory_space<hbm>>
      %dma_start3A_300 = arith.constant 0 : i32
      %dma_start3A_301 = tpu.memref_slice %arg6[%add3A_274, %dma_start3A_300] : memref<8192x768xf32, #tpu.memory_space<hbm>> -> memref<32x768xf32, #tpu.memory_space<hbm>>
      tpu.enqueue_dma source(%arg14 : memref<32x768xf32, #tpu.memory_space<vmem>>) target(%dma_start3A_301 : memref<32x768xf32, #tpu.memory_space<hbm>>) target_semaphore(%run_scoped3A : memref<!tpu.dma_semaphore, #tpu.memory_space<semaphore_mem>>)
      %dma_wait3A_302 = arith.constant 0 : i32
      %dma_wait3A_303 = tpu.memref_slice %arg6[%add3A_274, %dma_wait3A_302] : memref<8192x768xf32, #tpu.memory_space<hbm>> -> memref<32x768xf32, #tpu.memory_space<hbm>>
      %dma_wait3A_304 = arith.constant 0 : i32
      %dma_wait3A_305 = tpu.memref_slice %arg6[%add3A_274, %dma_wait3A_304] : memref<8192x768xf32, #tpu.memory_space<hbm>> -> memref<32x768xf32, #tpu.memory_space<hbm>>
      tpu.wait_dma2 semaphore(%run_scoped3A : memref<!tpu.dma_semaphore, #tpu.memory_space<semaphore_mem>>) src(%arg14 : memref<32x768xf32, #tpu.memory_space<vmem>>) dst(%dma_wait3A_305 : memref<32x768xf32, #tpu.memory_space<hbm>>)
      tpu.yield
    }) : () -> ()
    %dma_wait3A_275 = arith.constant 3 : i32
    %dma_wait3A_276 = arith.constant 32 : i32
    %dma_wait3A_277 = tpu.memref_slice %arg7[%dma_wait3A_275, %dma_wait3A_276] : memref<4x64xi32, #tpu.memory_space<vmem>> -> memref<1x32xi32, #tpu.memory_space<vmem>>
    %dma_wait3A_278 = tpu.memref_squeeze %dma_wait3A_277 : memref<1x32xi32, #tpu.memory_space<vmem>> -> memref<32xi32, #tpu.memory_space<vmem>>
    %dma_wait3A_279 = arith.constant 0 : i32
    %dma_wait3A_280 = arith.constant 0 : i32
    %dma_wait3A_281 = tpu.memref_slice %arg2[%dma_wait3A_279, %dma_wait3A_280] : memref<16384x768xf32, #tpu.memory_space<hbm>> -> memref<16384x768xf32, #tpu.memory_space<hbm>>
    tpu.wait_indirect_dma semaphore(%arg15 : memref<!tpu.dma_semaphore, #tpu.memory_space<semaphore_mem>>) src(%dma_wait3A_281 : memref<16384x768xf32, #tpu.memory_space<hbm>>) dst(%arg11 : memref<32x768xf32, #tpu.memory_space<vmem>>)
    %dma_wait3A_282 = arith.constant 3 : i32
    %dma_wait3A_283 = arith.constant 32 : i32
    %dma_wait3A_284 = tpu.memref_slice %arg8[%dma_wait3A_282, %dma_wait3A_283] : memref<4x64xi32, #tpu.memory_space<vmem>> -> memref<1x32xi32, #tpu.memory_space<vmem>>
    %dma_wait3A_285 = tpu.memref_squeeze %dma_wait3A_284 : memref<1x32xi32, #tpu.memory_space<vmem>> -> memref<32xi32, #tpu.memory_space<vmem>>
    %dma_wait3A_286 = arith.constant 0 : i32
    %dma_wait3A_287 = arith.constant 0 : i32
    %dma_wait3A_288 = tpu.memref_slice %arg2[%dma_wait3A_286, %dma_wait3A_287] : memref<16384x768xf32, #tpu.memory_space<hbm>> -> memref<16384x768xf32, #tpu.memory_space<hbm>>
    tpu.wait_indirect_dma semaphore(%arg16 : memref<!tpu.dma_semaphore, #tpu.memory_space<semaphore_mem>>) src(%dma_wait3A_288 : memref<16384x768xf32, #tpu.memory_space<hbm>>) dst(%arg13 : memref<32x768xf32, #tpu.memory_space<vmem>>)
    %scan3A_289 = arith.constant 0 : i32
    %scan3A_290 = arith.constant 0 : i32
    %scan3A_291 = arith.constant 32 : i32
    %scan3A_292 = arith.addi %scan3A_290, %scan3A_291 : i32
    %scan3A_293 = arith.constant 1 : i32
    %scan3A_294 = scf.for %scan3A_298 = %scan3A_290 to %scan3A_292 step %scan3A_293 iter_args(%scan3A_299 = %scan3A_289) -> (i32)  : i32 {
      %add3A_300 = arith.constant 224 : i32
      %add3A_301 = arith.addi %add3A_300, %scan3A_298 : i32
      %mul3A_302 = arith.constant 2 : i32
      %mul3A_303 = arith.muli %mul3A_302, %add3A_301 : i32
      %broadcast_in_dim3A = vector.broadcast %mul3A_303 : i32 to vector<16xi32>
      %gather3A = tpu.vector_load_idx %arg9[%broadcast_in_dim3A] : memref<512xf32, #tpu.memory_space<vmem>>[vector<16xi32>], vector<16xf32>,
      %add3A_304 = arith.constant 224 : i32
      %add3A_305 = arith.addi %add3A_304, %scan3A_298 : i32
      %mul3A_306 = arith.constant 2 : i32
      %mul3A_307 = arith.muli %mul3A_306, %add3A_305 : i32
      %add3A_308 = arith.constant 1 : i32
      %add3A_309 = arith.addi %mul3A_307, %add3A_308 : i32
      %broadcast_in_dim3A_310 = vector.broadcast %add3A_309 : i32 to vector<16xi32>
      %gather3A_311 = tpu.vector_load_idx %arg9[%broadcast_in_dim3A_310] : memref<512xf32, #tpu.memory_space<vmem>>[vector<16xi32>], vector<16xf32>,
      %scan3A_312 = arith.constant 0 : i32
      %scan3A_313 = arith.constant 0 : i32
      %scan3A_314 = arith.constant 48 : i32
      %scan3A_315 = arith.addi %scan3A_313, %scan3A_314 : i32
      %scan3A_316 = arith.constant 1 : i32
      %scan3A_317 = scf.for %scan3A_319 = %scan3A_313 to %scan3A_315 step %scan3A_316 iter_args(%scan3A_320 = %scan3A_312) -> (i32)  : i32 {
        %mul3A_321 = arith.constant 16 : i32
        %mul3A_322 = arith.muli %scan3A_319, %mul3A_321 : i32
        %get3A = arith.index_cast %scan3A_298 : i32 to index
        %get3A_323 = arith.index_cast %mul3A_322 : i32 to index
        %get3A_324 = tpu.vector_load %arg11[%get3A, %get3A_323] {strides = array<i32>} : memref<32x768xf32, #tpu.memory_space<vmem>>, vector<16xf32>,
        %mul3A_325 = arith.mulf %get3A_324, %gather3A : vector<16xf32>
        %get3A_326 = arith.index_cast %scan3A_298 : i32 to index
        %get3A_327 = arith.index_cast %mul3A_322 : i32 to index
        %get3A_328 = tpu.vector_load %arg13[%get3A_326, %get3A_327] {strides = array<i32>} : memref<32x768xf32, #tpu.memory_space<vmem>>, vector<16xf32>,
        %mul3A_329 = arith.mulf %get3A_328, %gather3A_311 : vector<16xf32>
        %add3A_330 = arith.addf %mul3A_325, %mul3A_329 : vector<16xf32>
        %swap3A = arith.index_cast %scan3A_298 : i32 to index
        %swap3A_331 = arith.index_cast %mul3A_322 : i32 to index
        %swap3A_332 = tpu.vector_load %arg14[%swap3A, %swap3A_331] {strides = array<i32>} : memref<32x768xf32, #tpu.memory_space<vmem>>, vector<16xf32>,
        tpu.vector_store %arg14[%swap3A, %swap3A_331], %add3A_330 {strides = array<i32>} : memref<32x768xf32, #tpu.memory_space<vmem>>, vector<16xf32>,
        %scan3A_333 = arith.constant 0 : i32
        scf.yield %scan3A_333 : i32
      }
      %scan3A_318 = arith.constant 48 : i32
      scf.yield %scan3A_317 : i32
    }
    %scan3A_295 = arith.constant 32 : i32
    %add3A_296 = arith.constant 224 : i32
    %add3A_297 = arith.addi %mul3A_2, %add3A_296 : i32
    "tpu.region"() ({
      %run_scoped3A = tpu.sem_alloc : memref<!tpu.dma_semaphore, #tpu.memory_space<semaphore_mem>>
      %dma_start3A_298 = arith.constant 0 : i32
      %dma_start3A_299 = tpu.memref_slice %arg6[%add3A_297, %dma_start3A_298] : memref<8192x768xf32, #tpu.memory_space<hbm>> -> memref<32x768xf32, #tpu.memory_space<hbm>>
      %dma_start3A_300 = arith.constant 0 : i32
      %dma_start3A_301 = tpu.memref_slice %arg6[%add3A_297, %dma_start3A_300] : memref<8192x768xf32, #tpu.memory_space<hbm>> -> memref<32x768xf32, #tpu.memory_space<hbm>>
      tpu.enqueue_dma source(%arg14 : memref<32x768xf32, #tpu.memory_space<vmem>>) target(%dma_start3A_301 : memref<32x768xf32, #tpu.memory_space<hbm>>) target_semaphore(%run_scoped3A : memref<!tpu.dma_semaphore, #tpu.memory_space<semaphore_mem>>)
      %dma_wait3A_302 = arith.constant 0 : i32
      %dma_wait3A_303 = tpu.memref_slice %arg6[%add3A_297, %dma_wait3A_302] : memref<8192x768xf32, #tpu.memory_space<hbm>> -> memref<32x768xf32, #tpu.memory_space<hbm>>
      %dma_wait3A_304 = arith.constant 0 : i32
      %dma_wait3A_305 = tpu.memref_slice %arg6[%add3A_297, %dma_wait3A_304] : memref<8192x768xf32, #tpu.memory_space<hbm>> -> memref<32x768xf32, #tpu.memory_space<hbm>>
      tpu.wait_dma2 semaphore(%run_scoped3A : memref<!tpu.dma_semaphore, #tpu.memory_space<semaphore_mem>>) src(%arg14 : memref<32x768xf32, #tpu.memory_space<vmem>>) dst(%dma_wait3A_305 : memref<32x768xf32, #tpu.memory_space<hbm>>)
      tpu.yield
    }) : () -> ()
    return
  }
}

module attributes {stable_mosaic.version = 14 : i64} {
  func.func @_router_body(%arg0: i32, %arg1: memref<256x16xf32, #tpu.memory_space<vmem>>, %arg2: memref<16x768xf32, #tpu.memory_space<vmem>>, %arg3: memref<1x768xf32, #tpu.memory_space<vmem>>, %arg4: memref<768x64xf32, #tpu.memory_space<vmem>>, %arg5: memref<256x768xf32, #tpu.memory_space<vmem>>, %arg6: memref<256x2xi32, #tpu.memory_space<vmem>>, %arg7: memref<256x2xf32, #tpu.memory_space<vmem>>, %arg8: memref<256x2xi32, #tpu.memory_space<vmem>>, %arg9: memref<8x64xi32, #tpu.memory_space<vmem>>, %arg10: memref<8x64xf32, #tpu.memory_space<vmem>>) attributes {dimension_semantics = [#tpu.dimension_semantics<arbitrary>], iteration_bounds = array<i64: 32>, scalar_prefetch = 0 : i64, scratch_operands = 1 : i64, tpu.core_type = #tpu.core_type<tc>, window_params = [{transform_indices = @transform_0, window_bounds = array<i64: 256, 16>}, {pipeline_mode = #tpu.pipeline_mode<synchronous>, transform_indices = @transform_1, window_bounds = array<i64: 16, 768>}, {pipeline_mode = #tpu.pipeline_mode<synchronous>, transform_indices = @transform_2, window_bounds = array<i64: 1, 768>}, {pipeline_mode = #tpu.pipeline_mode<synchronous>, transform_indices = @transform_3, window_bounds = array<i64: 768, 64>}, {transform_indices = @transform_4, window_bounds = array<i64: 256, 768>}, {transform_indices = @transform_5, window_bounds = array<i64: 256, 2>}, {transform_indices = @transform_6, window_bounds = array<i64: 256, 2>}, {transform_indices = @transform_7, window_bounds = array<i64: 256, 2>}, {pipeline_mode = #tpu.pipeline_mode<synchronous>, transform_indices = @transform_8, window_bounds = array<i64: 8, 64>}]} {
    %eq3A = arith.constant 0 : i32
    %eq3A_0 = arith.cmpi eq, %arg0, %eq3A : i32
    %convert_element_type3A = arith.extui %eq3A_0 : i1 to i32
    %cond3A = arith.constant 0 : i32
    %cond3A_1 = arith.cmpi ne, %convert_element_type3A, %cond3A : i32
    scf.if %cond3A_1 {
      %broadcast_in_dim3A_108 = arith.constant 0.000000e+00 : f32
      %broadcast_in_dim3A_109 = vector.broadcast %broadcast_in_dim3A_108 : f32 to vector<8x64xf32>
      %swap3A_110 = arith.constant 0 : index
      %swap3A_111 = arith.constant 0 : index
      %swap3A_112 = vector.load %arg10[%swap3A_110, %swap3A_111] : memref<8x64xf32, #tpu.memory_space<vmem>>, vector<8x64xf32>
      tpu.vector_store %arg10[%swap3A_110, %swap3A_111], %broadcast_in_dim3A_109 {strides = array<i32>} : memref<8x64xf32, #tpu.memory_space<vmem>>, vector<8x64xf32>,
    } else {
    }
    %get3A = arith.constant 0 : index
    %get3A_2 = arith.constant 0 : index
    %get3A_3 = vector.load %arg1[%get3A, %get3A_2] : memref<256x16xf32, #tpu.memory_space<vmem>>, vector<256x16xf32>
    %get3A_4 = arith.constant 0 : index
    %get3A_5 = arith.constant 0 : index
    %get3A_6 = vector.load %arg2[%get3A_4, %get3A_5] : memref<16x768xf32, #tpu.memory_space<vmem>>, vector<16x768xf32>
    %dot_general3A = arith.constant dense<0.000000e+00> : vector<256x768xf32>
    %dot_general3A_7 = tpu.matmul %get3A_3, %get3A_6, %dot_general3A {dimension_numbers = #tpu.dot_dimension_numbers<[1], [0], [0], [1], [0, 0, 1, 1], [], []>, transpose_lhs_hint = false} : vector<256x16xf32>, vector<16x768xf32>, vector<256x768xf32> -> vector<256x768xf32>
    %get3A_8 = arith.constant 0 : index
    %get3A_9 = arith.constant 0 : index
    %get3A_10 = vector.load %arg3[%get3A_8, %get3A_9] : memref<1x768xf32, #tpu.memory_space<vmem>>, vector<1x768xf32>
    %add3A = vector.broadcast %get3A_10 : vector<1x768xf32> to vector<256x768xf32>
    %add3A_11 = arith.addf %dot_general3A_7, %add3A : vector<256x768xf32>
    %swap3A = arith.constant 0 : index
    %swap3A_12 = arith.constant 0 : index
    %swap3A_13 = vector.load %arg5[%swap3A, %swap3A_12] : memref<256x768xf32, #tpu.memory_space<vmem>>, vector<256x768xf32>
    tpu.vector_store %arg5[%swap3A, %swap3A_12], %add3A_11 {strides = array<i32>} : memref<256x768xf32, #tpu.memory_space<vmem>>, vector<256x768xf32>,
    %get3A_14 = arith.constant 0 : index
    %get3A_15 = arith.constant 0 : index
    %get3A_16 = vector.load %arg4[%get3A_14, %get3A_15] : memref<768x64xf32, #tpu.memory_space<vmem>>, vector<768x64xf32>
    %dot_general3A_17 = arith.constant dense<0.000000e+00> : vector<256x64xf32>
    %dot_general3A_18 = tpu.matmul %add3A_11, %get3A_16, %dot_general3A_17 {dimension_numbers = #tpu.dot_dimension_numbers<[1], [0], [0], [1], [0, 0, 1, 1], [], []>, transpose_lhs_hint = false} : vector<256x768xf32>, vector<768x64xf32>, vector<256x64xf32> -> vector<256x64xf32>
    %reduce_max3A = arith.constant dense<0xFF800000> : vector<256xf32>
    %reduce_max3A_19 = vector.multi_reduction <maximumf>, %dot_general3A_18, %reduce_max3A [1] : vector<256x64xf32> to vector<256xf32>
    %broadcast_in_dim3A = vector.shape_cast %reduce_max3A_19 : vector<256xf32> to vector<256x1xf32>
    %sub3A = vector.broadcast %broadcast_in_dim3A : vector<256x1xf32> to vector<256x64xf32>
    %sub3A_20 = arith.subf %dot_general3A_18, %sub3A : vector<256x64xf32>
    %exp3A = math.exp %sub3A_20 : vector<256x64xf32>
    %reduce_sum3A = arith.constant dense<0.000000e+00> : vector<256xf32>
    %reduce_sum3A_21 = vector.multi_reduction <add>, %exp3A, %reduce_sum3A [1] : vector<256x64xf32> to vector<256xf32>
    %broadcast_in_dim3A_22 = vector.shape_cast %reduce_sum3A_21 : vector<256xf32> to vector<256x1xf32>
    %iota3A = tpu.iota {dimensions = array<i32: 1>} : vector<256x64xi32>
    %reduce_max3A_23 = arith.constant dense<0xFF800000> : vector<256xf32>
    %reduce_max3A_24 = vector.multi_reduction <maximumf>, %exp3A, %reduce_max3A_23 [1] : vector<256x64xf32> to vector<256xf32>
    %broadcast_in_dim3A_25 = vector.shape_cast %reduce_max3A_24 : vector<256xf32> to vector<256x1xf32>
    %eq3A_26 = vector.broadcast %broadcast_in_dim3A_25 : vector<256x1xf32> to vector<256x64xf32>
    %eq3A_27 = arith.cmpf oeq, %exp3A, %eq3A_26 : vector<256x64xf32>
    %jit3A = arith.constant 64 : i32
    %broadcast_in_dim3A_28 = vector.broadcast %jit3A : i32 to vector<256x64xi32>
    %select_n3A = arith.select %eq3A_27, %iota3A, %broadcast_in_dim3A_28 : vector<256x64xi1>, vector<256x64xi32>
    %reduce_min3A = arith.constant dense<2147483647> : vector<256xi32>
    %reduce_min3A_29 = vector.multi_reduction <minsi>, %select_n3A, %reduce_min3A [1] : vector<256x64xi32> to vector<256xi32>
    %broadcast_in_dim3A_30 = vector.shape_cast %reduce_min3A_29 : vector<256xi32> to vector<256x1xi32>
    %eq3A_31 = vector.broadcast %broadcast_in_dim3A_30 : vector<256x1xi32> to vector<256x64xi32>
    %eq3A_32 = arith.cmpi eq, %iota3A, %eq3A_31 : vector<256x64xi32>
    %jit3A_33 = arith.constant -1.000000e+00 : f32
    %broadcast_in_dim3A_34 = vector.broadcast %jit3A_33 : f32 to vector<256x64xf32>
    %select_n3A_35 = arith.select %eq3A_32, %broadcast_in_dim3A_34, %exp3A : vector<256x64xi1>, vector<256x64xf32>
    %reduce_max3A_36 = arith.constant dense<0xFF800000> : vector<256xf32>
    %reduce_max3A_37 = vector.multi_reduction <maximumf>, %select_n3A_35, %reduce_max3A_36 [1] : vector<256x64xf32> to vector<256xf32>
    %broadcast_in_dim3A_38 = vector.shape_cast %reduce_max3A_37 : vector<256xf32> to vector<256x1xf32>
    %eq3A_39 = vector.broadcast %broadcast_in_dim3A_38 : vector<256x1xf32> to vector<256x64xf32>
    %eq3A_40 = arith.cmpf oeq, %select_n3A_35, %eq3A_39 : vector<256x64xf32>
    %jit3A_41 = arith.constant 64 : i32
    %broadcast_in_dim3A_42 = vector.broadcast %jit3A_41 : i32 to vector<256x64xi32>
    %select_n3A_43 = arith.select %eq3A_40, %iota3A, %broadcast_in_dim3A_42 : vector<256x64xi1>, vector<256x64xi32>
    %reduce_min3A_44 = arith.constant dense<2147483647> : vector<256xi32>
    %reduce_min3A_45 = vector.multi_reduction <minsi>, %select_n3A_43, %reduce_min3A_44 [1] : vector<256x64xi32> to vector<256xi32>
    %broadcast_in_dim3A_46 = vector.shape_cast %reduce_min3A_45 : vector<256xi32> to vector<256x1xi32>
    %eq3A_47 = vector.broadcast %broadcast_in_dim3A_46 : vector<256x1xi32> to vector<256x64xi32>
    %eq3A_48 = arith.cmpi eq, %iota3A, %eq3A_47 : vector<256x64xi32>
    %div3A = arith.divf %broadcast_in_dim3A_25, %broadcast_in_dim3A_22 : vector<256x1xf32>
    %div3A_49 = arith.divf %broadcast_in_dim3A_38, %broadcast_in_dim3A_22 : vector<256x1xf32>
    %convert_element_type3A_50 = arith.extui %eq3A_32 : vector<256x64xi1> to vector<256x64xi32>
    %convert_element_type3A_51 = arith.sitofp %convert_element_type3A_50 : vector<256x64xi32> to vector<256x64xf32>
    %convert_element_type3A_52 = arith.extui %eq3A_48 : vector<256x64xi1> to vector<256x64xi32>
    %convert_element_type3A_53 = arith.sitofp %convert_element_type3A_52 : vector<256x64xi32> to vector<256x64xf32>
    %iota3A_54 = tpu.iota {dimensions = array<i32: 0>} : vector<256x256xi32>
    %iota3A_55 = tpu.iota {dimensions = array<i32: 1>} : vector<256x256xi32>
    %ge3A = arith.cmpi sge, %iota3A_54, %iota3A_55 : vector<256x256xi32>
    %convert_element_type3A_56 = arith.extui %ge3A : vector<256x256xi1> to vector<256x256xi32>
    %convert_element_type3A_57 = arith.sitofp %convert_element_type3A_56 : vector<256x256xi32> to vector<256x256xf32>
    %dot_general3A_58 = arith.constant dense<0.000000e+00> : vector<256x64xf32>
    %dot_general3A_59 = tpu.matmul %convert_element_type3A_57, %convert_element_type3A_51, %dot_general3A_58 {dimension_numbers = #tpu.dot_dimension_numbers<[1], [0], [0], [1], [0, 0, 1, 1], [], []>, transpose_lhs_hint = false} : vector<256x256xf32>, vector<256x64xf32>, vector<256x64xf32> -> vector<256x64xf32>
    %dot_general3A_60 = arith.constant dense<0.000000e+00> : vector<256x64xf32>
    %dot_general3A_61 = tpu.matmul %convert_element_type3A_57, %convert_element_type3A_53, %dot_general3A_60 {dimension_numbers = #tpu.dot_dimension_numbers<[1], [0], [0], [1], [0, 0, 1, 1], [], []>, transpose_lhs_hint = false} : vector<256x256xf32>, vector<256x64xf32>, vector<256x64xf32> -> vector<256x64xf32>
    %get3A_62 = arith.constant 0 : index
    %get3A_63 = arith.constant 0 : index
    %get3A_64 = vector.load %arg10[%get3A_62, %get3A_63] : memref<8x64xf32, #tpu.memory_space<vmem>>, vector<1x64xf32>
    %sub3A_65 = arith.subf %dot_general3A_59, %convert_element_type3A_51 : vector<256x64xf32>
    %add3A_66 = vector.broadcast %get3A_64 : vector<1x64xf32> to vector<256x64xf32>
    %add3A_67 = arith.addf %add3A_66, %sub3A_65 : vector<256x64xf32>
    %sub3A_68 = arith.subf %dot_general3A_61, %convert_element_type3A_53 : vector<256x64xf32>
    %add3A_69 = arith.addf %add3A_67, %sub3A_68 : vector<256x64xf32>
    %add3A_70 = vector.broadcast %get3A_64 : vector<1x64xf32> to vector<256x64xf32>
    %add3A_71 = arith.addf %add3A_70, %dot_general3A_59 : vector<256x64xf32>
    %sub3A_72 = arith.subf %dot_general3A_61, %convert_element_type3A_53 : vector<256x64xf32>
    %add3A_73 = arith.addf %add3A_71, %sub3A_72 : vector<256x64xf32>
    %mul3A = arith.mulf %convert_element_type3A_51, %add3A_69 : vector<256x64xf32>
    %reduce_sum3A_74 = arith.constant dense<0.000000e+00> : vector<256xf32>
    %reduce_sum3A_75 = vector.multi_reduction <add>, %mul3A, %reduce_sum3A_74 [1] : vector<256x64xf32> to vector<256xf32>
    %broadcast_in_dim3A_76 = vector.shape_cast %reduce_sum3A_75 : vector<256xf32> to vector<256x1xf32>
    %mul3A_77 = arith.mulf %convert_element_type3A_53, %add3A_73 : vector<256x64xf32>
    %reduce_sum3A_78 = arith.constant dense<0.000000e+00> : vector<256xf32>
    %reduce_sum3A_79 = vector.multi_reduction <add>, %mul3A_77, %reduce_sum3A_78 [1] : vector<256x64xf32> to vector<256xf32>
    %broadcast_in_dim3A_80 = vector.shape_cast %reduce_sum3A_79 : vector<256xf32> to vector<256x1xf32>
    %concatenate3A = tpu.concatenate %broadcast_in_dim3A_30, %broadcast_in_dim3A_46 in 1 : vector<256x1xi32>, vector<256x1xi32> -> vector<256x2xi32>
    %swap3A_81 = arith.constant 0 : index
    %swap3A_82 = arith.constant 0 : index
    %swap3A_83 = vector.load %arg6[%swap3A_81, %swap3A_82] : memref<256x2xi32, #tpu.memory_space<vmem>>, vector<256x2xi32>
    tpu.vector_store %arg6[%swap3A_81, %swap3A_82], %concatenate3A {strides = array<i32>} : memref<256x2xi32, #tpu.memory_space<vmem>>, vector<256x2xi32>,
    %concatenate3A_84 = tpu.concatenate %div3A, %div3A_49 in 1 : vector<256x1xf32>, vector<256x1xf32> -> vector<256x2xf32>
    %swap3A_85 = arith.constant 0 : index
    %swap3A_86 = arith.constant 0 : index
    %swap3A_87 = vector.load %arg7[%swap3A_85, %swap3A_86] : memref<256x2xf32, #tpu.memory_space<vmem>>, vector<256x2xf32>
    tpu.vector_store %arg7[%swap3A_85, %swap3A_86], %concatenate3A_84 {strides = array<i32>} : memref<256x2xf32, #tpu.memory_space<vmem>>, vector<256x2xf32>,
    %concatenate3A_88 = tpu.concatenate %broadcast_in_dim3A_76, %broadcast_in_dim3A_80 in 1 : vector<256x1xf32>, vector<256x1xf32> -> vector<256x2xf32>
    %convert_element_type3A_89 = arith.fptosi %concatenate3A_88 : vector<256x2xf32> to vector<256x2xi32>
    %swap3A_90 = arith.constant 0 : index
    %swap3A_91 = arith.constant 0 : index
    %swap3A_92 = vector.load %arg8[%swap3A_90, %swap3A_91] : memref<256x2xi32, #tpu.memory_space<vmem>>, vector<256x2xi32>
    tpu.vector_store %arg8[%swap3A_90, %swap3A_91], %convert_element_type3A_89 {strides = array<i32>} : memref<256x2xi32, #tpu.memory_space<vmem>>, vector<256x2xi32>,
    %get3A_93 = arith.constant 0 : index
    %get3A_94 = arith.constant 0 : index
    %get3A_95 = vector.load %arg10[%get3A_93, %get3A_94] : memref<8x64xf32, #tpu.memory_space<vmem>>, vector<8x64xf32>
    %slice3A = vector.extract_strided_slice %dot_general3A_59 {offsets = [255, 0], sizes = [1, 64], strides = [1, 1]} : vector<256x64xf32> to vector<1x64xf32>
    %slice3A_96 = vector.extract_strided_slice %dot_general3A_61 {offsets = [255, 0], sizes = [1, 64], strides = [1, 1]} : vector<256x64xf32> to vector<1x64xf32>
    %add3A_97 = arith.addf %slice3A, %slice3A_96 : vector<1x64xf32>
    %broadcast_in_dim3A_98 = vector.shape_cast %add3A_97 : vector<1x64xf32> to vector<1x64xf32>
    %broadcast_in_dim3A_99 = vector.broadcast %broadcast_in_dim3A_98 : vector<1x64xf32> to vector<8x64xf32>
    %add3A_100 = arith.addf %get3A_95, %broadcast_in_dim3A_99 : vector<8x64xf32>
    %swap3A_101 = arith.constant 0 : index
    %swap3A_102 = arith.constant 0 : index
    %swap3A_103 = vector.load %arg10[%swap3A_101, %swap3A_102] : memref<8x64xf32, #tpu.memory_space<vmem>>, vector<8x64xf32>
    tpu.vector_store %arg10[%swap3A_101, %swap3A_102], %add3A_100 {strides = array<i32>} : memref<8x64xf32, #tpu.memory_space<vmem>>, vector<8x64xf32>,
    %convert_element_type3A_104 = arith.fptosi %add3A_100 : vector<8x64xf32> to vector<8x64xi32>
    %swap3A_105 = arith.constant 0 : index
    %swap3A_106 = arith.constant 0 : index
    %swap3A_107 = vector.load %arg9[%swap3A_105, %swap3A_106] : memref<8x64xi32, #tpu.memory_space<vmem>>, vector<8x64xi32>
    tpu.vector_store %arg9[%swap3A_105, %swap3A_106], %convert_element_type3A_104 {strides = array<i32>} : memref<8x64xi32, #tpu.memory_space<vmem>>, vector<8x64xi32>,
    return
  }
  func.func @transform_0(%arg0: i32) -> (i32, i32) {
    %c0_i32 = arith.constant 0 : i32
    %c0_i32_0 = arith.constant 0 : i32
    return %arg0, %c0_i32 : i32, i32
  }
  func.func @transform_1(%arg0: i32) -> (i32, i32) {
    %c0_i32 = arith.constant 0 : i32
    %c0_i32_0 = arith.constant 0 : i32
    %c0_i32_1 = arith.constant 0 : i32
    return %c0_i32, %c0_i32_0 : i32, i32
  }
  func.func @transform_2(%arg0: i32) -> (i32, i32) {
    %c0_i32 = arith.constant 0 : i32
    %c0_i32_0 = arith.constant 0 : i32
    %c0_i32_1 = arith.constant 0 : i32
    return %c0_i32, %c0_i32_0 : i32, i32
  }
  func.func @transform_3(%arg0: i32) -> (i32, i32) {
    %c0_i32 = arith.constant 0 : i32
    %c0_i32_0 = arith.constant 0 : i32
    %c0_i32_1 = arith.constant 0 : i32
    return %c0_i32, %c0_i32_0 : i32, i32
  }
  func.func @transform_4(%arg0: i32) -> (i32, i32) {
    %c0_i32 = arith.constant 0 : i32
    %c0_i32_0 = arith.constant 0 : i32
    return %arg0, %c0_i32 : i32, i32
  }
  func.func @transform_5(%arg0: i32) -> (i32, i32) {
    %c0_i32 = arith.constant 0 : i32
    %c0_i32_0 = arith.constant 0 : i32
    return %arg0, %c0_i32 : i32, i32
  }
  func.func @transform_6(%arg0: i32) -> (i32, i32) {
    %c0_i32 = arith.constant 0 : i32
    %c0_i32_0 = arith.constant 0 : i32
    return %arg0, %c0_i32 : i32, i32
  }
  func.func @transform_7(%arg0: i32) -> (i32, i32) {
    %c0_i32 = arith.constant 0 : i32
    %c0_i32_0 = arith.constant 0 : i32
    return %arg0, %c0_i32 : i32, i32
  }
  func.func @transform_8(%arg0: i32) -> (i32, i32) {
    %c0_i32 = arith.constant 0 : i32
    %c0_i32_0 = arith.constant 0 : i32
    %c0_i32_1 = arith.constant 0 : i32
    return %c0_i32, %c0_i32_0 : i32, i32
  }
}

module attributes {stable_mosaic.version = 14 : i64} {
  func.func @_ffn_body(%arg0: i32, %arg1: memref<127xi32, #tpu.memory_space<smem>>, %arg2: memref<127xi32, #tpu.memory_space<smem>>, %arg3: memref<127xi32, #tpu.memory_space<smem>>, %arg4: memref<64xi32, #tpu.memory_space<smem>>, %arg5: memref<64xi32, #tpu.memory_space<smem>>, %arg6: memref<127xi32, #tpu.memory_space<smem>>, %arg7: memref<64xi32, #tpu.memory_space<smem>>, %arg8: memref<127xi32, #tpu.memory_space<smem>>, %arg9: memref<127xi32, #tpu.memory_space<smem>>, %arg10: memref<127xi32, #tpu.memory_space<smem>>, %arg11: memref<1xi32, #tpu.memory_space<smem>>, %arg12: memref<256x768xf32, #tpu.memory_space<vmem>>, %arg13: memref<64x768x768xf32, #tpu.memory_space<any>>, %arg14: memref<64x768x768xf32, #tpu.memory_space<any>>, %arg15: memref<64x768x768xf32, #tpu.memory_space<any>>, %arg16: memref<256x768xf32, #tpu.memory_space<vmem>>, %arg17: memref<3x3x768x768xf32, #tpu.memory_space<vmem>>, %arg18: memref<3x!tpu.dma_semaphore, #tpu.memory_space<semaphore_mem>>) attributes {dimension_semantics = [#tpu.dimension_semantics<arbitrary>], iteration_bounds = array<i64: 127>, scalar_prefetch = 11 : i64, scratch_operands = 2 : i64, tpu.core_type = #tpu.core_type<tc>, window_params = [{transform_indices = @transform_0, window_bounds = array<i64: 256, 768>}, {}, {}, {}, {transform_indices = @transform_4, window_bounds = array<i64: 256, 768>}]} {
    %eq3A = arith.constant 0 : i32
    %eq3A_0 = arith.cmpi eq, %arg0, %eq3A : i32
    %convert_element_type3A = arith.extui %eq3A_0 : i1 to i32
    %cond3A = arith.constant 0 : i32
    %cond3A_1 = arith.cmpi ne, %convert_element_type3A, %cond3A : i32
    scf.if %cond3A_1 {
      %get3A_85 = arith.constant 0 : index
      %get3A_86 = memref.load %arg11[%get3A_85] : memref<1xi32, #tpu.memory_space<smem>>
      %gt3A = arith.constant 0 : i32
      %gt3A_87 = arith.cmpi sgt, %get3A_86, %gt3A : i32
      %convert_element_type3A_88 = arith.extui %gt3A_87 : i1 to i32
      %cond3A_89 = arith.constant 0 : i32
      %cond3A_90 = arith.cmpi ne, %convert_element_type3A_88, %cond3A_89 : i32
      scf.if %cond3A_90 {
        %get3A_98 = arith.constant 0 : index
        %get3A_99 = memref.load %arg7[%get3A_98] : memref<64xi32, #tpu.memory_space<smem>>
        %dma_start3A = arith.constant 0 : i32
        %dma_start3A_100 = arith.constant 0 : i32
        %dma_start3A_101 = arith.constant 0 : i32
        %dma_start3A_102 = tpu.memref_slice %arg18[%dma_start3A_101] : memref<3x!tpu.dma_semaphore, #tpu.memory_space<semaphore_mem>> -> memref<1x!tpu.dma_semaphore, #tpu.memory_space<semaphore_mem>>
        %dma_start3A_103 = tpu.memref_squeeze %dma_start3A_102 : memref<1x!tpu.dma_semaphore, #tpu.memory_space<semaphore_mem>> -> memref<!tpu.dma_semaphore, #tpu.memory_space<semaphore_mem>>
        %dma_start3A_104 = arith.constant 0 : i32
        %dma_start3A_105 = arith.constant 0 : i32
        %dma_start3A_106 = tpu.memref_slice %arg17[%dma_start3A, %dma_start3A_100, %dma_start3A_104, %dma_start3A_105] : memref<3x3x768x768xf32, #tpu.memory_space<vmem>> -> memref<1x1x768x768xf32, #tpu.memory_space<vmem>>
        %dma_start3A_107 = tpu.memref_squeeze %dma_start3A_106 : memref<1x1x768x768xf32, #tpu.memory_space<vmem>> -> memref<768x768xf32, #tpu.memory_space<vmem>>
        %dma_start3A_108 = arith.constant 0 : i32
        %dma_start3A_109 = arith.constant 0 : i32
        %dma_start3A_110 = tpu.memref_slice %arg13[%get3A_99, %dma_start3A_108, %dma_start3A_109] : memref<64x768x768xf32, #tpu.memory_space<any>> -> memref<1x768x768xf32, #tpu.memory_space<any>>
        %dma_start3A_111 = tpu.memref_squeeze %dma_start3A_110 : memref<1x768x768xf32, #tpu.memory_space<any>> -> memref<768x768xf32, #tpu.memory_space<any>>
        tpu.enqueue_dma source(%dma_start3A_111 : memref<768x768xf32, #tpu.memory_space<any>>) target(%dma_start3A_107 : memref<768x768xf32, #tpu.memory_space<vmem>>) target_semaphore(%dma_start3A_103 : memref<!tpu.dma_semaphore, #tpu.memory_space<semaphore_mem>>)
        %dma_start3A_112 = arith.constant 0 : i32
        %dma_start3A_113 = arith.constant 1 : i32
        %dma_start3A_114 = arith.constant 0 : i32
        %dma_start3A_115 = tpu.memref_slice %arg18[%dma_start3A_114] : memref<3x!tpu.dma_semaphore, #tpu.memory_space<semaphore_mem>> -> memref<1x!tpu.dma_semaphore, #tpu.memory_space<semaphore_mem>>
        %dma_start3A_116 = tpu.memref_squeeze %dma_start3A_115 : memref<1x!tpu.dma_semaphore, #tpu.memory_space<semaphore_mem>> -> memref<!tpu.dma_semaphore, #tpu.memory_space<semaphore_mem>>
        %dma_start3A_117 = arith.constant 0 : i32
        %dma_start3A_118 = arith.constant 0 : i32
        %dma_start3A_119 = tpu.memref_slice %arg17[%dma_start3A_112, %dma_start3A_113, %dma_start3A_117, %dma_start3A_118] : memref<3x3x768x768xf32, #tpu.memory_space<vmem>> -> memref<1x1x768x768xf32, #tpu.memory_space<vmem>>
        %dma_start3A_120 = tpu.memref_squeeze %dma_start3A_119 : memref<1x1x768x768xf32, #tpu.memory_space<vmem>> -> memref<768x768xf32, #tpu.memory_space<vmem>>
        %dma_start3A_121 = arith.constant 0 : i32
        %dma_start3A_122 = arith.constant 0 : i32
        %dma_start3A_123 = tpu.memref_slice %arg14[%get3A_99, %dma_start3A_121, %dma_start3A_122] : memref<64x768x768xf32, #tpu.memory_space<any>> -> memref<1x768x768xf32, #tpu.memory_space<any>>
        %dma_start3A_124 = tpu.memref_squeeze %dma_start3A_123 : memref<1x768x768xf32, #tpu.memory_space<any>> -> memref<768x768xf32, #tpu.memory_space<any>>
        tpu.enqueue_dma source(%dma_start3A_124 : memref<768x768xf32, #tpu.memory_space<any>>) target(%dma_start3A_120 : memref<768x768xf32, #tpu.memory_space<vmem>>) target_semaphore(%dma_start3A_116 : memref<!tpu.dma_semaphore, #tpu.memory_space<semaphore_mem>>)
        %dma_start3A_125 = arith.constant 0 : i32
        %dma_start3A_126 = arith.constant 2 : i32
        %dma_start3A_127 = arith.constant 0 : i32
        %dma_start3A_128 = tpu.memref_slice %arg18[%dma_start3A_127] : memref<3x!tpu.dma_semaphore, #tpu.memory_space<semaphore_mem>> -> memref<1x!tpu.dma_semaphore, #tpu.memory_space<semaphore_mem>>
        %dma_start3A_129 = tpu.memref_squeeze %dma_start3A_128 : memref<1x!tpu.dma_semaphore, #tpu.memory_space<semaphore_mem>> -> memref<!tpu.dma_semaphore, #tpu.memory_space<semaphore_mem>>
        %dma_start3A_130 = arith.constant 0 : i32
        %dma_start3A_131 = arith.constant 0 : i32
        %dma_start3A_132 = tpu.memref_slice %arg17[%dma_start3A_125, %dma_start3A_126, %dma_start3A_130, %dma_start3A_131] : memref<3x3x768x768xf32, #tpu.memory_space<vmem>> -> memref<1x1x768x768xf32, #tpu.memory_space<vmem>>
        %dma_start3A_133 = tpu.memref_squeeze %dma_start3A_132 : memref<1x1x768x768xf32, #tpu.memory_space<vmem>> -> memref<768x768xf32, #tpu.memory_space<vmem>>
        %dma_start3A_134 = arith.constant 0 : i32
        %dma_start3A_135 = arith.constant 0 : i32
        %dma_start3A_136 = tpu.memref_slice %arg15[%get3A_99, %dma_start3A_134, %dma_start3A_135] : memref<64x768x768xf32, #tpu.memory_space<any>> -> memref<1x768x768xf32, #tpu.memory_space<any>>
        %dma_start3A_137 = tpu.memref_squeeze %dma_start3A_136 : memref<1x768x768xf32, #tpu.memory_space<any>> -> memref<768x768xf32, #tpu.memory_space<any>>
        tpu.enqueue_dma source(%dma_start3A_137 : memref<768x768xf32, #tpu.memory_space<any>>) target(%dma_start3A_133 : memref<768x768xf32, #tpu.memory_space<vmem>>) target_semaphore(%dma_start3A_129 : memref<!tpu.dma_semaphore, #tpu.memory_space<semaphore_mem>>)
      } else {
      }
      %get3A_91 = arith.constant 0 : index
      %get3A_92 = memref.load %arg11[%get3A_91] : memref<1xi32, #tpu.memory_space<smem>>
      %gt3A_93 = arith.constant 1 : i32
      %gt3A_94 = arith.cmpi sgt, %get3A_92, %gt3A_93 : i32
      %convert_element_type3A_95 = arith.extui %gt3A_94 : i1 to i32
      %cond3A_96 = arith.constant 0 : i32
      %cond3A_97 = arith.cmpi ne, %convert_element_type3A_95, %cond3A_96 : i32
      scf.if %cond3A_97 {
        %get3A_98 = arith.constant 1 : index
        %get3A_99 = memref.load %arg7[%get3A_98] : memref<64xi32, #tpu.memory_space<smem>>
        %dma_start3A = arith.constant 1 : i32
        %dma_start3A_100 = arith.constant 0 : i32
        %dma_start3A_101 = arith.constant 1 : i32
        %dma_start3A_102 = tpu.memref_slice %arg18[%dma_start3A_101] : memref<3x!tpu.dma_semaphore, #tpu.memory_space<semaphore_mem>> -> memref<1x!tpu.dma_semaphore, #tpu.memory_space<semaphore_mem>>
        %dma_start3A_103 = tpu.memref_squeeze %dma_start3A_102 : memref<1x!tpu.dma_semaphore, #tpu.memory_space<semaphore_mem>> -> memref<!tpu.dma_semaphore, #tpu.memory_space<semaphore_mem>>
        %dma_start3A_104 = arith.constant 0 : i32
        %dma_start3A_105 = arith.constant 0 : i32
        %dma_start3A_106 = tpu.memref_slice %arg17[%dma_start3A, %dma_start3A_100, %dma_start3A_104, %dma_start3A_105] : memref<3x3x768x768xf32, #tpu.memory_space<vmem>> -> memref<1x1x768x768xf32, #tpu.memory_space<vmem>>
        %dma_start3A_107 = tpu.memref_squeeze %dma_start3A_106 : memref<1x1x768x768xf32, #tpu.memory_space<vmem>> -> memref<768x768xf32, #tpu.memory_space<vmem>>
        %dma_start3A_108 = arith.constant 0 : i32
        %dma_start3A_109 = arith.constant 0 : i32
        %dma_start3A_110 = tpu.memref_slice %arg13[%get3A_99, %dma_start3A_108, %dma_start3A_109] : memref<64x768x768xf32, #tpu.memory_space<any>> -> memref<1x768x768xf32, #tpu.memory_space<any>>
        %dma_start3A_111 = tpu.memref_squeeze %dma_start3A_110 : memref<1x768x768xf32, #tpu.memory_space<any>> -> memref<768x768xf32, #tpu.memory_space<any>>
        tpu.enqueue_dma source(%dma_start3A_111 : memref<768x768xf32, #tpu.memory_space<any>>) target(%dma_start3A_107 : memref<768x768xf32, #tpu.memory_space<vmem>>) target_semaphore(%dma_start3A_103 : memref<!tpu.dma_semaphore, #tpu.memory_space<semaphore_mem>>)
        %dma_start3A_112 = arith.constant 1 : i32
        %dma_start3A_113 = arith.constant 1 : i32
        %dma_start3A_114 = arith.constant 1 : i32
        %dma_start3A_115 = tpu.memref_slice %arg18[%dma_start3A_114] : memref<3x!tpu.dma_semaphore, #tpu.memory_space<semaphore_mem>> -> memref<1x!tpu.dma_semaphore, #tpu.memory_space<semaphore_mem>>
        %dma_start3A_116 = tpu.memref_squeeze %dma_start3A_115 : memref<1x!tpu.dma_semaphore, #tpu.memory_space<semaphore_mem>> -> memref<!tpu.dma_semaphore, #tpu.memory_space<semaphore_mem>>
        %dma_start3A_117 = arith.constant 0 : i32
        %dma_start3A_118 = arith.constant 0 : i32
        %dma_start3A_119 = tpu.memref_slice %arg17[%dma_start3A_112, %dma_start3A_113, %dma_start3A_117, %dma_start3A_118] : memref<3x3x768x768xf32, #tpu.memory_space<vmem>> -> memref<1x1x768x768xf32, #tpu.memory_space<vmem>>
        %dma_start3A_120 = tpu.memref_squeeze %dma_start3A_119 : memref<1x1x768x768xf32, #tpu.memory_space<vmem>> -> memref<768x768xf32, #tpu.memory_space<vmem>>
        %dma_start3A_121 = arith.constant 0 : i32
        %dma_start3A_122 = arith.constant 0 : i32
        %dma_start3A_123 = tpu.memref_slice %arg14[%get3A_99, %dma_start3A_121, %dma_start3A_122] : memref<64x768x768xf32, #tpu.memory_space<any>> -> memref<1x768x768xf32, #tpu.memory_space<any>>
        %dma_start3A_124 = tpu.memref_squeeze %dma_start3A_123 : memref<1x768x768xf32, #tpu.memory_space<any>> -> memref<768x768xf32, #tpu.memory_space<any>>
        tpu.enqueue_dma source(%dma_start3A_124 : memref<768x768xf32, #tpu.memory_space<any>>) target(%dma_start3A_120 : memref<768x768xf32, #tpu.memory_space<vmem>>) target_semaphore(%dma_start3A_116 : memref<!tpu.dma_semaphore, #tpu.memory_space<semaphore_mem>>)
        %dma_start3A_125 = arith.constant 1 : i32
        %dma_start3A_126 = arith.constant 2 : i32
        %dma_start3A_127 = arith.constant 1 : i32
        %dma_start3A_128 = tpu.memref_slice %arg18[%dma_start3A_127] : memref<3x!tpu.dma_semaphore, #tpu.memory_space<semaphore_mem>> -> memref<1x!tpu.dma_semaphore, #tpu.memory_space<semaphore_mem>>
        %dma_start3A_129 = tpu.memref_squeeze %dma_start3A_128 : memref<1x!tpu.dma_semaphore, #tpu.memory_space<semaphore_mem>> -> memref<!tpu.dma_semaphore, #tpu.memory_space<semaphore_mem>>
        %dma_start3A_130 = arith.constant 0 : i32
        %dma_start3A_131 = arith.constant 0 : i32
        %dma_start3A_132 = tpu.memref_slice %arg17[%dma_start3A_125, %dma_start3A_126, %dma_start3A_130, %dma_start3A_131] : memref<3x3x768x768xf32, #tpu.memory_space<vmem>> -> memref<1x1x768x768xf32, #tpu.memory_space<vmem>>
        %dma_start3A_133 = tpu.memref_squeeze %dma_start3A_132 : memref<1x1x768x768xf32, #tpu.memory_space<vmem>> -> memref<768x768xf32, #tpu.memory_space<vmem>>
        %dma_start3A_134 = arith.constant 0 : i32
        %dma_start3A_135 = arith.constant 0 : i32
        %dma_start3A_136 = tpu.memref_slice %arg15[%get3A_99, %dma_start3A_134, %dma_start3A_135] : memref<64x768x768xf32, #tpu.memory_space<any>> -> memref<1x768x768xf32, #tpu.memory_space<any>>
        %dma_start3A_137 = tpu.memref_squeeze %dma_start3A_136 : memref<1x768x768xf32, #tpu.memory_space<any>> -> memref<768x768xf32, #tpu.memory_space<any>>
        tpu.enqueue_dma source(%dma_start3A_137 : memref<768x768xf32, #tpu.memory_space<any>>) target(%dma_start3A_133 : memref<768x768xf32, #tpu.memory_space<vmem>>) target_semaphore(%dma_start3A_129 : memref<!tpu.dma_semaphore, #tpu.memory_space<semaphore_mem>>)
      } else {
      }
    } else {
    }
    %get3A = arith.index_cast %arg0 : i32 to index
    %get3A_2 = memref.load %arg8[%get3A] : memref<127xi32, #tpu.memory_space<smem>>
    %ge3A = arith.constant 0 : i32
    %ge3A_3 = arith.cmpi sge, %get3A_2, %ge3A : i32
    %convert_element_type3A_4 = arith.extui %ge3A_3 : i1 to i32
    %cond3A_5 = arith.constant 0 : i32
    %cond3A_6 = arith.cmpi ne, %convert_element_type3A_4, %cond3A_5 : i32
    scf.if %cond3A_6 {
      %get3A_85 = arith.index_cast %get3A_2 : i32 to index
      %get3A_86 = memref.load %arg7[%get3A_85] : memref<64xi32, #tpu.memory_space<smem>>
      %rem3A_87 = arith.constant 3 : i32
      %rem3A_88 = arith.remsi %get3A_2, %rem3A_87 : i32
      %dma_start3A = arith.constant 0 : i32
      %dma_start3A_89 = tpu.memref_slice %arg18[%rem3A_88] : memref<3x!tpu.dma_semaphore, #tpu.memory_space<semaphore_mem>> -> memref<1x!tpu.dma_semaphore, #tpu.memory_space<semaphore_mem>>
      %dma_start3A_90 = tpu.memref_squeeze %dma_start3A_89 : memref<1x!tpu.dma_semaphore, #tpu.memory_space<semaphore_mem>> -> memref<!tpu.dma_semaphore, #tpu.memory_space<semaphore_mem>>
      %dma_start3A_91 = arith.constant 0 : i32
      %dma_start3A_92 = arith.constant 0 : i32
      %dma_start3A_93 = tpu.memref_slice %arg17[%rem3A_88, %dma_start3A, %dma_start3A_91, %dma_start3A_92] : memref<3x3x768x768xf32, #tpu.memory_space<vmem>> -> memref<1x1x768x768xf32, #tpu.memory_space<vmem>>
      %dma_start3A_94 = tpu.memref_squeeze %dma_start3A_93 : memref<1x1x768x768xf32, #tpu.memory_space<vmem>> -> memref<768x768xf32, #tpu.memory_space<vmem>>
      %dma_start3A_95 = arith.constant 0 : i32
      %dma_start3A_96 = arith.constant 0 : i32
      %dma_start3A_97 = tpu.memref_slice %arg13[%get3A_86, %dma_start3A_95, %dma_start3A_96] : memref<64x768x768xf32, #tpu.memory_space<any>> -> memref<1x768x768xf32, #tpu.memory_space<any>>
      %dma_start3A_98 = tpu.memref_squeeze %dma_start3A_97 : memref<1x768x768xf32, #tpu.memory_space<any>> -> memref<768x768xf32, #tpu.memory_space<any>>
      tpu.enqueue_dma source(%dma_start3A_98 : memref<768x768xf32, #tpu.memory_space<any>>) target(%dma_start3A_94 : memref<768x768xf32, #tpu.memory_space<vmem>>) target_semaphore(%dma_start3A_90 : memref<!tpu.dma_semaphore, #tpu.memory_space<semaphore_mem>>)
      %dma_start3A_99 = arith.constant 1 : i32
      %dma_start3A_100 = tpu.memref_slice %arg18[%rem3A_88] : memref<3x!tpu.dma_semaphore, #tpu.memory_space<semaphore_mem>> -> memref<1x!tpu.dma_semaphore, #tpu.memory_space<semaphore_mem>>
      %dma_start3A_101 = tpu.memref_squeeze %dma_start3A_100 : memref<1x!tpu.dma_semaphore, #tpu.memory_space<semaphore_mem>> -> memref<!tpu.dma_semaphore, #tpu.memory_space<semaphore_mem>>
      %dma_start3A_102 = arith.constant 0 : i32
      %dma_start3A_103 = arith.constant 0 : i32
      %dma_start3A_104 = tpu.memref_slice %arg17[%rem3A_88, %dma_start3A_99, %dma_start3A_102, %dma_start3A_103] : memref<3x3x768x768xf32, #tpu.memory_space<vmem>> -> memref<1x1x768x768xf32, #tpu.memory_space<vmem>>
      %dma_start3A_105 = tpu.memref_squeeze %dma_start3A_104 : memref<1x1x768x768xf32, #tpu.memory_space<vmem>> -> memref<768x768xf32, #tpu.memory_space<vmem>>
      %dma_start3A_106 = arith.constant 0 : i32
      %dma_start3A_107 = arith.constant 0 : i32
      %dma_start3A_108 = tpu.memref_slice %arg14[%get3A_86, %dma_start3A_106, %dma_start3A_107] : memref<64x768x768xf32, #tpu.memory_space<any>> -> memref<1x768x768xf32, #tpu.memory_space<any>>
      %dma_start3A_109 = tpu.memref_squeeze %dma_start3A_108 : memref<1x768x768xf32, #tpu.memory_space<any>> -> memref<768x768xf32, #tpu.memory_space<any>>
      tpu.enqueue_dma source(%dma_start3A_109 : memref<768x768xf32, #tpu.memory_space<any>>) target(%dma_start3A_105 : memref<768x768xf32, #tpu.memory_space<vmem>>) target_semaphore(%dma_start3A_101 : memref<!tpu.dma_semaphore, #tpu.memory_space<semaphore_mem>>)
      %dma_start3A_110 = arith.constant 2 : i32
      %dma_start3A_111 = tpu.memref_slice %arg18[%rem3A_88] : memref<3x!tpu.dma_semaphore, #tpu.memory_space<semaphore_mem>> -> memref<1x!tpu.dma_semaphore, #tpu.memory_space<semaphore_mem>>
      %dma_start3A_112 = tpu.memref_squeeze %dma_start3A_111 : memref<1x!tpu.dma_semaphore, #tpu.memory_space<semaphore_mem>> -> memref<!tpu.dma_semaphore, #tpu.memory_space<semaphore_mem>>
      %dma_start3A_113 = arith.constant 0 : i32
      %dma_start3A_114 = arith.constant 0 : i32
      %dma_start3A_115 = tpu.memref_slice %arg17[%rem3A_88, %dma_start3A_110, %dma_start3A_113, %dma_start3A_114] : memref<3x3x768x768xf32, #tpu.memory_space<vmem>> -> memref<1x1x768x768xf32, #tpu.memory_space<vmem>>
      %dma_start3A_116 = tpu.memref_squeeze %dma_start3A_115 : memref<1x1x768x768xf32, #tpu.memory_space<vmem>> -> memref<768x768xf32, #tpu.memory_space<vmem>>
      %dma_start3A_117 = arith.constant 0 : i32
      %dma_start3A_118 = arith.constant 0 : i32
      %dma_start3A_119 = tpu.memref_slice %arg15[%get3A_86, %dma_start3A_117, %dma_start3A_118] : memref<64x768x768xf32, #tpu.memory_space<any>> -> memref<1x768x768xf32, #tpu.memory_space<any>>
      %dma_start3A_120 = tpu.memref_squeeze %dma_start3A_119 : memref<1x768x768xf32, #tpu.memory_space<any>> -> memref<768x768xf32, #tpu.memory_space<any>>
      tpu.enqueue_dma source(%dma_start3A_120 : memref<768x768xf32, #tpu.memory_space<any>>) target(%dma_start3A_116 : memref<768x768xf32, #tpu.memory_space<vmem>>) target_semaphore(%dma_start3A_112 : memref<!tpu.dma_semaphore, #tpu.memory_space<semaphore_mem>>)
    } else {
    }
    %get3A_7 = arith.index_cast %arg0 : i32 to index
    %get3A_8 = memref.load %arg1[%get3A_7] : memref<127xi32, #tpu.memory_space<smem>>
    %get3A_9 = arith.index_cast %arg0 : i32 to index
    %get3A_10 = memref.load %arg2[%get3A_9] : memref<127xi32, #tpu.memory_space<smem>>
    %get3A_11 = arith.index_cast %arg0 : i32 to index
    %get3A_12 = memref.load %arg9[%get3A_11] : memref<127xi32, #tpu.memory_space<smem>>
    %rem3A = arith.constant 3 : i32
    %rem3A_13 = arith.remsi %get3A_12, %rem3A : i32
    %get3A_14 = arith.index_cast %arg0 : i32 to index
    %get3A_15 = memref.load %arg10[%get3A_14] : memref<127xi32, #tpu.memory_space<smem>>
    %eq3A_16 = arith.constant 1 : i32
    %eq3A_17 = arith.cmpi eq, %get3A_15, %eq3A_16 : i32
    %convert_element_type3A_18 = arith.extui %eq3A_17 : i1 to i32
    %cond3A_19 = arith.constant 0 : i32
    %cond3A_20 = arith.cmpi ne, %convert_element_type3A_18, %cond3A_19 : i32
    scf.if %cond3A_20 {
      %dma_wait3A = arith.constant 0 : i32
      %dma_wait3A_85 = tpu.memref_slice %arg18[%rem3A_13] : memref<3x!tpu.dma_semaphore, #tpu.memory_space<semaphore_mem>> -> memref<1x!tpu.dma_semaphore, #tpu.memory_space<semaphore_mem>>
      %dma_wait3A_86 = tpu.memref_squeeze %dma_wait3A_85 : memref<1x!tpu.dma_semaphore, #tpu.memory_space<semaphore_mem>> -> memref<!tpu.dma_semaphore, #tpu.memory_space<semaphore_mem>>
      %dma_wait3A_87 = arith.constant 0 : i32
      %dma_wait3A_88 = arith.constant 0 : i32
      %dma_wait3A_89 = tpu.memref_slice %arg17[%rem3A_13, %dma_wait3A, %dma_wait3A_87, %dma_wait3A_88] : memref<3x3x768x768xf32, #tpu.memory_space<vmem>> -> memref<1x1x768x768xf32, #tpu.memory_space<vmem>>
      %dma_wait3A_90 = tpu.memref_squeeze %dma_wait3A_89 : memref<1x1x768x768xf32, #tpu.memory_space<vmem>> -> memref<768x768xf32, #tpu.memory_space<vmem>>
      %dma_wait3A_91 = arith.constant 0 : i32
      %dma_wait3A_92 = arith.constant 0 : i32
      %dma_wait3A_93 = tpu.memref_slice %arg13[%get3A_8, %dma_wait3A_91, %dma_wait3A_92] : memref<64x768x768xf32, #tpu.memory_space<any>> -> memref<1x768x768xf32, #tpu.memory_space<any>>
      %dma_wait3A_94 = tpu.memref_squeeze %dma_wait3A_93 : memref<1x768x768xf32, #tpu.memory_space<any>> -> memref<768x768xf32, #tpu.memory_space<any>>
      tpu.wait_dma2 semaphore(%dma_wait3A_86 : memref<!tpu.dma_semaphore, #tpu.memory_space<semaphore_mem>>) src(%dma_wait3A_94 : memref<768x768xf32, #tpu.memory_space<any>>) dst(%dma_wait3A_90 : memref<768x768xf32, #tpu.memory_space<vmem>>)
      %dma_wait3A_95 = arith.constant 1 : i32
      %dma_wait3A_96 = tpu.memref_slice %arg18[%rem3A_13] : memref<3x!tpu.dma_semaphore, #tpu.memory_space<semaphore_mem>> -> memref<1x!tpu.dma_semaphore, #tpu.memory_space<semaphore_mem>>
      %dma_wait3A_97 = tpu.memref_squeeze %dma_wait3A_96 : memref<1x!tpu.dma_semaphore, #tpu.memory_space<semaphore_mem>> -> memref<!tpu.dma_semaphore, #tpu.memory_space<semaphore_mem>>
      %dma_wait3A_98 = arith.constant 0 : i32
      %dma_wait3A_99 = arith.constant 0 : i32
      %dma_wait3A_100 = tpu.memref_slice %arg17[%rem3A_13, %dma_wait3A_95, %dma_wait3A_98, %dma_wait3A_99] : memref<3x3x768x768xf32, #tpu.memory_space<vmem>> -> memref<1x1x768x768xf32, #tpu.memory_space<vmem>>
      %dma_wait3A_101 = tpu.memref_squeeze %dma_wait3A_100 : memref<1x1x768x768xf32, #tpu.memory_space<vmem>> -> memref<768x768xf32, #tpu.memory_space<vmem>>
      %dma_wait3A_102 = arith.constant 0 : i32
      %dma_wait3A_103 = arith.constant 0 : i32
      %dma_wait3A_104 = tpu.memref_slice %arg14[%get3A_8, %dma_wait3A_102, %dma_wait3A_103] : memref<64x768x768xf32, #tpu.memory_space<any>> -> memref<1x768x768xf32, #tpu.memory_space<any>>
      %dma_wait3A_105 = tpu.memref_squeeze %dma_wait3A_104 : memref<1x768x768xf32, #tpu.memory_space<any>> -> memref<768x768xf32, #tpu.memory_space<any>>
      tpu.wait_dma2 semaphore(%dma_wait3A_97 : memref<!tpu.dma_semaphore, #tpu.memory_space<semaphore_mem>>) src(%dma_wait3A_105 : memref<768x768xf32, #tpu.memory_space<any>>) dst(%dma_wait3A_101 : memref<768x768xf32, #tpu.memory_space<vmem>>)
      %dma_wait3A_106 = arith.constant 2 : i32
      %dma_wait3A_107 = tpu.memref_slice %arg18[%rem3A_13] : memref<3x!tpu.dma_semaphore, #tpu.memory_space<semaphore_mem>> -> memref<1x!tpu.dma_semaphore, #tpu.memory_space<semaphore_mem>>
      %dma_wait3A_108 = tpu.memref_squeeze %dma_wait3A_107 : memref<1x!tpu.dma_semaphore, #tpu.memory_space<semaphore_mem>> -> memref<!tpu.dma_semaphore, #tpu.memory_space<semaphore_mem>>
      %dma_wait3A_109 = arith.constant 0 : i32
      %dma_wait3A_110 = arith.constant 0 : i32
      %dma_wait3A_111 = tpu.memref_slice %arg17[%rem3A_13, %dma_wait3A_106, %dma_wait3A_109, %dma_wait3A_110] : memref<3x3x768x768xf32, #tpu.memory_space<vmem>> -> memref<1x1x768x768xf32, #tpu.memory_space<vmem>>
      %dma_wait3A_112 = tpu.memref_squeeze %dma_wait3A_111 : memref<1x1x768x768xf32, #tpu.memory_space<vmem>> -> memref<768x768xf32, #tpu.memory_space<vmem>>
      %dma_wait3A_113 = arith.constant 0 : i32
      %dma_wait3A_114 = arith.constant 0 : i32
      %dma_wait3A_115 = tpu.memref_slice %arg15[%get3A_8, %dma_wait3A_113, %dma_wait3A_114] : memref<64x768x768xf32, #tpu.memory_space<any>> -> memref<1x768x768xf32, #tpu.memory_space<any>>
      %dma_wait3A_116 = tpu.memref_squeeze %dma_wait3A_115 : memref<1x768x768xf32, #tpu.memory_space<any>> -> memref<768x768xf32, #tpu.memory_space<any>>
      tpu.wait_dma2 semaphore(%dma_wait3A_108 : memref<!tpu.dma_semaphore, #tpu.memory_space<semaphore_mem>>) src(%dma_wait3A_116 : memref<768x768xf32, #tpu.memory_space<any>>) dst(%dma_wait3A_112 : memref<768x768xf32, #tpu.memory_space<vmem>>)
    } else {
    }
    %get3A_21 = arith.constant 0 : index
    %get3A_22 = arith.constant 0 : index
    %get3A_23 = vector.load %arg12[%get3A_21, %get3A_22] : memref<256x768xf32, #tpu.memory_space<vmem>>, vector<256x768xf32>
    %get3A_24 = arith.index_cast %rem3A_13 : i32 to index
    %get3A_25 = arith.constant 0 : index
    %get3A_26 = arith.constant 0 : index
    %get3A_27 = arith.constant 0 : index
    %get3A_28 = vector.load %arg17[%get3A_24, %get3A_25, %get3A_26, %get3A_27] : memref<3x3x768x768xf32, #tpu.memory_space<vmem>>, vector<1x1x768x768xf32>
    %get3A_29 = vector.shape_cast %get3A_28 : vector<1x1x768x768xf32> to vector<768x768xf32>
    %get3A_30 = arith.index_cast %rem3A_13 : i32 to index
    %get3A_31 = arith.constant 1 : index
    %get3A_32 = arith.constant 0 : index
    %get3A_33 = arith.constant 0 : index
    %get3A_34 = vector.load %arg17[%get3A_30, %get3A_31, %get3A_32, %get3A_33] : memref<3x3x768x768xf32, #tpu.memory_space<vmem>>, vector<1x1x768x768xf32>
    %get3A_35 = vector.shape_cast %get3A_34 : vector<1x1x768x768xf32> to vector<768x768xf32>
    %get3A_36 = arith.index_cast %rem3A_13 : i32 to index
    %get3A_37 = arith.constant 2 : index
    %get3A_38 = arith.constant 0 : index
    %get3A_39 = arith.constant 0 : index
    %get3A_40 = vector.load %arg17[%get3A_36, %get3A_37, %get3A_38, %get3A_39] : memref<3x3x768x768xf32, #tpu.memory_space<vmem>>, vector<1x1x768x768xf32>
    %get3A_41 = vector.shape_cast %get3A_40 : vector<1x1x768x768xf32> to vector<768x768xf32>
    %dot_general3A = arith.constant dense<0.000000e+00> : vector<256x768xf32>
    %dot_general3A_42 = tpu.matmul %get3A_23, %get3A_29, %dot_general3A {dimension_numbers = #tpu.dot_dimension_numbers<[1], [1], [0], [0], [0, 0, 1, 0], [], []>, transpose_lhs_hint = false} : vector<256x768xf32>, vector<768x768xf32>, vector<256x768xf32> -> vector<256x768xf32>
    %dot_general3A_43 = arith.constant dense<0.000000e+00> : vector<256x768xf32>
    %dot_general3A_44 = tpu.matmul %get3A_23, %get3A_35, %dot_general3A_43 {dimension_numbers = #tpu.dot_dimension_numbers<[1], [1], [0], [0], [0, 0, 1, 0], [], []>, transpose_lhs_hint = false} : vector<256x768xf32>, vector<768x768xf32>, vector<256x768xf32> -> vector<256x768xf32>
    %logistic3A = arith.negf %dot_general3A_42 : vector<256x768xf32>
    %logistic3A_45 = math.exp %logistic3A : vector<256x768xf32>
    %logistic3A_46 = arith.constant 1.000000e+00 : f32
    %logistic3A_47 = vector.broadcast %logistic3A_46 : f32 to vector<256x768xf32>
    %logistic3A_48 = arith.addf %logistic3A_47, %logistic3A_45 : vector<256x768xf32>
    %logistic3A_49 = arith.divf %logistic3A_47, %logistic3A_48 : vector<256x768xf32>
    %mul3A = arith.mulf %dot_general3A_42, %logistic3A_49 : vector<256x768xf32>
    %mul3A_50 = arith.mulf %mul3A, %dot_general3A_44 : vector<256x768xf32>
    %mul3A_51 = arith.constant 256 : i32
    %mul3A_52 = arith.muli %get3A_10, %mul3A_51 : i32
    %iota3A = tpu.iota {dimensions = array<i32: 0>} : vector<256x1xi32>
    %add3A = vector.broadcast %mul3A_52 : i32 to vector<256x1xi32>
    %add3A_53 = arith.addi %add3A, %iota3A : vector<256x1xi32>
    %get3A_54 = arith.index_cast %get3A_8 : i32 to index
    %get3A_55 = memref.load %arg4[%get3A_54] : memref<64xi32, #tpu.memory_space<smem>>
    %ge3A_56 = vector.broadcast %get3A_55 : i32 to vector<256x1xi32>
    %ge3A_57 = arith.cmpi sge, %add3A_53, %ge3A_56 : vector<256x1xi32>
    %get3A_58 = arith.index_cast %get3A_8 : i32 to index
    %get3A_59 = memref.load %arg5[%get3A_58] : memref<64xi32, #tpu.memory_space<smem>>
    %lt3A = vector.broadcast %get3A_59 : i32 to vector<256x1xi32>
    %lt3A_60 = arith.cmpi slt, %add3A_53, %lt3A : vector<256x1xi32>
    %and3A = arith.andi %ge3A_57, %lt3A_60 : vector<256x1xi1>
    %get3A_61 = arith.index_cast %arg0 : i32 to index
    %get3A_62 = memref.load %arg6[%get3A_61] : memref<127xi32, #tpu.memory_space<smem>>
    %eq3A_63 = arith.constant 1 : i32
    %eq3A_64 = arith.cmpi eq, %get3A_62, %eq3A_63 : i32
    %and3A_65 = vector.broadcast %eq3A_64 : i1 to vector<256x1xi1>
    %and3A_66 = arith.andi %and3A, %and3A_65 : vector<256x1xi1>
    %jit3A = arith.constant 0.000000e+00 : f32
    %broadcast_in_dim3A = vector.shape_cast %and3A_66 : vector<256x1xi1> to vector<256x1xi1>
    %broadcast_in_dim3A_67 = vector.broadcast %broadcast_in_dim3A : vector<256x1xi1> to vector<256x768xi1>
    %broadcast_in_dim3A_68 = vector.broadcast %jit3A : f32 to vector<256x768xf32>
    %select_n3A = arith.select %broadcast_in_dim3A_67, %mul3A_50, %broadcast_in_dim3A_68 : vector<256x768xi1>, vector<256x768xf32>
    %dot_general3A_69 = arith.constant dense<0.000000e+00> : vector<256x768xf32>
    %dot_general3A_70 = tpu.matmul %select_n3A, %get3A_41, %dot_general3A_69 {dimension_numbers = #tpu.dot_dimension_numbers<[1], [1], [0], [0], [0, 0, 1, 0], [], []>, transpose_lhs_hint = false} : vector<256x768xf32>, vector<768x768xf32>, vector<256x768xf32> -> vector<256x768xf32>
    %get3A_71 = arith.index_cast %arg0 : i32 to index
    %get3A_72 = memref.load %arg3[%get3A_71] : memref<127xi32, #tpu.memory_space<smem>>
    %eq3A_73 = arith.constant 1 : i32
    %eq3A_74 = arith.cmpi eq, %get3A_72, %eq3A_73 : i32
    %convert_element_type3A_75 = arith.extui %eq3A_74 : i1 to i32
    %cond3A_76 = arith.constant 0 : i32
    %cond3A_77 = arith.cmpi ne, %convert_element_type3A_75, %cond3A_76 : i32
    scf.if %cond3A_77 {
      %swap3A = arith.constant 0 : index
      %swap3A_85 = arith.constant 0 : index
      %swap3A_86 = vector.load %arg16[%swap3A, %swap3A_85] : memref<256x768xf32, #tpu.memory_space<vmem>>, vector<256x768xf32>
      tpu.vector_store %arg16[%swap3A, %swap3A_85], %dot_general3A_70 {strides = array<i32>} : memref<256x768xf32, #tpu.memory_space<vmem>>, vector<256x768xf32>,
    } else {
    }
    %get3A_78 = arith.index_cast %arg0 : i32 to index
    %get3A_79 = memref.load %arg3[%get3A_78] : memref<127xi32, #tpu.memory_space<smem>>
    %eq3A_80 = arith.constant 0 : i32
    %eq3A_81 = arith.cmpi eq, %get3A_79, %eq3A_80 : i32
    %convert_element_type3A_82 = arith.extui %eq3A_81 : i1 to i32
    %cond3A_83 = arith.constant 0 : i32
    %cond3A_84 = arith.cmpi ne, %convert_element_type3A_82, %cond3A_83 : i32
    scf.if %cond3A_84 {
      %get3A_85 = arith.constant 0 : index
      %get3A_86 = arith.constant 0 : index
      %get3A_87 = vector.load %arg16[%get3A_85, %get3A_86] : memref<256x768xf32, #tpu.memory_space<vmem>>, vector<256x768xf32>
      %add3A_88 = arith.addf %get3A_87, %dot_general3A_70 : vector<256x768xf32>
      %swap3A = arith.constant 0 : index
      %swap3A_89 = arith.constant 0 : index
      %swap3A_90 = vector.load %arg16[%swap3A, %swap3A_89] : memref<256x768xf32, #tpu.memory_space<vmem>>, vector<256x768xf32>
      tpu.vector_store %arg16[%swap3A, %swap3A_89], %add3A_88 {strides = array<i32>} : memref<256x768xf32, #tpu.memory_space<vmem>>, vector<256x768xf32>,
    } else {
    }
    return
  }
  func.func @transform_0(%arg0: i32, %arg1: memref<127xi32, #tpu.memory_space<smem>>, %arg2: memref<127xi32, #tpu.memory_space<smem>>, %arg3: memref<127xi32, #tpu.memory_space<smem>>, %arg4: memref<64xi32, #tpu.memory_space<smem>>, %arg5: memref<64xi32, #tpu.memory_space<smem>>, %arg6: memref<127xi32, #tpu.memory_space<smem>>, %arg7: memref<64xi32, #tpu.memory_space<smem>>, %arg8: memref<127xi32, #tpu.memory_space<smem>>, %arg9: memref<127xi32, #tpu.memory_space<smem>>, %arg10: memref<127xi32, #tpu.memory_space<smem>>, %arg11: memref<1xi32, #tpu.memory_space<smem>>) -> (i32, i32) {
    %get3A = arith.index_cast %arg0 : i32 to index
    %get3A_0 = memref.load %arg2[%get3A] : memref<127xi32, #tpu.memory_space<smem>>
    %c0_i32 = arith.constant 0 : i32
    %c0_i32_1 = arith.constant 0 : i32
    return %get3A_0, %c0_i32 : i32, i32
  }
  func.func @transform_4(%arg0: i32, %arg1: memref<127xi32, #tpu.memory_space<smem>>, %arg2: memref<127xi32, #tpu.memory_space<smem>>, %arg3: memref<127xi32, #tpu.memory_space<smem>>, %arg4: memref<64xi32, #tpu.memory_space<smem>>, %arg5: memref<64xi32, #tpu.memory_space<smem>>, %arg6: memref<127xi32, #tpu.memory_space<smem>>, %arg7: memref<64xi32, #tpu.memory_space<smem>>, %arg8: memref<127xi32, #tpu.memory_space<smem>>, %arg9: memref<127xi32, #tpu.memory_space<smem>>, %arg10: memref<127xi32, #tpu.memory_space<smem>>, %arg11: memref<1xi32, #tpu.memory_space<smem>>) -> (i32, i32) {
    %get3A = arith.index_cast %arg0 : i32 to index
    %get3A_0 = memref.load %arg2[%get3A] : memref<127xi32, #tpu.memory_space<smem>>
    %c0_i32 = arith.constant 0 : i32
    %c0_i32_1 = arith.constant 0 : i32
    return %get3A_0, %c0_i32 : i32, i32
  }
}

</mosaic_0001>

<sc_bundles>
// kernel: kernel.6.cloned.1.call-start
scs
__scs_entry_jumppad:
0x0: {  	(pc) =	sbr.rel $0x88, $3  }
0x1: {  	(tag) =	ssettag $0x0;
	lr =	simm.s32 $0x1  }
0x2: {  	[smem:$0x3F9A] =	sst lr;
	_ =	strace $0xD0000000  }
0x3: {  	_ = 	snop  }
0x4: {  	_ = 	snop  }
0x5: {  	_ = 	snop  }
0x6: {  	_ = 	snop  }
0x7: {  	_ = 	snop  }
__scs_overlays_trampoline_lowered:
0x8: {  	[smem:$0x3FA9] =	sst s0  }
0x9: {  	[smem:$0x3FAA] =	sst s1  }
0xa: {  	[smem:$0x3FAB] =	sst s2  }
0xb: {  	[smem:$0x3FAC] =	sst s3  }
0xc: {  	[smem:$0x3FAD] =	sst s4  }
0xd: {  	[smem:$0x3FAE] =	sst s5  }
0xe: {  	[smem:$0x3FAF] =	sst s6  }
0xf: {  	[smem:$0x3FB0] =	sst s7  }
0x10: {  	[smem:$0x3FB1] =	sst s8  }
0x11: {  	[smem:$0x3FB2] =	sst s9;
	s0 =	simm.s32 @!p0 $0x0  }
0x12: {  	s1 =	sld [smem:$0x3F98];
	s0 =	simm.s32 @p0 $0x1  }
0x13: {  	[smem:$0x3FB3] =	sst s0;
	s0 =	simm.s32 @!p1 $0x0  }
0x14: {  	s2 =	sld [smem:$0x3F97];
	s0 =	simm.s32 @p1 $0x1  }
0x15: {  	[smem:$0x3FB4] =	sst s0;
	s0 =	simm.s32 @!p2 $0x0  }
0x16: {  	s3 =	sld [smem:$0x3FDB];
	s0 =	simm.s32 @p2 $0x1  }
0x17: {  	s4 =	simm.s32 $0x1BF5;
	[smem:$0x3FB6] =	sst s0  }
0x18: {  	s0 =	sld [smem:$0x3F99];
	_ =	swait.ge [sflag:s4], $0x0  }
0x19: {  	s7 =	sld [smem:$0x3F9A]  }
0x1a: {  	s8 =	sadd.s32 $0xFFFFE003, lr  }
0x1b: {  	s9 =	sadd.s32 $0xFFFFFEF7, lr;
	s5 =	simm.s32 $0xFFFFFFFF;
	p2 =	slt.u32 s8, $0xFFFFF086  }
0x1c: {  	p1 =	slt.u32 s9, $0xF7A;
	s5 =	simm.s32 @!p2 $0x0  }
0x1d: {  	s5 =	simm.s32 @p1 $0x1;
	p0 =	seq.s32 s7, s2  }
0x1e: {  	s7 =	smul.u32 @!p0 $0xF7A, s2;
	p2 =	seq.s32 @!p0 s5, $0x0  }
0x1f: {  	s9 =	smul.u32 $0xF7A, s1;
	s8 =	simm.s32 @!p0 $0x1BF5;
	p2 =	por !p2, p0  }
0x20: {  	[sflag:s8] =	ssyncset.s32 @!p0 $0xFFFFF086;
	s6 =	sadd.s32 @!p0 s3, s7;
	s7 =	simm.s32 @!p0 $0x108  }
0x21: {  	s3 =	sadd.s32 s3, s9;
	s6 =	sadd.s32 @!p0 $0x88, s6;
	s7 =	simm.s32 @p2 $0x1082  }
0x22: {  	[simem:s7], [sflag:s8] =	dma.local @!p0 [hbm:s6], $0xF7A  }
0x23: {  	s9 =	sor.u32 $0xD0000000, s2;
	s6 =	simm.s32 $0x108;
	_ =	swait.ge @!p0 [sflag:s8], $0x0  }
0x24: {  	s3 =	sadd.s32 $0x88, s3;
	s6 =	simm.s32 @!p1 $0x1082;
	[sflag:s4] =	ssyncset.s32 $0xFFFFF086  }
0x25: {  	[simem:s6], [sflag:s4] =	dma.local [hbm:s3], $0xF7A  }
0x26: {  	[smem:$0x3F9A] =	sst s1;
	(tag) =	ssettag s2;
	_ =	strace s9  }
0x27: {  	s1 =	sld [smem:$0x3FAA]  }
0x28: {  	s2 =	sld [smem:$0x3FAB]  }
0x29: {  	s4 =	sld [smem:$0x3FAD]  }
0x2a: {  	p0 =	seq.s32 s5, $0x0;
	s5 =	sld [smem:$0x3FAE]  }
0x2b: {  	s6 =	sld [smem:$0x3FAF]  }
0x2c: {  	s7 =	sld [smem:$0x3FB0]  }
0x2d: {  	s3 =	simm.s32 $0x108;
	s8 =	sld [smem:$0x3FB1]  }
0x2e: {  	s3 =	simm.s32 @!p0 $0x1082;
	s9 =	sld [smem:$0x3FB2]  }
0x2f: {  	lr =	sadd.s32 s0, s3;
	s0 =	sld [smem:$0x3FA9]  }
0x30: {  	s3 =	sld [smem:$0x3FAC]  }
0x31: {  	[smem:$0x3FB5] =	sst s10  }
0x32: {  	s10 =	sld [smem:$0x3FB3];
	_ =	sdelay $0x3  }
0x33: {  	p0 =	seq.s32 s10, $0x1;
	s10 =	sld [smem:$0x3FB5];
	_ =	sdelay $0x3  }
0x34: {  	[smem:$0x3FB5] =	sst s10  }
0x35: {  	s10 =	sld [smem:$0x3FB4];
	_ =	sdelay $0x3  }
0x36: {  	p1 =	seq.s32 s10, $0x1;
	s10 =	sld [smem:$0x3FB5];
	_ =	sdelay $0x3  }
0x37: {  	[smem:$0x3FB5] =	sst s10  }
0x38: {  	s10 =	sld [smem:$0x3FB6]  }
0x39: {  	_ = 	snop;
	(pc) =	sbr.ind lr, $3  }
0x3a: {  	_ = 	snop  }
0x3b: {  	_ = 	snop  }
0x3c: {  	p2 =	seq.s32 s10, $0x1;
	s10 =	sld [smem:$0x3FB5]  }
0x3d: {  	_ =	shalt  }
0x3e: {  	_ =	shalt  }
0x3f: {  	_ =	shalt  }
0x40: {  	_ =	shalt  }
0x41: {  	_ =	shalt  }
0x42: {  	_ =	shalt  }
0x43: {  	_ =	shalt  }
0x44: {  	_ =	shalt  }
0x45: {  	_ =	shalt  }
0x46: {  	_ =	shalt  }
0x47: {  	_ =	shalt  }
0x48: {  	_ =	shalt  }
0x49: {  	_ =	shalt  }
0x4a: {  	_ =	shalt  }
0x4b: {  	_ =	shalt  }
0x4c: {  	_ =	shalt  }
0x4d: {  	_ =	shalt  }
0x4e: {  	_ =	shalt  }
0x4f: {  	_ =	shalt  }
0x50: {  	_ =	shalt  }
0x51: {  	_ =	shalt  }
0x52: {  	_ =	shalt  }
0x53: {  	_ =	shalt  }
0x54: {  	_ =	shalt  }
0x55: {  	_ =	shalt  }
0x56: {  	_ =	shalt  }
0x57: {  	_ =	shalt  }
0x58: {  	_ =	shalt  }
0x59: {  	_ =	shalt  }
0x5a: {  	_ =	shalt  }
0x5b: {  	_ =	shalt  }
0x5c: {  	_ =	shalt  }
0x5d: {  	_ =	shalt  }
0x5e: {  	_ =	shalt  }
0x5f: {  	_ =	shalt  }
0x60: {  	_ =	shalt  }
0x61: {  	_ =	shalt  }
0x62: {  	_ =	shalt  }
0x63: {  	_ =	shalt  }
0x64: {  	_ =	shalt  }
0x65: {  	_ =	shalt  }
0x66: {  	_ =	shalt  }
0x67: {  	_ =	shalt  }
0x68: {  	_ =	shalt  }
0x69: {  	_ =	shalt  }
0x6a: {  	_ =	shalt  }
0x6b: {  	_ =	shalt  }
0x6c: {  	_ =	shalt  }
0x6d: {  	_ =	shalt  }
0x6e: {  	_ =	shalt  }
0x6f: {  	_ =	shalt  }
0x70: {  	_ =	shalt  }
0x71: {  	_ =	shalt  }
0x72: {  	_ =	shalt  }
0x73: {  	_ =	shalt  }
0x74: {  	_ =	shalt  }
0x75: {  	_ =	shalt  }
0x76: {  	_ =	shalt  }
0x77: {  	_ =	shalt  }
0x78: {  	_ =	shalt  }
0x79: {  	_ =	shalt  }
0x7a: {  	_ =	shalt  }
0x7b: {  	_ =	shalt  }
0x7c: {  	_ =	shalt  }
0x7d: {  	_ =	shalt  }
0x7e: {  	_ =	shalt  }
0x7f: {  	_ =	shalt  }
0x80: {  	_ =	shalt  }
0x81: {  	_ =	shalt  }
0x82: {  	_ =	shalt  }
0x83: {  	_ =	shalt  }
0x84: {  	_ =	shalt  }
0x85: {  	_ =	shalt  }
0x86: {  	_ =	shalt  }
0x87: {  	_ =	shalt  }
.Lfunc_end0:
.L_simem_size_0:
called_computation_lowered:
.L_overlay_start_0:
0x88: {  	s2 =	sld [smem:$0x3FD9]  }
0x89: {  	s3 =	sld [smem:$0x3FFE];
	_ =	sdelay $0x1  }
0x8a: {  	s1 =	srdreg.scid  }
0x8b: {  	s0 =	sand.u32 $0x1, s1  }
0x8c: {  	s17 =	sshll.u32 s0, $0xA;
	s2 =	sadd.s32 s3, s2  }
0x8d: {  	s2 =	sadd.s32 s2, s17  }
0x8e: {  	[smem:$0x3FC1] =	sst s2  }
0x8f: {  	_ = 	snop  }
0x90: {  	s2 =	sld [smem:$0x3FD0];
	(tm) =	ssettm $0x1  }
0x91: {  	s18 =	sld [smem:$0x3FFB];
	_ =	sdelay $0x3  }
0x92: {  	_ =	strace s18  }
0x93: {  	s3 =	sld [smem:$0x3FFC];
	_ =	sdelay $0x3  }
0x94: {  	_ =	strace s3  }
0x95: {  	s3 =	sld [smem:$0x3FFD];
	_ =	sdelay $0x3  }
0x96: {  	_ =	strace s3  }
0x97: {  	_ =	strace $0x8FFFFFFF  }
0x98: {  	s19 =	sld [smem:$0x3FDB];
	_ =	sdelay $0x1  }
0x99: {  	s4 =	simm.s32 $_scs_section_size  }
0x9a: {  	s5 =	simm.s32 $_size__tile_overlayer_lowered;
	s6 =	simm.s32 $_tile_overlayer_lowered  }
0x9b: {  	s22 =	simm.s32 $0x1BFF;
	s21 =	sshll.u32 s6, $0x1;
	s3 =	sadd.s32 s4, s19  }
0x9c: {  	s7 =	simm.s32 $0x0;
	s20 =	sshll.u32 s5, $0x1;
	s5 =	sadd.s32 s21, s3  }
0x9d: {  	[timem:s7], [sflag:s22] =	dma.local [hbm:s5], s20  }
0x9e: {  	_ =	swait.ge [sflag:s22], s20  }
0x9f: {  	s4 =	ssub.s32 $0x0, s20;
	[sflag:s22] =	ssyncset.done $0x0  }
0xa0: {  	[sflag:s22] =	ssyncadd.s32 s4;
	_ =	sdelay $0x1  }
0xa1: {  	s23 =	simm.s32 $0x1B8B  }
0xa2: {  	_ =	swait.ge [sflag:s23], $0x1  }
0xa3: {  	[sflag:s23] =	ssyncset.done $0x0  }
0xa4: {  	s25 =	simm.s32 $0x1B8E;
	s24 =	sld [smem:$0x3FFE];
	[sflag:s23] =	ssyncadd.s32 $0xFFFFFFFF  }
0xa5: {  	s26 =	simm.s32 $execute0_lowered;
	[smem:$0x3FD2] =	sst s25  }
0xa6: {  	s5 =	sshll.u32 s26, $0x1;
	_ =	strace $0x80000046;
	[dreg:$0x1] =	wrdreg $0xFFFFFFFF  }
0xa7: {  	s28 =	simm.s32 $_size_execute0_lowered;
	s3 =	sadd.s32 s3, s5;
	[dreg:$0x0] =	wrdreg $0x0  }
0xa8: {  	s5 =	sshll.u32 s28, $0x1;
	[dreg:$0x2] =	wrdreg s3  }
0xa9: {  	[dreg:$0x3] =	wrdreg s5  }
0xaa: {  	[dreg:$0x4] =	wrdreg $0xC0  }
0xab: {  	_ =	task [dreg:s7], $0x5FFFF  }
0xac: {  	[dreg:$0x1] =	wrdreg $0xFFFFFFFF  }
0xad: {  	[dreg:$0x0] =	wrdreg $0x60  }
0xae: {  	[dreg:$0x2] =	wrdreg s2  }
0xaf: {  	[dreg:$0x3] =	wrdreg s24  }
0xb0: {  	[dreg:$0x4] =	wrdreg $0x9  }
0xb1: {  	_ =	task.clear_ibuf [dreg:s7], $0x5FFFF;
	_ =	strace $0x90000046  }
0xb2: {  	s29 =	simm.s32 $0x9;
	_ =	strace $0x80000048  }
0xb3: {  	_ =	swait.ge [sflag:s29], $0x1  }
0xb4: {  	[sflag:s29] =	ssyncadd.s32 $0xFFFFFFFF  }
0xb5: {  	_ =	strace $0x90000048  }
0xb6: {  	_ =	sfence  }
0xb7: {  	s30 =	sld [smem:$0x0];
	_ =	sdelay $0x2  }
0xb8: {  	s31 =	sshll.u32 s1, $0xD;
	s1 =	sshrl.u32 s1, $0x2  }
0xb9: {  	s3 =	sand.u32 $0x4000, s31;
	s1 =	sadd.s32 s1, s30  }
0xba: {  	s0 =	sor.u32 s3, s0;
	s1 =	sshll.u32 s1, $0x11  }
0xbb: {  	s0 =	sor.u32 s1, s0  }
0xbc: {  	s0 =	sadd.s32 $0x8F2B, s0  }
0xbd: {  	[sflag:s0] =	ssyncadd.remote.s32 $0x1  }
0xbe: {  	_ =	sfence.sel $0xFFFF  }
0xbf: {  	[dreg:$0x0] =	wrdreg $0xFFFFFFFF;
	(pc) =	sbr.abs _section_cstart, $3  }
0xc0: {  	[dreg:$0x1] =	wrdreg $0xFFFFFFFF  }
0xc1: {  	_ =	task.clear_ibuf [dreg:s7], $0x2FFFF;
	_ =	strace $0x9FFFFFFF  }
0xc2: {  	(tm) =	ssettm $0x7FFFFFFF  }
0xc3: {  	_ =	shalt  }
tec
execute0_lowered:
.L_overlay_start_1:
0x0: {  	(tag) =	ssettag $0x1  }
0x1: {  	s0 =	rddreg [dreg:$0x0]  }
0x2: {  	s1 =	rddreg [dreg:$0x1]  }
0x3: {  	s3 =	srdreg.scid;
	s4 =	stileid.u32  }
0x4: {  	s2 =	simm.s32 $0x0;
	s30 =	simm.s32 $0x480;
	s31 =	simm.s32 $0x680;
	v34 =	vlaneseq.u32  }
0x5: {  	s10 =	simm.s32 $0x80;
	s11 =	simm.s32 $0x280;
	s3 =	sand.u32 $0x1, s3;
	v0 =	vmul.u32 $0x2, v34  }
0x6: {  	vm0 =	vmmov $0xffff;
	s4 =	sshll.u32 s4, $0x1;
	[smem:$0x7FF] =	sst s2;
	s5 =	sadd.s32 $0x1000, s1;
	v33 =	vshrl.u32 v34, $0x3;
	v32 =	vand.u32 $0x7, v34  }
0x7: {  	v34 =	vor.u32 $0x8, v34;
	s4 =	sor.u32 s3, s4;
	_ =	strace $0x80000047;
	[dreg:$0x3] =	wrdreg s5;
	v33 =	vmul.u32 $0x8, v33;
	v1 =	vor.u32 $0x1, v0  }
0x8: {  	s3 =	ssub.s32 $0x2, s3;
	[dreg:$0xa] =	wrdreg s30;
	s6 =	sshll.u32 s4, $0x6;
	v2 =	vor.u32 $0x20, v0;
	v3 =	vor.u32 $0x21, v0;
	v4 =	vor.u32 $0x40, v0  }
0x9: {  	[dreg:$0xb] =	wrdreg s31;
	s23 =	sshrl.u32 s3, $0x1;
	v5 =	vor.u32 $0x41, v0;
	v6 =	vor.u32 $0x60, v0;
	v7 =	vor.u32 $0x61, v0;
	s9 =	sadd.s32 s1, s6  }
0xa: {  	s7 =	smul.u32 $0x6000, s4;
	v8 =	vor.u32 $0x80, v0;
	v9 =	vor.u32 $0x81, v0;
	v10 =	vor.u32 $0xA0, v0;
	s6 =	sadd.s32 $0x800, s9;
	[dreg:$0xc] =	wrdreg s9  }
0xb: {  	s8 =	smul.u32 $0x30000, s4;
	v11 =	vor.u32 $0xA1, v0;
	v12 =	vor.u32 $0xC0, v0;
	v13 =	vor.u32 $0xC1, v0;
	s24 =	sadd.s32 $0x181400, s9;
	[dreg:$0x4] =	wrdreg s6  }
0xc: {  	s4 =	sadd.s32 $0x1400, s1;
	v14 =	vor.u32 $0xE0, v0;
	v15 =	vor.u32 $0xE1, v0;
	v16 =	vor.u32 $0x100, v0;
	s25 =	sadd.s32 $0x181C00, s9;
	[dreg:$0x5] =	wrdreg s24  }
0xd: {  	v17 =	vor.u32 $0x101, v0;
	v18 =	vor.u32 $0x120, v0;
	v19 =	vor.u32 $0x121, v0;
	s7 =	sadd.s32 s0, s7;
	s26 =	sshrl.u32 s8, $0x3;
	[dreg:$0x6] =	wrdreg s25  }
0xe: {  	v20 =	vor.u32 $0x140, v0;
	v21 =	vor.u32 $0x141, v0;
	v22 =	vor.u32 $0x160, v0;
	[dreg:$0xd] =	wrdreg s7;
	s28 =	sadd.s32 $0x1800, s7;
	s0 =	sadd.s32 s0, s26  }
0xf: {  	v23 =	vor.u32 $0x161, v0;
	v24 =	vor.u32 $0x180, v0;
	v25 =	vor.u32 $0x181, v0;
	s3 =	ssub.s32 s3, s23;
	[dreg:$0x7] =	wrdreg s28;
	s29 =	sadd.s32 $0x3000, s0  }
0x10: {  	v26 =	vor.u32 $0x1A0, v0;
	v27 =	vor.u32 $0x1A1, v0;
	v28 =	vor.u32 $0x1C0, v0;
	s3 =	smax.u32 s3, $0x1;
	s0 =	sadd.s32 $0x4800, s0;
	[dreg:$0x8] =	wrdreg s29  }
0x11: {  	v29 =	vor.u32 $0x1C1, v0;
	v30 =	vor.u32 $0x1E0, v0;
	v31 =	vor.u32 $0x1E1, v0;
	s6 =	sadd.s32 $0x1500, s1;
	s7 =	sadd.s32 $0x1600, s1;
	[dreg:$0x9] =	wrdreg s0  }
.LBB2_1:
0x12: {  	[dreg:$0xe] =	wrdreg s3  }
0x13: {  	s25 =	rddreg [dreg:$0x3];
	s0 =	simm.s32 $0x4  }
0x14: {  	[tilespmem:s2], [sflag:$0x4] =	stream.linear.gather [hbm4b:s25+s2], $0x80, $0x38;
	[tilespmem:$0x18880] =	vst v63  }
0x15: {  	_ =	swait.ge [sflag:s0], $0x80  }
0x16: {  	[sflag:s0] =	ssyncset.done $0x0  }
0x17: {  	s12 =	rddreg [dreg:$0xc];
	[sflag:s0] =	ssyncadd.s32 $0xFFFFFF80  }
0x18: {  	[tilespmem:s10], [sflag:$0x4] =	stream.linear.gather [hbm4b:s12+s2], $0x200, $0x38;
	[tilespmem:$0x18880] =	vst v63  }
0x19: {  	_ =	swait.ge [sflag:s0], $0x200  }
0x1a: {  	[sflag:s0] =	ssyncset.done $0x0  }
0x1b: {  	s13 =	rddreg [dreg:$0x4];
	[sflag:s0] =	ssyncadd.s32 $0xFFFFFE00  }
0x1c: {  	[tilespmem:s11], [sflag:$0x4] =	stream.linear.gather [hbm4b:s13+s2], $0x200, $0x38;
	[tilespmem:$0x18880] =	vst v63  }
0x1d: {  	_ =	swait.ge [sflag:s0], $0x200  }
0x1e: {  	[sflag:s0] =	ssyncset.done $0x0  }
0x1f: {  	[sflag:s0] =	ssyncadd.s32 $0xFFFFFE00  }
0x20: {  	v35 =	vld.idx.msk [tilespmem:v0+s10+$0x0], $0xffff;
	_ =	sdelay $0x6  }
0x21: {  	v36 =	vld.idx.msk [tilespmem:v0+s11+$0x0], $0xffff  }
0x22: {  	v35 =	vld.idx.msk [tilespmem:v35+s2+$0x0], $0xffff;
	_ =	sdelay $0x4  }
0x23: {  	v35 =	vadd.s32 v36, v35  }
0x24: {  	[tilespmem:$0x480] =	vst v35  }
0x25: {  	v35 =	vld.idx.msk [tilespmem:v1+s10+$0x0], $0xffff;
	_ =	sdelay $0x6  }
0x26: {  	v45 =	vld.idx.msk [tilespmem:v1+s11+$0x0], $0xffff  }
0x27: {  	v35 =	vld.idx.msk [tilespmem:v35+s2+$0x0], $0xffff;
	_ =	sdelay $0x4  }
0x28: {  	v35 =	vadd.s32 v45, v35  }
0x29: {  	[tilespmem:$0x680] =	vst v35  }
0x2a: {  	v35 =	vld.idx.msk [tilespmem:v2+s10+$0x0], $0xffff;
	_ =	sdelay $0x6  }
0x2b: {  	v46 =	vld.idx.msk [tilespmem:v2+s11+$0x0], $0xffff  }
0x2c: {  	v35 =	vld.idx.msk [tilespmem:v35+s2+$0x0], $0xffff;
	_ =	sdelay $0x4  }
0x2d: {  	v35 =	vadd.s32 v46, v35  }
0x2e: {  	[tilespmem:$0x490] =	vst v35  }
0x2f: {  	v35 =	vld.idx.msk [tilespmem:v3+s10+$0x0], $0xffff;
	_ =	sdelay $0x6  }
0x30: {  	v47 =	vld.idx.msk [tilespmem:v3+s11+$0x0], $0xffff  }
0x31: {  	v35 =	vld.idx.msk [tilespmem:v35+s2+$0x0], $0xffff;
	_ =	sdelay $0x4  }
0x32: {  	v35 =	vadd.s32 v47, v35  }
0x33: {  	[tilespmem:$0x690] =	vst v35  }
0x34: {  	v35 =	vld.idx.msk [tilespmem:v4+s10+$0x0], $0xffff;
	_ =	sdelay $0x6  }
0x35: {  	v48 =	vld.idx.msk [tilespmem:v4+s11+$0x0], $0xffff  }
0x36: {  	v35 =	vld.idx.msk [tilespmem:v35+s2+$0x0], $0xffff;
	_ =	sdelay $0x4  }
0x37: {  	v35 =	vadd.s32 v48, v35  }
0x38: {  	[tilespmem:$0x4A0] =	vst v35  }
0x39: {  	v35 =	vld.idx.msk [tilespmem:v5+s10+$0x0], $0xffff;
	_ =	sdelay $0x6  }
0x3a: {  	v49 =	vld.idx.msk [tilespmem:v5+s11+$0x0], $0xffff  }
0x3b: {  	v35 =	vld.idx.msk [tilespmem:v35+s2+$0x0], $0xffff;
	_ =	sdelay $0x4  }
0x3c: {  	v35 =	vadd.s32 v49, v35  }
0x3d: {  	[tilespmem:$0x6A0] =	vst v35  }
0x3e: {  	v35 =	vld.idx.msk [tilespmem:v6+s10+$0x0], $0xffff;
	_ =	sdelay $0x6  }
0x3f: {  	v50 =	vld.idx.msk [tilespmem:v6+s11+$0x0], $0xffff  }
0x40: {  	v35 =	vld.idx.msk [tilespmem:v35+s2+$0x0], $0xffff;
	_ =	sdelay $0x4  }
0x41: {  	v35 =	vadd.s32 v50, v35  }
0x42: {  	[tilespmem:$0x4B0] =	vst v35  }
0x43: {  	v35 =	vld.idx.msk [tilespmem:v7+s10+$0x0], $0xffff;
	_ =	sdelay $0x6  }
0x44: {  	v51 =	vld.idx.msk [tilespmem:v7+s11+$0x0], $0xffff  }
0x45: {  	v35 =	vld.idx.msk [tilespmem:v35+s2+$0x0], $0xffff;
	_ =	sdelay $0x4  }
0x46: {  	v35 =	vadd.s32 v51, v35  }
0x47: {  	[tilespmem:$0x6B0] =	vst v35  }
0x48: {  	v35 =	vld.idx.msk [tilespmem:v8+s10+$0x0], $0xffff;
	_ =	sdelay $0x6  }
0x49: {  	v52 =	vld.idx.msk [tilespmem:v8+s11+$0x0], $0xffff  }
0x4a: {  	v35 =	vld.idx.msk [tilespmem:v35+s2+$0x0], $0xffff;
	_ =	sdelay $0x4  }
0x4b: {  	v35 =	vadd.s32 v52, v35  }
0x4c: {  	[tilespmem:$0x500] =	vst v35  }
0x4d: {  	v35 =	vld.idx.msk [tilespmem:v9+s10+$0x0], $0xffff;
	_ =	sdelay $0x6  }
0x4e: {  	v53 =	vld.idx.msk [tilespmem:v9+s11+$0x0], $0xffff  }
0x4f: {  	v35 =	vld.idx.msk [tilespmem:v35+s2+$0x0], $0xffff;
	_ =	sdelay $0x4  }
0x50: {  	v35 =	vadd.s32 v53, v35  }
0x51: {  	[tilespmem:$0x700] =	vst v35  }
0x52: {  	v35 =	vld.idx.msk [tilespmem:v10+s10+$0x0], $0xffff;
	_ =	sdelay $0x6  }
0x53: {  	v54 =	vld.idx.msk [tilespmem:v10+s11+$0x0], $0xffff  }
0x54: {  	v35 =	vld.idx.msk [tilespmem:v35+s2+$0x0], $0xffff;
	_ =	sdelay $0x4  }
0x55: {  	v35 =	vadd.s32 v54, v35  }
0x56: {  	[tilespmem:$0x510] =	vst v35  }
0x57: {  	v35 =	vld.idx.msk [tilespmem:v11+s10+$0x0], $0xffff;
	_ =	sdelay $0x6  }
0x58: {  	v55 =	vld.idx.msk [tilespmem:v11+s11+$0x0], $0xffff  }
0x59: {  	v35 =	vld.idx.msk [tilespmem:v35+s2+$0x0], $0xffff;
	_ =	sdelay $0x4  }
0x5a: {  	v35 =	vadd.s32 v55, v35  }
0x5b: {  	[tilespmem:$0x710] =	vst v35  }
0x5c: {  	v35 =	vld.idx.msk [tilespmem:v12+s10+$0x0], $0xffff;
	_ =	sdelay $0x6  }
0x5d: {  	v56 =	vld.idx.msk [tilespmem:v12+s11+$0x0], $0xffff  }
0x5e: {  	v35 =	vld.idx.msk [tilespmem:v35+s2+$0x0], $0xffff;
	_ =	sdelay $0x4  }
0x5f: {  	v35 =	vadd.s32 v56, v35  }
0x60: {  	[tilespmem:$0x520] =	vst v35  }
0x61: {  	v35 =	vld.idx.msk [tilespmem:v13+s10+$0x0], $0xffff;
	_ =	sdelay $0x6  }
0x62: {  	v57 =	vld.idx.msk [tilespmem:v13+s11+$0x0], $0xffff  }
0x63: {  	v35 =	vld.idx.msk [tilespmem:v35+s2+$0x0], $0xffff;
	_ =	sdelay $0x4  }
0x64: {  	v35 =	vadd.s32 v57, v35  }
0x65: {  	[tilespmem:$0x720] =	vst v35  }
0x66: {  	v35 =	vld.idx.msk [tilespmem:v14+s10+$0x0], $0xffff;
	_ =	sdelay $0x6  }
0x67: {  	v58 =	vld.idx.msk [tilespmem:v14+s11+$0x0], $0xffff  }
0x68: {  	v35 =	vld.idx.msk [tilespmem:v35+s2+$0x0], $0xffff;
	_ =	sdelay $0x4  }
0x69: {  	v35 =	vadd.s32 v58, v35  }
0x6a: {  	[tilespmem:$0x530] =	vst v35  }
0x6b: {  	v35 =	vld.idx.msk [tilespmem:v15+s10+$0x0], $0xffff;
	_ =	sdelay $0x6  }
0x6c: {  	v59 =	vld.idx.msk [tilespmem:v15+s11+$0x0], $0xffff  }
0x6d: {  	v35 =	vld.idx.msk [tilespmem:v35+s2+$0x0], $0xffff;
	_ =	sdelay $0x4  }
0x6e: {  	v35 =	vadd.s32 v59, v35  }
0x6f: {  	[tilespmem:$0x730] =	vst v35  }
0x70: {  	v35 =	vld.idx.msk [tilespmem:v16+s10+$0x0], $0xffff;
	_ =	sdelay $0x6  }
0x71: {  	v60 =	vld.idx.msk [tilespmem:v16+s11+$0x0], $0xffff  }
0x72: {  	v35 =	vld.idx.msk [tilespmem:v35+s2+$0x0], $0xffff;
	_ =	sdelay $0x4  }
0x73: {  	v35 =	vadd.s32 v60, v35  }
0x74: {  	[tilespmem:$0x580] =	vst v35  }
0x75: {  	v35 =	vld.idx.msk [tilespmem:v17+s10+$0x0], $0xffff;
	_ =	sdelay $0x6  }
0x76: {  	v61 =	vld.idx.msk [tilespmem:v17+s11+$0x0], $0xffff  }
0x77: {  	v35 =	vld.idx.msk [tilespmem:v35+s2+$0x0], $0xffff;
	_ =	sdelay $0x4  }
0x78: {  	v35 =	vadd.s32 v61, v35  }
0x79: {  	[tilespmem:$0x780] =	vst v35  }
0x7a: {  	v35 =	vld.idx.msk [tilespmem:v18+s10+$0x0], $0xffff;
	_ =	sdelay $0x6  }
0x7b: {  	v62 =	vld.idx.msk [tilespmem:v18+s11+$0x0], $0xffff  }
0x7c: {  	v35 =	vld.idx.msk [tilespmem:v35+s2+$0x0], $0xffff;
	_ =	sdelay $0x4  }
0x7d: {  	v35 =	vadd.s32 v62, v35  }
0x7e: {  	[tilespmem:$0x590] =	vst v35  }
0x7f: {  	v35 =	vld.idx.msk [tilespmem:v19+s10+$0x0], $0xffff;
	_ =	sdelay $0x6  }
0x80: {  	v63 =	vld.idx.msk [tilespmem:v19+s11+$0x0], $0xffff  }
0x81: {  	v35 =	vld.idx.msk [tilespmem:v35+s2+$0x0], $0xffff;
	_ =	sdelay $0x4  }
0x82: {  	v35 =	vadd.s32 v63, v35  }
0x83: {  	[tilespmem:$0x790] =	vst v35  }
0x84: {  	v35 =	vld.idx.msk [tilespmem:v20+s10+$0x0], $0xffff;
	_ =	sdelay $0x6  }
0x85: {  	v40 =	vld.idx.msk [tilespmem:v20+s11+$0x0], $0xffff  }
0x86: {  	v35 =	vld.idx.msk [tilespmem:v35+s2+$0x0], $0xffff;
	_ =	sdelay $0x4  }
0x87: {  	v35 =	vadd.s32 v40, v35  }
0x88: {  	[tilespmem:$0x5A0] =	vst v35  }
0x89: {  	v35 =	vld.idx.msk [tilespmem:v21+s10+$0x0], $0xffff;
	_ =	sdelay $0x6  }
0x8a: {  	v41 =	vld.idx.msk [tilespmem:v21+s11+$0x0], $0xffff  }
0x8b: {  	v35 =	vld.idx.msk [tilespmem:v35+s2+$0x0], $0xffff;
	_ =	sdelay $0x4  }
0x8c: {  	v35 =	vadd.s32 v41, v35  }
0x8d: {  	[tilespmem:$0x7A0] =	vst v35  }
0x8e: {  	v35 =	vld.idx.msk [tilespmem:v22+s10+$0x0], $0xffff;
	_ =	sdelay $0x6  }
0x8f: {  	v42 =	vld.idx.msk [tilespmem:v22+s11+$0x0], $0xffff  }
0x90: {  	v35 =	vld.idx.msk [tilespmem:v35+s2+$0x0], $0xffff;
	_ =	sdelay $0x4  }
0x91: {  	v35 =	vadd.s32 v42, v35  }
0x92: {  	[tilespmem:$0x5B0] =	vst v35  }
0x93: {  	v35 =	vld.idx.msk [tilespmem:v23+s10+$0x0], $0xffff;
	_ =	sdelay $0x6  }
0x94: {  	v43 =	vld.idx.msk [tilespmem:v23+s11+$0x0], $0xffff  }
0x95: {  	v35 =	vld.idx.msk [tilespmem:v35+s2+$0x0], $0xffff;
	_ =	sdelay $0x4  }
0x96: {  	v35 =	vadd.s32 v43, v35  }
0x97: {  	[tilespmem:$0x7B0] =	vst v35  }
0x98: {  	v35 =	vld.idx.msk [tilespmem:v24+s10+$0x0], $0xffff;
	_ =	sdelay $0x6  }
0x99: {  	v44 =	vld.idx.msk [tilespmem:v24+s11+$0x0], $0xffff  }
0x9a: {  	v35 =	vld.idx.msk [tilespmem:v35+s2+$0x0], $0xffff;
	_ =	sdelay $0x4  }
0x9b: {  	v35 =	vadd.s32 v44, v35  }
0x9c: {  	[tilespmem:$0x600] =	vst v35  }
0x9d: {  	v35 =	vld.idx.msk [tilespmem:v25+s10+$0x0], $0xffff;
	_ =	sdelay $0x6  }
0x9e: {  	v45 =	vld.idx.msk [tilespmem:v25+s11+$0x0], $0xffff  }
0x9f: {  	v35 =	vld.idx.msk [tilespmem:v35+s2+$0x0], $0xffff;
	_ =	sdelay $0x4  }
0xa0: {  	v35 =	vadd.s32 v45, v35  }
0xa1: {  	[tilespmem:$0x800] =	vst v35  }
0xa2: {  	v35 =	vld.idx.msk [tilespmem:v26+s10+$0x0], $0xffff;
	_ =	sdelay $0x6  }
0xa3: {  	v46 =	vld.idx.msk [tilespmem:v26+s11+$0x0], $0xffff  }
0xa4: {  	v35 =	vld.idx.msk [tilespmem:v35+s2+$0x0], $0xffff;
	_ =	sdelay $0x4  }
0xa5: {  	v35 =	vadd.s32 v46, v35  }
0xa6: {  	[tilespmem:$0x610] =	vst v35  }
0xa7: {  	v35 =	vld.idx.msk [tilespmem:v27+s10+$0x0], $0xffff;
	_ =	sdelay $0x6  }
0xa8: {  	v47 =	vld.idx.msk [tilespmem:v27+s11+$0x0], $0xffff  }
0xa9: {  	v35 =	vld.idx.msk [tilespmem:v35+s2+$0x0], $0xffff;
	_ =	sdelay $0x4  }
0xaa: {  	v35 =	vadd.s32 v47, v35  }
0xab: {  	[tilespmem:$0x810] =	vst v35  }
0xac: {  	v35 =	vld.idx.msk [tilespmem:v28+s10+$0x0], $0xffff;
	_ =	sdelay $0x6  }
0xad: {  	v48 =	vld.idx.msk [tilespmem:v28+s11+$0x0], $0xffff  }
0xae: {  	v35 =	vld.idx.msk [tilespmem:v35+s2+$0x0], $0xffff;
	_ =	sdelay $0x4  }
0xaf: {  	v35 =	vadd.s32 v48, v35  }
0xb0: {  	[tilespmem:$0x620] =	vst v35  }
0xb1: {  	v35 =	vld.idx.msk [tilespmem:v29+s10+$0x0], $0xffff;
	_ =	sdelay $0x6  }
0xb2: {  	v49 =	vld.idx.msk [tilespmem:v29+s11+$0x0], $0xffff  }
0xb3: {  	v35 =	vld.idx.msk [tilespmem:v35+s2+$0x0], $0xffff;
	_ =	sdelay $0x4  }
0xb4: {  	v35 =	vadd.s32 v49, v35  }
0xb5: {  	[tilespmem:$0x820] =	vst v35  }
0xb6: {  	v35 =	vld.idx.msk [tilespmem:v30+s10+$0x0], $0xffff;
	_ =	sdelay $0x6  }
0xb7: {  	v50 =	vld.idx.msk [tilespmem:v30+s11+$0x0], $0xffff  }
0xb8: {  	v35 =	vld.idx.msk [tilespmem:v35+s2+$0x0], $0xffff;
	_ =	sdelay $0x4  }
0xb9: {  	v35 =	vadd.s32 v50, v35  }
0xba: {  	[tilespmem:$0x630] =	vst v35  }
0xbb: {  	v35 =	vld.idx.msk [tilespmem:v31+s10+$0x0], $0xffff;
	_ =	sdelay $0x6  }
0xbc: {  	v51 =	vld.idx.msk [tilespmem:v31+s11+$0x0], $0xffff  }
0xbd: {  	v35 =	vld.idx.msk [tilespmem:v35+s2+$0x0], $0xffff;
	_ =	sdelay $0x4  }
0xbe: {  	s14 =	rddreg [dreg:$0x5];
	v35 =	vadd.s32 v51, v35  }
0xbf: {  	s26 =	rddreg [dreg:$0xa];
	[tilespmem:$0x830] =	vst v35  }
0xc0: {  	[hbm4b:s14+s2] =	stream.linear.scatter [tilespmem:s26], [sflag:$0x4], $0x200, $0x38;
	[tilespmem:$0x18880] =	vst v63  }
0xc1: {  	_ =	swait.ge [sflag:s0], $0x200  }
0xc2: {  	s15 =	rddreg [dreg:$0x6];
	[sflag:s0] =	ssyncset.done $0x0  }
0xc3: {  	s16 =	rddreg [dreg:$0xb];
	[sflag:s0] =	ssyncadd.s32 $0xFFFFFE00  }
0xc4: {  	[hbm4b:s15+s2] =	stream.linear.scatter [tilespmem:s16], [sflag:$0x4], $0x200, $0x38;
	[tilespmem:$0x18880] =	vst v63  }
0xc5: {  	_ =	swait.ge [sflag:s0], $0x200  }
0xc6: {  	s18 =	simm.s32 $0x880;
	[sflag:s0] =	ssyncset.done $0x0  }
0xc7: {  	s30 =	simm.s32 $0x1;
	s17 =	rddreg [dreg:$0xd];
	[sflag:s0] =	ssyncadd.s32 $0xFFFFFE00  }
0xc8: {  	[tilespmem:s18], [sflag:$0x1] =	stream.linear.gather [hbm4b:s17+s2], $0xC000, $0x38;
	[tilespmem:$0x18880] =	vst v63  }
0xc9: {  	_ =	swait.ge [sflag:s30], $0xC000  }
0xca: {  	[sflag:s30] =	ssyncset.done $0x0  }
0xcb: {  	s20 =	simm.s32 $0xC880;
	s19 =	rddreg [dreg:$0x7];
	[sflag:s30] =	ssyncadd.s32 $0xFFFF4000  }
0xcc: {  	[tilespmem:s20], [sflag:$0x1] =	stream.linear.gather [hbm4b:s19+s2], $0xC000, $0x38;
	[tilespmem:$0x18880] =	vst v63  }
0xcd: {  	v52 =	vld [tilespmem:$0x480];
	_ =	sdelay $0x4  }
0xce: {  	v53 =	vshrl.u32 v52, $0x3  }
0xcf: {  	v36 =	vmul.u32 $0x30, v53  }
0xd0: {  	v35 =	vand.u32 $0x7, v52  }
0xd1: {  	v35 =	vor.u32 v35, v36  }
0xd2: {  	v36 =	vperm.xlane v35, v32;
	_ =	sdelay $0x1  }
0xd3: {  	v36 =	vadd.s32 v33, v36;
	_ =	sdelay $0x3  }
0xd4: {  	s1 =	simm.s32 $0x880;
	v35 =	vperm.xlane v35, v34  }
0xd5: {  	[hbm4b:s4+s2] =	stream.indirect_vreg.scatter [tilespmem:s1], [sflag:$0x2], $0x80, v36, vm0, $0xb8;
	[tilespmem:$0x18880] =	vst v63  }
0xd6: {  	s21 =	simm.s32 $0x1080;
	v35 =	vadd.s32 v33, v35  }
0xd7: {  	[hbm4b:s6+s2] =	stream.indirect_vreg.scatter [tilespmem:s21], [sflag:$0x2], $0x80, v36, vm0, $0xb8;
	[tilespmem:$0x18880] =	vst v63  }
0xd8: {  	s22 =	simm.s32 $0x1880  }
0xd9: {  	[hbm4b:s7+s2] =	stream.indirect_vreg.scatter [tilespmem:s22], [sflag:$0x2], $0x80, v36, vm0, $0xb8;
	[tilespmem:$0x18880] =	vst v63  }
0xda: {  	s23 =	simm.s32 $0x2080  }
0xdb: {  	[hbm4b:s4+s2] =	stream.indirect_vreg.scatter [tilespmem:s23], [sflag:$0x2], $0x80, v35, vm0, $0xb8;
	[tilespmem:$0x18880] =	vst v63  }
0xdc: {  	s24 =	simm.s32 $0x2880  }
0xdd: {  	[hbm4b:s6+s2] =	stream.indirect_vreg.scatter [tilespmem:s24], [sflag:$0x2], $0x80, v35, vm0, $0xb8;
	[tilespmem:$0x18880] =	vst v63  }
0xde: {  	s25 =	simm.s32 $0x3080  }
0xdf: {  	[hbm4b:s7+s2] =	stream.indirect_vreg.scatter [tilespmem:s25], [sflag:$0x2], $0x80, v35, vm0, $0xb8;
	[tilespmem:$0x18880] =	vst v63  }
0xe0: {  	v35 =	vld [tilespmem:$0x490];
	_ =	sdelay $0x4  }
0xe1: {  	v54 =	vshrl.u32 v35, $0x3  }
0xe2: {  	v36 =	vmul.u32 $0x30, v54  }
0xe3: {  	v35 =	vand.u32 $0x7, v35  }
0xe4: {  	v35 =	vor.u32 v35, v36  }
0xe5: {  	v36 =	vperm.xlane v35, v32;
	_ =	sdelay $0x1  }
0xe6: {  	v36 =	vadd.s32 v33, v36;
	_ =	sdelay $0x3  }
0xe7: {  	s26 =	simm.s32 $0x3880;
	v35 =	vperm.xlane v35, v34  }
0xe8: {  	[hbm4b:s4+s2] =	stream.indirect_vreg.scatter [tilespmem:s26], [sflag:$0x2], $0x80, v36, vm0, $0xb8;
	[tilespmem:$0x18880] =	vst v63  }
0xe9: {  	s28 =	simm.s32 $0x4080;
	v35 =	vadd.s32 v33, v35  }
0xea: {  	[hbm4b:s6+s2] =	stream.indirect_vreg.scatter [tilespmem:s28], [sflag:$0x2], $0x80, v36, vm0, $0xb8;
	[tilespmem:$0x18880] =	vst v63  }
0xeb: {  	s8 =	simm.s32 $0x4880  }
0xec: {  	[hbm4b:s7+s2] =	stream.indirect_vreg.scatter [tilespmem:s8], [sflag:$0x2], $0x80, v36, vm0, $0xb8;
	[tilespmem:$0x18880] =	vst v63  }
0xed: {  	s9 =	simm.s32 $0x5080  }
0xee: {  	[hbm4b:s4+s2] =	stream.indirect_vreg.scatter [tilespmem:s9], [sflag:$0x2], $0x80, v35, vm0, $0xb8;
	[tilespmem:$0x18880] =	vst v63  }
0xef: {  	s13 =	simm.s32 $0x5880  }
0xf0: {  	[hbm4b:s6+s2] =	stream.indirect_vreg.scatter [tilespmem:s13], [sflag:$0x2], $0x80, v35, vm0, $0xb8;
	[tilespmem:$0x18880] =	vst v63  }
0xf1: {  	s18 =	simm.s32 $0x6080  }
0xf2: {  	[hbm4b:s7+s2] =	stream.indirect_vreg.scatter [tilespmem:s18], [sflag:$0x2], $0x80, v35, vm0, $0xb8;
	[tilespmem:$0x18880] =	vst v63  }
0xf3: {  	v35 =	vld [tilespmem:$0x4A0];
	_ =	sdelay $0x4  }
0xf4: {  	v55 =	vshrl.u32 v35, $0x3  }
0xf5: {  	v36 =	vmul.u32 $0x30, v55  }
0xf6: {  	v35 =	vand.u32 $0x7, v35  }
0xf7: {  	v35 =	vor.u32 v35, v36  }
0xf8: {  	v36 =	vperm.xlane v35, v32;
	_ =	sdelay $0x1  }
0xf9: {  	v36 =	vadd.s32 v33, v36;
	_ =	sdelay $0x3  }
0xfa: {  	s19 =	simm.s32 $0x6880;
	v35 =	vperm.xlane v35, v34  }
0xfb: {  	[hbm4b:s4+s2] =	stream.indirect_vreg.scatter [tilespmem:s19], [sflag:$0x2], $0x80, v36, vm0, $0xb8;
	[tilespmem:$0x18880] =	vst v63  }
0xfc: {  	s21 =	simm.s32 $0x7080;
	v35 =	vadd.s32 v33, v35  }
0xfd: {  	[hbm4b:s6+s2] =	stream.indirect_vreg.scatter [tilespmem:s21], [sflag:$0x2], $0x80, v36, vm0, $0xb8;
	[tilespmem:$0x18880] =	vst v63  }
0xfe: {  	s22 =	simm.s32 $0x7880  }
0xff: {  	[hbm4b:s7+s2] =	stream.indirect_vreg.scatter [tilespmem:s22], [sflag:$0x2], $0x80, v36, vm0, $0xb8;
	[tilespmem:$0x18880] =	vst v63  }
0x100: {  	s23 =	simm.s32 $0x8080  }
0x101: {  	[hbm4b:s4+s2] =	stream.indirect_vreg.scatter [tilespmem:s23], [sflag:$0x2], $0x80, v35, vm0, $0xb8;
	[tilespmem:$0x18880] =	vst v63  }
0x102: {  	s24 =	simm.s32 $0x8880  }
0x103: {  	[hbm4b:s6+s2] =	stream.indirect_vreg.scatter [tilespmem:s24], [sflag:$0x2], $0x80, v35, vm0, $0xb8;
	[tilespmem:$0x18880] =	vst v63  }
0x104: {  	s25 =	simm.s32 $0x9080  }
0x105: {  	[hbm4b:s7+s2] =	stream.indirect_vreg.scatter [tilespmem:s25], [sflag:$0x2], $0x80, v35, vm0, $0xb8;
	[tilespmem:$0x18880] =	vst v63  }
0x106: {  	v35 =	vld [tilespmem:$0x4B0];
	_ =	sdelay $0x4  }
0x107: {  	v56 =	vshrl.u32 v35, $0x3  }
0x108: {  	v36 =	vmul.u32 $0x30, v56  }
0x109: {  	v35 =	vand.u32 $0x7, v35  }
0x10a: {  	v35 =	vor.u32 v35, v36  }
0x10b: {  	v36 =	vperm.xlane v35, v32;
	_ =	sdelay $0x1  }
0x10c: {  	v36 =	vadd.s32 v33, v36;
	_ =	sdelay $0x3  }
0x10d: {  	s26 =	simm.s32 $0x9880;
	v35 =	vperm.xlane v35, v34  }
0x10e: {  	[hbm4b:s4+s2] =	stream.indirect_vreg.scatter [tilespmem:s26], [sflag:$0x2], $0x80, v36, vm0, $0xb8;
	[tilespmem:$0x18880] =	vst v63  }
0x10f: {  	s28 =	simm.s32 $0xA080;
	v35 =	vadd.s32 v33, v35  }
0x110: {  	[hbm4b:s6+s2] =	stream.indirect_vreg.scatter [tilespmem:s28], [sflag:$0x2], $0x80, v36, vm0, $0xb8;
	[tilespmem:$0x18880] =	vst v63  }
0x111: {  	s18 =	simm.s32 $0xA880  }
0x112: {  	[hbm4b:s7+s2] =	stream.indirect_vreg.scatter [tilespmem:s18], [sflag:$0x2], $0x80, v36, vm0, $0xb8;
	[tilespmem:$0x18880] =	vst v63  }
0x113: {  	s26 =	simm.s32 $0xB080  }
0x114: {  	[hbm4b:s4+s2] =	stream.indirect_vreg.scatter [tilespmem:s26], [sflag:$0x2], $0x80, v35, vm0, $0xb8;
	[tilespmem:$0x18880] =	vst v63  }
0x115: {  	s28 =	simm.s32 $0xB880  }
0x116: {  	[hbm4b:s6+s2] =	stream.indirect_vreg.scatter [tilespmem:s28], [sflag:$0x2], $0x80, v35, vm0, $0xb8;
	[tilespmem:$0x18880] =	vst v63  }
0x117: {  	s0 =	simm.s32 $0xC080  }
0x118: {  	[hbm4b:s7+s2] =	stream.indirect_vreg.scatter [tilespmem:s0], [sflag:$0x2], $0x80, v35, vm0, $0xb8;
	[tilespmem:$0x18880] =	vst v63  }
0x119: {  	v35 =	vld [tilespmem:$0x680];
	_ =	sdelay $0x4  }
0x11a: {  	v57 =	vshrl.u32 v35, $0x3  }
0x11b: {  	v36 =	vmul.u32 $0x30, v57  }
0x11c: {  	v35 =	vand.u32 $0x7, v35  }
0x11d: {  	v35 =	vor.u32 v35, v36  }
0x11e: {  	v36 =	vperm.xlane v35, v32;
	_ =	sdelay $0x1  }
0x11f: {  	v36 =	vadd.s32 v33, v36;
	_ =	sdelay $0x3  }
0x120: {  	s14 =	simm.s32 $0x880;
	v35 =	vperm.xlane v35, v34  }
0x121: {  	[hbm4b:s4+s2] =	stream.indirect_vreg.scatter [tilespmem:s14], [sflag:$0x3], $0x80, v36, vm0, $0xb8;
	[tilespmem:$0x18880] =	vst v63  }
0x122: {  	s1 =	simm.s32 $0x1080;
	v35 =	vadd.s32 v33, v35  }
0x123: {  	[hbm4b:s6+s2] =	stream.indirect_vreg.scatter [tilespmem:s1], [sflag:$0x3], $0x80, v36, vm0, $0xb8;
	[tilespmem:$0x18880] =	vst v63  }
0x124: {  	s3 =	simm.s32 $0x1880  }
0x125: {  	[hbm4b:s7+s2] =	stream.indirect_vreg.scatter [tilespmem:s3], [sflag:$0x3], $0x80, v36, vm0, $0xb8;
	[tilespmem:$0x18880] =	vst v63  }
0x126: {  	s5 =	simm.s32 $0x2080  }
0x127: {  	[hbm4b:s4+s2] =	stream.indirect_vreg.scatter [tilespmem:s5], [sflag:$0x3], $0x80, v35, vm0, $0xb8;
	[tilespmem:$0x18880] =	vst v63  }
0x128: {  	s12 =	simm.s32 $0x2880  }
0x129: {  	[hbm4b:s6+s2] =	stream.indirect_vreg.scatter [tilespmem:s12], [sflag:$0x3], $0x80, v35, vm0, $0xb8;
	[tilespmem:$0x18880] =	vst v63  }
0x12a: {  	s29 =	simm.s32 $0x3080  }
0x12b: {  	[hbm4b:s7+s2] =	stream.indirect_vreg.scatter [tilespmem:s29], [sflag:$0x3], $0x80, v35, vm0, $0xb8;
	[tilespmem:$0x18880] =	vst v63  }
0x12c: {  	v35 =	vld [tilespmem:$0x690];
	_ =	sdelay $0x4  }
0x12d: {  	v58 =	vshrl.u32 v35, $0x3  }
0x12e: {  	v36 =	vmul.u32 $0x30, v58  }
0x12f: {  	v35 =	vand.u32 $0x7, v35  }
0x130: {  	v35 =	vor.u32 v35, v36  }
0x131: {  	v36 =	vperm.xlane v35, v32;
	_ =	sdelay $0x1  }
0x132: {  	v36 =	vadd.s32 v33, v36;
	_ =	sdelay $0x3  }
0x133: {  	s31 =	simm.s32 $0x3880;
	v35 =	vperm.xlane v35, v34  }
0x134: {  	[hbm4b:s4+s2] =	stream.indirect_vreg.scatter [tilespmem:s31], [sflag:$0x3], $0x80, v36, vm0, $0xb8;
	[tilespmem:$0x18880] =	vst v63  }
0x135: {  	s15 =	simm.s32 $0x4080;
	v35 =	vadd.s32 v33, v35  }
0x136: {  	[hbm4b:s6+s2] =	stream.indirect_vreg.scatter [tilespmem:s15], [sflag:$0x3], $0x80, v36, vm0, $0xb8;
	[tilespmem:$0x18880] =	vst v63  }
0x137: {  	s16 =	simm.s32 $0x4880  }
0x138: {  	[hbm4b:s7+s2] =	stream.indirect_vreg.scatter [tilespmem:s16], [sflag:$0x3], $0x80, v36, vm0, $0xb8;
	[tilespmem:$0x18880] =	vst v63  }
0x139: {  	s17 =	simm.s32 $0x5080  }
0x13a: {  	[hbm4b:s4+s2] =	stream.indirect_vreg.scatter [tilespmem:s17], [sflag:$0x3], $0x80, v35, vm0, $0xb8;
	[tilespmem:$0x18880] =	vst v63  }
0x13b: {  	s20 =	simm.s32 $0x5880  }
0x13c: {  	[hbm4b:s6+s2] =	stream.indirect_vreg.scatter [tilespmem:s20], [sflag:$0x3], $0x80, v35, vm0, $0xb8;
	[tilespmem:$0x18880] =	vst v63  }
0x13d: {  	s13 =	simm.s32 $0x6080  }
0x13e: {  	[hbm4b:s7+s2] =	stream.indirect_vreg.scatter [tilespmem:s13], [sflag:$0x3], $0x80, v35, vm0, $0xb8;
	[tilespmem:$0x18880] =	vst v63  }
0x13f: {  	v35 =	vld [tilespmem:$0x6A0];
	_ =	sdelay $0x4  }
0x140: {  	v59 =	vshrl.u32 v35, $0x3  }
0x141: {  	v36 =	vmul.u32 $0x30, v59  }
0x142: {  	v35 =	vand.u32 $0x7, v35  }
0x143: {  	v35 =	vor.u32 v35, v36  }
0x144: {  	v36 =	vperm.xlane v35, v32;
	_ =	sdelay $0x1  }
0x145: {  	v36 =	vadd.s32 v33, v36;
	_ =	sdelay $0x3  }
0x146: {  	s19 =	simm.s32 $0x6880;
	v35 =	vperm.xlane v35, v34  }
0x147: {  	[hbm4b:s4+s2] =	stream.indirect_vreg.scatter [tilespmem:s19], [sflag:$0x3], $0x80, v36, vm0, $0xb8;
	[tilespmem:$0x18880] =	vst v63  }
0x148: {  	s21 =	simm.s32 $0x7080;
	v35 =	vadd.s32 v33, v35  }
0x149: {  	[hbm4b:s6+s2] =	stream.indirect_vreg.scatter [tilespmem:s21], [sflag:$0x3], $0x80, v36, vm0, $0xb8;
	[tilespmem:$0x18880] =	vst v63  }
0x14a: {  	s22 =	simm.s32 $0x7880  }
0x14b: {  	[hbm4b:s7+s2] =	stream.indirect_vreg.scatter [tilespmem:s22], [sflag:$0x3], $0x80, v36, vm0, $0xb8;
	[tilespmem:$0x18880] =	vst v63  }
0x14c: {  	s23 =	simm.s32 $0x8080  }
0x14d: {  	[hbm4b:s4+s2] =	stream.indirect_vreg.scatter [tilespmem:s23], [sflag:$0x3], $0x80, v35, vm0, $0xb8;
	[tilespmem:$0x18880] =	vst v63  }
0x14e: {  	s24 =	simm.s32 $0x8880  }
0x14f: {  	[hbm4b:s6+s2] =	stream.indirect_vreg.scatter [tilespmem:s24], [sflag:$0x3], $0x80, v35, vm0, $0xb8;
	[tilespmem:$0x18880] =	vst v63  }
0x150: {  	s8 =	simm.s32 $0x9080  }
0x151: {  	[hbm4b:s7+s2] =	stream.indirect_vreg.scatter [tilespmem:s8], [sflag:$0x3], $0x80, v35, vm0, $0xb8;
	[tilespmem:$0x18880] =	vst v63  }
0x152: {  	v35 =	vld [tilespmem:$0x6B0];
	_ =	sdelay $0x4  }
0x153: {  	v60 =	vshrl.u32 v35, $0x3  }
0x154: {  	v36 =	vmul.u32 $0x30, v60  }
0x155: {  	v35 =	vand.u32 $0x7, v35  }
0x156: {  	v35 =	vor.u32 v35, v36  }
0x157: {  	v36 =	vperm.xlane v35, v32;
	_ =	sdelay $0x1  }
0x158: {  	v36 =	vadd.s32 v33, v36;
	_ =	sdelay $0x3  }
0x159: {  	s9 =	simm.s32 $0x9880;
	v35 =	vperm.xlane v35, v34  }
0x15a: {  	[hbm4b:s4+s2] =	stream.indirect_vreg.scatter [tilespmem:s9], [sflag:$0x3], $0x80, v36, vm0, $0xb8;
	[tilespmem:$0x18880] =	vst v63  }
0x15b: {  	s25 =	simm.s32 $0xA080;
	v35 =	vadd.s32 v33, v35  }
0x15c: {  	[hbm4b:s6+s2] =	stream.indirect_vreg.scatter [tilespmem:s25], [sflag:$0x3], $0x80, v36, vm0, $0xb8;
	[tilespmem:$0x18880] =	vst v63  }
0x15d: {  	s18 =	simm.s32 $0xA880  }
0x15e: {  	[hbm4b:s7+s2] =	stream.indirect_vreg.scatter [tilespmem:s18], [sflag:$0x3], $0x80, v36, vm0, $0xb8;
	[tilespmem:$0x18880] =	vst v63  }
0x15f: {  	s26 =	simm.s32 $0xB080  }
0x160: {  	[hbm4b:s4+s2] =	stream.indirect_vreg.scatter [tilespmem:s26], [sflag:$0x3], $0x80, v35, vm0, $0xb8;
	[tilespmem:$0x18880] =	vst v63  }
0x161: {  	s28 =	simm.s32 $0xB880  }
0x162: {  	[hbm4b:s6+s2] =	stream.indirect_vreg.scatter [tilespmem:s28], [sflag:$0x3], $0x80, v35, vm0, $0xb8;
	[tilespmem:$0x18880] =	vst v63  }
0x163: {  	s0 =	simm.s32 $0xC080  }
0x164: {  	[hbm4b:s7+s2] =	stream.indirect_vreg.scatter [tilespmem:s0], [sflag:$0x3], $0x80, v35, vm0, $0xb8;
	[tilespmem:$0x18880] =	vst v63  }
0x165: {  	_ =	swait.ge [sflag:s30], $0xC000  }
0x166: {  	[sflag:s30] =	ssyncset.done $0x0  }
0x167: {  	s18 =	simm.s32 $0x2;
	[sflag:s30] =	ssyncadd.s32 $0xFFFF4000  }
0x168: {  	_ =	swait.ge [sflag:s18], $0xC000  }
0x169: {  	[sflag:s18] =	ssyncset.done $0x0  }
0x16a: {  	s19 =	simm.s32 $0x3;
	[sflag:s18] =	ssyncadd.s32 $0xFFFF4000  }
0x16b: {  	_ =	swait.ge [sflag:s19], $0xC000  }
0x16c: {  	[sflag:s19] =	ssyncset.done $0x0  }
0x16d: {  	s14 =	simm.s32 $0x880;
	s20 =	rddreg [dreg:$0x8];
	[sflag:s19] =	ssyncadd.s32 $0xFFFF4000  }
0x16e: {  	[tilespmem:s14], [sflag:$0x1] =	stream.linear.gather [hbm4b:s20+s2], $0xC000, $0x38;
	[tilespmem:$0x18880] =	vst v63  }
0x16f: {  	v61 =	vld [tilespmem:$0x500];
	_ =	sdelay $0x4  }
0x170: {  	v62 =	vshrl.u32 v61, $0x3  }
0x171: {  	v36 =	vmul.u32 $0x30, v62  }
0x172: {  	v35 =	vand.u32 $0x7, v61  }
0x173: {  	v35 =	vor.u32 v35, v36  }
0x174: {  	v36 =	vperm.xlane v35, v32;
	_ =	sdelay $0x1  }
0x175: {  	v36 =	vadd.s32 v33, v36;
	_ =	sdelay $0x3  }
0x176: {  	s25 =	simm.s32 $0xC880;
	v35 =	vperm.xlane v35, v34  }
0x177: {  	[hbm4b:s4+s2] =	stream.indirect_vreg.scatter [tilespmem:s25], [sflag:$0x2], $0x80, v36, vm0, $0xb8;
	[tilespmem:$0x18880] =	vst v63  }
0x178: {  	s21 =	simm.s32 $0xD080;
	v35 =	vadd.s32 v33, v35  }
0x179: {  	[hbm4b:s6+s2] =	stream.indirect_vreg.scatter [tilespmem:s21], [sflag:$0x2], $0x80, v36, vm0, $0xb8;
	[tilespmem:$0x18880] =	vst v63  }
0x17a: {  	s22 =	simm.s32 $0xD880  }
0x17b: {  	[hbm4b:s7+s2] =	stream.indirect_vreg.scatter [tilespmem:s22], [sflag:$0x2], $0x80, v36, vm0, $0xb8;
	[tilespmem:$0x18880] =	vst v63  }
0x17c: {  	s24 =	simm.s32 $0xE080  }
0x17d: {  	[hbm4b:s4+s2] =	stream.indirect_vreg.scatter [tilespmem:s24], [sflag:$0x2], $0x80, v35, vm0, $0xb8;
	[tilespmem:$0x18880] =	vst v63  }
0x17e: {  	s26 =	simm.s32 $0xE880  }
0x17f: {  	[hbm4b:s6+s2] =	stream.indirect_vreg.scatter [tilespmem:s26], [sflag:$0x2], $0x80, v35, vm0, $0xb8;
	[tilespmem:$0x18880] =	vst v63  }
0x180: {  	s0 =	simm.s32 $0xF080  }
0x181: {  	[hbm4b:s7+s2] =	stream.indirect_vreg.scatter [tilespmem:s0], [sflag:$0x2], $0x80, v35, vm0, $0xb8;
	[tilespmem:$0x18880] =	vst v63  }
0x182: {  	v35 =	vld [tilespmem:$0x510];
	_ =	sdelay $0x4  }
0x183: {  	v63 =	vshrl.u32 v35, $0x3  }
0x184: {  	v36 =	vmul.u32 $0x30, v63  }
0x185: {  	v35 =	vand.u32 $0x7, v35  }
0x186: {  	v35 =	vor.u32 v35, v36  }
0x187: {  	v36 =	vperm.xlane v35, v32;
	_ =	sdelay $0x1  }
0x188: {  	v36 =	vadd.s32 v33, v36;
	_ =	sdelay $0x3  }
0x189: {  	s1 =	simm.s32 $0xF880;
	v35 =	vperm.xlane v35, v34  }
0x18a: {  	[hbm4b:s4+s2] =	stream.indirect_vreg.scatter [tilespmem:s1], [sflag:$0x2], $0x80, v36, vm0, $0xb8;
	[tilespmem:$0x18880] =	vst v63  }
0x18b: {  	s8 =	simm.s32 $0x10080;
	v35 =	vadd.s32 v33, v35  }
0x18c: {  	[hbm4b:s6+s2] =	stream.indirect_vreg.scatter [tilespmem:s8], [sflag:$0x2], $0x80, v36, vm0, $0xb8;
	[tilespmem:$0x18880] =	vst v63  }
0x18d: {  	s12 =	simm.s32 $0x10880  }
0x18e: {  	[hbm4b:s7+s2] =	stream.indirect_vreg.scatter [tilespmem:s12], [sflag:$0x2], $0x80, v36, vm0, $0xb8;
	[tilespmem:$0x18880] =	vst v63  }
0x18f: {  	s13 =	simm.s32 $0x11080  }
0x190: {  	[hbm4b:s4+s2] =	stream.indirect_vreg.scatter [tilespmem:s13], [sflag:$0x2], $0x80, v35, vm0, $0xb8;
	[tilespmem:$0x18880] =	vst v63  }
0x191: {  	s14 =	simm.s32 $0x11880  }
0x192: {  	[hbm4b:s6+s2] =	stream.indirect_vreg.scatter [tilespmem:s14], [sflag:$0x2], $0x80, v35, vm0, $0xb8;
	[tilespmem:$0x18880] =	vst v63  }
0x193: {  	s16 =	simm.s32 $0x12080  }
0x194: {  	[hbm4b:s7+s2] =	stream.indirect_vreg.scatter [tilespmem:s16], [sflag:$0x2], $0x80, v35, vm0, $0xb8;
	[tilespmem:$0x18880] =	vst v63  }
0x195: {  	v35 =	vld [tilespmem:$0x520];
	_ =	sdelay $0x4  }
0x196: {  	v40 =	vshrl.u32 v35, $0x3  }
0x197: {  	v36 =	vmul.u32 $0x30, v40  }
0x198: {  	v35 =	vand.u32 $0x7, v35  }
0x199: {  	v35 =	vor.u32 v35, v36  }
0x19a: {  	v36 =	vperm.xlane v35, v32;
	_ =	sdelay $0x1  }
0x19b: {  	v36 =	vadd.s32 v33, v36;
	_ =	sdelay $0x3  }
0x19c: {  	s18 =	simm.s32 $0x12880;
	v35 =	vperm.xlane v35, v34  }
0x19d: {  	[hbm4b:s4+s2] =	stream.indirect_vreg.scatter [tilespmem:s18], [sflag:$0x2], $0x80, v36, vm0, $0xb8;
	[tilespmem:$0x18880] =	vst v63  }
0x19e: {  	s19 =	simm.s32 $0x13080;
	v35 =	vadd.s32 v33, v35  }
0x19f: {  	[hbm4b:s6+s2] =	stream.indirect_vreg.scatter [tilespmem:s19], [sflag:$0x2], $0x80, v36, vm0, $0xb8;
	[tilespmem:$0x18880] =	vst v63  }
0x1a0: {  	s24 =	simm.s32 $0x13880  }
0x1a1: {  	[hbm4b:s7+s2] =	stream.indirect_vreg.scatter [tilespmem:s24], [sflag:$0x2], $0x80, v36, vm0, $0xb8;
	[tilespmem:$0x18880] =	vst v63  }
0x1a2: {  	s26 =	simm.s32 $0x14080  }
0x1a3: {  	[hbm4b:s4+s2] =	stream.indirect_vreg.scatter [tilespmem:s26], [sflag:$0x2], $0x80, v35, vm0, $0xb8;
	[tilespmem:$0x18880] =	vst v63  }
0x1a4: {  	s8 =	simm.s32 $0x14880  }
0x1a5: {  	[hbm4b:s6+s2] =	stream.indirect_vreg.scatter [tilespmem:s8], [sflag:$0x2], $0x80, v35, vm0, $0xb8;
	[tilespmem:$0x18880] =	vst v63  }
0x1a6: {  	s14 =	simm.s32 $0x15080  }
0x1a7: {  	[hbm4b:s7+s2] =	stream.indirect_vreg.scatter [tilespmem:s14], [sflag:$0x2], $0x80, v35, vm0, $0xb8;
	[tilespmem:$0x18880] =	vst v63  }
0x1a8: {  	v35 =	vld [tilespmem:$0x530];
	_ =	sdelay $0x4  }
0x1a9: {  	v41 =	vshrl.u32 v35, $0x3  }
0x1aa: {  	v36 =	vmul.u32 $0x30, v41  }
0x1ab: {  	v35 =	vand.u32 $0x7, v35  }
0x1ac: {  	v35 =	vor.u32 v35, v36  }
0x1ad: {  	v36 =	vperm.xlane v35, v32;
	_ =	sdelay $0x1  }
0x1ae: {  	v36 =	vadd.s32 v33, v36;
	_ =	sdelay $0x3  }
0x1af: {  	s16 =	simm.s32 $0x15880;
	v35 =	vperm.xlane v35, v34  }
0x1b0: {  	[hbm4b:s4+s2] =	stream.indirect_vreg.scatter [tilespmem:s16], [sflag:$0x2], $0x80, v36, vm0, $0xb8;
	[tilespmem:$0x18880] =	vst v63  }
0x1b1: {  	s19 =	simm.s32 $0x16080;
	v35 =	vadd.s32 v33, v35  }
0x1b2: {  	[hbm4b:s6+s2] =	stream.indirect_vreg.scatter [tilespmem:s19], [sflag:$0x2], $0x80, v36, vm0, $0xb8;
	[tilespmem:$0x18880] =	vst v63  }
0x1b3: {  	s24 =	simm.s32 $0x16880  }
0x1b4: {  	[hbm4b:s7+s2] =	stream.indirect_vreg.scatter [tilespmem:s24], [sflag:$0x2], $0x80, v36, vm0, $0xb8;
	[tilespmem:$0x18880] =	vst v63  }
0x1b5: {  	s16 =	simm.s32 $0x17080  }
0x1b6: {  	[hbm4b:s4+s2] =	stream.indirect_vreg.scatter [tilespmem:s16], [sflag:$0x2], $0x80, v35, vm0, $0xb8;
	[tilespmem:$0x18880] =	vst v63  }
0x1b7: {  	s24 =	simm.s32 $0x17880  }
0x1b8: {  	[hbm4b:s6+s2] =	stream.indirect_vreg.scatter [tilespmem:s24], [sflag:$0x2], $0x80, v35, vm0, $0xb8;
	[tilespmem:$0x18880] =	vst v63  }
0x1b9: {  	s8 =	simm.s32 $0x18080  }
0x1ba: {  	[hbm4b:s7+s2] =	stream.indirect_vreg.scatter [tilespmem:s8], [sflag:$0x2], $0x80, v35, vm0, $0xb8;
	[tilespmem:$0x18880] =	vst v63  }
0x1bb: {  	v35 =	vld [tilespmem:$0x700];
	_ =	sdelay $0x4  }
0x1bc: {  	v42 =	vshrl.u32 v35, $0x3  }
0x1bd: {  	v36 =	vmul.u32 $0x30, v42  }
0x1be: {  	v35 =	vand.u32 $0x7, v35  }
0x1bf: {  	v35 =	vor.u32 v35, v36  }
0x1c0: {  	v36 =	vperm.xlane v35, v32;
	_ =	sdelay $0x1  }
0x1c1: {  	v36 =	vadd.s32 v33, v36;
	_ =	sdelay $0x3  }
0x1c2: {  	v35 =	vperm.xlane v35, v34  }
0x1c3: {  	[hbm4b:s4+s2] =	stream.indirect_vreg.scatter [tilespmem:s25], [sflag:$0x3], $0x80, v36, vm0, $0xb8;
	[tilespmem:$0x18880] =	vst v63  }
0x1c4: {  	s23 =	simm.s32 $0xD080;
	v35 =	vadd.s32 v33, v35  }
0x1c5: {  	[hbm4b:s6+s2] =	stream.indirect_vreg.scatter [tilespmem:s23], [sflag:$0x3], $0x80, v36, vm0, $0xb8;
	[tilespmem:$0x18880] =	vst v63  }
0x1c6: {  	s31 =	simm.s32 $0xD880  }
0x1c7: {  	[hbm4b:s7+s2] =	stream.indirect_vreg.scatter [tilespmem:s31], [sflag:$0x3], $0x80, v36, vm0, $0xb8;
	[tilespmem:$0x18880] =	vst v63  }
0x1c8: {  	s25 =	simm.s32 $0xE080  }
0x1c9: {  	[hbm4b:s4+s2] =	stream.indirect_vreg.scatter [tilespmem:s25], [sflag:$0x3], $0x80, v35, vm0, $0xb8;
	[tilespmem:$0x18880] =	vst v63  }
0x1ca: {  	s15 =	simm.s32 $0xE880  }
0x1cb: {  	[hbm4b:s6+s2] =	stream.indirect_vreg.scatter [tilespmem:s15], [sflag:$0x3], $0x80, v35, vm0, $0xb8;
	[tilespmem:$0x18880] =	vst v63  }
0x1cc: {  	s5 =	simm.s32 $0xF080  }
0x1cd: {  	[hbm4b:s7+s2] =	stream.indirect_vreg.scatter [tilespmem:s5], [sflag:$0x3], $0x80, v35, vm0, $0xb8;
	[tilespmem:$0x18880] =	vst v63  }
0x1ce: {  	v35 =	vld [tilespmem:$0x710];
	_ =	sdelay $0x4  }
0x1cf: {  	v43 =	vshrl.u32 v35, $0x3  }
0x1d0: {  	v36 =	vmul.u32 $0x30, v43  }
0x1d1: {  	v35 =	vand.u32 $0x7, v35  }
0x1d2: {  	v35 =	vor.u32 v35, v36  }
0x1d3: {  	v36 =	vperm.xlane v35, v32;
	_ =	sdelay $0x1  }
0x1d4: {  	v36 =	vadd.s32 v33, v36;
	_ =	sdelay $0x3  }
0x1d5: {  	s9 =	simm.s32 $0xF880;
	v35 =	vperm.xlane v35, v34  }
0x1d6: {  	[hbm4b:s4+s2] =	stream.indirect_vreg.scatter [tilespmem:s9], [sflag:$0x3], $0x80, v36, vm0, $0xb8;
	[tilespmem:$0x18880] =	vst v63  }
0x1d7: {  	s17 =	simm.s32 $0x10080;
	v35 =	vadd.s32 v33, v35  }
0x1d8: {  	[hbm4b:s6+s2] =	stream.indirect_vreg.scatter [tilespmem:s17], [sflag:$0x3], $0x80, v36, vm0, $0xb8;
	[tilespmem:$0x18880] =	vst v63  }
0x1d9: {  	s20 =	simm.s32 $0x10880  }
0x1da: {  	[hbm4b:s7+s2] =	stream.indirect_vreg.scatter [tilespmem:s20], [sflag:$0x3], $0x80, v36, vm0, $0xb8;
	[tilespmem:$0x18880] =	vst v63  }
0x1db: {  	s21 =	simm.s32 $0x11080  }
0x1dc: {  	[hbm4b:s4+s2] =	stream.indirect_vreg.scatter [tilespmem:s21], [sflag:$0x3], $0x80, v35, vm0, $0xb8;
	[tilespmem:$0x18880] =	vst v63  }
0x1dd: {  	s22 =	simm.s32 $0x11880  }
0x1de: {  	[hbm4b:s6+s2] =	stream.indirect_vreg.scatter [tilespmem:s22], [sflag:$0x3], $0x80, v35, vm0, $0xb8;
	[tilespmem:$0x18880] =	vst v63  }
0x1df: {  	s12 =	simm.s32 $0x12080  }
0x1e0: {  	[hbm4b:s7+s2] =	stream.indirect_vreg.scatter [tilespmem:s12], [sflag:$0x3], $0x80, v35, vm0, $0xb8;
	[tilespmem:$0x18880] =	vst v63  }
0x1e1: {  	v35 =	vld [tilespmem:$0x720];
	_ =	sdelay $0x4  }
0x1e2: {  	v44 =	vshrl.u32 v35, $0x3  }
0x1e3: {  	v36 =	vmul.u32 $0x30, v44  }
0x1e4: {  	v35 =	vand.u32 $0x7, v35  }
0x1e5: {  	v35 =	vor.u32 v35, v36  }
0x1e6: {  	v36 =	vperm.xlane v35, v32;
	_ =	sdelay $0x1  }
0x1e7: {  	v36 =	vadd.s32 v33, v36;
	_ =	sdelay $0x3  }
0x1e8: {  	s13 =	simm.s32 $0x12880;
	v35 =	vperm.xlane v35, v34  }
0x1e9: {  	[hbm4b:s4+s2] =	stream.indirect_vreg.scatter [tilespmem:s13], [sflag:$0x3], $0x80, v36, vm0, $0xb8;
	[tilespmem:$0x18880] =	vst v63  }
0x1ea: {  	s0 =	simm.s32 $0x13080;
	v35 =	vadd.s32 v33, v35  }
0x1eb: {  	[hbm4b:s6+s2] =	stream.indirect_vreg.scatter [tilespmem:s0], [sflag:$0x3], $0x80, v36, vm0, $0xb8;
	[tilespmem:$0x18880] =	vst v63  }
0x1ec: {  	s1 =	simm.s32 $0x13880  }
0x1ed: {  	[hbm4b:s7+s2] =	stream.indirect_vreg.scatter [tilespmem:s1], [sflag:$0x3], $0x80, v36, vm0, $0xb8;
	[tilespmem:$0x18880] =	vst v63  }
0x1ee: {  	s18 =	simm.s32 $0x14080  }
0x1ef: {  	[hbm4b:s4+s2] =	stream.indirect_vreg.scatter [tilespmem:s18], [sflag:$0x3], $0x80, v35, vm0, $0xb8;
	[tilespmem:$0x18880] =	vst v63  }
0x1f0: {  	s26 =	simm.s32 $0x14880  }
0x1f1: {  	[hbm4b:s6+s2] =	stream.indirect_vreg.scatter [tilespmem:s26], [sflag:$0x3], $0x80, v35, vm0, $0xb8;
	[tilespmem:$0x18880] =	vst v63  }
0x1f2: {  	s14 =	simm.s32 $0x15080  }
0x1f3: {  	[hbm4b:s7+s2] =	stream.indirect_vreg.scatter [tilespmem:s14], [sflag:$0x3], $0x80, v35, vm0, $0xb8;
	[tilespmem:$0x18880] =	vst v63  }
0x1f4: {  	v35 =	vld [tilespmem:$0x730];
	_ =	sdelay $0x4  }
0x1f5: {  	v45 =	vshrl.u32 v35, $0x3  }
0x1f6: {  	v36 =	vmul.u32 $0x30, v45  }
0x1f7: {  	v35 =	vand.u32 $0x7, v35  }
0x1f8: {  	v35 =	vor.u32 v35, v36  }
0x1f9: {  	v36 =	vperm.xlane v35, v32;
	_ =	sdelay $0x1  }
0x1fa: {  	v36 =	vadd.s32 v33, v36;
	_ =	sdelay $0x3  }
0x1fb: {  	s3 =	simm.s32 $0x15880;
	v35 =	vperm.xlane v35, v34  }
0x1fc: {  	[hbm4b:s4+s2] =	stream.indirect_vreg.scatter [tilespmem:s3], [sflag:$0x3], $0x80, v36, vm0, $0xb8;
	[tilespmem:$0x18880] =	vst v63  }
0x1fd: {  	s19 =	simm.s32 $0x16080;
	v35 =	vadd.s32 v33, v35  }
0x1fe: {  	[hbm4b:s6+s2] =	stream.indirect_vreg.scatter [tilespmem:s19], [sflag:$0x3], $0x80, v36, vm0, $0xb8;
	[tilespmem:$0x18880] =	vst v63  }
0x1ff: {  	s31 =	simm.s32 $0x16880  }
0x200: {  	[hbm4b:s7+s2] =	stream.indirect_vreg.scatter [tilespmem:s31], [sflag:$0x3], $0x80, v36, vm0, $0xb8;
	[tilespmem:$0x18880] =	vst v63  }
0x201: {  	s16 =	simm.s32 $0x17080  }
0x202: {  	[hbm4b:s4+s2] =	stream.indirect_vreg.scatter [tilespmem:s16], [sflag:$0x3], $0x80, v35, vm0, $0xb8;
	[tilespmem:$0x18880] =	vst v63  }
0x203: {  	s24 =	simm.s32 $0x17880  }
0x204: {  	[hbm4b:s6+s2] =	stream.indirect_vreg.scatter [tilespmem:s24], [sflag:$0x3], $0x80, v35, vm0, $0xb8;
	[tilespmem:$0x18880] =	vst v63  }
0x205: {  	s8 =	simm.s32 $0x18080  }
0x206: {  	[hbm4b:s7+s2] =	stream.indirect_vreg.scatter [tilespmem:s8], [sflag:$0x3], $0x80, v35, vm0, $0xb8;
	[tilespmem:$0x18880] =	vst v63  }
0x207: {  	_ =	swait.ge [sflag:s30], $0xC000  }
0x208: {  	[sflag:s30] =	ssyncset.done $0x0  }
0x209: {  	s29 =	simm.s32 $0x2;
	[sflag:s30] =	ssyncadd.s32 $0xFFFF4000  }
0x20a: {  	_ =	swait.ge [sflag:s29], $0xC000  }
0x20b: {  	[sflag:s29] =	ssyncset.done $0x0  }
0x20c: {  	s28 =	simm.s32 $0x3;
	[sflag:s29] =	ssyncadd.s32 $0xFFFF4000  }
0x20d: {  	_ =	swait.ge [sflag:s28], $0xC000  }
0x20e: {  	[sflag:s28] =	ssyncset.done $0x0  }
0x20f: {  	s3 =	simm.s32 $0xC880;
	s1 =	rddreg [dreg:$0x9];
	[sflag:s28] =	ssyncadd.s32 $0xFFFF4000  }
0x210: {  	[tilespmem:s3], [sflag:$0x1] =	stream.linear.gather [hbm4b:s1+s2], $0xC000, $0x38;
	[tilespmem:$0x18880] =	vst v63  }
0x211: {  	v46 =	vld [tilespmem:$0x580];
	_ =	sdelay $0x4  }
0x212: {  	v47 =	vshrl.u32 v46, $0x3  }
0x213: {  	v36 =	vmul.u32 $0x30, v47  }
0x214: {  	v35 =	vand.u32 $0x7, v46  }
0x215: {  	v35 =	vor.u32 v35, v36  }
0x216: {  	v36 =	vperm.xlane v35, v32;
	_ =	sdelay $0x1  }
0x217: {  	v36 =	vadd.s32 v33, v36;
	_ =	sdelay $0x3  }
0x218: {  	s29 =	simm.s32 $0x880;
	v35 =	vperm.xlane v35, v34  }
0x219: {  	[hbm4b:s4+s2] =	stream.indirect_vreg.scatter [tilespmem:s29], [sflag:$0x2], $0x80, v36, vm0, $0xb8;
	[tilespmem:$0x18880] =	vst v63  }
0x21a: {  	s3 =	simm.s32 $0x1080;
	v35 =	vadd.s32 v33, v35  }
0x21b: {  	[hbm4b:s6+s2] =	stream.indirect_vreg.scatter [tilespmem:s3], [sflag:$0x2], $0x80, v36, vm0, $0xb8;
	[tilespmem:$0x18880] =	vst v63  }
0x21c: {  	s5 =	simm.s32 $0x1880  }
0x21d: {  	[hbm4b:s7+s2] =	stream.indirect_vreg.scatter [tilespmem:s5], [sflag:$0x2], $0x80, v36, vm0, $0xb8;
	[tilespmem:$0x18880] =	vst v63  }
0x21e: {  	s12 =	simm.s32 $0x2080  }
0x21f: {  	[hbm4b:s4+s2] =	stream.indirect_vreg.scatter [tilespmem:s12], [sflag:$0x2], $0x80, v35, vm0, $0xb8;
	[tilespmem:$0x18880] =	vst v63  }
0x220: {  	s14 =	simm.s32 $0x2880  }
0x221: {  	[hbm4b:s6+s2] =	stream.indirect_vreg.scatter [tilespmem:s14], [sflag:$0x2], $0x80, v35, vm0, $0xb8;
	[tilespmem:$0x18880] =	vst v63  }
0x222: {  	s26 =	simm.s32 $0x3080  }
0x223: {  	[hbm4b:s7+s2] =	stream.indirect_vreg.scatter [tilespmem:s26], [sflag:$0x2], $0x80, v35, vm0, $0xb8;
	[tilespmem:$0x18880] =	vst v63  }
0x224: {  	v35 =	vld [tilespmem:$0x590];
	_ =	sdelay $0x4  }
0x225: {  	v48 =	vshrl.u32 v35, $0x3  }
0x226: {  	v36 =	vmul.u32 $0x30, v48  }
0x227: {  	v35 =	vand.u32 $0x7, v35  }
0x228: {  	v35 =	vor.u32 v35, v36  }
0x229: {  	v36 =	vperm.xlane v35, v32;
	_ =	sdelay $0x1  }
0x22a: {  	v36 =	vadd.s32 v33, v36;
	_ =	sdelay $0x3  }
0x22b: {  	s28 =	simm.s32 $0x3880;
	v35 =	vperm.xlane v35, v34  }
0x22c: {  	[hbm4b:s4+s2] =	stream.indirect_vreg.scatter [tilespmem:s28], [sflag:$0x2], $0x80, v36, vm0, $0xb8;
	[tilespmem:$0x18880] =	vst v63  }
0x22d: {  	s15 =	simm.s32 $0x4080;
	v35 =	vadd.s32 v33, v35  }
0x22e: {  	[hbm4b:s6+s2] =	stream.indirect_vreg.scatter [tilespmem:s15], [sflag:$0x2], $0x80, v36, vm0, $0xb8;
	[tilespmem:$0x18880] =	vst v63  }
0x22f: {  	s16 =	simm.s32 $0x4880  }
0x230: {  	[hbm4b:s7+s2] =	stream.indirect_vreg.scatter [tilespmem:s16], [sflag:$0x2], $0x80, v36, vm0, $0xb8;
	[tilespmem:$0x18880] =	vst v63  }
0x231: {  	s17 =	simm.s32 $0x5080  }
0x232: {  	[hbm4b:s4+s2] =	stream.indirect_vreg.scatter [tilespmem:s17], [sflag:$0x2], $0x80, v35, vm0, $0xb8;
	[tilespmem:$0x18880] =	vst v63  }
0x233: {  	s20 =	simm.s32 $0x5880  }
0x234: {  	[hbm4b:s6+s2] =	stream.indirect_vreg.scatter [tilespmem:s20], [sflag:$0x2], $0x80, v35, vm0, $0xb8;
	[tilespmem:$0x18880] =	vst v63  }
0x235: {  	s13 =	simm.s32 $0x6080  }
0x236: {  	[hbm4b:s7+s2] =	stream.indirect_vreg.scatter [tilespmem:s13], [sflag:$0x2], $0x80, v35, vm0, $0xb8;
	[tilespmem:$0x18880] =	vst v63  }
0x237: {  	v35 =	vld [tilespmem:$0x5A0];
	_ =	sdelay $0x4  }
0x238: {  	v49 =	vshrl.u32 v35, $0x3  }
0x239: {  	v36 =	vmul.u32 $0x30, v49  }
0x23a: {  	v35 =	vand.u32 $0x7, v35  }
0x23b: {  	v35 =	vor.u32 v35, v36  }
0x23c: {  	v36 =	vperm.xlane v35, v32;
	_ =	sdelay $0x1  }
0x23d: {  	v36 =	vadd.s32 v33, v36;
	_ =	sdelay $0x3  }
0x23e: {  	s19 =	simm.s32 $0x6880;
	v35 =	vperm.xlane v35, v34  }
0x23f: {  	[hbm4b:s4+s2] =	stream.indirect_vreg.scatter [tilespmem:s19], [sflag:$0x2], $0x80, v36, vm0, $0xb8;
	[tilespmem:$0x18880] =	vst v63  }
0x240: {  	s21 =	simm.s32 $0x7080;
	v35 =	vadd.s32 v33, v35  }
0x241: {  	[hbm4b:s6+s2] =	stream.indirect_vreg.scatter [tilespmem:s21], [sflag:$0x2], $0x80, v36, vm0, $0xb8;
	[tilespmem:$0x18880] =	vst v63  }
0x242: {  	s22 =	simm.s32 $0x7880  }
0x243: {  	[hbm4b:s7+s2] =	stream.indirect_vreg.scatter [tilespmem:s22], [sflag:$0x2], $0x80, v36, vm0, $0xb8;
	[tilespmem:$0x18880] =	vst v63  }
0x244: {  	s23 =	simm.s32 $0x8080  }
0x245: {  	[hbm4b:s4+s2] =	stream.indirect_vreg.scatter [tilespmem:s23], [sflag:$0x2], $0x80, v35, vm0, $0xb8;
	[tilespmem:$0x18880] =	vst v63  }
0x246: {  	s24 =	simm.s32 $0x8880  }
0x247: {  	[hbm4b:s6+s2] =	stream.indirect_vreg.scatter [tilespmem:s24], [sflag:$0x2], $0x80, v35, vm0, $0xb8;
	[tilespmem:$0x18880] =	vst v63  }
0x248: {  	s8 =	simm.s32 $0x9080  }
0x249: {  	[hbm4b:s7+s2] =	stream.indirect_vreg.scatter [tilespmem:s8], [sflag:$0x2], $0x80, v35, vm0, $0xb8;
	[tilespmem:$0x18880] =	vst v63  }
0x24a: {  	v35 =	vld [tilespmem:$0x5B0];
	_ =	sdelay $0x4  }
0x24b: {  	v50 =	vshrl.u32 v35, $0x3  }
0x24c: {  	v36 =	vmul.u32 $0x30, v50  }
0x24d: {  	v35 =	vand.u32 $0x7, v35  }
0x24e: {  	v35 =	vor.u32 v35, v36  }
0x24f: {  	v36 =	vperm.xlane v35, v32;
	_ =	sdelay $0x1  }
0x250: {  	v36 =	vadd.s32 v33, v36;
	_ =	sdelay $0x3  }
0x251: {  	s9 =	simm.s32 $0x9880;
	v35 =	vperm.xlane v35, v34  }
0x252: {  	[hbm4b:s4+s2] =	stream.indirect_vreg.scatter [tilespmem:s9], [sflag:$0x2], $0x80, v36, vm0, $0xb8;
	[tilespmem:$0x18880] =	vst v63  }
0x253: {  	s31 =	simm.s32 $0xA080;
	v35 =	vadd.s32 v33, v35  }
0x254: {  	[hbm4b:s6+s2] =	stream.indirect_vreg.scatter [tilespmem:s31], [sflag:$0x2], $0x80, v36, vm0, $0xb8;
	[tilespmem:$0x18880] =	vst v63  }
0x255: {  	s0 =	simm.s32 $0xA880  }
0x256: {  	[hbm4b:s7+s2] =	stream.indirect_vreg.scatter [tilespmem:s0], [sflag:$0x2], $0x80, v36, vm0, $0xb8;
	[tilespmem:$0x18880] =	vst v63  }
0x257: {  	s1 =	simm.s32 $0xB080  }
0x258: {  	[hbm4b:s4+s2] =	stream.indirect_vreg.scatter [tilespmem:s1], [sflag:$0x2], $0x80, v35, vm0, $0xb8;
	[tilespmem:$0x18880] =	vst v63  }
0x259: {  	s18 =	simm.s32 $0xB880  }
0x25a: {  	[hbm4b:s6+s2] =	stream.indirect_vreg.scatter [tilespmem:s18], [sflag:$0x2], $0x80, v35, vm0, $0xb8;
	[tilespmem:$0x18880] =	vst v63  }
0x25b: {  	s25 =	simm.s32 $0xC080  }
0x25c: {  	[hbm4b:s7+s2] =	stream.indirect_vreg.scatter [tilespmem:s25], [sflag:$0x2], $0x80, v35, vm0, $0xb8;
	[tilespmem:$0x18880] =	vst v63  }
0x25d: {  	v35 =	vld [tilespmem:$0x780];
	_ =	sdelay $0x4  }
0x25e: {  	v51 =	vshrl.u32 v35, $0x3  }
0x25f: {  	v36 =	vmul.u32 $0x30, v51  }
0x260: {  	v35 =	vand.u32 $0x7, v35  }
0x261: {  	v35 =	vor.u32 v35, v36  }
0x262: {  	v36 =	vperm.xlane v35, v32;
	_ =	sdelay $0x1  }
0x263: {  	v36 =	vadd.s32 v33, v36;
	_ =	sdelay $0x3  }
0x264: {  	v35 =	vperm.xlane v35, v34  }
0x265: {  	[hbm4b:s4+s2] =	stream.indirect_vreg.scatter [tilespmem:s29], [sflag:$0x3], $0x80, v36, vm0, $0xb8;
	[tilespmem:$0x18880] =	vst v63  }
0x266: {  	v35 =	vadd.s32 v33, v35  }
0x267: {  	[hbm4b:s6+s2] =	stream.indirect_vreg.scatter [tilespmem:s3], [sflag:$0x3], $0x80, v36, vm0, $0xb8;
	[tilespmem:$0x18880] =	vst v63  }
0x268: {  	_ = 	snop  }
0x269: {  	[hbm4b:s7+s2] =	stream.indirect_vreg.scatter [tilespmem:s5], [sflag:$0x3], $0x80, v36, vm0, $0xb8;
	[tilespmem:$0x18880] =	vst v63  }
0x26a: {  	_ = 	snop  }
0x26b: {  	[hbm4b:s4+s2] =	stream.indirect_vreg.scatter [tilespmem:s12], [sflag:$0x3], $0x80, v35, vm0, $0xb8;
	[tilespmem:$0x18880] =	vst v63  }
0x26c: {  	_ = 	snop  }
0x26d: {  	[hbm4b:s6+s2] =	stream.indirect_vreg.scatter [tilespmem:s14], [sflag:$0x3], $0x80, v35, vm0, $0xb8;
	[tilespmem:$0x18880] =	vst v63  }
0x26e: {  	_ = 	snop  }
0x26f: {  	[hbm4b:s7+s2] =	stream.indirect_vreg.scatter [tilespmem:s26], [sflag:$0x3], $0x80, v35, vm0, $0xb8;
	[tilespmem:$0x18880] =	vst v63  }
0x270: {  	v35 =	vld [tilespmem:$0x790];
	_ =	sdelay $0x4  }
0x271: {  	v52 =	vshrl.u32 v35, $0x3  }
0x272: {  	v36 =	vmul.u32 $0x30, v52  }
0x273: {  	v35 =	vand.u32 $0x7, v35  }
0x274: {  	v35 =	vor.u32 v35, v36  }
0x275: {  	v36 =	vperm.xlane v35, v32;
	_ =	sdelay $0x1  }
0x276: {  	v36 =	vadd.s32 v33, v36;
	_ =	sdelay $0x3  }
0x277: {  	v35 =	vperm.xlane v35, v34  }
0x278: {  	[hbm4b:s4+s2] =	stream.indirect_vreg.scatter [tilespmem:s28], [sflag:$0x3], $0x80, v36, vm0, $0xb8;
	[tilespmem:$0x18880] =	vst v63  }
0x279: {  	v35 =	vadd.s32 v33, v35  }
0x27a: {  	[hbm4b:s6+s2] =	stream.indirect_vreg.scatter [tilespmem:s15], [sflag:$0x3], $0x80, v36, vm0, $0xb8;
	[tilespmem:$0x18880] =	vst v63  }
0x27b: {  	_ = 	snop  }
0x27c: {  	[hbm4b:s7+s2] =	stream.indirect_vreg.scatter [tilespmem:s16], [sflag:$0x3], $0x80, v36, vm0, $0xb8;
	[tilespmem:$0x18880] =	vst v63  }
0x27d: {  	_ = 	snop  }
0x27e: {  	[hbm4b:s4+s2] =	stream.indirect_vreg.scatter [tilespmem:s17], [sflag:$0x3], $0x80, v35, vm0, $0xb8;
	[tilespmem:$0x18880] =	vst v63  }
0x27f: {  	_ = 	snop  }
0x280: {  	[hbm4b:s6+s2] =	stream.indirect_vreg.scatter [tilespmem:s20], [sflag:$0x3], $0x80, v35, vm0, $0xb8;
	[tilespmem:$0x18880] =	vst v63  }
0x281: {  	_ = 	snop  }
0x282: {  	[hbm4b:s7+s2] =	stream.indirect_vreg.scatter [tilespmem:s13], [sflag:$0x3], $0x80, v35, vm0, $0xb8;
	[tilespmem:$0x18880] =	vst v63  }
0x283: {  	v35 =	vld [tilespmem:$0x7A0];
	_ =	sdelay $0x4  }
0x284: {  	v53 =	vshrl.u32 v35, $0x3  }
0x285: {  	v36 =	vmul.u32 $0x30, v53  }
0x286: {  	v35 =	vand.u32 $0x7, v35  }
0x287: {  	v35 =	vor.u32 v35, v36  }
0x288: {  	v36 =	vperm.xlane v35, v32;
	_ =	sdelay $0x1  }
0x289: {  	v36 =	vadd.s32 v33, v36;
	_ =	sdelay $0x3  }
0x28a: {  	v35 =	vperm.xlane v35, v34  }
0x28b: {  	[hbm4b:s4+s2] =	stream.indirect_vreg.scatter [tilespmem:s19], [sflag:$0x3], $0x80, v36, vm0, $0xb8;
	[tilespmem:$0x18880] =	vst v63  }
0x28c: {  	v35 =	vadd.s32 v33, v35  }
0x28d: {  	[hbm4b:s6+s2] =	stream.indirect_vreg.scatter [tilespmem:s21], [sflag:$0x3], $0x80, v36, vm0, $0xb8;
	[tilespmem:$0x18880] =	vst v63  }
0x28e: {  	_ = 	snop  }
0x28f: {  	[hbm4b:s7+s2] =	stream.indirect_vreg.scatter [tilespmem:s22], [sflag:$0x3], $0x80, v36, vm0, $0xb8;
	[tilespmem:$0x18880] =	vst v63  }
0x290: {  	_ = 	snop  }
0x291: {  	[hbm4b:s4+s2] =	stream.indirect_vreg.scatter [tilespmem:s23], [sflag:$0x3], $0x80, v35, vm0, $0xb8;
	[tilespmem:$0x18880] =	vst v63  }
0x292: {  	_ = 	snop  }
0x293: {  	[hbm4b:s6+s2] =	stream.indirect_vreg.scatter [tilespmem:s24], [sflag:$0x3], $0x80, v35, vm0, $0xb8;
	[tilespmem:$0x18880] =	vst v63  }
0x294: {  	_ = 	snop  }
0x295: {  	[hbm4b:s7+s2] =	stream.indirect_vreg.scatter [tilespmem:s8], [sflag:$0x3], $0x80, v35, vm0, $0xb8;
	[tilespmem:$0x18880] =	vst v63  }
0x296: {  	v35 =	vld [tilespmem:$0x7B0];
	_ =	sdelay $0x4  }
0x297: {  	v54 =	vshrl.u32 v35, $0x3  }
0x298: {  	v36 =	vmul.u32 $0x30, v54  }
0x299: {  	v35 =	vand.u32 $0x7, v35  }
0x29a: {  	v35 =	vor.u32 v35, v36  }
0x29b: {  	v36 =	vperm.xlane v35, v32;
	_ =	sdelay $0x1  }
0x29c: {  	v36 =	vadd.s32 v33, v36;
	_ =	sdelay $0x3  }
0x29d: {  	v35 =	vperm.xlane v35, v34  }
0x29e: {  	[hbm4b:s4+s2] =	stream.indirect_vreg.scatter [tilespmem:s9], [sflag:$0x3], $0x80, v36, vm0, $0xb8;
	[tilespmem:$0x18880] =	vst v63  }
0x29f: {  	v35 =	vadd.s32 v33, v35  }
0x2a0: {  	[hbm4b:s6+s2] =	stream.indirect_vreg.scatter [tilespmem:s31], [sflag:$0x3], $0x80, v36, vm0, $0xb8;
	[tilespmem:$0x18880] =	vst v63  }
0x2a1: {  	_ = 	snop  }
0x2a2: {  	[hbm4b:s7+s2] =	stream.indirect_vreg.scatter [tilespmem:s0], [sflag:$0x3], $0x80, v36, vm0, $0xb8;
	[tilespmem:$0x18880] =	vst v63  }
0x2a3: {  	_ = 	snop  }
0x2a4: {  	[hbm4b:s4+s2] =	stream.indirect_vreg.scatter [tilespmem:s1], [sflag:$0x3], $0x80, v35, vm0, $0xb8;
	[tilespmem:$0x18880] =	vst v63  }
0x2a5: {  	_ = 	snop  }
0x2a6: {  	[hbm4b:s6+s2] =	stream.indirect_vreg.scatter [tilespmem:s18], [sflag:$0x3], $0x80, v35, vm0, $0xb8;
	[tilespmem:$0x18880] =	vst v63  }
0x2a7: {  	_ = 	snop  }
0x2a8: {  	[hbm4b:s7+s2] =	stream.indirect_vreg.scatter [tilespmem:s25], [sflag:$0x3], $0x80, v35, vm0, $0xb8;
	[tilespmem:$0x18880] =	vst v63  }
0x2a9: {  	_ =	swait.ge [sflag:s30], $0xC000  }
0x2aa: {  	[sflag:s30] =	ssyncset.done $0x0  }
0x2ab: {  	s5 =	simm.s32 $0x2;
	[sflag:s30] =	ssyncadd.s32 $0xFFFF4000  }
0x2ac: {  	_ =	swait.ge [sflag:s5], $0xC000  }
0x2ad: {  	[sflag:s5] =	ssyncset.done $0x0  }
0x2ae: {  	s8 =	simm.s32 $0x3;
	[sflag:s5] =	ssyncadd.s32 $0xFFFF4000  }
0x2af: {  	_ =	swait.ge [sflag:s8], $0xC000  }
0x2b0: {  	[sflag:s8] =	ssyncset.done $0x0  }
0x2b1: {  	[sflag:s8] =	ssyncadd.s32 $0xFFFF4000  }
0x2b2: {  	v55 =	vld [tilespmem:$0x600];
	_ =	sdelay $0x4  }
0x2b3: {  	v56 =	vshrl.u32 v55, $0x3  }
0x2b4: {  	v36 =	vmul.u32 $0x30, v56  }
0x2b5: {  	v35 =	vand.u32 $0x7, v55  }
0x2b6: {  	v35 =	vor.u32 v35, v36  }
0x2b7: {  	v36 =	vperm.xlane v35, v32;
	_ =	sdelay $0x1  }
0x2b8: {  	v36 =	vadd.s32 v33, v36;
	_ =	sdelay $0x3  }
0x2b9: {  	s1 =	simm.s32 $0xC880;
	v35 =	vperm.xlane v35, v34  }
0x2ba: {  	[hbm4b:s4+s2] =	stream.indirect_vreg.scatter [tilespmem:s1], [sflag:$0x2], $0x80, v36, vm0, $0xb8;
	[tilespmem:$0x18880] =	vst v63  }
0x2bb: {  	s8 =	simm.s32 $0xD080;
	v35 =	vadd.s32 v33, v35  }
0x2bc: {  	[hbm4b:s6+s2] =	stream.indirect_vreg.scatter [tilespmem:s8], [sflag:$0x2], $0x80, v36, vm0, $0xb8;
	[tilespmem:$0x18880] =	vst v63  }
0x2bd: {  	s9 =	simm.s32 $0xD880  }
0x2be: {  	[hbm4b:s7+s2] =	stream.indirect_vreg.scatter [tilespmem:s9], [sflag:$0x2], $0x80, v36, vm0, $0xb8;
	[tilespmem:$0x18880] =	vst v63  }
0x2bf: {  	s3 =	simm.s32 $0xE080  }
0x2c0: {  	[hbm4b:s4+s2] =	stream.indirect_vreg.scatter [tilespmem:s3], [sflag:$0x2], $0x80, v35, vm0, $0xb8;
	[tilespmem:$0x18880] =	vst v63  }
0x2c1: {  	s15 =	simm.s32 $0xE880  }
0x2c2: {  	[hbm4b:s6+s2] =	stream.indirect_vreg.scatter [tilespmem:s15], [sflag:$0x2], $0x80, v35, vm0, $0xb8;
	[tilespmem:$0x18880] =	vst v63  }
0x2c3: {  	s16 =	simm.s32 $0xF080  }
0x2c4: {  	[hbm4b:s7+s2] =	stream.indirect_vreg.scatter [tilespmem:s16], [sflag:$0x2], $0x80, v35, vm0, $0xb8;
	[tilespmem:$0x18880] =	vst v63  }
0x2c5: {  	v35 =	vld [tilespmem:$0x610];
	_ =	sdelay $0x4  }
0x2c6: {  	v57 =	vshrl.u32 v35, $0x3  }
0x2c7: {  	v36 =	vmul.u32 $0x30, v57  }
0x2c8: {  	v35 =	vand.u32 $0x7, v35  }
0x2c9: {  	v35 =	vor.u32 v35, v36  }
0x2ca: {  	v36 =	vperm.xlane v35, v32;
	_ =	sdelay $0x1  }
0x2cb: {  	v36 =	vadd.s32 v33, v36;
	_ =	sdelay $0x3  }
0x2cc: {  	s22 =	simm.s32 $0xF880;
	v35 =	vperm.xlane v35, v34  }
0x2cd: {  	[hbm4b:s4+s2] =	stream.indirect_vreg.scatter [tilespmem:s22], [sflag:$0x2], $0x80, v36, vm0, $0xb8;
	[tilespmem:$0x18880] =	vst v63  }
0x2ce: {  	s17 =	simm.s32 $0x10080;
	v35 =	vadd.s32 v33, v35  }
0x2cf: {  	[hbm4b:s6+s2] =	stream.indirect_vreg.scatter [tilespmem:s17], [sflag:$0x2], $0x80, v36, vm0, $0xb8;
	[tilespmem:$0x18880] =	vst v63  }
0x2d0: {  	s19 =	simm.s32 $0x10880  }
0x2d1: {  	[hbm4b:s7+s2] =	stream.indirect_vreg.scatter [tilespmem:s19], [sflag:$0x2], $0x80, v36, vm0, $0xb8;
	[tilespmem:$0x18880] =	vst v63  }
0x2d2: {  	s20 =	simm.s32 $0x11080  }
0x2d3: {  	[hbm4b:s4+s2] =	stream.indirect_vreg.scatter [tilespmem:s20], [sflag:$0x2], $0x80, v35, vm0, $0xb8;
	[tilespmem:$0x18880] =	vst v63  }
0x2d4: {  	s21 =	simm.s32 $0x11880  }
0x2d5: {  	[hbm4b:s6+s2] =	stream.indirect_vreg.scatter [tilespmem:s21], [sflag:$0x2], $0x80, v35, vm0, $0xb8;
	[tilespmem:$0x18880] =	vst v63  }
0x2d6: {  	s23 =	simm.s32 $0x12080  }
0x2d7: {  	[hbm4b:s7+s2] =	stream.indirect_vreg.scatter [tilespmem:s23], [sflag:$0x2], $0x80, v35, vm0, $0xb8;
	[tilespmem:$0x18880] =	vst v63  }
0x2d8: {  	v35 =	vld [tilespmem:$0x620];
	_ =	sdelay $0x4  }
0x2d9: {  	v58 =	vshrl.u32 v35, $0x3  }
0x2da: {  	v36 =	vmul.u32 $0x30, v58  }
0x2db: {  	v35 =	vand.u32 $0x7, v35  }
0x2dc: {  	v35 =	vor.u32 v35, v36  }
0x2dd: {  	v36 =	vperm.xlane v35, v32;
	_ =	sdelay $0x1  }
0x2de: {  	v36 =	vadd.s32 v33, v36;
	_ =	sdelay $0x3  }
0x2df: {  	s29 =	simm.s32 $0x12880;
	v35 =	vperm.xlane v35, v34  }
0x2e0: {  	[hbm4b:s4+s2] =	stream.indirect_vreg.scatter [tilespmem:s29], [sflag:$0x2], $0x80, v36, vm0, $0xb8;
	[tilespmem:$0x18880] =	vst v63  }
0x2e1: {  	s24 =	simm.s32 $0x13080;
	v35 =	vadd.s32 v33, v35  }
0x2e2: {  	[hbm4b:s6+s2] =	stream.indirect_vreg.scatter [tilespmem:s24], [sflag:$0x2], $0x80, v36, vm0, $0xb8;
	[tilespmem:$0x18880] =	vst v63  }
0x2e3: {  	s25 =	simm.s32 $0x13880  }
0x2e4: {  	[hbm4b:s7+s2] =	stream.indirect_vreg.scatter [tilespmem:s25], [sflag:$0x2], $0x80, v36, vm0, $0xb8;
	[tilespmem:$0x18880] =	vst v63  }
0x2e5: {  	s26 =	simm.s32 $0x14080  }
0x2e6: {  	[hbm4b:s4+s2] =	stream.indirect_vreg.scatter [tilespmem:s26], [sflag:$0x2], $0x80, v35, vm0, $0xb8;
	[tilespmem:$0x18880] =	vst v63  }
0x2e7: {  	s28 =	simm.s32 $0x14880  }
0x2e8: {  	[hbm4b:s6+s2] =	stream.indirect_vreg.scatter [tilespmem:s28], [sflag:$0x2], $0x80, v35, vm0, $0xb8;
	[tilespmem:$0x18880] =	vst v63  }
0x2e9: {  	s31 =	simm.s32 $0x15080  }
0x2ea: {  	[hbm4b:s7+s2] =	stream.indirect_vreg.scatter [tilespmem:s31], [sflag:$0x2], $0x80, v35, vm0, $0xb8;
	[tilespmem:$0x18880] =	vst v63  }
0x2eb: {  	v35 =	vld [tilespmem:$0x630];
	_ =	sdelay $0x4  }
0x2ec: {  	v59 =	vshrl.u32 v35, $0x3  }
0x2ed: {  	v36 =	vmul.u32 $0x30, v59  }
0x2ee: {  	v35 =	vand.u32 $0x7, v35  }
0x2ef: {  	v35 =	vor.u32 v35, v36  }
0x2f0: {  	v36 =	vperm.xlane v35, v32;
	_ =	sdelay $0x1  }
0x2f1: {  	v36 =	vadd.s32 v33, v36;
	_ =	sdelay $0x3  }
0x2f2: {  	s0 =	simm.s32 $0x15880;
	v35 =	vperm.xlane v35, v34  }
0x2f3: {  	[hbm4b:s4+s2] =	stream.indirect_vreg.scatter [tilespmem:s0], [sflag:$0x2], $0x80, v36, vm0, $0xb8;
	[tilespmem:$0x18880] =	vst v63  }
0x2f4: {  	s13 =	simm.s32 $0x16080;
	v35 =	vadd.s32 v33, v35  }
0x2f5: {  	[hbm4b:s6+s2] =	stream.indirect_vreg.scatter [tilespmem:s13], [sflag:$0x2], $0x80, v36, vm0, $0xb8;
	[tilespmem:$0x18880] =	vst v63  }
0x2f6: {  	s14 =	simm.s32 $0x16880  }
0x2f7: {  	[hbm4b:s7+s2] =	stream.indirect_vreg.scatter [tilespmem:s14], [sflag:$0x2], $0x80, v36, vm0, $0xb8;
	[tilespmem:$0x18880] =	vst v63  }
0x2f8: {  	s5 =	simm.s32 $0x17080  }
0x2f9: {  	[hbm4b:s4+s2] =	stream.indirect_vreg.scatter [tilespmem:s5], [sflag:$0x2], $0x80, v35, vm0, $0xb8;
	[tilespmem:$0x18880] =	vst v63  }
0x2fa: {  	s12 =	simm.s32 $0x17880  }
0x2fb: {  	[hbm4b:s6+s2] =	stream.indirect_vreg.scatter [tilespmem:s12], [sflag:$0x2], $0x80, v35, vm0, $0xb8;
	[tilespmem:$0x18880] =	vst v63  }
0x2fc: {  	s18 =	simm.s32 $0x18080  }
0x2fd: {  	[hbm4b:s7+s2] =	stream.indirect_vreg.scatter [tilespmem:s18], [sflag:$0x2], $0x80, v35, vm0, $0xb8;
	[tilespmem:$0x18880] =	vst v63  }
0x2fe: {  	v35 =	vld [tilespmem:$0x800];
	_ =	sdelay $0x4  }
0x2ff: {  	v60 =	vshrl.u32 v35, $0x3  }
0x300: {  	v36 =	vmul.u32 $0x30, v60  }
0x301: {  	v35 =	vand.u32 $0x7, v35  }
0x302: {  	v35 =	vor.u32 v35, v36  }
0x303: {  	v36 =	vperm.xlane v35, v32;
	_ =	sdelay $0x1  }
0x304: {  	v36 =	vadd.s32 v33, v36;
	_ =	sdelay $0x3  }
0x305: {  	v35 =	vperm.xlane v35, v34  }
0x306: {  	[hbm4b:s4+s2] =	stream.indirect_vreg.scatter [tilespmem:s1], [sflag:$0x3], $0x80, v36, vm0, $0xb8;
	[tilespmem:$0x18880] =	vst v63  }
0x307: {  	v35 =	vadd.s32 v33, v35  }
0x308: {  	[hbm4b:s6+s2] =	stream.indirect_vreg.scatter [tilespmem:s8], [sflag:$0x3], $0x80, v36, vm0, $0xb8;
	[tilespmem:$0x18880] =	vst v63  }
0x309: {  	_ = 	snop  }
0x30a: {  	[hbm4b:s7+s2] =	stream.indirect_vreg.scatter [tilespmem:s9], [sflag:$0x3], $0x80, v36, vm0, $0xb8;
	[tilespmem:$0x18880] =	vst v63  }
0x30b: {  	_ = 	snop  }
0x30c: {  	[hbm4b:s4+s2] =	stream.indirect_vreg.scatter [tilespmem:s3], [sflag:$0x3], $0x80, v35, vm0, $0xb8;
	[tilespmem:$0x18880] =	vst v63  }
0x30d: {  	_ = 	snop  }
0x30e: {  	[hbm4b:s6+s2] =	stream.indirect_vreg.scatter [tilespmem:s15], [sflag:$0x3], $0x80, v35, vm0, $0xb8;
	[tilespmem:$0x18880] =	vst v63  }
0x30f: {  	_ = 	snop  }
0x310: {  	[hbm4b:s7+s2] =	stream.indirect_vreg.scatter [tilespmem:s16], [sflag:$0x3], $0x80, v35, vm0, $0xb8;
	[tilespmem:$0x18880] =	vst v63  }
0x311: {  	v35 =	vld [tilespmem:$0x810];
	_ =	sdelay $0x4  }
0x312: {  	v61 =	vshrl.u32 v35, $0x3  }
0x313: {  	v36 =	vmul.u32 $0x30, v61  }
0x314: {  	v35 =	vand.u32 $0x7, v35  }
0x315: {  	v35 =	vor.u32 v35, v36  }
0x316: {  	v36 =	vperm.xlane v35, v32;
	_ =	sdelay $0x1  }
0x317: {  	v36 =	vadd.s32 v33, v36;
	_ =	sdelay $0x3  }
0x318: {  	v35 =	vperm.xlane v35, v34  }
0x319: {  	[hbm4b:s4+s2] =	stream.indirect_vreg.scatter [tilespmem:s22], [sflag:$0x3], $0x80, v36, vm0, $0xb8;
	[tilespmem:$0x18880] =	vst v63  }
0x31a: {  	v35 =	vadd.s32 v33, v35  }
0x31b: {  	[hbm4b:s6+s2] =	stream.indirect_vreg.scatter [tilespmem:s17], [sflag:$0x3], $0x80, v36, vm0, $0xb8;
	[tilespmem:$0x18880] =	vst v63  }
0x31c: {  	_ = 	snop  }
0x31d: {  	[hbm4b:s7+s2] =	stream.indirect_vreg.scatter [tilespmem:s19], [sflag:$0x3], $0x80, v36, vm0, $0xb8;
	[tilespmem:$0x18880] =	vst v63  }
0x31e: {  	_ = 	snop  }
0x31f: {  	[hbm4b:s4+s2] =	stream.indirect_vreg.scatter [tilespmem:s20], [sflag:$0x3], $0x80, v35, vm0, $0xb8;
	[tilespmem:$0x18880] =	vst v63  }
0x320: {  	_ = 	snop  }
0x321: {  	[hbm4b:s6+s2] =	stream.indirect_vreg.scatter [tilespmem:s21], [sflag:$0x3], $0x80, v35, vm0, $0xb8;
	[tilespmem:$0x18880] =	vst v63  }
0x322: {  	_ = 	snop  }
0x323: {  	[hbm4b:s7+s2] =	stream.indirect_vreg.scatter [tilespmem:s23], [sflag:$0x3], $0x80, v35, vm0, $0xb8;
	[tilespmem:$0x18880] =	vst v63  }
0x324: {  	v35 =	vld [tilespmem:$0x820];
	_ =	sdelay $0x4  }
0x325: {  	v62 =	vshrl.u32 v35, $0x3  }
0x326: {  	v36 =	vmul.u32 $0x30, v62  }
0x327: {  	v35 =	vand.u32 $0x7, v35  }
0x328: {  	v35 =	vor.u32 v35, v36  }
0x329: {  	v36 =	vperm.xlane v35, v32;
	_ =	sdelay $0x1  }
0x32a: {  	v36 =	vadd.s32 v33, v36;
	_ =	sdelay $0x3  }
0x32b: {  	v35 =	vperm.xlane v35, v34  }
0x32c: {  	[hbm4b:s4+s2] =	stream.indirect_vreg.scatter [tilespmem:s29], [sflag:$0x3], $0x80, v36, vm0, $0xb8;
	[tilespmem:$0x18880] =	vst v63  }
0x32d: {  	v35 =	vadd.s32 v33, v35  }
0x32e: {  	[hbm4b:s6+s2] =	stream.indirect_vreg.scatter [tilespmem:s24], [sflag:$0x3], $0x80, v36, vm0, $0xb8;
	[tilespmem:$0x18880] =	vst v63  }
0x32f: {  	_ = 	snop  }
0x330: {  	[hbm4b:s7+s2] =	stream.indirect_vreg.scatter [tilespmem:s25], [sflag:$0x3], $0x80, v36, vm0, $0xb8;
	[tilespmem:$0x18880] =	vst v63  }
0x331: {  	_ = 	snop  }
0x332: {  	[hbm4b:s4+s2] =	stream.indirect_vreg.scatter [tilespmem:s26], [sflag:$0x3], $0x80, v35, vm0, $0xb8;
	[tilespmem:$0x18880] =	vst v63  }
0x333: {  	_ = 	snop  }
0x334: {  	[hbm4b:s6+s2] =	stream.indirect_vreg.scatter [tilespmem:s28], [sflag:$0x3], $0x80, v35, vm0, $0xb8;
	[tilespmem:$0x18880] =	vst v63  }
0x335: {  	_ = 	snop  }
0x336: {  	[hbm4b:s7+s2] =	stream.indirect_vreg.scatter [tilespmem:s31], [sflag:$0x3], $0x80, v35, vm0, $0xb8;
	[tilespmem:$0x18880] =	vst v63  }
0x337: {  	v35 =	vld [tilespmem:$0x830];
	_ =	sdelay $0x4  }
0x338: {  	v63 =	vshrl.u32 v35, $0x3  }
0x339: {  	v36 =	vmul.u32 $0x30, v63  }
0x33a: {  	v35 =	vand.u32 $0x7, v35  }
0x33b: {  	v35 =	vor.u32 v35, v36  }
0x33c: {  	v36 =	vperm.xlane v35, v32;
	_ =	sdelay $0x1  }
0x33d: {  	v36 =	vadd.s32 v33, v36;
	_ =	sdelay $0x3  }
0x33e: {  	v35 =	vperm.xlane v35, v34  }
0x33f: {  	[hbm4b:s4+s2] =	stream.indirect_vreg.scatter [tilespmem:s0], [sflag:$0x3], $0x80, v36, vm0, $0xb8;
	[tilespmem:$0x18880] =	vst v63  }
0x340: {  	v35 =	vadd.s32 v33, v35  }
0x341: {  	[hbm4b:s6+s2] =	stream.indirect_vreg.scatter [tilespmem:s13], [sflag:$0x3], $0x80, v36, vm0, $0xb8;
	[tilespmem:$0x18880] =	vst v63  }
0x342: {  	_ = 	snop  }
0x343: {  	[hbm4b:s7+s2] =	stream.indirect_vreg.scatter [tilespmem:s14], [sflag:$0x3], $0x80, v36, vm0, $0xb8;
	[tilespmem:$0x18880] =	vst v63  }
0x344: {  	_ = 	snop  }
0x345: {  	[hbm4b:s4+s2] =	stream.indirect_vreg.scatter [tilespmem:s5], [sflag:$0x3], $0x80, v35, vm0, $0xb8;
	[tilespmem:$0x18880] =	vst v63  }
0x346: {  	_ = 	snop  }
0x347: {  	[hbm4b:s6+s2] =	stream.indirect_vreg.scatter [tilespmem:s12], [sflag:$0x3], $0x80, v35, vm0, $0xb8;
	[tilespmem:$0x18880] =	vst v63  }
0x348: {  	s30 =	simm.s32 $0x2;
	s9 =	rddreg [dreg:$0xe]  }
0x349: {  	[hbm4b:s7+s2] =	stream.indirect_vreg.scatter [tilespmem:s18], [sflag:$0x3], $0x80, v35, vm0, $0xb8;
	[tilespmem:$0x18880] =	vst v63  }
0x34a: {  	p0 =	sne.s32 s9, $0x1;
	_ =	swait.ge [sflag:s30], $0xC000  }
.Ltmp0:
0x34b: {  	[sflag:s30] =	ssyncset.done $0x0;
	(pc) =	sbr.rel @p0 .LBB2_1-.Ltmp0, $4  }
0x34c: {  	[sflag:s30] =	ssyncadd.s32 $0xFFFF4000;
	s30 =	simm.s32 $0x3  }
0x34d: {  	_ =	swait.ge [sflag:s30], $0xC000  }
0x34e: {  	s31 =	simm.s32 $0x3;
	[sflag:s30] =	ssyncset.done $0x0  }
0x34f: {  	s3 =	sadd.s32 $0xFFFFFFFF, s9;
	[sflag:s31] =	ssyncadd.s32 $0xFFFF4000  }
0x350: {  	_ =	sfence.sel $0x180000  }
0x351: {  	[bflag:$0x0] =	sbarrier.arrive $0xFFFF  }
0x352: {  	_ =	strace $0x90000047  }
0x353: {  	s0 =	stileid.u32;
	[bflag:$0x2] =	sbarrier.arrive $0xFFFF  }
0x354: {  	p0 =	sne.s32 s0, $0x0;
	s0 =	rddreg [dreg:$0x2]  }
0x355: {  	s0 =	sadd.s32 @!p0 $0x100000, s0  }
0x356: {  	[sflag:s0] =	ssyncadd.tile.s32 @!p0 $0x1;
	_ =	shalt  }
.Lfunc_end2:
_tile_overlayer_lowered:
.L_overlay_start_2:
0x357: {  	(tag) =	ssettag $0x2  }
0x358: {  	s0 =	rddreg [dreg:$0x0];
	s2 =	stileid.u32  }
0x359: {  	s1 =	rddreg [dreg:$0x1];
	p0 =	sne.s32 s2, $0x0  }
0x35a: {  	s3 =	rddreg [dreg:$0x2];
	[bflag:$0x3] =	sbarrier.arrive $0xFFFF;
	s2 =	simm.s32 @!p0 $0x1C04  }
0x35b: {  	[timem:s3], [sflag:s2] =	dma.local @!p0 [hbm:s0], s1  }
0x35c: {  	s0 =	simm.s32 @!p0 $0x4  }
0x35d: {  	_ =	swait.ge @!p0 [sflag:s0], s1  }
0x35e: {  	s1 =	ssub.s32 @!p0 $0x0, s1;
	[sflag:s0] =	ssyncset.done @!p0 $0x0  }
0x35f: {  	[sflag:s0] =	ssyncadd.s32 @!p0 s1  }
0x360: {  	[bflag:$0x3] =	sbarrier.arrive $0xFFFF  }
0x361: {  	_ =	shalt  }

// kernel: kernel.9.cloned.1.call-start
scs
__scs_entry_jumppad:
0x0: {  	(pc) =	sbr.rel $0x88, $3  }
0x1: {  	(tag) =	ssettag $0x0;
	lr =	simm.s32 $0x1  }
0x2: {  	[smem:$0x3F9A] =	sst lr;
	_ =	strace $0xD0000000  }
0x3: {  	_ = 	snop  }
0x4: {  	_ = 	snop  }
0x5: {  	_ = 	snop  }
0x6: {  	_ = 	snop  }
0x7: {  	_ = 	snop  }
__scs_overlays_trampoline_lowered:
0x8: {  	[smem:$0x3FA9] =	sst s0  }
0x9: {  	[smem:$0x3FAA] =	sst s1  }
0xa: {  	[smem:$0x3FAB] =	sst s2  }
0xb: {  	[smem:$0x3FAC] =	sst s3  }
0xc: {  	[smem:$0x3FAD] =	sst s4  }
0xd: {  	[smem:$0x3FAE] =	sst s5  }
0xe: {  	[smem:$0x3FAF] =	sst s6  }
0xf: {  	[smem:$0x3FB0] =	sst s7  }
0x10: {  	[smem:$0x3FB1] =	sst s8  }
0x11: {  	[smem:$0x3FB2] =	sst s9;
	s0 =	simm.s32 @!p0 $0x0  }
0x12: {  	s1 =	sld [smem:$0x3F98];
	s0 =	simm.s32 @p0 $0x1  }
0x13: {  	[smem:$0x3FB3] =	sst s0;
	s0 =	simm.s32 @!p1 $0x0  }
0x14: {  	s2 =	sld [smem:$0x3F97];
	s0 =	simm.s32 @p1 $0x1  }
0x15: {  	[smem:$0x3FB4] =	sst s0;
	s0 =	simm.s32 @!p2 $0x0  }
0x16: {  	s3 =	sld [smem:$0x3FDB];
	s0 =	simm.s32 @p2 $0x1  }
0x17: {  	s4 =	simm.s32 $0x1BF5;
	[smem:$0x3FB6] =	sst s0  }
0x18: {  	s0 =	sld [smem:$0x3F99];
	_ =	swait.ge [sflag:s4], $0x0  }
0x19: {  	s7 =	sld [smem:$0x3F9A]  }
0x1a: {  	s8 =	sadd.s32 $0xFFFFE003, lr  }
0x1b: {  	s9 =	sadd.s32 $0xFFFFFEF7, lr;
	s5 =	simm.s32 $0xFFFFFFFF;
	p2 =	slt.u32 s8, $0xFFFFF086  }
0x1c: {  	p1 =	slt.u32 s9, $0xF7A;
	s5 =	simm.s32 @!p2 $0x0  }
0x1d: {  	s5 =	simm.s32 @p1 $0x1;
	p0 =	seq.s32 s7, s2  }
0x1e: {  	s7 =	smul.u32 @!p0 $0xF7A, s2;
	p2 =	seq.s32 @!p0 s5, $0x0  }
0x1f: {  	s9 =	smul.u32 $0xF7A, s1;
	s8 =	simm.s32 @!p0 $0x1BF5;
	p2 =	por !p2, p0  }
0x20: {  	[sflag:s8] =	ssyncset.s32 @!p0 $0xFFFFF086;
	s6 =	sadd.s32 @!p0 s3, s7;
	s7 =	simm.s32 @!p0 $0x108  }
0x21: {  	s3 =	sadd.s32 s3, s9;
	s6 =	sadd.s32 @!p0 $0x88, s6;
	s7 =	simm.s32 @p2 $0x1082  }
0x22: {  	[simem:s7], [sflag:s8] =	dma.local @!p0 [hbm:s6], $0xF7A  }
0x23: {  	s9 =	sor.u32 $0xD0000000, s2;
	s6 =	simm.s32 $0x108;
	_ =	swait.ge @!p0 [sflag:s8], $0x0  }
0x24: {  	s3 =	sadd.s32 $0x88, s3;
	s6 =	simm.s32 @!p1 $0x1082;
	[sflag:s4] =	ssyncset.s32 $0xFFFFF086  }
0x25: {  	[simem:s6], [sflag:s4] =	dma.local [hbm:s3], $0xF7A  }
0x26: {  	[smem:$0x3F9A] =	sst s1;
	(tag) =	ssettag s2;
	_ =	strace s9  }
0x27: {  	s1 =	sld [smem:$0x3FAA]  }
0x28: {  	s2 =	sld [smem:$0x3FAB]  }
0x29: {  	s4 =	sld [smem:$0x3FAD]  }
0x2a: {  	p0 =	seq.s32 s5, $0x0;
	s5 =	sld [smem:$0x3FAE]  }
0x2b: {  	s6 =	sld [smem:$0x3FAF]  }
0x2c: {  	s7 =	sld [smem:$0x3FB0]  }
0x2d: {  	s3 =	simm.s32 $0x108;
	s8 =	sld [smem:$0x3FB1]  }
0x2e: {  	s3 =	simm.s32 @!p0 $0x1082;
	s9 =	sld [smem:$0x3FB2]  }
0x2f: {  	lr =	sadd.s32 s0, s3;
	s0 =	sld [smem:$0x3FA9]  }
0x30: {  	s3 =	sld [smem:$0x3FAC]  }
0x31: {  	[smem:$0x3FB5] =	sst s10  }
0x32: {  	s10 =	sld [smem:$0x3FB3];
	_ =	sdelay $0x3  }
0x33: {  	p0 =	seq.s32 s10, $0x1;
	s10 =	sld [smem:$0x3FB5];
	_ =	sdelay $0x3  }
0x34: {  	[smem:$0x3FB5] =	sst s10  }
0x35: {  	s10 =	sld [smem:$0x3FB4];
	_ =	sdelay $0x3  }
0x36: {  	p1 =	seq.s32 s10, $0x1;
	s10 =	sld [smem:$0x3FB5];
	_ =	sdelay $0x3  }
0x37: {  	[smem:$0x3FB5] =	sst s10  }
0x38: {  	s10 =	sld [smem:$0x3FB6]  }
0x39: {  	_ = 	snop;
	(pc) =	sbr.ind lr, $3  }
0x3a: {  	_ = 	snop  }
0x3b: {  	_ = 	snop  }
0x3c: {  	p2 =	seq.s32 s10, $0x1;
	s10 =	sld [smem:$0x3FB5]  }
0x3d: {  	_ =	shalt  }
0x3e: {  	_ =	shalt  }
0x3f: {  	_ =	shalt  }
0x40: {  	_ =	shalt  }
0x41: {  	_ =	shalt  }
0x42: {  	_ =	shalt  }
0x43: {  	_ =	shalt  }
0x44: {  	_ =	shalt  }
0x45: {  	_ =	shalt  }
0x46: {  	_ =	shalt  }
0x47: {  	_ =	shalt  }
0x48: {  	_ =	shalt  }
0x49: {  	_ =	shalt  }
0x4a: {  	_ =	shalt  }
0x4b: {  	_ =	shalt  }
0x4c: {  	_ =	shalt  }
0x4d: {  	_ =	shalt  }
0x4e: {  	_ =	shalt  }
0x4f: {  	_ =	shalt  }
0x50: {  	_ =	shalt  }
0x51: {  	_ =	shalt  }
0x52: {  	_ =	shalt  }
0x53: {  	_ =	shalt  }
0x54: {  	_ =	shalt  }
0x55: {  	_ =	shalt  }
0x56: {  	_ =	shalt  }
0x57: {  	_ =	shalt  }
0x58: {  	_ =	shalt  }
0x59: {  	_ =	shalt  }
0x5a: {  	_ =	shalt  }
0x5b: {  	_ =	shalt  }
0x5c: {  	_ =	shalt  }
0x5d: {  	_ =	shalt  }
0x5e: {  	_ =	shalt  }
0x5f: {  	_ =	shalt  }
0x60: {  	_ =	shalt  }
0x61: {  	_ =	shalt  }
0x62: {  	_ =	shalt  }
0x63: {  	_ =	shalt  }
0x64: {  	_ =	shalt  }
0x65: {  	_ =	shalt  }
0x66: {  	_ =	shalt  }
0x67: {  	_ =	shalt  }
0x68: {  	_ =	shalt  }
0x69: {  	_ =	shalt  }
0x6a: {  	_ =	shalt  }
0x6b: {  	_ =	shalt  }
0x6c: {  	_ =	shalt  }
0x6d: {  	_ =	shalt  }
0x6e: {  	_ =	shalt  }
0x6f: {  	_ =	shalt  }
0x70: {  	_ =	shalt  }
0x71: {  	_ =	shalt  }
0x72: {  	_ =	shalt  }
0x73: {  	_ =	shalt  }
0x74: {  	_ =	shalt  }
0x75: {  	_ =	shalt  }
0x76: {  	_ =	shalt  }
0x77: {  	_ =	shalt  }
0x78: {  	_ =	shalt  }
0x79: {  	_ =	shalt  }
0x7a: {  	_ =	shalt  }
0x7b: {  	_ =	shalt  }
0x7c: {  	_ =	shalt  }
0x7d: {  	_ =	shalt  }
0x7e: {  	_ =	shalt  }
0x7f: {  	_ =	shalt  }
0x80: {  	_ =	shalt  }
0x81: {  	_ =	shalt  }
0x82: {  	_ =	shalt  }
0x83: {  	_ =	shalt  }
0x84: {  	_ =	shalt  }
0x85: {  	_ =	shalt  }
0x86: {  	_ =	shalt  }
0x87: {  	_ =	shalt  }
.Lfunc_end0:
.L_simem_size_0:
called_computation.1_lowered:
.L_overlay_start_0:
0x88: {  	s2 =	sld [smem:$0x3FD9]  }
0x89: {  	s3 =	sld [smem:$0x3FFE];
	_ =	sdelay $0x1  }
0x8a: {  	s1 =	srdreg.scid  }
0x8b: {  	s0 =	sand.u32 $0x1, s1  }
0x8c: {  	s17 =	sshll.u32 s0, $0xA;
	s2 =	sadd.s32 s3, s2  }
0x8d: {  	s2 =	sadd.s32 s2, s17  }
0x8e: {  	[smem:$0x3FC1] =	sst s2  }
0x8f: {  	_ = 	snop  }
0x90: {  	s2 =	sld [smem:$0x3FD0];
	(tm) =	ssettm $0x1  }
0x91: {  	s18 =	sld [smem:$0x3FFB];
	_ =	sdelay $0x3  }
0x92: {  	_ =	strace s18  }
0x93: {  	s3 =	sld [smem:$0x3FFC];
	_ =	sdelay $0x3  }
0x94: {  	_ =	strace s3  }
0x95: {  	s3 =	sld [smem:$0x3FFD];
	_ =	sdelay $0x3  }
0x96: {  	_ =	strace s3  }
0x97: {  	_ =	strace $0x8FFFFFFF  }
0x98: {  	s19 =	sld [smem:$0x3FDB];
	_ =	sdelay $0x1  }
0x99: {  	s4 =	simm.s32 $_scs_section_size  }
0x9a: {  	s5 =	simm.s32 $_size__tile_overlayer_lowered;
	s6 =	simm.s32 $_tile_overlayer_lowered  }
0x9b: {  	s22 =	simm.s32 $0x1BFF;
	s21 =	sshll.u32 s6, $0x1;
	s3 =	sadd.s32 s4, s19  }
0x9c: {  	s7 =	simm.s32 $0x0;
	s20 =	sshll.u32 s5, $0x1;
	s5 =	sadd.s32 s21, s3  }
0x9d: {  	[timem:s7], [sflag:s22] =	dma.local [hbm:s5], s20  }
0x9e: {  	_ =	swait.ge [sflag:s22], s20  }
0x9f: {  	s4 =	ssub.s32 $0x0, s20;
	[sflag:s22] =	ssyncset.done $0x0  }
0xa0: {  	[sflag:s22] =	ssyncadd.s32 s4;
	_ =	sdelay $0x1  }
0xa1: {  	s23 =	simm.s32 $0x1B8B  }
0xa2: {  	_ =	swait.ge [sflag:s23], $0x1  }
0xa3: {  	[sflag:s23] =	ssyncset.done $0x0  }
0xa4: {  	s25 =	simm.s32 $0x1B8E;
	s24 =	sld [smem:$0x3FFE];
	[sflag:s23] =	ssyncadd.s32 $0xFFFFFFFF  }
0xa5: {  	s26 =	simm.s32 $execute0_lowered;
	[smem:$0x3FD2] =	sst s25  }
0xa6: {  	s5 =	sshll.u32 s26, $0x1;
	_ =	strace $0x80000049;
	[dreg:$0x1] =	wrdreg $0xFFFFFFFF  }
0xa7: {  	s28 =	simm.s32 $_size_execute0_lowered;
	s3 =	sadd.s32 s3, s5;
	[dreg:$0x0] =	wrdreg $0x0  }
0xa8: {  	s5 =	sshll.u32 s28, $0x1;
	[dreg:$0x2] =	wrdreg s3  }
0xa9: {  	[dreg:$0x3] =	wrdreg s5  }
0xaa: {  	[dreg:$0x4] =	wrdreg $0xC0  }
0xab: {  	_ =	task [dreg:s7], $0x5FFFF  }
0xac: {  	[dreg:$0x1] =	wrdreg $0xFFFFFFFF  }
0xad: {  	[dreg:$0x0] =	wrdreg $0x60  }
0xae: {  	[dreg:$0x2] =	wrdreg s24  }
0xaf: {  	[dreg:$0x3] =	wrdreg s2  }
0xb0: {  	[dreg:$0x4] =	wrdreg $0x9  }
0xb1: {  	_ =	task.clear_ibuf [dreg:s7], $0x5FFFF;
	_ =	strace $0x90000049  }
0xb2: {  	s29 =	simm.s32 $0x9;
	_ =	strace $0x8000004B  }
0xb3: {  	_ =	swait.ge [sflag:s29], $0x1  }
0xb4: {  	[sflag:s29] =	ssyncadd.s32 $0xFFFFFFFF  }
0xb5: {  	_ =	strace $0x9000004B  }
0xb6: {  	_ =	sfence  }
0xb7: {  	s30 =	sld [smem:$0x0];
	_ =	sdelay $0x2  }
0xb8: {  	s31 =	sshll.u32 s1, $0xD;
	s1 =	sshrl.u32 s1, $0x2  }
0xb9: {  	s3 =	sand.u32 $0x4000, s31;
	s1 =	sadd.s32 s1, s30  }
0xba: {  	s0 =	sor.u32 s3, s0;
	s1 =	sshll.u32 s1, $0x11  }
0xbb: {  	s0 =	sor.u32 s1, s0  }
0xbc: {  	s0 =	sadd.s32 $0x8F2B, s0  }
0xbd: {  	[sflag:s0] =	ssyncadd.remote.s32 $0x1  }
0xbe: {  	_ =	sfence.sel $0xFFFF  }
0xbf: {  	[dreg:$0x0] =	wrdreg $0xFFFFFFFF;
	(pc) =	sbr.abs _section_cstart, $3  }
0xc0: {  	[dreg:$0x1] =	wrdreg $0xFFFFFFFF  }
0xc1: {  	_ =	task.clear_ibuf [dreg:s7], $0x2FFFF;
	_ =	strace $0x9FFFFFFF  }
0xc2: {  	(tm) =	ssettm $0x7FFFFFFF  }
0xc3: {  	_ =	shalt  }
tec
execute0_lowered:
.L_overlay_start_1:
0x0: {  	(tag) =	ssettag $0x1  }
0x1: {  	s0 =	rddreg [dreg:$0x0]  }
0x2: {  	s1 =	rddreg [dreg:$0x1]  }
0x3: {  	s3 =	srdreg.scid;
	s5 =	stileid.u32  }
0x4: {  	s2 =	simm.s32 $0x0;
	s18 =	simm.s32 $0x3;
	s9 =	simm.s32 $0x1  }
0x5: {  	s10 =	simm.s32 $0x13E00;
	s11 =	simm.s32 $0x14600;
	s12 =	simm.s32 $0x14E00  }
0x6: {  	s13 =	simm.s32 $0x15600;
	s14 =	simm.s32 $0x15E00;
	s15 =	simm.s32 $0x16600  }
0x7: {  	s16 =	simm.s32 $0x16E00;
	s4 =	sand.u32 $0x1, s3;
	s19 =	sshll.u32 s5, $0x1  }
0x8: {  	s17 =	simm.s32 $0x17600;
	[smem:$0x7FF] =	sst s2;
	s5 =	sor.u32 s4, s19  }
0x9: {  	s3 =	sadd.s32 $0x182E00, s0;
	_ =	strace $0x8000004A;
	s6 =	sshll.u32 s5, $0x6  }
0xa: {  	s4 =	ssub.s32 $0x2, s4;
	s20 =	smul.u32 $0x30000, s5;
	s6 =	sadd.s32 s6, s0  }
0xb: {  	s7 =	sshrl.u32 s4, $0x1;
	s5 =	smul.u32 $0x6000, s5;
	s8 =	sadd.s32 $0x181400, s6  }
0xc: {  	s4 =	ssub.s32 s4, s7;
	s21 =	sadd.s32 $0x181C00, s6;
	[dreg:$0x3] =	wrdreg s8  }
0xd: {  	s7 =	sadd.s32 $0x182F00, s0;
	s6 =	sadd.s32 $0x182600, s6;
	[dreg:$0x4] =	wrdreg s21  }
0xe: {  	s22 =	sshrl.u32 s20, $0x3;
	s5 =	sadd.s32 s1, s5;
	[dreg:$0x5] =	wrdreg s6  }
0xf: {  	s31 =	smax.u32 s4, $0x1;
	s20 =	simm.s32 $0x400;
	[dreg:$0x6] =	wrdreg s5  }
0x10: {  	s4 =	simm.s32 $0x12600;
	s24 =	sadd.s32 $0xC00, s5;
	[dreg:$0xe] =	wrdreg s31  }
0x11: {  	s23 =	sadd.s32 s1, s22;
	s25 =	sadd.s32 $0x1800, s5;
	[dreg:$0x7] =	wrdreg s24  }
0x12: {  	s8 =	sadd.s32 $0x183000, s0;
	[dreg:$0x8] =	wrdreg s25;
	s26 =	sadd.s32 $0x2400, s23  }
0x13: {  	s21 =	simm.s32 $0x2;
	s28 =	sadd.s32 $0x3000, s23;
	[dreg:$0x9] =	wrdreg s26  }
0x14: {  	s5 =	simm.s32 $0x12E00;
	s29 =	sadd.s32 $0x3C00, s23;
	[dreg:$0xa] =	wrdreg s28  }
0x15: {  	v2 =	vlaneseq.u32;
	s6 =	simm.s32 $0x13600;
	s30 =	sadd.s32 $0x4800, s23;
	[dreg:$0xb] =	wrdreg s29  }
0x16: {  	vm0 =	vmmov $0xffff;
	v1 =	vshrl.u32 v2, $0x3;
	s22 =	simm.s32 $0x17E00;
	s0 =	sadd.s32 $0x5400, s23;
	[dreg:$0xc] =	wrdreg s30  }
0x17: {  	v0 =	vand.u32 $0x7, v2;
	v2 =	vor.u32 $0x8, v2;
	v1 =	vmul.u32 $0x8, v1;
	s23 =	simm.s32 $0x18600;
	s24 =	simm.s32 $0x0;
	[dreg:$0xd] =	wrdreg s0  }
.LBB2_1:
0x18: {  	s0 =	rddreg [dreg:$0x3]  }
0x19: {  	[tilespmem:s2], [sflag:$0x3] =	stream.linear.gather [hbm4b:s0+s2], $0x200, $0x38;
	[tilespmem:$0x1E600] =	vst v63  }
0x1a: {  	_ =	swait.ge [sflag:s18], $0x200  }
0x1b: {  	[sflag:s18] =	ssyncset.done $0x0  }
0x1c: {  	s1 =	simm.s32 $0x200;
	s25 =	rddreg [dreg:$0x4];
	[sflag:s18] =	ssyncadd.s32 $0xFFFFFE00  }
0x1d: {  	[tilespmem:s1], [sflag:$0x3] =	stream.linear.gather [hbm4b:s25+s2], $0x200, $0x38;
	[tilespmem:$0x1E600] =	vst v63  }
0x1e: {  	_ =	swait.ge [sflag:s18], $0x200  }
0x1f: {  	[sflag:s18] =	ssyncset.done $0x0  }
0x20: {  	s26 =	rddreg [dreg:$0x5];
	[sflag:s18] =	ssyncadd.s32 $0xFFFFFE00  }
0x21: {  	[tilespmem:s20], [sflag:$0x3] =	stream.linear.gather [hbm4b:s26+s2], $0x200, $0x38;
	[tilespmem:$0x1E600] =	vst v63  }
0x22: {  	_ =	swait.ge [sflag:s18], $0x200  }
0x23: {  	[sflag:s18] =	ssyncset.done $0x0  }
0x24: {  	[sflag:s18] =	ssyncadd.s32 $0xFFFFFE00  }
0x25: {  	v3 =	vld [tilespmem:$0x0];
	_ =	sdelay $0x4  }
0x26: {  	v4 =	vshrl.u32 v3, $0x3  }
0x27: {  	v4 =	vmul.u32 $0x30, v4  }
0x28: {  	v3 =	vand.u32 $0x7, v3  }
0x29: {  	v3 =	vor.u32 v3, v4  }
0x2a: {  	v4 =	vperm.xlane v3, v0;
	_ =	sdelay $0x1  }
0x2b: {  	v4 =	vadd.s32 v1, v4;
	_ =	sdelay $0x3  }
0x2c: {  	s28 =	simm.s32 $0x600;
	v3 =	vperm.xlane v3, v2  }
0x2d: {  	[tilespmem:s28], [sflag:$0x1] =	stream.indirect_vreg.gather [hbm4b:s3+s2], $0x80, v4, vm0, $0xb8;
	[tilespmem:$0x1E600] =	vst v63  }
0x2e: {  	s29 =	simm.s32 $0xE00;
	v3 =	vadd.s32 v1, v3  }
0x2f: {  	[tilespmem:s29], [sflag:$0x1] =	stream.indirect_vreg.gather [hbm4b:s7+s2], $0x80, v4, vm0, $0xb8;
	[tilespmem:$0x1E600] =	vst v63  }
0x30: {  	s30 =	simm.s32 $0x1600  }
0x31: {  	[tilespmem:s30], [sflag:$0x1] =	stream.indirect_vreg.gather [hbm4b:s8+s2], $0x80, v4, vm0, $0xb8;
	[tilespmem:$0x1E600] =	vst v63  }
0x32: {  	s31 =	simm.s32 $0x1E00  }
0x33: {  	[tilespmem:s31], [sflag:$0x1] =	stream.indirect_vreg.gather [hbm4b:s3+s2], $0x80, v3, vm0, $0xb8;
	[tilespmem:$0x1E600] =	vst v63  }
0x34: {  	s1 =	simm.s32 $0x2600  }
0x35: {  	[tilespmem:s1], [sflag:$0x1] =	stream.indirect_vreg.gather [hbm4b:s7+s2], $0x80, v3, vm0, $0xb8;
	[tilespmem:$0x1E600] =	vst v63  }
0x36: {  	s19 =	simm.s32 $0x2E00  }
0x37: {  	[tilespmem:s19], [sflag:$0x1] =	stream.indirect_vreg.gather [hbm4b:s8+s2], $0x80, v3, vm0, $0xb8;
	[tilespmem:$0x1E600] =	vst v63  }
0x38: {  	v3 =	vld [tilespmem:$0x10];
	_ =	sdelay $0x4  }
0x39: {  	v57 =	vshrl.u32 v3, $0x3  }
0x3a: {  	v4 =	vmul.u32 $0x30, v57  }
0x3b: {  	v3 =	vand.u32 $0x7, v3  }
0x3c: {  	v3 =	vor.u32 v3, v4  }
0x3d: {  	v4 =	vperm.xlane v3, v0;
	_ =	sdelay $0x1  }
0x3e: {  	v4 =	vadd.s32 v1, v4;
	_ =	sdelay $0x3  }
0x3f: {  	s25 =	simm.s32 $0x3600;
	v3 =	vperm.xlane v3, v2  }
0x40: {  	[tilespmem:s25], [sflag:$0x1] =	stream.indirect_vreg.gather [hbm4b:s3+s2], $0x80, v4, vm0, $0xb8;
	[tilespmem:$0x1E600] =	vst v63  }
0x41: {  	s26 =	simm.s32 $0x3E00;
	v3 =	vadd.s32 v1, v3  }
0x42: {  	[tilespmem:s26], [sflag:$0x1] =	stream.indirect_vreg.gather [hbm4b:s7+s2], $0x80, v4, vm0, $0xb8;
	[tilespmem:$0x1E600] =	vst v63  }
0x43: {  	s28 =	simm.s32 $0x4600  }
0x44: {  	[tilespmem:s28], [sflag:$0x1] =	stream.indirect_vreg.gather [hbm4b:s8+s2], $0x80, v4, vm0, $0xb8;
	[tilespmem:$0x1E600] =	vst v63  }
0x45: {  	s29 =	simm.s32 $0x4E00  }
0x46: {  	[tilespmem:s29], [sflag:$0x1] =	stream.indirect_vreg.gather [hbm4b:s3+s2], $0x80, v3, vm0, $0xb8;
	[tilespmem:$0x1E600] =	vst v63  }
0x47: {  	s30 =	simm.s32 $0x5600  }
0x48: {  	[tilespmem:s30], [sflag:$0x1] =	stream.indirect_vreg.gather [hbm4b:s7+s2], $0x80, v3, vm0, $0xb8;
	[tilespmem:$0x1E600] =	vst v63  }
0x49: {  	s31 =	simm.s32 $0x5E00  }
0x4a: {  	[tilespmem:s31], [sflag:$0x1] =	stream.indirect_vreg.gather [hbm4b:s8+s2], $0x80, v3, vm0, $0xb8;
	[tilespmem:$0x1E600] =	vst v63  }
0x4b: {  	v3 =	vld [tilespmem:$0x200];
	_ =	sdelay $0x4  }
0x4c: {  	v58 =	vshrl.u32 v3, $0x3  }
0x4d: {  	v4 =	vmul.u32 $0x30, v58  }
0x4e: {  	v3 =	vand.u32 $0x7, v3  }
0x4f: {  	v3 =	vor.u32 v3, v4  }
0x50: {  	v4 =	vperm.xlane v3, v0;
	_ =	sdelay $0x1  }
0x51: {  	v4 =	vadd.s32 v1, v4;
	_ =	sdelay $0x3  }
0x52: {  	s1 =	simm.s32 $0xC600;
	v3 =	vperm.xlane v3, v2  }
0x53: {  	[tilespmem:s1], [sflag:$0x2] =	stream.indirect_vreg.gather [hbm4b:s3+s2], $0x80, v4, vm0, $0xb8;
	[tilespmem:$0x1E600] =	vst v63  }
0x54: {  	s19 =	simm.s32 $0xCE00;
	v3 =	vadd.s32 v1, v3  }
0x55: {  	[tilespmem:s19], [sflag:$0x2] =	stream.indirect_vreg.gather [hbm4b:s7+s2], $0x80, v4, vm0, $0xb8;
	[tilespmem:$0x1E600] =	vst v63  }
0x56: {  	s25 =	simm.s32 $0xD600  }
0x57: {  	[tilespmem:s25], [sflag:$0x2] =	stream.indirect_vreg.gather [hbm4b:s8+s2], $0x80, v4, vm0, $0xb8;
	[tilespmem:$0x1E600] =	vst v63  }
0x58: {  	s26 =	simm.s32 $0xDE00  }
0x59: {  	[tilespmem:s26], [sflag:$0x2] =	stream.indirect_vreg.gather [hbm4b:s3+s2], $0x80, v3, vm0, $0xb8;
	[tilespmem:$0x1E600] =	vst v63  }
0x5a: {  	s28 =	simm.s32 $0xE600  }
0x5b: {  	[tilespmem:s28], [sflag:$0x2] =	stream.indirect_vreg.gather [hbm4b:s7+s2], $0x80, v3, vm0, $0xb8;
	[tilespmem:$0x1E600] =	vst v63  }
0x5c: {  	s29 =	simm.s32 $0xEE00  }
0x5d: {  	[tilespmem:s29], [sflag:$0x2] =	stream.indirect_vreg.gather [hbm4b:s8+s2], $0x80, v3, vm0, $0xb8;
	[tilespmem:$0x1E600] =	vst v63  }
0x5e: {  	v3 =	vld [tilespmem:$0x210];
	_ =	sdelay $0x4  }
0x5f: {  	v59 =	vshrl.u32 v3, $0x3  }
0x60: {  	v4 =	vmul.u32 $0x30, v59  }
0x61: {  	v3 =	vand.u32 $0x7, v3  }
0x62: {  	v3 =	vor.u32 v3, v4  }
0x63: {  	v4 =	vperm.xlane v3, v0;
	_ =	sdelay $0x1  }
0x64: {  	v4 =	vadd.s32 v1, v4;
	_ =	sdelay $0x3  }
0x65: {  	s30 =	simm.s32 $0xF600;
	v3 =	vperm.xlane v3, v2  }
0x66: {  	[tilespmem:s30], [sflag:$0x2] =	stream.indirect_vreg.gather [hbm4b:s3+s2], $0x80, v4, vm0, $0xb8;
	[tilespmem:$0x1E600] =	vst v63  }
0x67: {  	s31 =	simm.s32 $0xFE00;
	v3 =	vadd.s32 v1, v3  }
0x68: {  	[tilespmem:s31], [sflag:$0x2] =	stream.indirect_vreg.gather [hbm4b:s7+s2], $0x80, v4, vm0, $0xb8;
	[tilespmem:$0x1E600] =	vst v63  }
0x69: {  	s1 =	simm.s32 $0x10600  }
0x6a: {  	[tilespmem:s1], [sflag:$0x2] =	stream.indirect_vreg.gather [hbm4b:s8+s2], $0x80, v4, vm0, $0xb8;
	[tilespmem:$0x1E600] =	vst v63  }
0x6b: {  	s19 =	simm.s32 $0x10E00  }
0x6c: {  	[tilespmem:s19], [sflag:$0x2] =	stream.indirect_vreg.gather [hbm4b:s3+s2], $0x80, v3, vm0, $0xb8;
	[tilespmem:$0x1E600] =	vst v63  }
0x6d: {  	s25 =	simm.s32 $0x11600  }
0x6e: {  	[tilespmem:s25], [sflag:$0x2] =	stream.indirect_vreg.gather [hbm4b:s7+s2], $0x80, v3, vm0, $0xb8;
	[tilespmem:$0x1E600] =	vst v63  }
0x6f: {  	s26 =	simm.s32 $0x11E00  }
0x70: {  	[tilespmem:s26], [sflag:$0x2] =	stream.indirect_vreg.gather [hbm4b:s8+s2], $0x80, v3, vm0, $0xb8;
	[tilespmem:$0x1E600] =	vst v63  }
0x71: {  	_ =	swait.ge [sflag:s9], $0x6000  }
0x72: {  	[sflag:s9] =	ssyncset.done $0x0  }
0x73: {  	[sflag:s9] =	ssyncadd.s32 $0xFFFFA000  }
0x74: {  	_ =	swait.ge [sflag:s21], $0x6000  }
0x75: {  	[sflag:s21] =	ssyncset.done $0x0  }
0x76: {  	[sflag:s21] =	ssyncadd.s32 $0xFFFFA000  }
0x77: {  	v3 =	vld [tilespmem:$0x20];
	_ =	sdelay $0x4  }
0x78: {  	v60 =	vshrl.u32 v3, $0x3  }
0x79: {  	v4 =	vmul.u32 $0x30, v60  }
0x7a: {  	v3 =	vand.u32 $0x7, v3  }
0x7b: {  	v3 =	vor.u32 v3, v4  }
0x7c: {  	v4 =	vperm.xlane v3, v0;
	_ =	sdelay $0x1  }
0x7d: {  	v4 =	vadd.s32 v1, v4;
	_ =	sdelay $0x3  }
0x7e: {  	s28 =	simm.s32 $0x6600;
	v3 =	vperm.xlane v3, v2  }
0x7f: {  	[tilespmem:s28], [sflag:$0x1] =	stream.indirect_vreg.gather [hbm4b:s3+s2], $0x80, v4, vm0, $0xb8;
	[tilespmem:$0x1E600] =	vst v63  }
0x80: {  	s29 =	simm.s32 $0x6E00;
	v3 =	vadd.s32 v1, v3  }
0x81: {  	[tilespmem:s29], [sflag:$0x1] =	stream.indirect_vreg.gather [hbm4b:s7+s2], $0x80, v4, vm0, $0xb8;
	[tilespmem:$0x1E600] =	vst v63  }
0x82: {  	s30 =	simm.s32 $0x7600  }
0x83: {  	[tilespmem:s30], [sflag:$0x1] =	stream.indirect_vreg.gather [hbm4b:s8+s2], $0x80, v4, vm0, $0xb8;
	[tilespmem:$0x1E600] =	vst v63  }
0x84: {  	s31 =	simm.s32 $0x7E00  }
0x85: {  	[tilespmem:s31], [sflag:$0x1] =	stream.indirect_vreg.gather [hbm4b:s3+s2], $0x80, v3, vm0, $0xb8;
	[tilespmem:$0x1E600] =	vst v63  }
0x86: {  	s1 =	simm.s32 $0x8600  }
0x87: {  	[tilespmem:s1], [sflag:$0x1] =	stream.indirect_vreg.gather [hbm4b:s7+s2], $0x80, v3, vm0, $0xb8;
	[tilespmem:$0x1E600] =	vst v63  }
0x88: {  	s19 =	simm.s32 $0x8E00  }
0x89: {  	[tilespmem:s19], [sflag:$0x1] =	stream.indirect_vreg.gather [hbm4b:s8+s2], $0x80, v3, vm0, $0xb8;
	[tilespmem:$0x1E600] =	vst v63  }
0x8a: {  	v3 =	vld [tilespmem:$0x30];
	_ =	sdelay $0x4  }
0x8b: {  	v61 =	vshrl.u32 v3, $0x3  }
0x8c: {  	v4 =	vmul.u32 $0x30, v61  }
0x8d: {  	v3 =	vand.u32 $0x7, v3  }
0x8e: {  	v3 =	vor.u32 v3, v4  }
0x8f: {  	v4 =	vperm.xlane v3, v0;
	_ =	sdelay $0x1  }
0x90: {  	v4 =	vadd.s32 v1, v4;
	_ =	sdelay $0x3  }
0x91: {  	s25 =	simm.s32 $0x9600;
	v3 =	vperm.xlane v3, v2  }
0x92: {  	[tilespmem:s25], [sflag:$0x1] =	stream.indirect_vreg.gather [hbm4b:s3+s2], $0x80, v4, vm0, $0xb8;
	[tilespmem:$0x1E600] =	vst v63  }
0x93: {  	s26 =	simm.s32 $0x9E00;
	v3 =	vadd.s32 v1, v3  }
0x94: {  	[tilespmem:s26], [sflag:$0x1] =	stream.indirect_vreg.gather [hbm4b:s7+s2], $0x80, v4, vm0, $0xb8;
	[tilespmem:$0x1E600] =	vst v63  }
0x95: {  	s28 =	simm.s32 $0xA600  }
0x96: {  	[tilespmem:s28], [sflag:$0x1] =	stream.indirect_vreg.gather [hbm4b:s8+s2], $0x80, v4, vm0, $0xb8;
	[tilespmem:$0x1E600] =	vst v63  }
0x97: {  	s29 =	simm.s32 $0xAE00  }
0x98: {  	[tilespmem:s29], [sflag:$0x1] =	stream.indirect_vreg.gather [hbm4b:s3+s2], $0x80, v3, vm0, $0xb8;
	[tilespmem:$0x1E600] =	vst v63  }
0x99: {  	s30 =	simm.s32 $0xB600  }
0x9a: {  	[tilespmem:s30], [sflag:$0x1] =	stream.indirect_vreg.gather [hbm4b:s7+s2], $0x80, v3, vm0, $0xb8;
	[tilespmem:$0x1E600] =	vst v63  }
0x9b: {  	s31 =	simm.s32 $0xBE00  }
0x9c: {  	[tilespmem:s31], [sflag:$0x1] =	stream.indirect_vreg.gather [hbm4b:s8+s2], $0x80, v3, vm0, $0xb8;
	[tilespmem:$0x1E600] =	vst v63  }
0x9d: {  	v3 =	vld [tilespmem:$0x220];
	_ =	sdelay $0x4  }
0x9e: {  	v62 =	vshrl.u32 v3, $0x3  }
0x9f: {  	v4 =	vmul.u32 $0x30, v62  }
0xa0: {  	v3 =	vand.u32 $0x7, v3  }
0xa1: {  	v3 =	vor.u32 v3, v4  }
0xa2: {  	v4 =	vperm.xlane v3, v0;
	_ =	sdelay $0x1  }
0xa3: {  	v4 =	vadd.s32 v1, v4;
	_ =	sdelay $0x3  }
0xa4: {  	v3 =	vperm.xlane v3, v2  }
0xa5: {  	[tilespmem:s4], [sflag:$0x2] =	stream.indirect_vreg.gather [hbm4b:s3+s2], $0x80, v4, vm0, $0xb8;
	[tilespmem:$0x1E600] =	vst v63  }
0xa6: {  	v3 =	vadd.s32 v1, v3  }
0xa7: {  	[tilespmem:s5], [sflag:$0x2] =	stream.indirect_vreg.gather [hbm4b:s7+s2], $0x80, v4, vm0, $0xb8;
	[tilespmem:$0x1E600] =	vst v63  }
0xa8: {  	_ = 	snop  }
0xa9: {  	[tilespmem:s6], [sflag:$0x2] =	stream.indirect_vreg.gather [hbm4b:s8+s2], $0x80, v4, vm0, $0xb8;
	[tilespmem:$0x1E600] =	vst v63  }
0xaa: {  	_ = 	snop  }
0xab: {  	[tilespmem:s10], [sflag:$0x2] =	stream.indirect_vreg.gather [hbm4b:s3+s2], $0x80, v3, vm0, $0xb8;
	[tilespmem:$0x1E600] =	vst v63  }
0xac: {  	_ = 	snop  }
0xad: {  	[tilespmem:s11], [sflag:$0x2] =	stream.indirect_vreg.gather [hbm4b:s7+s2], $0x80, v3, vm0, $0xb8;
	[tilespmem:$0x1E600] =	vst v63  }
0xae: {  	_ = 	snop  }
0xaf: {  	[tilespmem:s12], [sflag:$0x2] =	stream.indirect_vreg.gather [hbm4b:s8+s2], $0x80, v3, vm0, $0xb8;
	[tilespmem:$0x1E600] =	vst v63  }
0xb0: {  	v3 =	vld [tilespmem:$0x230];
	_ =	sdelay $0x4  }
0xb1: {  	v63 =	vshrl.u32 v3, $0x3  }
0xb2: {  	v4 =	vmul.u32 $0x30, v63  }
0xb3: {  	v3 =	vand.u32 $0x7, v3  }
0xb4: {  	v3 =	vor.u32 v3, v4  }
0xb5: {  	v4 =	vperm.xlane v3, v0;
	_ =	sdelay $0x1  }
0xb6: {  	v4 =	vadd.s32 v1, v4;
	_ =	sdelay $0x3  }
0xb7: {  	v3 =	vperm.xlane v3, v2  }
0xb8: {  	[tilespmem:s13], [sflag:$0x2] =	stream.indirect_vreg.gather [hbm4b:s3+s2], $0x80, v4, vm0, $0xb8;
	[tilespmem:$0x1E600] =	vst v63  }
0xb9: {  	v3 =	vadd.s32 v1, v3  }
0xba: {  	[tilespmem:s14], [sflag:$0x2] =	stream.indirect_vreg.gather [hbm4b:s7+s2], $0x80, v4, vm0, $0xb8;
	[tilespmem:$0x1E600] =	vst v63  }
0xbb: {  	_ = 	snop  }
0xbc: {  	[tilespmem:s15], [sflag:$0x2] =	stream.indirect_vreg.gather [hbm4b:s8+s2], $0x80, v4, vm0, $0xb8;
	[tilespmem:$0x1E600] =	vst v63  }
0xbd: {  	_ = 	snop  }
0xbe: {  	[tilespmem:s16], [sflag:$0x2] =	stream.indirect_vreg.gather [hbm4b:s3+s2], $0x80, v3, vm0, $0xb8;
	[tilespmem:$0x1E600] =	vst v63  }
0xbf: {  	_ = 	snop  }
0xc0: {  	[tilespmem:s17], [sflag:$0x2] =	stream.indirect_vreg.gather [hbm4b:s7+s2], $0x80, v3, vm0, $0xb8;
	[tilespmem:$0x1E600] =	vst v63  }
0xc1: {  	s25 =	simm.s32 $0x0  }
0xc2: {  	[tilespmem:s22], [sflag:$0x2] =	stream.indirect_vreg.gather [hbm4b:s8+s2], $0x80, v3, vm0, $0xb8;
	[tilespmem:$0x1E600] =	vst v63  }
.LBB2_2:
0xc3: {  	s19 =	sshllo.u32 s25, $0x1  }
0xc4: {  	s0 =	sshll.u32 s25, $0x1;
	s26 =	sshrl.u32 s25, $0x3;
	v4 =	vmov s19  }
0xc5: {  	v3 =	vmov s0;
	s0 =	smul.u32 $0x1800, s26;
	s26 =	sshll.u32 s25, $0x7  }
0xc6: {  	s28 =	simm.s32 $0x0;
	v3 =	vbroadcast v3, $0x0;
	s26 =	sand.u32 $0x380, s26  }
0xc7: {  	s1 =	sand.u32 $0x1C00, s28;
	s26 =	sor.u32 s26, s0  }
0xc8: {  	s28 =	sand.u32 $0x70, s28;
	s0 =	sadd.s32 s26, s1  }
0xc9: {  	s28 =	sor.u32 s28, s0;
	v4 =	vld.idx.msk [tilespmem:v4+s20+$0x0], $0xffff  }
0xca: {  	v5 =	vld [tilespmem:s28+$0x600]  }
0xcb: {  	v6 =	vld [tilespmem:s28+$0xC600]  }
0xcc: {  	v3 =	vld.idx.msk [tilespmem:v3+s20+$0x0], $0xffff  }
0xcd: {  	s19 =	simm.s32 $0x80  }
0xce: {  	s29 =	simm.s32 $0x10;
	s0 =	sand.u32 $0x1C00, s19  }
0xcf: {  	s29 =	sand.u32 $0x70, s29;
	s0 =	sadd.s32 s26, s0  }
0xd0: {  	s29 =	sor.u32 s29, s0  }
0xd1: {  	v8 =	vmul.f32 v6, v4;
	v6 =	vld [tilespmem:s29+$0xC600];
	v7 =	vmul.f32 v5, v3  }
0xd2: {  	v5 =	vld [tilespmem:s29+$0x600]  }
0xd3: {  	s30 =	simm.s32 $0x20;
	s31 =	simm.s32 $0x100;
	v7 =	vadd.f32 v8, v7  }
.LBB2_3:
0xd4: {  	s0 =	sand.u32 $0x70, s30;
	s1 =	sand.u32 $0x1C00, s31;
	p0 =	sne.s32 s30, $0x2F0  }
.Ltmp0:
0xd5: {  	s30 =	sadd.s32 $0x10, s30;
	s1 =	sadd.s32 s26, s1;
	[tilespmem:s28+$0x18600] =	vst v7;
	(pc) =	sbr.rel @p0 .LBB2_3-.Ltmp0, $4  }
0xd6: {  	s28 =	smov.u32 s29;
	s29 =	sor.u32 s0, s1  }
0xd7: {  	v7 =	vmul.f32 v5, v3;
	v5 =	vld [tilespmem:s29+$0x600];
	v8 =	vmul.f32 v6, v4  }
0xd8: {  	v6 =	vld [tilespmem:s29+$0xC600]  }
0xd9: {  	s31 =	sadd.s32 $0x80, s31;
	v7 =	vadd.f32 v8, v7  }
0xda: {  	_ = 	snop  }
0xdb: {  	s25 =	sadd.s32 $0x1, s25  }
0xdc: {  	p0 =	sne.s32 s25, $0x20  }
.Ltmp1:
0xdd: {  	v3 =	vmul.f32 v5, v3;
	v4 =	vmul.f32 v6, v4;
	(pc) =	sbr.rel @p0 .LBB2_2-.Ltmp1, $4  }
0xde: {  	_ = 	snop  }
0xdf: {  	v3 =	vadd.f32 v4, v3  }
0xe0: {  	[tilespmem:s28+$0x18600] =	vst v7  }
0xe1: {  	[tilespmem:s29+$0x18600] =	vst v3  }
0xe2: {  	s25 =	simm.s32 $0x0;
	s0 =	rddreg [dreg:$0x6]  }
0xe3: {  	[hbm4b:s0+s25] =	stream.linear.scatter [tilespmem:s23], [sflag:$0x3], $0x6000, $0x38;
	[tilespmem:$0x1E600] =	vst v63  }
0xe4: {  	_ =	swait.ge [sflag:s18], $0x6000  }
0xe5: {  	[sflag:s18] =	ssyncset.done $0x0  }
0xe6: {  	[sflag:s18] =	ssyncadd.s32 $0xFFFFA000  }
0xe7: {  	_ =	swait.ge [sflag:s9], $0x6000  }
0xe8: {  	[sflag:s9] =	ssyncset.done $0x0  }
0xe9: {  	[sflag:s9] =	ssyncadd.s32 $0xFFFFA000  }
0xea: {  	_ =	swait.ge [sflag:s21], $0x6000  }
0xeb: {  	[sflag:s21] =	ssyncset.done $0x0  }
0xec: {  	[sflag:s21] =	ssyncadd.s32 $0xFFFFA000  }
0xed: {  	v3 =	vld [tilespmem:$0x80];
	_ =	sdelay $0x4  }
0xee: {  	v4 =	vshrl.u32 v3, $0x3  }
0xef: {  	v4 =	vmul.u32 $0x30, v4  }
0xf0: {  	v3 =	vand.u32 $0x7, v3  }
0xf1: {  	v3 =	vor.u32 v3, v4  }
0xf2: {  	v4 =	vperm.xlane v3, v0;
	_ =	sdelay $0x1  }
0xf3: {  	v4 =	vadd.s32 v1, v4;
	_ =	sdelay $0x3  }
0xf4: {  	s29 =	simm.s32 $0x600;
	v3 =	vperm.xlane v3, v2  }
0xf5: {  	[tilespmem:s29], [sflag:$0x1] =	stream.indirect_vreg.gather [hbm4b:s3+s25], $0x80, v4, vm0, $0xb8;
	[tilespmem:$0x1E600] =	vst v63  }
0xf6: {  	s30 =	simm.s32 $0xE00;
	v3 =	vadd.s32 v1, v3  }
0xf7: {  	[tilespmem:s30], [sflag:$0x1] =	stream.indirect_vreg.gather [hbm4b:s7+s25], $0x80, v4, vm0, $0xb8;
	[tilespmem:$0x1E600] =	vst v63  }
0xf8: {  	s31 =	simm.s32 $0x1600  }
0xf9: {  	[tilespmem:s31], [sflag:$0x1] =	stream.indirect_vreg.gather [hbm4b:s8+s25], $0x80, v4, vm0, $0xb8;
	[tilespmem:$0x1E600] =	vst v63  }
0xfa: {  	s1 =	simm.s32 $0x1E00  }
0xfb: {  	[tilespmem:s1], [sflag:$0x1] =	stream.indirect_vreg.gather [hbm4b:s3+s25], $0x80, v3, vm0, $0xb8;
	[tilespmem:$0x1E600] =	vst v63  }
0xfc: {  	s19 =	simm.s32 $0x2600  }
0xfd: {  	[tilespmem:s19], [sflag:$0x1] =	stream.indirect_vreg.gather [hbm4b:s7+s25], $0x80, v3, vm0, $0xb8;
	[tilespmem:$0x1E600] =	vst v63  }
0xfe: {  	s26 =	simm.s32 $0x2E00  }
0xff: {  	[tilespmem:s26], [sflag:$0x1] =	stream.indirect_vreg.gather [hbm4b:s8+s25], $0x80, v3, vm0, $0xb8;
	[tilespmem:$0x1E600] =	vst v63  }
0x100: {  	v3 =	vld [tilespmem:$0x90];
	_ =	sdelay $0x4  }
0x101: {  	v61 =	vshrl.u32 v3, $0x3  }
0x102: {  	v4 =	vmul.u32 $0x30, v61  }
0x103: {  	v3 =	vand.u32 $0x7, v3  }
0x104: {  	v3 =	vor.u32 v3, v4  }
0x105: {  	v4 =	vperm.xlane v3, v0;
	_ =	sdelay $0x1  }
0x106: {  	v4 =	vadd.s32 v1, v4;
	_ =	sdelay $0x3  }
0x107: {  	s28 =	simm.s32 $0x3600;
	v3 =	vperm.xlane v3, v2  }
0x108: {  	[tilespmem:s28], [sflag:$0x1] =	stream.indirect_vreg.gather [hbm4b:s3+s25], $0x80, v4, vm0, $0xb8;
	[tilespmem:$0x1E600] =	vst v63  }
0x109: {  	s29 =	simm.s32 $0x3E00;
	v3 =	vadd.s32 v1, v3  }
0x10a: {  	[tilespmem:s29], [sflag:$0x1] =	stream.indirect_vreg.gather [hbm4b:s7+s25], $0x80, v4, vm0, $0xb8;
	[tilespmem:$0x1E600] =	vst v63  }
0x10b: {  	s30 =	simm.s32 $0x4600  }
0x10c: {  	[tilespmem:s30], [sflag:$0x1] =	stream.indirect_vreg.gather [hbm4b:s8+s25], $0x80, v4, vm0, $0xb8;
	[tilespmem:$0x1E600] =	vst v63  }
0x10d: {  	s31 =	simm.s32 $0x4E00  }
0x10e: {  	[tilespmem:s31], [sflag:$0x1] =	stream.indirect_vreg.gather [hbm4b:s3+s25], $0x80, v3, vm0, $0xb8;
	[tilespmem:$0x1E600] =	vst v63  }
0x10f: {  	s1 =	simm.s32 $0x5600  }
0x110: {  	[tilespmem:s1], [sflag:$0x1] =	stream.indirect_vreg.gather [hbm4b:s7+s25], $0x80, v3, vm0, $0xb8;
	[tilespmem:$0x1E600] =	vst v63  }
0x111: {  	s19 =	simm.s32 $0x5E00  }
0x112: {  	[tilespmem:s19], [sflag:$0x1] =	stream.indirect_vreg.gather [hbm4b:s8+s25], $0x80, v3, vm0, $0xb8;
	[tilespmem:$0x1E600] =	vst v63  }
0x113: {  	v3 =	vld [tilespmem:$0x280];
	_ =	sdelay $0x4  }
0x114: {  	v62 =	vshrl.u32 v3, $0x3  }
0x115: {  	v4 =	vmul.u32 $0x30, v62  }
0x116: {  	v3 =	vand.u32 $0x7, v3  }
0x117: {  	v3 =	vor.u32 v3, v4  }
0x118: {  	v4 =	vperm.xlane v3, v0;
	_ =	sdelay $0x1  }
0x119: {  	v4 =	vadd.s32 v1, v4;
	_ =	sdelay $0x3  }
0x11a: {  	s26 =	simm.s32 $0xC600;
	v3 =	vperm.xlane v3, v2  }
0x11b: {  	[tilespmem:s26], [sflag:$0x2] =	stream.indirect_vreg.gather [hbm4b:s3+s25], $0x80, v4, vm0, $0xb8;
	[tilespmem:$0x1E600] =	vst v63  }
0x11c: {  	s28 =	simm.s32 $0xCE00;
	v3 =	vadd.s32 v1, v3  }
0x11d: {  	[tilespmem:s28], [sflag:$0x2] =	stream.indirect_vreg.gather [hbm4b:s7+s25], $0x80, v4, vm0, $0xb8;
	[tilespmem:$0x1E600] =	vst v63  }
0x11e: {  	s29 =	simm.s32 $0xD600  }
0x11f: {  	[tilespmem:s29], [sflag:$0x2] =	stream.indirect_vreg.gather [hbm4b:s8+s25], $0x80, v4, vm0, $0xb8;
	[tilespmem:$0x1E600] =	vst v63  }
0x120: {  	s30 =	simm.s32 $0xDE00  }
0x121: {  	[tilespmem:s30], [sflag:$0x2] =	stream.indirect_vreg.gather [hbm4b:s3+s25], $0x80, v3, vm0, $0xb8;
	[tilespmem:$0x1E600] =	vst v63  }
0x122: {  	s31 =	simm.s32 $0xE600  }
0x123: {  	[tilespmem:s31], [sflag:$0x2] =	stream.indirect_vreg.gather [hbm4b:s7+s25], $0x80, v3, vm0, $0xb8;
	[tilespmem:$0x1E600] =	vst v63  }
0x124: {  	s1 =	simm.s32 $0xEE00  }
0x125: {  	[tilespmem:s1], [sflag:$0x2] =	stream.indirect_vreg.gather [hbm4b:s8+s25], $0x80, v3, vm0, $0xb8;
	[tilespmem:$0x1E600] =	vst v63  }
0x126: {  	v3 =	vld [tilespmem:$0x290];
	_ =	sdelay $0x4  }
0x127: {  	v63 =	vshrl.u32 v3, $0x3  }
0x128: {  	v4 =	vmul.u32 $0x30, v63  }
0x129: {  	v3 =	vand.u32 $0x7, v3  }
0x12a: {  	v3 =	vor.u32 v3, v4  }
0x12b: {  	v4 =	vperm.xlane v3, v0;
	_ =	sdelay $0x1  }
0x12c: {  	v4 =	vadd.s32 v1, v4;
	_ =	sdelay $0x3  }
0x12d: {  	s19 =	simm.s32 $0xF600;
	v3 =	vperm.xlane v3, v2  }
0x12e: {  	[tilespmem:s19], [sflag:$0x2] =	stream.indirect_vreg.gather [hbm4b:s3+s25], $0x80, v4, vm0, $0xb8;
	[tilespmem:$0x1E600] =	vst v63  }
0x12f: {  	s26 =	simm.s32 $0xFE00;
	v3 =	vadd.s32 v1, v3  }
0x130: {  	[tilespmem:s26], [sflag:$0x2] =	stream.indirect_vreg.gather [hbm4b:s7+s25], $0x80, v4, vm0, $0xb8;
	[tilespmem:$0x1E600] =	vst v63  }
0x131: {  	s28 =	simm.s32 $0x10600  }
0x132: {  	[tilespmem:s28], [sflag:$0x2] =	stream.indirect_vreg.gather [hbm4b:s8+s25], $0x80, v4, vm0, $0xb8;
	[tilespmem:$0x1E600] =	vst v63  }
0x133: {  	s29 =	simm.s32 $0x10E00  }
0x134: {  	[tilespmem:s29], [sflag:$0x2] =	stream.indirect_vreg.gather [hbm4b:s3+s25], $0x80, v3, vm0, $0xb8;
	[tilespmem:$0x1E600] =	vst v63  }
0x135: {  	s30 =	simm.s32 $0x11600  }
0x136: {  	[tilespmem:s30], [sflag:$0x2] =	stream.indirect_vreg.gather [hbm4b:s7+s25], $0x80, v3, vm0, $0xb8;
	[tilespmem:$0x1E600] =	vst v63  }
0x137: {  	s31 =	simm.s32 $0x11E00;
	s26 =	simm.s32 $0x0  }
0x138: {  	[tilespmem:s31], [sflag:$0x2] =	stream.indirect_vreg.gather [hbm4b:s8+s25], $0x80, v3, vm0, $0xb8;
	[tilespmem:$0x1E600] =	vst v63  }
.LBB2_6:
0x139: {  	s0 =	sshll.u32 s26, $0x1  }
0x13a: {  	s1 =	sor.u32 $0x40, s0;
	s0 =	sor.u32 $0x41, s0  }
0x13b: {  	v3 =	vmov s1;
	v4 =	vmov s0;
	s1 =	sshrl.u32 s26, $0x3  }
0x13c: {  	s19 =	sshll.u32 s26, $0x7;
	s0 =	smul.u32 $0x1800, s1  }
0x13d: {  	v3 =	vbroadcast v3, $0x0;
	s1 =	sand.u32 $0x380, s19  }
0x13e: {  	s28 =	sor.u32 s1, s0;
	s1 =	sand.u32 $0x1C00, s25  }
0x13f: {  	s19 =	sand.u32 $0x70, s25;
	s0 =	sadd.s32 s28, s1  }
0x140: {  	v4 =	vld.idx.msk [tilespmem:v4+s20+$0x0], $0xffff;
	s29 =	sor.u32 s19, s0  }
0x141: {  	v5 =	vld [tilespmem:s29+$0x6600]  }
0x142: {  	v6 =	vld [tilespmem:s29+$0x12600]  }
0x143: {  	v3 =	vld.idx.msk [tilespmem:v3+s20+$0x0], $0xffff  }
0x144: {  	s1 =	simm.s32 $0x80  }
0x145: {  	s19 =	simm.s32 $0x10;
	s0 =	sand.u32 $0x1C00, s1  }
0x146: {  	s1 =	sand.u32 $0x70, s19;
	s0 =	sadd.s32 s28, s0  }
0x147: {  	s30 =	sor.u32 s1, s0  }
0x148: {  	v8 =	vmul.f32 v6, v4;
	v6 =	vld [tilespmem:s30+$0x12600];
	v7 =	vmul.f32 v5, v3  }
0x149: {  	v5 =	vld [tilespmem:s30+$0x6600]  }
0x14a: {  	s31 =	simm.s32 $0x20;
	s0 =	simm.s32 $0x100;
	v7 =	vadd.f32 v8, v7  }
.LBB2_7:
0x14b: {  	s1 =	sand.u32 $0x70, s31;
	s19 =	sand.u32 $0x1C00, s0;
	p0 =	sne.s32 s31, $0x2F0  }
.Ltmp2:
0x14c: {  	s31 =	sadd.s32 $0x10, s31;
	s19 =	sadd.s32 s28, s19;
	[tilespmem:s29+$0x18600] =	vst v7;
	(pc) =	sbr.rel @p0 .LBB2_7-.Ltmp2, $4  }
0x14d: {  	s29 =	smov.u32 s30;
	s30 =	sor.u32 s1, s19  }
0x14e: {  	v7 =	vmul.f32 v5, v3;
	v5 =	vld [tilespmem:s30+$0x6600];
	v8 =	vmul.f32 v6, v4  }
0x14f: {  	v6 =	vld [tilespmem:s30+$0x12600]  }
0x150: {  	s0 =	sadd.s32 $0x80, s0;
	v7 =	vadd.f32 v8, v7  }
0x151: {  	_ = 	snop  }
0x152: {  	s26 =	sadd.s32 $0x1, s26  }
0x153: {  	p0 =	sne.s32 s26, $0x20  }
.Ltmp3:
0x154: {  	v3 =	vmul.f32 v5, v3;
	v4 =	vmul.f32 v6, v4;
	(pc) =	sbr.rel @p0 .LBB2_6-.Ltmp3, $4  }
0x155: {  	_ = 	snop  }
0x156: {  	v3 =	vadd.f32 v4, v3  }
0x157: {  	[tilespmem:s29+$0x18600] =	vst v7  }
0x158: {  	[tilespmem:s30+$0x18600] =	vst v3  }
0x159: {  	s25 =	simm.s32 $0x0;
	s0 =	rddreg [dreg:$0x7]  }
0x15a: {  	[hbm4b:s0+s25] =	stream.linear.scatter [tilespmem:s23], [sflag:$0x3], $0x6000, $0x38;
	[tilespmem:$0x1E600] =	vst v63  }
0x15b: {  	_ =	swait.ge [sflag:s18], $0x6000  }
0x15c: {  	[sflag:s18] =	ssyncset.done $0x0  }
0x15d: {  	[sflag:s18] =	ssyncadd.s32 $0xFFFFA000  }
0x15e: {  	_ =	swait.ge [sflag:s9], $0x6000  }
0x15f: {  	[sflag:s9] =	ssyncset.done $0x0  }
0x160: {  	[sflag:s9] =	ssyncadd.s32 $0xFFFFA000  }
0x161: {  	_ =	swait.ge [sflag:s21], $0x6000  }
0x162: {  	[sflag:s21] =	ssyncset.done $0x0  }
0x163: {  	[sflag:s21] =	ssyncadd.s32 $0xFFFFA000  }
0x164: {  	v3 =	vld [tilespmem:$0xA0];
	_ =	sdelay $0x4  }
0x165: {  	v4 =	vshrl.u32 v3, $0x3  }
0x166: {  	v4 =	vmul.u32 $0x30, v4  }
0x167: {  	v3 =	vand.u32 $0x7, v3  }
0x168: {  	v3 =	vor.u32 v3, v4  }
0x169: {  	v4 =	vperm.xlane v3, v0;
	_ =	sdelay $0x1  }
0x16a: {  	v4 =	vadd.s32 v1, v4;
	_ =	sdelay $0x3  }
0x16b: {  	s26 =	simm.s32 $0x6600;
	v3 =	vperm.xlane v3, v2  }
0x16c: {  	[tilespmem:s26], [sflag:$0x1] =	stream.indirect_vreg.gather [hbm4b:s3+s25], $0x80, v4, vm0, $0xb8;
	[tilespmem:$0x1E600] =	vst v63  }
0x16d: {  	s28 =	simm.s32 $0x6E00;
	v3 =	vadd.s32 v1, v3  }
0x16e: {  	[tilespmem:s28], [sflag:$0x1] =	stream.indirect_vreg.gather [hbm4b:s7+s25], $0x80, v4, vm0, $0xb8;
	[tilespmem:$0x1E600] =	vst v63  }
0x16f: {  	s29 =	simm.s32 $0x7600  }
0x170: {  	[tilespmem:s29], [sflag:$0x1] =	stream.indirect_vreg.gather [hbm4b:s8+s25], $0x80, v4, vm0, $0xb8;
	[tilespmem:$0x1E600] =	vst v63  }
0x171: {  	s30 =	simm.s32 $0x7E00  }
0x172: {  	[tilespmem:s30], [sflag:$0x1] =	stream.indirect_vreg.gather [hbm4b:s3+s25], $0x80, v3, vm0, $0xb8;
	[tilespmem:$0x1E600] =	vst v63  }
0x173: {  	s31 =	simm.s32 $0x8600  }
0x174: {  	[tilespmem:s31], [sflag:$0x1] =	stream.indirect_vreg.gather [hbm4b:s7+s25], $0x80, v3, vm0, $0xb8;
	[tilespmem:$0x1E600] =	vst v63  }
0x175: {  	s1 =	simm.s32 $0x8E00  }
0x176: {  	[tilespmem:s1], [sflag:$0x1] =	stream.indirect_vreg.gather [hbm4b:s8+s25], $0x80, v3, vm0, $0xb8;
	[tilespmem:$0x1E600] =	vst v63  }
0x177: {  	v3 =	vld [tilespmem:$0xB0];
	_ =	sdelay $0x4  }
0x178: {  	v61 =	vshrl.u32 v3, $0x3  }
0x179: {  	v4 =	vmul.u32 $0x30, v61  }
0x17a: {  	v3 =	vand.u32 $0x7, v3  }
0x17b: {  	v3 =	vor.u32 v3, v4  }
0x17c: {  	v4 =	vperm.xlane v3, v0;
	_ =	sdelay $0x1  }
0x17d: {  	v4 =	vadd.s32 v1, v4;
	_ =	sdelay $0x3  }
0x17e: {  	s19 =	simm.s32 $0x9600;
	v3 =	vperm.xlane v3, v2  }
0x17f: {  	[tilespmem:s19], [sflag:$0x1] =	stream.indirect_vreg.gather [hbm4b:s3+s25], $0x80, v4, vm0, $0xb8;
	[tilespmem:$0x1E600] =	vst v63  }
0x180: {  	s26 =	simm.s32 $0x9E00;
	v3 =	vadd.s32 v1, v3  }
0x181: {  	[tilespmem:s26], [sflag:$0x1] =	stream.indirect_vreg.gather [hbm4b:s7+s25], $0x80, v4, vm0, $0xb8;
	[tilespmem:$0x1E600] =	vst v63  }
0x182: {  	s28 =	simm.s32 $0xA600  }
0x183: {  	[tilespmem:s28], [sflag:$0x1] =	stream.indirect_vreg.gather [hbm4b:s8+s25], $0x80, v4, vm0, $0xb8;
	[tilespmem:$0x1E600] =	vst v63  }
0x184: {  	s29 =	simm.s32 $0xAE00  }
0x185: {  	[tilespmem:s29], [sflag:$0x1] =	stream.indirect_vreg.gather [hbm4b:s3+s25], $0x80, v3, vm0, $0xb8;
	[tilespmem:$0x1E600] =	vst v63  }
0x186: {  	s30 =	simm.s32 $0xB600  }
0x187: {  	[tilespmem:s30], [sflag:$0x1] =	stream.indirect_vreg.gather [hbm4b:s7+s25], $0x80, v3, vm0, $0xb8;
	[tilespmem:$0x1E600] =	vst v63  }
0x188: {  	s31 =	simm.s32 $0xBE00  }
0x189: {  	[tilespmem:s31], [sflag:$0x1] =	stream.indirect_vreg.gather [hbm4b:s8+s25], $0x80, v3, vm0, $0xb8;
	[tilespmem:$0x1E600] =	vst v63  }
0x18a: {  	v3 =	vld [tilespmem:$0x2A0];
	_ =	sdelay $0x4  }
0x18b: {  	v62 =	vshrl.u32 v3, $0x3  }
0x18c: {  	v4 =	vmul.u32 $0x30, v62  }
0x18d: {  	v3 =	vand.u32 $0x7, v3  }
0x18e: {  	v3 =	vor.u32 v3, v4  }
0x18f: {  	v4 =	vperm.xlane v3, v0;
	_ =	sdelay $0x1  }
0x190: {  	v4 =	vadd.s32 v1, v4;
	_ =	sdelay $0x3  }
0x191: {  	v3 =	vperm.xlane v3, v2  }
0x192: {  	[tilespmem:s4], [sflag:$0x2] =	stream.indirect_vreg.gather [hbm4b:s3+s25], $0x80, v4, vm0, $0xb8;
	[tilespmem:$0x1E600] =	vst v63  }
0x193: {  	v3 =	vadd.s32 v1, v3  }
0x194: {  	[tilespmem:s5], [sflag:$0x2] =	stream.indirect_vreg.gather [hbm4b:s7+s25], $0x80, v4, vm0, $0xb8;
	[tilespmem:$0x1E600] =	vst v63  }
0x195: {  	_ = 	snop  }
0x196: {  	[tilespmem:s6], [sflag:$0x2] =	stream.indirect_vreg.gather [hbm4b:s8+s25], $0x80, v4, vm0, $0xb8;
	[tilespmem:$0x1E600] =	vst v63  }
0x197: {  	_ = 	snop  }
0x198: {  	[tilespmem:s10], [sflag:$0x2] =	stream.indirect_vreg.gather [hbm4b:s3+s25], $0x80, v3, vm0, $0xb8;
	[tilespmem:$0x1E600] =	vst v63  }
0x199: {  	_ = 	snop  }
0x19a: {  	[tilespmem:s11], [sflag:$0x2] =	stream.indirect_vreg.gather [hbm4b:s7+s25], $0x80, v3, vm0, $0xb8;
	[tilespmem:$0x1E600] =	vst v63  }
0x19b: {  	_ = 	snop  }
0x19c: {  	[tilespmem:s12], [sflag:$0x2] =	stream.indirect_vreg.gather [hbm4b:s8+s25], $0x80, v3, vm0, $0xb8;
	[tilespmem:$0x1E600] =	vst v63  }
0x19d: {  	v3 =	vld [tilespmem:$0x2B0];
	_ =	sdelay $0x4  }
0x19e: {  	v63 =	vshrl.u32 v3, $0x3  }
0x19f: {  	v4 =	vmul.u32 $0x30, v63  }
0x1a0: {  	v3 =	vand.u32 $0x7, v3  }
0x1a1: {  	v3 =	vor.u32 v3, v4  }
0x1a2: {  	v4 =	vperm.xlane v3, v0;
	_ =	sdelay $0x1  }
0x1a3: {  	v4 =	vadd.s32 v1, v4;
	_ =	sdelay $0x3  }
0x1a4: {  	v3 =	vperm.xlane v3, v2  }
0x1a5: {  	[tilespmem:s13], [sflag:$0x2] =	stream.indirect_vreg.gather [hbm4b:s3+s25], $0x80, v4, vm0, $0xb8;
	[tilespmem:$0x1E600] =	vst v63  }
0x1a6: {  	v3 =	vadd.s32 v1, v3  }
0x1a7: {  	[tilespmem:s14], [sflag:$0x2] =	stream.indirect_vreg.gather [hbm4b:s7+s25], $0x80, v4, vm0, $0xb8;
	[tilespmem:$0x1E600] =	vst v63  }
0x1a8: {  	_ = 	snop  }
0x1a9: {  	[tilespmem:s15], [sflag:$0x2] =	stream.indirect_vreg.gather [hbm4b:s8+s25], $0x80, v4, vm0, $0xb8;
	[tilespmem:$0x1E600] =	vst v63  }
0x1aa: {  	_ = 	snop  }
0x1ab: {  	[tilespmem:s16], [sflag:$0x2] =	stream.indirect_vreg.gather [hbm4b:s3+s25], $0x80, v3, vm0, $0xb8;
	[tilespmem:$0x1E600] =	vst v63  }
0x1ac: {  	_ = 	snop  }
0x1ad: {  	[tilespmem:s17], [sflag:$0x2] =	stream.indirect_vreg.gather [hbm4b:s7+s25], $0x80, v3, vm0, $0xb8;
	[tilespmem:$0x1E600] =	vst v63  }
0x1ae: {  	s26 =	simm.s32 $0x0  }
0x1af: {  	[tilespmem:s22], [sflag:$0x2] =	stream.indirect_vreg.gather [hbm4b:s8+s25], $0x80, v3, vm0, $0xb8;
	[tilespmem:$0x1E600] =	vst v63  }
.LBB2_10:
0x1b0: {  	s0 =	sshll.u32 s26, $0x1  }
0x1b1: {  	s1 =	sor.u32 $0x80, s0;
	s0 =	sor.u32 $0x81, s0  }
0x1b2: {  	v3 =	vmov s1;
	v4 =	vmov s0;
	s1 =	sshrl.u32 s26, $0x3  }
0x1b3: {  	s19 =	sshll.u32 s26, $0x7;
	s0 =	smul.u32 $0x1800, s1  }
0x1b4: {  	v3 =	vbroadcast v3, $0x0;
	s1 =	sand.u32 $0x380, s19  }
0x1b5: {  	s28 =	sor.u32 s1, s0;
	s1 =	sand.u32 $0x1C00, s25  }
0x1b6: {  	s19 =	sand.u32 $0x70, s25;
	s0 =	sadd.s32 s28, s1  }
0x1b7: {  	v4 =	vld.idx.msk [tilespmem:v4+s20+$0x0], $0xffff;
	s29 =	sor.u32 s19, s0  }
0x1b8: {  	v5 =	vld [tilespmem:s29+$0x600]  }
0x1b9: {  	v6 =	vld [tilespmem:s29+$0xC600]  }
0x1ba: {  	v3 =	vld.idx.msk [tilespmem:v3+s20+$0x0], $0xffff  }
0x1bb: {  	s1 =	simm.s32 $0x80  }
0x1bc: {  	s19 =	simm.s32 $0x10;
	s0 =	sand.u32 $0x1C00, s1  }
0x1bd: {  	s1 =	sand.u32 $0x70, s19;
	s0 =	sadd.s32 s28, s0  }
0x1be: {  	s30 =	sor.u32 s1, s0  }
0x1bf: {  	v8 =	vmul.f32 v6, v4;
	v6 =	vld [tilespmem:s30+$0xC600];
	v7 =	vmul.f32 v5, v3  }
0x1c0: {  	v5 =	vld [tilespmem:s30+$0x600]  }
0x1c1: {  	s31 =	simm.s32 $0x20;
	s0 =	simm.s32 $0x100;
	v7 =	vadd.f32 v8, v7  }
.LBB2_11:
0x1c2: {  	s1 =	sand.u32 $0x70, s31;
	s19 =	sand.u32 $0x1C00, s0;
	p0 =	sne.s32 s31, $0x2F0  }
.Ltmp4:
0x1c3: {  	s31 =	sadd.s32 $0x10, s31;
	s19 =	sadd.s32 s28, s19;
	[tilespmem:s29+$0x18600] =	vst v7;
	(pc) =	sbr.rel @p0 .LBB2_11-.Ltmp4, $4  }
0x1c4: {  	s29 =	smov.u32 s30;
	s30 =	sor.u32 s1, s19  }
0x1c5: {  	v7 =	vmul.f32 v5, v3;
	v5 =	vld [tilespmem:s30+$0x600];
	v8 =	vmul.f32 v6, v4  }
0x1c6: {  	v6 =	vld [tilespmem:s30+$0xC600]  }
0x1c7: {  	s0 =	sadd.s32 $0x80, s0;
	v7 =	vadd.f32 v8, v7  }
0x1c8: {  	_ = 	snop  }
0x1c9: {  	s26 =	sadd.s32 $0x1, s26  }
0x1ca: {  	p0 =	sne.s32 s26, $0x20  }
.Ltmp5:
0x1cb: {  	v3 =	vmul.f32 v5, v3;
	v4 =	vmul.f32 v6, v4;
	(pc) =	sbr.rel @p0 .LBB2_10-.Ltmp5, $4  }
0x1cc: {  	_ = 	snop  }
0x1cd: {  	v3 =	vadd.f32 v4, v3  }
0x1ce: {  	[tilespmem:s29+$0x18600] =	vst v7  }
0x1cf: {  	[tilespmem:s30+$0x18600] =	vst v3  }
0x1d0: {  	s25 =	simm.s32 $0x0;
	s0 =	rddreg [dreg:$0x8]  }
0x1d1: {  	[hbm4b:s0+s25] =	stream.linear.scatter [tilespmem:s23], [sflag:$0x3], $0x6000, $0x38;
	[tilespmem:$0x1E600] =	vst v63  }
0x1d2: {  	_ =	swait.ge [sflag:s18], $0x6000  }
0x1d3: {  	[sflag:s18] =	ssyncset.done $0x0  }
0x1d4: {  	[sflag:s18] =	ssyncadd.s32 $0xFFFFA000  }
0x1d5: {  	_ =	swait.ge [sflag:s9], $0x6000  }
0x1d6: {  	[sflag:s9] =	ssyncset.done $0x0  }
0x1d7: {  	[sflag:s9] =	ssyncadd.s32 $0xFFFFA000  }
0x1d8: {  	_ =	swait.ge [sflag:s21], $0x6000  }
0x1d9: {  	[sflag:s21] =	ssyncset.done $0x0  }
0x1da: {  	[sflag:s21] =	ssyncadd.s32 $0xFFFFA000  }
0x1db: {  	v3 =	vld [tilespmem:$0x100];
	_ =	sdelay $0x4  }
0x1dc: {  	v4 =	vshrl.u32 v3, $0x3  }
0x1dd: {  	v4 =	vmul.u32 $0x30, v4  }
0x1de: {  	v3 =	vand.u32 $0x7, v3  }
0x1df: {  	v3 =	vor.u32 v3, v4  }
0x1e0: {  	v4 =	vperm.xlane v3, v0;
	_ =	sdelay $0x1  }
0x1e1: {  	v4 =	vadd.s32 v1, v4;
	_ =	sdelay $0x3  }
0x1e2: {  	s29 =	simm.s32 $0x600;
	v3 =	vperm.xlane v3, v2  }
0x1e3: {  	[tilespmem:s29], [sflag:$0x1] =	stream.indirect_vreg.gather [hbm4b:s3+s25], $0x80, v4, vm0, $0xb8;
	[tilespmem:$0x1E600] =	vst v63  }
0x1e4: {  	s30 =	simm.s32 $0xE00;
	v3 =	vadd.s32 v1, v3  }
0x1e5: {  	[tilespmem:s30], [sflag:$0x1] =	stream.indirect_vreg.gather [hbm4b:s7+s25], $0x80, v4, vm0, $0xb8;
	[tilespmem:$0x1E600] =	vst v63  }
0x1e6: {  	s31 =	simm.s32 $0x1600  }
0x1e7: {  	[tilespmem:s31], [sflag:$0x1] =	stream.indirect_vreg.gather [hbm4b:s8+s25], $0x80, v4, vm0, $0xb8;
	[tilespmem:$0x1E600] =	vst v63  }
0x1e8: {  	s1 =	simm.s32 $0x1E00  }
0x1e9: {  	[tilespmem:s1], [sflag:$0x1] =	stream.indirect_vreg.gather [hbm4b:s3+s25], $0x80, v3, vm0, $0xb8;
	[tilespmem:$0x1E600] =	vst v63  }
0x1ea: {  	s19 =	simm.s32 $0x2600  }
0x1eb: {  	[tilespmem:s19], [sflag:$0x1] =	stream.indirect_vreg.gather [hbm4b:s7+s25], $0x80, v3, vm0, $0xb8;
	[tilespmem:$0x1E600] =	vst v63  }
0x1ec: {  	s26 =	simm.s32 $0x2E00  }
0x1ed: {  	[tilespmem:s26], [sflag:$0x1] =	stream.indirect_vreg.gather [hbm4b:s8+s25], $0x80, v3, vm0, $0xb8;
	[tilespmem:$0x1E600] =	vst v63  }
0x1ee: {  	v3 =	vld [tilespmem:$0x110];
	_ =	sdelay $0x4  }
0x1ef: {  	v61 =	vshrl.u32 v3, $0x3  }
0x1f0: {  	v4 =	vmul.u32 $0x30, v61  }
0x1f1: {  	v3 =	vand.u32 $0x7, v3  }
0x1f2: {  	v3 =	vor.u32 v3, v4  }
0x1f3: {  	v4 =	vperm.xlane v3, v0;
	_ =	sdelay $0x1  }
0x1f4: {  	v4 =	vadd.s32 v1, v4;
	_ =	sdelay $0x3  }
0x1f5: {  	s28 =	simm.s32 $0x3600;
	v3 =	vperm.xlane v3, v2  }
0x1f6: {  	[tilespmem:s28], [sflag:$0x1] =	stream.indirect_vreg.gather [hbm4b:s3+s25], $0x80, v4, vm0, $0xb8;
	[tilespmem:$0x1E600] =	vst v63  }
0x1f7: {  	s29 =	simm.s32 $0x3E00;
	v3 =	vadd.s32 v1, v3  }
0x1f8: {  	[tilespmem:s29], [sflag:$0x1] =	stream.indirect_vreg.gather [hbm4b:s7+s25], $0x80, v4, vm0, $0xb8;
	[tilespmem:$0x1E600] =	vst v63  }
0x1f9: {  	s30 =	simm.s32 $0x4600  }
0x1fa: {  	[tilespmem:s30], [sflag:$0x1] =	stream.indirect_vreg.gather [hbm4b:s8+s25], $0x80, v4, vm0, $0xb8;
	[tilespmem:$0x1E600] =	vst v63  }
0x1fb: {  	s31 =	simm.s32 $0x4E00  }
0x1fc: {  	[tilespmem:s31], [sflag:$0x1] =	stream.indirect_vreg.gather [hbm4b:s3+s25], $0x80, v3, vm0, $0xb8;
	[tilespmem:$0x1E600] =	vst v63  }
0x1fd: {  	s1 =	simm.s32 $0x5600  }
0x1fe: {  	[tilespmem:s1], [sflag:$0x1] =	stream.indirect_vreg.gather [hbm4b:s7+s25], $0x80, v3, vm0, $0xb8;
	[tilespmem:$0x1E600] =	vst v63  }
0x1ff: {  	s19 =	simm.s32 $0x5E00  }
0x200: {  	[tilespmem:s19], [sflag:$0x1] =	stream.indirect_vreg.gather [hbm4b:s8+s25], $0x80, v3, vm0, $0xb8;
	[tilespmem:$0x1E600] =	vst v63  }
0x201: {  	v3 =	vld [tilespmem:$0x300];
	_ =	sdelay $0x4  }
0x202: {  	v62 =	vshrl.u32 v3, $0x3  }
0x203: {  	v4 =	vmul.u32 $0x30, v62  }
0x204: {  	v3 =	vand.u32 $0x7, v3  }
0x205: {  	v3 =	vor.u32 v3, v4  }
0x206: {  	v4 =	vperm.xlane v3, v0;
	_ =	sdelay $0x1  }
0x207: {  	v4 =	vadd.s32 v1, v4;
	_ =	sdelay $0x3  }
0x208: {  	s26 =	simm.s32 $0xC600;
	v3 =	vperm.xlane v3, v2  }
0x209: {  	[tilespmem:s26], [sflag:$0x2] =	stream.indirect_vreg.gather [hbm4b:s3+s25], $0x80, v4, vm0, $0xb8;
	[tilespmem:$0x1E600] =	vst v63  }
0x20a: {  	s28 =	simm.s32 $0xCE00;
	v3 =	vadd.s32 v1, v3  }
0x20b: {  	[tilespmem:s28], [sflag:$0x2] =	stream.indirect_vreg.gather [hbm4b:s7+s25], $0x80, v4, vm0, $0xb8;
	[tilespmem:$0x1E600] =	vst v63  }
0x20c: {  	s29 =	simm.s32 $0xD600  }
0x20d: {  	[tilespmem:s29], [sflag:$0x2] =	stream.indirect_vreg.gather [hbm4b:s8+s25], $0x80, v4, vm0, $0xb8;
	[tilespmem:$0x1E600] =	vst v63  }
0x20e: {  	s30 =	simm.s32 $0xDE00  }
0x20f: {  	[tilespmem:s30], [sflag:$0x2] =	stream.indirect_vreg.gather [hbm4b:s3+s25], $0x80, v3, vm0, $0xb8;
	[tilespmem:$0x1E600] =	vst v63  }
0x210: {  	s31 =	simm.s32 $0xE600  }
0x211: {  	[tilespmem:s31], [sflag:$0x2] =	stream.indirect_vreg.gather [hbm4b:s7+s25], $0x80, v3, vm0, $0xb8;
	[tilespmem:$0x1E600] =	vst v63  }
0x212: {  	s1 =	simm.s32 $0xEE00  }
0x213: {  	[tilespmem:s1], [sflag:$0x2] =	stream.indirect_vreg.gather [hbm4b:s8+s25], $0x80, v3, vm0, $0xb8;
	[tilespmem:$0x1E600] =	vst v63  }
0x214: {  	v3 =	vld [tilespmem:$0x310];
	_ =	sdelay $0x4  }
0x215: {  	v63 =	vshrl.u32 v3, $0x3  }
0x216: {  	v4 =	vmul.u32 $0x30, v63  }
0x217: {  	v3 =	vand.u32 $0x7, v3  }
0x218: {  	v3 =	vor.u32 v3, v4  }
0x219: {  	v4 =	vperm.xlane v3, v0;
	_ =	sdelay $0x1  }
0x21a: {  	v4 =	vadd.s32 v1, v4;
	_ =	sdelay $0x3  }
0x21b: {  	s19 =	simm.s32 $0xF600;
	v3 =	vperm.xlane v3, v2  }
0x21c: {  	[tilespmem:s19], [sflag:$0x2] =	stream.indirect_vreg.gather [hbm4b:s3+s25], $0x80, v4, vm0, $0xb8;
	[tilespmem:$0x1E600] =	vst v63  }
0x21d: {  	s26 =	simm.s32 $0xFE00;
	v3 =	vadd.s32 v1, v3  }
0x21e: {  	[tilespmem:s26], [sflag:$0x2] =	stream.indirect_vreg.gather [hbm4b:s7+s25], $0x80, v4, vm0, $0xb8;
	[tilespmem:$0x1E600] =	vst v63  }
0x21f: {  	s28 =	simm.s32 $0x10600  }
0x220: {  	[tilespmem:s28], [sflag:$0x2] =	stream.indirect_vreg.gather [hbm4b:s8+s25], $0x80, v4, vm0, $0xb8;
	[tilespmem:$0x1E600] =	vst v63  }
0x221: {  	s29 =	simm.s32 $0x10E00  }
0x222: {  	[tilespmem:s29], [sflag:$0x2] =	stream.indirect_vreg.gather [hbm4b:s3+s25], $0x80, v3, vm0, $0xb8;
	[tilespmem:$0x1E600] =	vst v63  }
0x223: {  	s30 =	simm.s32 $0x11600  }
0x224: {  	[tilespmem:s30], [sflag:$0x2] =	stream.indirect_vreg.gather [hbm4b:s7+s25], $0x80, v3, vm0, $0xb8;
	[tilespmem:$0x1E600] =	vst v63  }
0x225: {  	s31 =	simm.s32 $0x11E00;
	s26 =	simm.s32 $0x0  }
0x226: {  	[tilespmem:s31], [sflag:$0x2] =	stream.indirect_vreg.gather [hbm4b:s8+s25], $0x80, v3, vm0, $0xb8;
	[tilespmem:$0x1E600] =	vst v63  }
.LBB2_14:
0x227: {  	s0 =	sshll.u32 s26, $0x1  }
0x228: {  	s1 =	sor.u32 $0xC0, s0;
	s0 =	sor.u32 $0xC1, s0  }
0x229: {  	v3 =	vmov s1;
	v4 =	vmov s0;
	s1 =	sshrl.u32 s26, $0x3  }
0x22a: {  	s19 =	sshll.u32 s26, $0x7;
	s0 =	smul.u32 $0x1800, s1  }
0x22b: {  	v3 =	vbroadcast v3, $0x0;
	s1 =	sand.u32 $0x380, s19  }
0x22c: {  	s28 =	sor.u32 s1, s0;
	s1 =	sand.u32 $0x1C00, s25  }
0x22d: {  	s19 =	sand.u32 $0x70, s25;
	s0 =	sadd.s32 s28, s1  }
0x22e: {  	v4 =	vld.idx.msk [tilespmem:v4+s20+$0x0], $0xffff;
	s29 =	sor.u32 s19, s0  }
0x22f: {  	v5 =	vld [tilespmem:s29+$0x6600]  }
0x230: {  	v6 =	vld [tilespmem:s29+$0x12600]  }
0x231: {  	v3 =	vld.idx.msk [tilespmem:v3+s20+$0x0], $0xffff  }
0x232: {  	s1 =	simm.s32 $0x80  }
0x233: {  	s19 =	simm.s32 $0x10;
	s0 =	sand.u32 $0x1C00, s1  }
0x234: {  	s1 =	sand.u32 $0x70, s19;
	s0 =	sadd.s32 s28, s0  }
0x235: {  	s30 =	sor.u32 s1, s0  }
0x236: {  	v8 =	vmul.f32 v6, v4;
	v6 =	vld [tilespmem:s30+$0x12600];
	v7 =	vmul.f32 v5, v3  }
0x237: {  	v5 =	vld [tilespmem:s30+$0x6600]  }
0x238: {  	s31 =	simm.s32 $0x20;
	s0 =	simm.s32 $0x100;
	v7 =	vadd.f32 v8, v7  }
.LBB2_15:
0x239: {  	s1 =	sand.u32 $0x70, s31;
	s19 =	sand.u32 $0x1C00, s0;
	p0 =	sne.s32 s31, $0x2F0  }
.Ltmp6:
0x23a: {  	s31 =	sadd.s32 $0x10, s31;
	s19 =	sadd.s32 s28, s19;
	[tilespmem:s29+$0x18600] =	vst v7;
	(pc) =	sbr.rel @p0 .LBB2_15-.Ltmp6, $4  }
0x23b: {  	s29 =	smov.u32 s30;
	s30 =	sor.u32 s1, s19  }
0x23c: {  	v7 =	vmul.f32 v5, v3;
	v5 =	vld [tilespmem:s30+$0x6600];
	v8 =	vmul.f32 v6, v4  }
0x23d: {  	v6 =	vld [tilespmem:s30+$0x12600]  }
0x23e: {  	s0 =	sadd.s32 $0x80, s0;
	v7 =	vadd.f32 v8, v7  }
0x23f: {  	_ = 	snop  }
0x240: {  	s26 =	sadd.s32 $0x1, s26  }
0x241: {  	p0 =	sne.s32 s26, $0x20  }
.Ltmp7:
0x242: {  	v3 =	vmul.f32 v5, v3;
	v4 =	vmul.f32 v6, v4;
	(pc) =	sbr.rel @p0 .LBB2_14-.Ltmp7, $4  }
0x243: {  	_ = 	snop  }
0x244: {  	v3 =	vadd.f32 v4, v3  }
0x245: {  	[tilespmem:s29+$0x18600] =	vst v7  }
0x246: {  	[tilespmem:s30+$0x18600] =	vst v3  }
0x247: {  	s25 =	simm.s32 $0x0;
	s0 =	rddreg [dreg:$0x9]  }
0x248: {  	[hbm4b:s0+s25] =	stream.linear.scatter [tilespmem:s23], [sflag:$0x3], $0x6000, $0x38;
	[tilespmem:$0x1E600] =	vst v63  }
0x249: {  	_ =	swait.ge [sflag:s18], $0x6000  }
0x24a: {  	[sflag:s18] =	ssyncset.done $0x0  }
0x24b: {  	[sflag:s18] =	ssyncadd.s32 $0xFFFFA000  }
0x24c: {  	_ =	swait.ge [sflag:s9], $0x6000  }
0x24d: {  	[sflag:s9] =	ssyncset.done $0x0  }
0x24e: {  	[sflag:s9] =	ssyncadd.s32 $0xFFFFA000  }
0x24f: {  	_ =	swait.ge [sflag:s21], $0x6000  }
0x250: {  	[sflag:s21] =	ssyncset.done $0x0  }
0x251: {  	[sflag:s21] =	ssyncadd.s32 $0xFFFFA000  }
0x252: {  	v3 =	vld [tilespmem:$0x120];
	_ =	sdelay $0x4  }
0x253: {  	v4 =	vshrl.u32 v3, $0x3  }
0x254: {  	v4 =	vmul.u32 $0x30, v4  }
0x255: {  	v3 =	vand.u32 $0x7, v3  }
0x256: {  	v3 =	vor.u32 v3, v4  }
0x257: {  	v4 =	vperm.xlane v3, v0;
	_ =	sdelay $0x1  }
0x258: {  	v4 =	vadd.s32 v1, v4;
	_ =	sdelay $0x3  }
0x259: {  	s26 =	simm.s32 $0x6600;
	v3 =	vperm.xlane v3, v2  }
0x25a: {  	[tilespmem:s26], [sflag:$0x1] =	stream.indirect_vreg.gather [hbm4b:s3+s25], $0x80, v4, vm0, $0xb8;
	[tilespmem:$0x1E600] =	vst v63  }
0x25b: {  	s28 =	simm.s32 $0x6E00;
	v3 =	vadd.s32 v1, v3  }
0x25c: {  	[tilespmem:s28], [sflag:$0x1] =	stream.indirect_vreg.gather [hbm4b:s7+s25], $0x80, v4, vm0, $0xb8;
	[tilespmem:$0x1E600] =	vst v63  }
0x25d: {  	s29 =	simm.s32 $0x7600  }
0x25e: {  	[tilespmem:s29], [sflag:$0x1] =	stream.indirect_vreg.gather [hbm4b:s8+s25], $0x80, v4, vm0, $0xb8;
	[tilespmem:$0x1E600] =	vst v63  }
0x25f: {  	s30 =	simm.s32 $0x7E00  }
0x260: {  	[tilespmem:s30], [sflag:$0x1] =	stream.indirect_vreg.gather [hbm4b:s3+s25], $0x80, v3, vm0, $0xb8;
	[tilespmem:$0x1E600] =	vst v63  }
0x261: {  	s31 =	simm.s32 $0x8600  }
0x262: {  	[tilespmem:s31], [sflag:$0x1] =	stream.indirect_vreg.gather [hbm4b:s7+s25], $0x80, v3, vm0, $0xb8;
	[tilespmem:$0x1E600] =	vst v63  }
0x263: {  	s1 =	simm.s32 $0x8E00  }
0x264: {  	[tilespmem:s1], [sflag:$0x1] =	stream.indirect_vreg.gather [hbm4b:s8+s25], $0x80, v3, vm0, $0xb8;
	[tilespmem:$0x1E600] =	vst v63  }
0x265: {  	v3 =	vld [tilespmem:$0x130];
	_ =	sdelay $0x4  }
0x266: {  	v61 =	vshrl.u32 v3, $0x3  }
0x267: {  	v4 =	vmul.u32 $0x30, v61  }
0x268: {  	v3 =	vand.u32 $0x7, v3  }
0x269: {  	v3 =	vor.u32 v3, v4  }
0x26a: {  	v4 =	vperm.xlane v3, v0;
	_ =	sdelay $0x1  }
0x26b: {  	v4 =	vadd.s32 v1, v4;
	_ =	sdelay $0x3  }
0x26c: {  	s19 =	simm.s32 $0x9600;
	v3 =	vperm.xlane v3, v2  }
0x26d: {  	[tilespmem:s19], [sflag:$0x1] =	stream.indirect_vreg.gather [hbm4b:s3+s25], $0x80, v4, vm0, $0xb8;
	[tilespmem:$0x1E600] =	vst v63  }
0x26e: {  	s26 =	simm.s32 $0x9E00;
	v3 =	vadd.s32 v1, v3  }
0x26f: {  	[tilespmem:s26], [sflag:$0x1] =	stream.indirect_vreg.gather [hbm4b:s7+s25], $0x80, v4, vm0, $0xb8;
	[tilespmem:$0x1E600] =	vst v63  }
0x270: {  	s28 =	simm.s32 $0xA600  }
0x271: {  	[tilespmem:s28], [sflag:$0x1] =	stream.indirect_vreg.gather [hbm4b:s8+s25], $0x80, v4, vm0, $0xb8;
	[tilespmem:$0x1E600] =	vst v63  }
0x272: {  	s29 =	simm.s32 $0xAE00  }
0x273: {  	[tilespmem:s29], [sflag:$0x1] =	stream.indirect_vreg.gather [hbm4b:s3+s25], $0x80, v3, vm0, $0xb8;
	[tilespmem:$0x1E600] =	vst v63  }
0x274: {  	s30 =	simm.s32 $0xB600  }
0x275: {  	[tilespmem:s30], [sflag:$0x1] =	stream.indirect_vreg.gather [hbm4b:s7+s25], $0x80, v3, vm0, $0xb8;
	[tilespmem:$0x1E600] =	vst v63  }
0x276: {  	s31 =	simm.s32 $0xBE00  }
0x277: {  	[tilespmem:s31], [sflag:$0x1] =	stream.indirect_vreg.gather [hbm4b:s8+s25], $0x80, v3, vm0, $0xb8;
	[tilespmem:$0x1E600] =	vst v63  }
0x278: {  	v3 =	vld [tilespmem:$0x320];
	_ =	sdelay $0x4  }
0x279: {  	v62 =	vshrl.u32 v3, $0x3  }
0x27a: {  	v4 =	vmul.u32 $0x30, v62  }
0x27b: {  	v3 =	vand.u32 $0x7, v3  }
0x27c: {  	v3 =	vor.u32 v3, v4  }
0x27d: {  	v4 =	vperm.xlane v3, v0;
	_ =	sdelay $0x1  }
0x27e: {  	v4 =	vadd.s32 v1, v4;
	_ =	sdelay $0x3  }
0x27f: {  	v3 =	vperm.xlane v3, v2  }
0x280: {  	[tilespmem:s4], [sflag:$0x2] =	stream.indirect_vreg.gather [hbm4b:s3+s25], $0x80, v4, vm0, $0xb8;
	[tilespmem:$0x1E600] =	vst v63  }
0x281: {  	v3 =	vadd.s32 v1, v3  }
0x282: {  	[tilespmem:s5], [sflag:$0x2] =	stream.indirect_vreg.gather [hbm4b:s7+s25], $0x80, v4, vm0, $0xb8;
	[tilespmem:$0x1E600] =	vst v63  }
0x283: {  	_ = 	snop  }
0x284: {  	[tilespmem:s6], [sflag:$0x2] =	stream.indirect_vreg.gather [hbm4b:s8+s25], $0x80, v4, vm0, $0xb8;
	[tilespmem:$0x1E600] =	vst v63  }
0x285: {  	_ = 	snop  }
0x286: {  	[tilespmem:s10], [sflag:$0x2] =	stream.indirect_vreg.gather [hbm4b:s3+s25], $0x80, v3, vm0, $0xb8;
	[tilespmem:$0x1E600] =	vst v63  }
0x287: {  	_ = 	snop  }
0x288: {  	[tilespmem:s11], [sflag:$0x2] =	stream.indirect_vreg.gather [hbm4b:s7+s25], $0x80, v3, vm0, $0xb8;
	[tilespmem:$0x1E600] =	vst v63  }
0x289: {  	_ = 	snop  }
0x28a: {  	[tilespmem:s12], [sflag:$0x2] =	stream.indirect_vreg.gather [hbm4b:s8+s25], $0x80, v3, vm0, $0xb8;
	[tilespmem:$0x1E600] =	vst v63  }
0x28b: {  	v3 =	vld [tilespmem:$0x330];
	_ =	sdelay $0x4  }
0x28c: {  	v63 =	vshrl.u32 v3, $0x3  }
0x28d: {  	v4 =	vmul.u32 $0x30, v63  }
0x28e: {  	v3 =	vand.u32 $0x7, v3  }
0x28f: {  	v3 =	vor.u32 v3, v4  }
0x290: {  	v4 =	vperm.xlane v3, v0;
	_ =	sdelay $0x1  }
0x291: {  	v4 =	vadd.s32 v1, v4;
	_ =	sdelay $0x3  }
0x292: {  	v3 =	vperm.xlane v3, v2  }
0x293: {  	[tilespmem:s13], [sflag:$0x2] =	stream.indirect_vreg.gather [hbm4b:s3+s25], $0x80, v4, vm0, $0xb8;
	[tilespmem:$0x1E600] =	vst v63  }
0x294: {  	v3 =	vadd.s32 v1, v3  }
0x295: {  	[tilespmem:s14], [sflag:$0x2] =	stream.indirect_vreg.gather [hbm4b:s7+s25], $0x80, v4, vm0, $0xb8;
	[tilespmem:$0x1E600] =	vst v63  }
0x296: {  	_ = 	snop  }
0x297: {  	[tilespmem:s15], [sflag:$0x2] =	stream.indirect_vreg.gather [hbm4b:s8+s25], $0x80, v4, vm0, $0xb8;
	[tilespmem:$0x1E600] =	vst v63  }
0x298: {  	_ = 	snop  }
0x299: {  	[tilespmem:s16], [sflag:$0x2] =	stream.indirect_vreg.gather [hbm4b:s3+s25], $0x80, v3, vm0, $0xb8;
	[tilespmem:$0x1E600] =	vst v63  }
0x29a: {  	_ = 	snop  }
0x29b: {  	[tilespmem:s17], [sflag:$0x2] =	stream.indirect_vreg.gather [hbm4b:s7+s25], $0x80, v3, vm0, $0xb8;
	[tilespmem:$0x1E600] =	vst v63  }
0x29c: {  	s26 =	simm.s32 $0x0  }
0x29d: {  	[tilespmem:s22], [sflag:$0x2] =	stream.indirect_vreg.gather [hbm4b:s8+s25], $0x80, v3, vm0, $0xb8;
	[tilespmem:$0x1E600] =	vst v63  }
.LBB2_18:
0x29e: {  	s0 =	sshll.u32 s26, $0x1  }
0x29f: {  	s1 =	sor.u32 $0x100, s0;
	s0 =	sor.u32 $0x101, s0  }
0x2a0: {  	v3 =	vmov s1;
	v4 =	vmov s0;
	s1 =	sshrl.u32 s26, $0x3  }
0x2a1: {  	s19 =	sshll.u32 s26, $0x7;
	s0 =	smul.u32 $0x1800, s1  }
0x2a2: {  	v3 =	vbroadcast v3, $0x0;
	s1 =	sand.u32 $0x380, s19  }
0x2a3: {  	s28 =	sor.u32 s1, s0;
	s1 =	sand.u32 $0x1C00, s25  }
0x2a4: {  	s19 =	sand.u32 $0x70, s25;
	s0 =	sadd.s32 s28, s1  }
0x2a5: {  	v4 =	vld.idx.msk [tilespmem:v4+s20+$0x0], $0xffff;
	s29 =	sor.u32 s19, s0  }
0x2a6: {  	v5 =	vld [tilespmem:s29+$0x600]  }
0x2a7: {  	v6 =	vld [tilespmem:s29+$0xC600]  }
0x2a8: {  	v3 =	vld.idx.msk [tilespmem:v3+s20+$0x0], $0xffff  }
0x2a9: {  	s1 =	simm.s32 $0x80  }
0x2aa: {  	s19 =	simm.s32 $0x10;
	s0 =	sand.u32 $0x1C00, s1  }
0x2ab: {  	s1 =	sand.u32 $0x70, s19;
	s0 =	sadd.s32 s28, s0  }
0x2ac: {  	s30 =	sor.u32 s1, s0  }
0x2ad: {  	v8 =	vmul.f32 v6, v4;
	v6 =	vld [tilespmem:s30+$0xC600];
	v7 =	vmul.f32 v5, v3  }
0x2ae: {  	v5 =	vld [tilespmem:s30+$0x600]  }
0x2af: {  	s31 =	simm.s32 $0x20;
	s0 =	simm.s32 $0x100;
	v7 =	vadd.f32 v8, v7  }
.LBB2_19:
0x2b0: {  	s1 =	sand.u32 $0x70, s31;
	s19 =	sand.u32 $0x1C00, s0;
	p0 =	sne.s32 s31, $0x2F0  }
.Ltmp8:
0x2b1: {  	s31 =	sadd.s32 $0x10, s31;
	s19 =	sadd.s32 s28, s19;
	[tilespmem:s29+$0x18600] =	vst v7;
	(pc) =	sbr.rel @p0 .LBB2_19-.Ltmp8, $4  }
0x2b2: {  	s29 =	smov.u32 s30;
	s30 =	sor.u32 s1, s19  }
0x2b3: {  	v7 =	vmul.f32 v5, v3;
	v5 =	vld [tilespmem:s30+$0x600];
	v8 =	vmul.f32 v6, v4  }
0x2b4: {  	v6 =	vld [tilespmem:s30+$0xC600]  }
0x2b5: {  	s0 =	sadd.s32 $0x80, s0;
	v7 =	vadd.f32 v8, v7  }
0x2b6: {  	_ = 	snop  }
0x2b7: {  	s26 =	sadd.s32 $0x1, s26  }
0x2b8: {  	p0 =	sne.s32 s26, $0x20  }
.Ltmp9:
0x2b9: {  	v3 =	vmul.f32 v5, v3;
	v4 =	vmul.f32 v6, v4;
	(pc) =	sbr.rel @p0 .LBB2_18-.Ltmp9, $4  }
0x2ba: {  	_ = 	snop  }
0x2bb: {  	v3 =	vadd.f32 v4, v3  }
0x2bc: {  	[tilespmem:s29+$0x18600] =	vst v7  }
0x2bd: {  	[tilespmem:s30+$0x18600] =	vst v3  }
0x2be: {  	s25 =	simm.s32 $0x0;
	s0 =	rddreg [dreg:$0xa]  }
0x2bf: {  	[hbm4b:s0+s25] =	stream.linear.scatter [tilespmem:s23], [sflag:$0x3], $0x6000, $0x38;
	[tilespmem:$0x1E600] =	vst v63  }
0x2c0: {  	_ =	swait.ge [sflag:s18], $0x6000  }
0x2c1: {  	[sflag:s18] =	ssyncset.done $0x0  }
0x2c2: {  	[sflag:s18] =	ssyncadd.s32 $0xFFFFA000  }
0x2c3: {  	_ =	swait.ge [sflag:s9], $0x6000  }
0x2c4: {  	[sflag:s9] =	ssyncset.done $0x0  }
0x2c5: {  	[sflag:s9] =	ssyncadd.s32 $0xFFFFA000  }
0x2c6: {  	_ =	swait.ge [sflag:s21], $0x6000  }
0x2c7: {  	[sflag:s21] =	ssyncset.done $0x0  }
0x2c8: {  	[sflag:s21] =	ssyncadd.s32 $0xFFFFA000  }
0x2c9: {  	v3 =	vld [tilespmem:$0x180];
	_ =	sdelay $0x4  }
0x2ca: {  	v4 =	vshrl.u32 v3, $0x3  }
0x2cb: {  	v4 =	vmul.u32 $0x30, v4  }
0x2cc: {  	v3 =	vand.u32 $0x7, v3  }
0x2cd: {  	v3 =	vor.u32 v3, v4  }
0x2ce: {  	v4 =	vperm.xlane v3, v0;
	_ =	sdelay $0x1  }
0x2cf: {  	v4 =	vadd.s32 v1, v4;
	_ =	sdelay $0x3  }
0x2d0: {  	s29 =	simm.s32 $0x600;
	v3 =	vperm.xlane v3, v2  }
0x2d1: {  	[tilespmem:s29], [sflag:$0x1] =	stream.indirect_vreg.gather [hbm4b:s3+s25], $0x80, v4, vm0, $0xb8;
	[tilespmem:$0x1E600] =	vst v63  }
0x2d2: {  	s30 =	simm.s32 $0xE00;
	v3 =	vadd.s32 v1, v3  }
0x2d3: {  	[tilespmem:s30], [sflag:$0x1] =	stream.indirect_vreg.gather [hbm4b:s7+s25], $0x80, v4, vm0, $0xb8;
	[tilespmem:$0x1E600] =	vst v63  }
0x2d4: {  	s31 =	simm.s32 $0x1600  }
0x2d5: {  	[tilespmem:s31], [sflag:$0x1] =	stream.indirect_vreg.gather [hbm4b:s8+s25], $0x80, v4, vm0, $0xb8;
	[tilespmem:$0x1E600] =	vst v63  }
0x2d6: {  	s1 =	simm.s32 $0x1E00  }
0x2d7: {  	[tilespmem:s1], [sflag:$0x1] =	stream.indirect_vreg.gather [hbm4b:s3+s25], $0x80, v3, vm0, $0xb8;
	[tilespmem:$0x1E600] =	vst v63  }
0x2d8: {  	s19 =	simm.s32 $0x2600  }
0x2d9: {  	[tilespmem:s19], [sflag:$0x1] =	stream.indirect_vreg.gather [hbm4b:s7+s25], $0x80, v3, vm0, $0xb8;
	[tilespmem:$0x1E600] =	vst v63  }
0x2da: {  	s26 =	simm.s32 $0x2E00  }
0x2db: {  	[tilespmem:s26], [sflag:$0x1] =	stream.indirect_vreg.gather [hbm4b:s8+s25], $0x80, v3, vm0, $0xb8;
	[tilespmem:$0x1E600] =	vst v63  }
0x2dc: {  	v3 =	vld [tilespmem:$0x190];
	_ =	sdelay $0x4  }
0x2dd: {  	v61 =	vshrl.u32 v3, $0x3  }
0x2de: {  	v4 =	vmul.u32 $0x30, v61  }
0x2df: {  	v3 =	vand.u32 $0x7, v3  }
0x2e0: {  	v3 =	vor.u32 v3, v4  }
0x2e1: {  	v4 =	vperm.xlane v3, v0;
	_ =	sdelay $0x1  }
0x2e2: {  	v4 =	vadd.s32 v1, v4;
	_ =	sdelay $0x3  }
0x2e3: {  	s28 =	simm.s32 $0x3600;
	v3 =	vperm.xlane v3, v2  }
0x2e4: {  	[tilespmem:s28], [sflag:$0x1] =	stream.indirect_vreg.gather [hbm4b:s3+s25], $0x80, v4, vm0, $0xb8;
	[tilespmem:$0x1E600] =	vst v63  }
0x2e5: {  	s29 =	simm.s32 $0x3E00;
	v3 =	vadd.s32 v1, v3  }
0x2e6: {  	[tilespmem:s29], [sflag:$0x1] =	stream.indirect_vreg.gather [hbm4b:s7+s25], $0x80, v4, vm0, $0xb8;
	[tilespmem:$0x1E600] =	vst v63  }
0x2e7: {  	s30 =	simm.s32 $0x4600  }
0x2e8: {  	[tilespmem:s30], [sflag:$0x1] =	stream.indirect_vreg.gather [hbm4b:s8+s25], $0x80, v4, vm0, $0xb8;
	[tilespmem:$0x1E600] =	vst v63  }
0x2e9: {  	s31 =	simm.s32 $0x4E00  }
0x2ea: {  	[tilespmem:s31], [sflag:$0x1] =	stream.indirect_vreg.gather [hbm4b:s3+s25], $0x80, v3, vm0, $0xb8;
	[tilespmem:$0x1E600] =	vst v63  }
0x2eb: {  	s1 =	simm.s32 $0x5600  }
0x2ec: {  	[tilespmem:s1], [sflag:$0x1] =	stream.indirect_vreg.gather [hbm4b:s7+s25], $0x80, v3, vm0, $0xb8;
	[tilespmem:$0x1E600] =	vst v63  }
0x2ed: {  	s19 =	simm.s32 $0x5E00  }
0x2ee: {  	[tilespmem:s19], [sflag:$0x1] =	stream.indirect_vreg.gather [hbm4b:s8+s25], $0x80, v3, vm0, $0xb8;
	[tilespmem:$0x1E600] =	vst v63  }
0x2ef: {  	v3 =	vld [tilespmem:$0x380];
	_ =	sdelay $0x4  }
0x2f0: {  	v62 =	vshrl.u32 v3, $0x3  }
0x2f1: {  	v4 =	vmul.u32 $0x30, v62  }
0x2f2: {  	v3 =	vand.u32 $0x7, v3  }
0x2f3: {  	v3 =	vor.u32 v3, v4  }
0x2f4: {  	v4 =	vperm.xlane v3, v0;
	_ =	sdelay $0x1  }
0x2f5: {  	v4 =	vadd.s32 v1, v4;
	_ =	sdelay $0x3  }
0x2f6: {  	s26 =	simm.s32 $0xC600;
	v3 =	vperm.xlane v3, v2  }
0x2f7: {  	[tilespmem:s26], [sflag:$0x2] =	stream.indirect_vreg.gather [hbm4b:s3+s25], $0x80, v4, vm0, $0xb8;
	[tilespmem:$0x1E600] =	vst v63  }
0x2f8: {  	s28 =	simm.s32 $0xCE00;
	v3 =	vadd.s32 v1, v3  }
0x2f9: {  	[tilespmem:s28], [sflag:$0x2] =	stream.indirect_vreg.gather [hbm4b:s7+s25], $0x80, v4, vm0, $0xb8;
	[tilespmem:$0x1E600] =	vst v63  }
0x2fa: {  	s29 =	simm.s32 $0xD600  }
0x2fb: {  	[tilespmem:s29], [sflag:$0x2] =	stream.indirect_vreg.gather [hbm4b:s8+s25], $0x80, v4, vm0, $0xb8;
	[tilespmem:$0x1E600] =	vst v63  }
0x2fc: {  	s30 =	simm.s32 $0xDE00  }
0x2fd: {  	[tilespmem:s30], [sflag:$0x2] =	stream.indirect_vreg.gather [hbm4b:s3+s25], $0x80, v3, vm0, $0xb8;
	[tilespmem:$0x1E600] =	vst v63  }
0x2fe: {  	s31 =	simm.s32 $0xE600  }
0x2ff: {  	[tilespmem:s31], [sflag:$0x2] =	stream.indirect_vreg.gather [hbm4b:s7+s25], $0x80, v3, vm0, $0xb8;
	[tilespmem:$0x1E600] =	vst v63  }
0x300: {  	s1 =	simm.s32 $0xEE00  }
0x301: {  	[tilespmem:s1], [sflag:$0x2] =	stream.indirect_vreg.gather [hbm4b:s8+s25], $0x80, v3, vm0, $0xb8;
	[tilespmem:$0x1E600] =	vst v63  }
0x302: {  	v3 =	vld [tilespmem:$0x390];
	_ =	sdelay $0x4  }
0x303: {  	v63 =	vshrl.u32 v3, $0x3  }
0x304: {  	v4 =	vmul.u32 $0x30, v63  }
0x305: {  	v3 =	vand.u32 $0x7, v3  }
0x306: {  	v3 =	vor.u32 v3, v4  }
0x307: {  	v4 =	vperm.xlane v3, v0;
	_ =	sdelay $0x1  }
0x308: {  	v4 =	vadd.s32 v1, v4;
	_ =	sdelay $0x3  }
0x309: {  	s19 =	simm.s32 $0xF600;
	v3 =	vperm.xlane v3, v2  }
0x30a: {  	[tilespmem:s19], [sflag:$0x2] =	stream.indirect_vreg.gather [hbm4b:s3+s25], $0x80, v4, vm0, $0xb8;
	[tilespmem:$0x1E600] =	vst v63  }
0x30b: {  	s26 =	simm.s32 $0xFE00;
	v3 =	vadd.s32 v1, v3  }
0x30c: {  	[tilespmem:s26], [sflag:$0x2] =	stream.indirect_vreg.gather [hbm4b:s7+s25], $0x80, v4, vm0, $0xb8;
	[tilespmem:$0x1E600] =	vst v63  }
0x30d: {  	s28 =	simm.s32 $0x10600  }
0x30e: {  	[tilespmem:s28], [sflag:$0x2] =	stream.indirect_vreg.gather [hbm4b:s8+s25], $0x80, v4, vm0, $0xb8;
	[tilespmem:$0x1E600] =	vst v63  }
0x30f: {  	s29 =	simm.s32 $0x10E00  }
0x310: {  	[tilespmem:s29], [sflag:$0x2] =	stream.indirect_vreg.gather [hbm4b:s3+s25], $0x80, v3, vm0, $0xb8;
	[tilespmem:$0x1E600] =	vst v63  }
0x311: {  	s30 =	simm.s32 $0x11600  }
0x312: {  	[tilespmem:s30], [sflag:$0x2] =	stream.indirect_vreg.gather [hbm4b:s7+s25], $0x80, v3, vm0, $0xb8;
	[tilespmem:$0x1E600] =	vst v63  }
0x313: {  	s31 =	simm.s32 $0x11E00;
	s26 =	simm.s32 $0x0  }
0x314: {  	[tilespmem:s31], [sflag:$0x2] =	stream.indirect_vreg.gather [hbm4b:s8+s25], $0x80, v3, vm0, $0xb8;
	[tilespmem:$0x1E600] =	vst v63  }
.LBB2_22:
0x315: {  	s0 =	sshll.u32 s26, $0x1  }
0x316: {  	s1 =	sor.u32 $0x140, s0;
	s0 =	sor.u32 $0x141, s0  }
0x317: {  	v3 =	vmov s1;
	v4 =	vmov s0;
	s1 =	sshrl.u32 s26, $0x3  }
0x318: {  	s19 =	sshll.u32 s26, $0x7;
	s0 =	smul.u32 $0x1800, s1  }
0x319: {  	v3 =	vbroadcast v3, $0x0;
	s1 =	sand.u32 $0x380, s19  }
0x31a: {  	s28 =	sor.u32 s1, s0;
	s1 =	sand.u32 $0x1C00, s25  }
0x31b: {  	s19 =	sand.u32 $0x70, s25;
	s0 =	sadd.s32 s28, s1  }
0x31c: {  	v4 =	vld.idx.msk [tilespmem:v4+s20+$0x0], $0xffff;
	s29 =	sor.u32 s19, s0  }
0x31d: {  	v5 =	vld [tilespmem:s29+$0x6600]  }
0x31e: {  	v6 =	vld [tilespmem:s29+$0x12600]  }
0x31f: {  	v3 =	vld.idx.msk [tilespmem:v3+s20+$0x0], $0xffff  }
0x320: {  	s1 =	simm.s32 $0x80  }
0x321: {  	s19 =	simm.s32 $0x10;
	s0 =	sand.u32 $0x1C00, s1  }
0x322: {  	s1 =	sand.u32 $0x70, s19;
	s0 =	sadd.s32 s28, s0  }
0x323: {  	s30 =	sor.u32 s1, s0  }
0x324: {  	v8 =	vmul.f32 v6, v4;
	v6 =	vld [tilespmem:s30+$0x12600];
	v7 =	vmul.f32 v5, v3  }
0x325: {  	v5 =	vld [tilespmem:s30+$0x6600]  }
0x326: {  	s31 =	simm.s32 $0x20;
	s0 =	simm.s32 $0x100;
	v7 =	vadd.f32 v8, v7  }
.LBB2_23:
0x327: {  	s1 =	sand.u32 $0x70, s31;
	s19 =	sand.u32 $0x1C00, s0;
	p0 =	sne.s32 s31, $0x2F0  }
.Ltmp10:
0x328: {  	s31 =	sadd.s32 $0x10, s31;
	s19 =	sadd.s32 s28, s19;
	[tilespmem:s29+$0x18600] =	vst v7;
	(pc) =	sbr.rel @p0 .LBB2_23-.Ltmp10, $4  }
0x329: {  	s29 =	smov.u32 s30;
	s30 =	sor.u32 s1, s19  }
0x32a: {  	v7 =	vmul.f32 v5, v3;
	v5 =	vld [tilespmem:s30+$0x6600];
	v8 =	vmul.f32 v6, v4  }
0x32b: {  	v6 =	vld [tilespmem:s30+$0x12600]  }
0x32c: {  	s0 =	sadd.s32 $0x80, s0;
	v7 =	vadd.f32 v8, v7  }
0x32d: {  	_ = 	snop  }
0x32e: {  	s26 =	sadd.s32 $0x1, s26  }
0x32f: {  	p0 =	sne.s32 s26, $0x20  }
.Ltmp11:
0x330: {  	v3 =	vmul.f32 v5, v3;
	v4 =	vmul.f32 v6, v4;
	(pc) =	sbr.rel @p0 .LBB2_22-.Ltmp11, $4  }
0x331: {  	_ = 	snop  }
0x332: {  	v3 =	vadd.f32 v4, v3  }
0x333: {  	[tilespmem:s29+$0x18600] =	vst v7  }
0x334: {  	[tilespmem:s30+$0x18600] =	vst v3  }
0x335: {  	s25 =	simm.s32 $0x0;
	s0 =	rddreg [dreg:$0xb]  }
0x336: {  	[hbm4b:s0+s25] =	stream.linear.scatter [tilespmem:s23], [sflag:$0x3], $0x6000, $0x38;
	[tilespmem:$0x1E600] =	vst v63  }
0x337: {  	_ =	swait.ge [sflag:s18], $0x6000  }
0x338: {  	[sflag:s18] =	ssyncset.done $0x0  }
0x339: {  	[sflag:s18] =	ssyncadd.s32 $0xFFFFA000  }
0x33a: {  	_ =	swait.ge [sflag:s9], $0x6000  }
0x33b: {  	[sflag:s9] =	ssyncset.done $0x0  }
0x33c: {  	[sflag:s9] =	ssyncadd.s32 $0xFFFFA000  }
0x33d: {  	_ =	swait.ge [sflag:s21], $0x6000  }
0x33e: {  	[sflag:s21] =	ssyncset.done $0x0  }
0x33f: {  	[sflag:s21] =	ssyncadd.s32 $0xFFFFA000  }
0x340: {  	v3 =	vld [tilespmem:$0x1A0];
	_ =	sdelay $0x4  }
0x341: {  	v4 =	vshrl.u32 v3, $0x3  }
0x342: {  	v4 =	vmul.u32 $0x30, v4  }
0x343: {  	v3 =	vand.u32 $0x7, v3  }
0x344: {  	v3 =	vor.u32 v3, v4  }
0x345: {  	v4 =	vperm.xlane v3, v0;
	_ =	sdelay $0x1  }
0x346: {  	v4 =	vadd.s32 v1, v4;
	_ =	sdelay $0x3  }
0x347: {  	s26 =	simm.s32 $0x6600;
	v3 =	vperm.xlane v3, v2  }
0x348: {  	[tilespmem:s26], [sflag:$0x1] =	stream.indirect_vreg.gather [hbm4b:s3+s25], $0x80, v4, vm0, $0xb8;
	[tilespmem:$0x1E600] =	vst v63  }
0x349: {  	s28 =	simm.s32 $0x6E00;
	v3 =	vadd.s32 v1, v3  }
0x34a: {  	[tilespmem:s28], [sflag:$0x1] =	stream.indirect_vreg.gather [hbm4b:s7+s25], $0x80, v4, vm0, $0xb8;
	[tilespmem:$0x1E600] =	vst v63  }
0x34b: {  	s29 =	simm.s32 $0x7600  }
0x34c: {  	[tilespmem:s29], [sflag:$0x1] =	stream.indirect_vreg.gather [hbm4b:s8+s25], $0x80, v4, vm0, $0xb8;
	[tilespmem:$0x1E600] =	vst v63  }
0x34d: {  	s30 =	simm.s32 $0x7E00  }
0x34e: {  	[tilespmem:s30], [sflag:$0x1] =	stream.indirect_vreg.gather [hbm4b:s3+s25], $0x80, v3, vm0, $0xb8;
	[tilespmem:$0x1E600] =	vst v63  }
0x34f: {  	s31 =	simm.s32 $0x8600  }
0x350: {  	[tilespmem:s31], [sflag:$0x1] =	stream.indirect_vreg.gather [hbm4b:s7+s25], $0x80, v3, vm0, $0xb8;
	[tilespmem:$0x1E600] =	vst v63  }
0x351: {  	s1 =	simm.s32 $0x8E00  }
0x352: {  	[tilespmem:s1], [sflag:$0x1] =	stream.indirect_vreg.gather [hbm4b:s8+s25], $0x80, v3, vm0, $0xb8;
	[tilespmem:$0x1E600] =	vst v63  }
0x353: {  	v3 =	vld [tilespmem:$0x1B0];
	_ =	sdelay $0x4  }
0x354: {  	v61 =	vshrl.u32 v3, $0x3  }
0x355: {  	v4 =	vmul.u32 $0x30, v61  }
0x356: {  	v3 =	vand.u32 $0x7, v3  }
0x357: {  	v3 =	vor.u32 v3, v4  }
0x358: {  	v4 =	vperm.xlane v3, v0;
	_ =	sdelay $0x1  }
0x359: {  	v4 =	vadd.s32 v1, v4;
	_ =	sdelay $0x3  }
0x35a: {  	s19 =	simm.s32 $0x9600;
	v3 =	vperm.xlane v3, v2  }
0x35b: {  	[tilespmem:s19], [sflag:$0x1] =	stream.indirect_vreg.gather [hbm4b:s3+s25], $0x80, v4, vm0, $0xb8;
	[tilespmem:$0x1E600] =	vst v63  }
0x35c: {  	s26 =	simm.s32 $0x9E00;
	v3 =	vadd.s32 v1, v3  }
0x35d: {  	[tilespmem:s26], [sflag:$0x1] =	stream.indirect_vreg.gather [hbm4b:s7+s25], $0x80, v4, vm0, $0xb8;
	[tilespmem:$0x1E600] =	vst v63  }
0x35e: {  	s28 =	simm.s32 $0xA600  }
0x35f: {  	[tilespmem:s28], [sflag:$0x1] =	stream.indirect_vreg.gather [hbm4b:s8+s25], $0x80, v4, vm0, $0xb8;
	[tilespmem:$0x1E600] =	vst v63  }
0x360: {  	s29 =	simm.s32 $0xAE00  }
0x361: {  	[tilespmem:s29], [sflag:$0x1] =	stream.indirect_vreg.gather [hbm4b:s3+s25], $0x80, v3, vm0, $0xb8;
	[tilespmem:$0x1E600] =	vst v63  }
0x362: {  	s30 =	simm.s32 $0xB600  }
0x363: {  	[tilespmem:s30], [sflag:$0x1] =	stream.indirect_vreg.gather [hbm4b:s7+s25], $0x80, v3, vm0, $0xb8;
	[tilespmem:$0x1E600] =	vst v63  }
0x364: {  	s31 =	simm.s32 $0xBE00  }
0x365: {  	[tilespmem:s31], [sflag:$0x1] =	stream.indirect_vreg.gather [hbm4b:s8+s25], $0x80, v3, vm0, $0xb8;
	[tilespmem:$0x1E600] =	vst v63  }
0x366: {  	v3 =	vld [tilespmem:$0x3A0];
	_ =	sdelay $0x4  }
0x367: {  	v62 =	vshrl.u32 v3, $0x3  }
0x368: {  	v4 =	vmul.u32 $0x30, v62  }
0x369: {  	v3 =	vand.u32 $0x7, v3  }
0x36a: {  	v3 =	vor.u32 v3, v4  }
0x36b: {  	v4 =	vperm.xlane v3, v0;
	_ =	sdelay $0x1  }
0x36c: {  	v4 =	vadd.s32 v1, v4;
	_ =	sdelay $0x3  }
0x36d: {  	v3 =	vperm.xlane v3, v2  }
0x36e: {  	[tilespmem:s4], [sflag:$0x2] =	stream.indirect_vreg.gather [hbm4b:s3+s25], $0x80, v4, vm0, $0xb8;
	[tilespmem:$0x1E600] =	vst v63  }
0x36f: {  	v3 =	vadd.s32 v1, v3  }
0x370: {  	[tilespmem:s5], [sflag:$0x2] =	stream.indirect_vreg.gather [hbm4b:s7+s25], $0x80, v4, vm0, $0xb8;
	[tilespmem:$0x1E600] =	vst v63  }
0x371: {  	_ = 	snop  }
0x372: {  	[tilespmem:s6], [sflag:$0x2] =	stream.indirect_vreg.gather [hbm4b:s8+s25], $0x80, v4, vm0, $0xb8;
	[tilespmem:$0x1E600] =	vst v63  }
0x373: {  	_ = 	snop  }
0x374: {  	[tilespmem:s10], [sflag:$0x2] =	stream.indirect_vreg.gather [hbm4b:s3+s25], $0x80, v3, vm0, $0xb8;
	[tilespmem:$0x1E600] =	vst v63  }
0x375: {  	_ = 	snop  }
0x376: {  	[tilespmem:s11], [sflag:$0x2] =	stream.indirect_vreg.gather [hbm4b:s7+s25], $0x80, v3, vm0, $0xb8;
	[tilespmem:$0x1E600] =	vst v63  }
0x377: {  	_ = 	snop  }
0x378: {  	[tilespmem:s12], [sflag:$0x2] =	stream.indirect_vreg.gather [hbm4b:s8+s25], $0x80, v3, vm0, $0xb8;
	[tilespmem:$0x1E600] =	vst v63  }
0x379: {  	v3 =	vld [tilespmem:$0x3B0];
	_ =	sdelay $0x4  }
0x37a: {  	v63 =	vshrl.u32 v3, $0x3  }
0x37b: {  	v4 =	vmul.u32 $0x30, v63  }
0x37c: {  	v3 =	vand.u32 $0x7, v3  }
0x37d: {  	v3 =	vor.u32 v3, v4  }
0x37e: {  	v4 =	vperm.xlane v3, v0;
	_ =	sdelay $0x1  }
0x37f: {  	v4 =	vadd.s32 v1, v4;
	_ =	sdelay $0x3  }
0x380: {  	v3 =	vperm.xlane v3, v2  }
0x381: {  	[tilespmem:s13], [sflag:$0x2] =	stream.indirect_vreg.gather [hbm4b:s3+s25], $0x80, v4, vm0, $0xb8;
	[tilespmem:$0x1E600] =	vst v63  }
0x382: {  	v3 =	vadd.s32 v1, v3  }
0x383: {  	[tilespmem:s14], [sflag:$0x2] =	stream.indirect_vreg.gather [hbm4b:s7+s25], $0x80, v4, vm0, $0xb8;
	[tilespmem:$0x1E600] =	vst v63  }
0x384: {  	_ = 	snop  }
0x385: {  	[tilespmem:s15], [sflag:$0x2] =	stream.indirect_vreg.gather [hbm4b:s8+s25], $0x80, v4, vm0, $0xb8;
	[tilespmem:$0x1E600] =	vst v63  }
0x386: {  	_ = 	snop  }
0x387: {  	[tilespmem:s16], [sflag:$0x2] =	stream.indirect_vreg.gather [hbm4b:s3+s25], $0x80, v3, vm0, $0xb8;
	[tilespmem:$0x1E600] =	vst v63  }
0x388: {  	_ = 	snop  }
0x389: {  	[tilespmem:s17], [sflag:$0x2] =	stream.indirect_vreg.gather [hbm4b:s7+s25], $0x80, v3, vm0, $0xb8;
	[tilespmem:$0x1E600] =	vst v63  }
0x38a: {  	s26 =	simm.s32 $0x0  }
0x38b: {  	[tilespmem:s22], [sflag:$0x2] =	stream.indirect_vreg.gather [hbm4b:s8+s25], $0x80, v3, vm0, $0xb8;
	[tilespmem:$0x1E600] =	vst v63  }
.LBB2_26:
0x38c: {  	s0 =	sshll.u32 s26, $0x1  }
0x38d: {  	s1 =	sor.u32 $0x180, s0;
	s0 =	sor.u32 $0x181, s0  }
0x38e: {  	v3 =	vmov s1;
	v4 =	vmov s0;
	s1 =	sshrl.u32 s26, $0x3  }
0x38f: {  	s19 =	sshll.u32 s26, $0x7;
	s0 =	smul.u32 $0x1800, s1  }
0x390: {  	v3 =	vbroadcast v3, $0x0;
	s1 =	sand.u32 $0x380, s19  }
0x391: {  	s28 =	sor.u32 s1, s0;
	s1 =	sand.u32 $0x1C00, s25  }
0x392: {  	s19 =	sand.u32 $0x70, s25;
	s0 =	sadd.s32 s28, s1  }
0x393: {  	v4 =	vld.idx.msk [tilespmem:v4+s20+$0x0], $0xffff;
	s29 =	sor.u32 s19, s0  }
0x394: {  	v5 =	vld [tilespmem:s29+$0x600]  }
0x395: {  	v6 =	vld [tilespmem:s29+$0xC600]  }
0x396: {  	v3 =	vld.idx.msk [tilespmem:v3+s20+$0x0], $0xffff  }
0x397: {  	s1 =	simm.s32 $0x80  }
0x398: {  	s19 =	simm.s32 $0x10;
	s0 =	sand.u32 $0x1C00, s1  }
0x399: {  	s1 =	sand.u32 $0x70, s19;
	s0 =	sadd.s32 s28, s0  }
0x39a: {  	s30 =	sor.u32 s1, s0  }
0x39b: {  	v8 =	vmul.f32 v6, v4;
	v6 =	vld [tilespmem:s30+$0xC600];
	v7 =	vmul.f32 v5, v3  }
0x39c: {  	v5 =	vld [tilespmem:s30+$0x600]  }
0x39d: {  	s31 =	simm.s32 $0x20;
	s0 =	simm.s32 $0x100;
	v7 =	vadd.f32 v8, v7  }
.LBB2_27:
0x39e: {  	s1 =	sand.u32 $0x70, s31;
	s19 =	sand.u32 $0x1C00, s0;
	p0 =	sne.s32 s31, $0x2F0  }
.Ltmp12:
0x39f: {  	s31 =	sadd.s32 $0x10, s31;
	s19 =	sadd.s32 s28, s19;
	[tilespmem:s29+$0x18600] =	vst v7;
	(pc) =	sbr.rel @p0 .LBB2_27-.Ltmp12, $4  }
0x3a0: {  	s29 =	smov.u32 s30;
	s30 =	sor.u32 s1, s19  }
0x3a1: {  	v7 =	vmul.f32 v5, v3;
	v5 =	vld [tilespmem:s30+$0x600];
	v8 =	vmul.f32 v6, v4  }
0x3a2: {  	v6 =	vld [tilespmem:s30+$0xC600]  }
0x3a3: {  	s0 =	sadd.s32 $0x80, s0;
	v7 =	vadd.f32 v8, v7  }
0x3a4: {  	_ = 	snop  }
0x3a5: {  	s26 =	sadd.s32 $0x1, s26  }
0x3a6: {  	p0 =	sne.s32 s26, $0x20  }
.Ltmp13:
0x3a7: {  	v3 =	vmul.f32 v5, v3;
	v4 =	vmul.f32 v6, v4;
	(pc) =	sbr.rel @p0 .LBB2_26-.Ltmp13, $4  }
0x3a8: {  	_ = 	snop  }
0x3a9: {  	v3 =	vadd.f32 v4, v3  }
0x3aa: {  	[tilespmem:s29+$0x18600] =	vst v7  }
0x3ab: {  	[tilespmem:s30+$0x18600] =	vst v3  }
0x3ac: {  	s25 =	simm.s32 $0x0;
	s0 =	rddreg [dreg:$0xc]  }
0x3ad: {  	[hbm4b:s0+s25] =	stream.linear.scatter [tilespmem:s23], [sflag:$0x3], $0x6000, $0x38;
	[tilespmem:$0x1E600] =	vst v63  }
0x3ae: {  	_ =	swait.ge [sflag:s18], $0x6000  }
0x3af: {  	[sflag:s18] =	ssyncset.done $0x0  }
0x3b0: {  	[sflag:s18] =	ssyncadd.s32 $0xFFFFA000  }
0x3b1: {  	_ =	swait.ge [sflag:s9], $0x6000  }
0x3b2: {  	[sflag:s9] =	ssyncset.done $0x0  }
0x3b3: {  	[sflag:s9] =	ssyncadd.s32 $0xFFFFA000  }
0x3b4: {  	_ =	swait.ge [sflag:s21], $0x6000  }
0x3b5: {  	[sflag:s21] =	ssyncset.done $0x0  }
0x3b6: {  	s26 =	simm.s32 $0x0;
	[sflag:s21] =	ssyncadd.s32 $0xFFFFA000  }
.LBB2_30:
0x3b7: {  	s0 =	sshll.u32 s26, $0x1  }
0x3b8: {  	s1 =	sor.u32 $0x1C0, s0;
	s0 =	sor.u32 $0x1C1, s0  }
0x3b9: {  	v3 =	vmov s1;
	v4 =	vmov s0;
	s1 =	sshrl.u32 s26, $0x3  }
0x3ba: {  	s19 =	sshll.u32 s26, $0x7;
	s0 =	smul.u32 $0x1800, s1  }
0x3bb: {  	v3 =	vbroadcast v3, $0x0;
	s1 =	sand.u32 $0x380, s19  }
0x3bc: {  	s28 =	sor.u32 s1, s0;
	s1 =	sand.u32 $0x1C00, s25  }
0x3bd: {  	s19 =	sand.u32 $0x70, s25;
	s0 =	sadd.s32 s28, s1  }
0x3be: {  	v4 =	vld.idx.msk [tilespmem:v4+s20+$0x0], $0xffff;
	s29 =	sor.u32 s19, s0  }
0x3bf: {  	v5 =	vld [tilespmem:s29+$0x6600]  }
0x3c0: {  	v6 =	vld [tilespmem:s29+$0x12600]  }
0x3c1: {  	v3 =	vld.idx.msk [tilespmem:v3+s20+$0x0], $0xffff  }
0x3c2: {  	s1 =	simm.s32 $0x80  }
0x3c3: {  	s19 =	simm.s32 $0x10;
	s0 =	sand.u32 $0x1C00, s1  }
0x3c4: {  	s1 =	sand.u32 $0x70, s19;
	s0 =	sadd.s32 s28, s0  }
0x3c5: {  	s30 =	sor.u32 s1, s0  }
0x3c6: {  	v8 =	vmul.f32 v6, v4;
	v6 =	vld [tilespmem:s30+$0x12600];
	v7 =	vmul.f32 v5, v3  }
0x3c7: {  	v5 =	vld [tilespmem:s30+$0x6600]  }
0x3c8: {  	s31 =	simm.s32 $0x20;
	s0 =	simm.s32 $0x100;
	v7 =	vadd.f32 v8, v7  }
.LBB2_31:
0x3c9: {  	s1 =	sand.u32 $0x70, s31;
	s19 =	sand.u32 $0x1C00, s0;
	p0 =	sne.s32 s31, $0x2F0  }
.Ltmp14:
0x3ca: {  	s31 =	sadd.s32 $0x10, s31;
	s19 =	sadd.s32 s28, s19;
	[tilespmem:s29+$0x18600] =	vst v7;
	(pc) =	sbr.rel @p0 .LBB2_31-.Ltmp14, $4  }
0x3cb: {  	s29 =	smov.u32 s30;
	s30 =	sor.u32 s1, s19  }
0x3cc: {  	v7 =	vmul.f32 v5, v3;
	v5 =	vld [tilespmem:s30+$0x6600];
	v8 =	vmul.f32 v6, v4  }
0x3cd: {  	v6 =	vld [tilespmem:s30+$0x12600]  }
0x3ce: {  	s0 =	sadd.s32 $0x80, s0;
	v7 =	vadd.f32 v8, v7  }
0x3cf: {  	_ = 	snop  }
0x3d0: {  	s26 =	sadd.s32 $0x1, s26  }
0x3d1: {  	p0 =	sne.s32 s26, $0x20  }
.Ltmp15:
0x3d2: {  	v3 =	vmul.f32 v5, v3;
	v4 =	vmul.f32 v6, v4;
	(pc) =	sbr.rel @p0 .LBB2_30-.Ltmp15, $4  }
0x3d3: {  	_ = 	snop  }
0x3d4: {  	v3 =	vadd.f32 v4, v3  }
0x3d5: {  	[tilespmem:s29+$0x18600] =	vst v7  }
0x3d6: {  	[tilespmem:s30+$0x18600] =	vst v3  }
0x3d7: {  	s0 =	rddreg [dreg:$0xd]  }
0x3d8: {  	[hbm4b:s0+s2] =	stream.linear.scatter [tilespmem:s23], [sflag:$0x3], $0x6000, $0x38;
	[tilespmem:$0x1E600] =	vst v63  }
0x3d9: {  	_ =	swait.ge [sflag:s18], $0x6000  }
0x3da: {  	s24 =	sadd.s32 $0x1, s24;
	s31 =	rddreg [dreg:$0xe]  }
0x3db: {  	p0 =	sne.s32 s24, s31  }
.Ltmp16:
0x3dc: {  	_ = 	snop;
	(pc) =	sbr.rel @p0 .LBB2_1-.Ltmp16, $3  }
0x3dd: {  	_ =	sdelay $0x1  }
0x3de: {  	[sflag:s18] =	ssyncset.done $0x0  }
0x3df: {  	[sflag:s18] =	ssyncadd.s32 $0xFFFFA000  }
0x3e0: {  	_ =	sfence.sel $0x180000  }
0x3e1: {  	[bflag:$0x0] =	sbarrier.arrive $0xFFFF  }
0x3e2: {  	_ =	strace $0x9000004A  }
0x3e3: {  	s0 =	stileid.u32;
	[bflag:$0x2] =	sbarrier.arrive $0xFFFF  }
0x3e4: {  	p0 =	sne.s32 s0, $0x0;
	s0 =	rddreg [dreg:$0x2]  }
0x3e5: {  	s0 =	sadd.s32 @!p0 $0x100000, s0  }
0x3e6: {  	[sflag:s0] =	ssyncadd.tile.s32 @!p0 $0x1;
	_ =	shalt  }
.Lfunc_end2:
_tile_overlayer_lowered:
.L_overlay_start_2:
0x3e7: {  	(tag) =	ssettag $0x2  }
0x3e8: {  	s0 =	rddreg [dreg:$0x0];
	s2 =	stileid.u32  }
0x3e9: {  	s1 =	rddreg [dreg:$0x1];
	p0 =	sne.s32 s2, $0x0  }
0x3ea: {  	s3 =	rddreg [dreg:$0x2];
	[bflag:$0x3] =	sbarrier.arrive $0xFFFF;
	s2 =	simm.s32 @!p0 $0x1C03  }
0x3eb: {  	[timem:s3], [sflag:s2] =	dma.local @!p0 [hbm:s0], s1  }
0x3ec: {  	s0 =	simm.s32 @!p0 $0x3  }
0x3ed: {  	_ =	swait.ge @!p0 [sflag:s0], s1  }
0x3ee: {  	s1 =	ssub.s32 @!p0 $0x0, s1;
	[sflag:s0] =	ssyncset.done @!p0 $0x0  }
0x3ef: {  	[sflag:s0] =	ssyncadd.s32 @!p0 s1  }
0x3f0: {  	[bflag:$0x3] =	sbarrier.arrive $0xFFFF  }
0x3f1: {  	_ =	shalt  }

</sc_bundles>
